<compile_context>
chip_gen: v7x
topology: tpu7x:2x2x1
jax: 0.10.2.dev20260603
libtpu: 0.0.44.dev20260713+nightly
codegen_flags: <defaults>
</compile_context>

<pallas_src>
import functools

import jax
import jax.numpy as jnp
from jax import lax
from jax.experimental import pallas as pl
from jax.experimental.pallas import tpu as pltpu
from jax.experimental.pallas import tpu_sc as plsc

_L = 16


def _sc_body(tpw, c, g, d, x_h, idx_h, mask_h, pe_h, out_h,
             idx_v, mask_v, idxp_v, pe_v, xb0, xb1,
             xs0, xs1, os0, os1):
    nc = 2
    wid = lax.axis_index("s") * nc + lax.axis_index("c")
    base = wid * tpw
    chunks = tpw // c

    pltpu.sync_copy(pe_h, pe_v)
    pltpu.sync_copy(idx_h.at[pl.ds(base, tpw)], idx_v)
    pltpu.sync_copy(mask_h.at[pl.ds(base, tpw)], mask_v)

    def remap(i, _):
        sl = pl.ds(i * _L, _L)
        idxp_v[sl] = jnp.where(mask_v[sl] != 0, idx_v[sl], g)
        return 0

    lax.fori_loop(0, tpw // _L, remap, 0)

    bufs = ((xb0, xs0, os0), (xb1, xs1, os1))

    def start_in(ch, b):
        xb, xs, _ = bufs[b]
        pltpu.async_copy(x_h.at[pl.ds(base + ch * c, c)], xb, xs)

    start_in(0, 0)

    def iter_body(ch, b):
        xb, xs, osem = bufs[b]
        oxb, oxs, oosem = bufs[1 - b]
        pltpu.make_async_copy(x_h.at[pl.ds(0, c)], xb, xs).wait()

        @pl.when(ch >= 1)
        def _():
            pltpu.make_async_copy(oxb, out_h.at[pl.ds(0, c)], oosem).wait()

        @pl.when(ch + 1 < chunks)
        def _():
            pltpu.async_copy(
                x_h.at[pl.ds(base + (ch + 1) * c, c)], oxb, oxs)

        @plsc.parallel_loop(0, c, step=1, unroll=2)
        def add_t(t):
            row = idxp_v[pl.ds(ch * c + t, _L)][0]
            pe_row = pe_v.at[row]
            xb_row = xb.at[t]
            for j in range(d // _L):
                sl = pl.ds(j * _L, _L)
                plsc.addupdate(xb_row.at[sl], pe_row[sl])

        pltpu.async_copy(xb, out_h.at[pl.ds(base + ch * c, c)], osem)

    def outer(s2, _):
        iter_body(s2 * 2, 0)
        iter_body(s2 * 2 + 1, 1)
        return 0

    lax.fori_loop(0, chunks // 2, outer, 0)
    last = bufs[(chunks - 1) % 2]
    pltpu.make_async_copy(last[0], out_h.at[pl.ds(0, c)], last[2]).wait()


def kernel(x, local_indices, group_mask, pe):
    b, s, d = x.shape
    g = pe.shape[0]
    n = b * s
    nw = 32
    tpw = n // nw
    c = 16

    xf = x.reshape(n, d)
    idx = local_indices.reshape(n).astype(jnp.int32)
    mask = group_mask.reshape(n).astype(jnp.int32)
    pe_ext = jnp.concatenate([pe, jnp.zeros((8, d), pe.dtype)], axis=0)

    mesh = plsc.VectorSubcoreMesh(core_axis_name="c", subcore_axis_name="s")
    run = pl.kernel(
        functools.partial(_sc_body, tpw, c, g, d),
        out_type=jax.ShapeDtypeStruct((n, d), x.dtype),
        mesh=mesh,
        scratch_types=[
            pltpu.VMEM((tpw,), jnp.int32),
            pltpu.VMEM((tpw,), jnp.int32),
            pltpu.VMEM((tpw + _L,), jnp.int32),
            pltpu.VMEM((g + 8, d), jnp.float32),
            pltpu.VMEM((c, d), jnp.float32),
            pltpu.VMEM((c, d), jnp.float32),
            pltpu.SemaphoreType.DMA,
            pltpu.SemaphoreType.DMA,
            pltpu.SemaphoreType.DMA,
            pltpu.SemaphoreType.DMA,
        ],
    )
    out = run(xf, idx, mask, pe_ext)
    return out.reshape(b, s, d)

# --- scband reference (transcript-rebuilt; emitter-appended) ---
"""Pipeline reference for scband-trainable-group-positional-encoding-45260365365581 (READ-ONLY COPY).

The authoritative reference and input builder live on the scoring server;
editing this copy changes nothing except your own understanding.
"""

import jax, jax.numpy as jnp
import numpy as np

D_MODEL = 1024
GROUP_SIZE = 64
BATCH = 4
SEQ = 8192


def setup_inputs(seed: int = 0) -> dict:
    key = jax.random.key(seed)
    k_x, k_idx, k_mask, k_pe = jax.random.split(key, 4)
    x = jax.random.normal(k_x, (BATCH, SEQ, D_MODEL), dtype=jnp.float32)
    local_indices = jax.random.randint(k_idx, (BATCH, SEQ), 0, GROUP_SIZE, dtype=jnp.int64)
    group_mask = jax.random.randint(k_mask, (BATCH, SEQ), 0, 2, dtype=jnp.int32).astype(jnp.bool_)
    # learned positional-encoding table: nn.Embedding(group_size, d_model), method='add' -> num_embeddings = group_size
    pe = jax.random.normal(k_pe, (GROUP_SIZE, D_MODEL), dtype=jnp.float32)
    return {"x": x, "local_indices": local_indices, "group_mask": group_mask, "pe": pe}


def reference(x, local_indices, group_mask, pe):
    # method == 'add':
    #   pe_values = pe(local_indices[group_mask])
    #   x[group_mask] = x[group_mask] + pe_values
    # Equivalent dense form: gather PE rows for every token, add only where mask is True.
    pe_values = jnp.take(pe, local_indices, axis=0)  # [B, S, d_model]
    out = jnp.where(group_mask[..., None], x + pe_values, x)
    return out

if __name__ == "__main__":
    import jax
    _d = setup_inputs()
    print(jax.jit(kernel)(*tuple(_d.values())))

</pallas_src>

<mosaic_0001>
#map = affine_map<(d0, d1) -> (0, 0)>
#map1 = affine_map<(d0, d1) -> (0)>
module attributes {stable_mosaic.version = 14 : i64} {
  func.func @_sc_body(%arg0: i32, %arg1: i32, %arg2: memref<32768x1024xf32, #tpu.memory_space<hbm>>, %arg3: memref<32768xi32, #tpu.memory_space<hbm>>, %arg4: memref<32768xi32, #tpu.memory_space<hbm>>, %arg5: memref<72x1024xf32, #tpu.memory_space<hbm>>, %arg6: memref<32768x1024xf32, #tpu.memory_space<hbm>>, %arg7: memref<1024xi32, #tpu.memory_space<vmem>>, %arg8: memref<1024xi32, #tpu.memory_space<vmem>>, %arg9: memref<1040xi32, #tpu.memory_space<vmem>>, %arg10: memref<72x1024xf32, #tpu.memory_space<vmem>>, %arg11: memref<16x1024xf32, #tpu.memory_space<vmem>>, %arg12: memref<16x1024xf32, #tpu.memory_space<vmem>>, %arg13: memref<!tpu.dma_semaphore, #tpu.memory_space<semaphore_mem>>, %arg14: memref<!tpu.dma_semaphore, #tpu.memory_space<semaphore_mem>>, %arg15: memref<!tpu.dma_semaphore, #tpu.memory_space<semaphore_mem>>, %arg16: memref<!tpu.dma_semaphore, #tpu.memory_space<semaphore_mem>>) attributes {dimension_semantics = [#tpu.dimension_semantics<core_parallel>, #tpu.dimension_semantics<subcore_parallel>], iteration_bounds = array<i64: 2, 16>, scalar_prefetch = 0 : i64, scratch_operands = 10 : i64, tpu.core_type = #tpu.core_type<sc_vector_subcore>, window_params = [{transform_indices = #map}, {transform_indices = #map1}, {transform_indices = #map1}, {transform_indices = #map}, {transform_indices = #map}]} {
    %mul3A = arith.constant 2 : i32
    %mul3A_0 = arith.muli %arg1, %mul3A : i32
    %add3A = arith.addi %mul3A_0, %arg0 : i32
    %mul3A_1 = arith.constant 1024 : i32
    %mul3A_2 = arith.muli %add3A, %mul3A_1 : i32
    "tpu.region"() ({
      %run_scoped3A = tpu.sem_alloc : memref<!tpu.dma_semaphore, #tpu.memory_space<semaphore_mem>>
      tpu.enqueue_dma source(%arg5 : memref<72x1024xf32, #tpu.memory_space<hbm>>) target(%arg10 : memref<72x1024xf32, #tpu.memory_space<vmem>>) target_semaphore(%run_scoped3A : memref<!tpu.dma_semaphore, #tpu.memory_space<semaphore_mem>>)
      tpu.wait_dma2 semaphore(%run_scoped3A : memref<!tpu.dma_semaphore, #tpu.memory_space<semaphore_mem>>) src(%arg5 : memref<72x1024xf32, #tpu.memory_space<hbm>>) dst(%arg10 : memref<72x1024xf32, #tpu.memory_space<vmem>>)
      tpu.yield
    }) : () -> ()
    "tpu.region"() ({
      %run_scoped3A = tpu.sem_alloc : memref<!tpu.dma_semaphore, #tpu.memory_space<semaphore_mem>>
      %dma_start3A_26 = tpu.memref_slice %arg3[%mul3A_2] : memref<32768xi32, #tpu.memory_space<hbm>> -> memref<1024xi32, #tpu.memory_space<hbm>>
      %dma_start3A_27 = tpu.memref_slice %arg3[%mul3A_2] : memref<32768xi32, #tpu.memory_space<hbm>> -> memref<1024xi32, #tpu.memory_space<hbm>>
      tpu.enqueue_dma source(%dma_start3A_27 : memref<1024xi32, #tpu.memory_space<hbm>>) target(%arg7 : memref<1024xi32, #tpu.memory_space<vmem>>) target_semaphore(%run_scoped3A : memref<!tpu.dma_semaphore, #tpu.memory_space<semaphore_mem>>)
      %dma_wait3A_28 = tpu.memref_slice %arg3[%mul3A_2] : memref<32768xi32, #tpu.memory_space<hbm>> -> memref<1024xi32, #tpu.memory_space<hbm>>
      %dma_wait3A_29 = tpu.memref_slice %arg3[%mul3A_2] : memref<32768xi32, #tpu.memory_space<hbm>> -> memref<1024xi32, #tpu.memory_space<hbm>>
      tpu.wait_dma2 semaphore(%run_scoped3A : memref<!tpu.dma_semaphore, #tpu.memory_space<semaphore_mem>>) src(%dma_wait3A_29 : memref<1024xi32, #tpu.memory_space<hbm>>) dst(%arg7 : memref<1024xi32, #tpu.memory_space<vmem>>)
      tpu.yield
    }) : () -> ()
    "tpu.region"() ({
      %run_scoped3A = tpu.sem_alloc : memref<!tpu.dma_semaphore, #tpu.memory_space<semaphore_mem>>
      %dma_start3A_26 = tpu.memref_slice %arg4[%mul3A_2] : memref<32768xi32, #tpu.memory_space<hbm>> -> memref<1024xi32, #tpu.memory_space<hbm>>
      %dma_start3A_27 = tpu.memref_slice %arg4[%mul3A_2] : memref<32768xi32, #tpu.memory_space<hbm>> -> memref<1024xi32, #tpu.memory_space<hbm>>
      tpu.enqueue_dma source(%dma_start3A_27 : memref<1024xi32, #tpu.memory_space<hbm>>) target(%arg8 : memref<1024xi32, #tpu.memory_space<vmem>>) target_semaphore(%run_scoped3A : memref<!tpu.dma_semaphore, #tpu.memory_space<semaphore_mem>>)
      %dma_wait3A_28 = tpu.memref_slice %arg4[%mul3A_2] : memref<32768xi32, #tpu.memory_space<hbm>> -> memref<1024xi32, #tpu.memory_space<hbm>>
      %dma_wait3A_29 = tpu.memref_slice %arg4[%mul3A_2] : memref<32768xi32, #tpu.memory_space<hbm>> -> memref<1024xi32, #tpu.memory_space<hbm>>
      tpu.wait_dma2 semaphore(%run_scoped3A : memref<!tpu.dma_semaphore, #tpu.memory_space<semaphore_mem>>) src(%dma_wait3A_29 : memref<1024xi32, #tpu.memory_space<hbm>>) dst(%arg8 : memref<1024xi32, #tpu.memory_space<vmem>>)
      tpu.yield
    }) : () -> ()
    %scan3A = arith.constant 0 : i32
    %scan3A_3 = arith.constant 0 : i32
    %scan3A_4 = arith.constant 64 : i32
    %scan3A_5 = arith.addi %scan3A_3, %scan3A_4 : i32
    %scan3A_6 = arith.constant 1 : i32
    %scan3A_7 = scf.for %scan3A_26 = %scan3A_3 to %scan3A_5 step %scan3A_6 iter_args(%scan3A_27 = %scan3A) -> (i32)  : i32 {
      %mul3A_28 = arith.constant 16 : i32
      %mul3A_29 = arith.muli %scan3A_26, %mul3A_28 : i32
      %get3A = arith.index_cast %mul3A_29 : i32 to index
      %get3A_30 = tpu.vector_load %arg8[%get3A] {strides = array<i32>} : memref<1024xi32, #tpu.memory_space<vmem>>, vector<16xi32>,
      %get3A_31 = vector.shape_cast %get3A_30 : vector<16xi32> to vector<16xi32>
      %ne3A = arith.constant 0 : i32
      %ne3A_32 = vector.broadcast %ne3A : i32 to vector<16xi32>
      %ne3A_33 = arith.cmpi ne, %get3A_31, %ne3A_32 : vector<16xi32>
      %get3A_34 = arith.index_cast %mul3A_29 : i32 to index
      %get3A_35 = tpu.vector_load %arg7[%get3A_34] {strides = array<i32>} : memref<1024xi32, #tpu.memory_space<vmem>>, vector<16xi32>,
      %get3A_36 = vector.shape_cast %get3A_35 : vector<16xi32> to vector<16xi32>
      %jit3A = arith.constant 64 : i32
      %broadcast_in_dim3A = vector.broadcast %jit3A : i32 to vector<16xi32>
      %select_n3A = arith.select %ne3A_33, %get3A_36, %broadcast_in_dim3A : vector<16xi1>, vector<16xi32>
      %swap3A = arith.index_cast %mul3A_29 : i32 to index
      %swap3A_37 = tpu.vector_load %arg9[%swap3A] {strides = array<i32>} : memref<1040xi32, #tpu.memory_space<vmem>>, vector<16xi32>,
      %swap3A_38 = vector.shape_cast %swap3A_37 : vector<16xi32> to vector<16xi32>
      %swap3A_39 = vector.shape_cast %select_n3A : vector<16xi32> to vector<16xi32>
      tpu.vector_store %arg9[%swap3A], %swap3A_39 {strides = array<i32>} : memref<1040xi32, #tpu.memory_space<vmem>>, vector<16xi32>,
      %scan3A_40 = arith.constant 0 : i32
      scf.yield %scan3A_40 : i32
    }
    %scan3A_8 = arith.constant 64 : i32
    %add3A_9 = arith.constant 0 : i32
    %add3A_10 = arith.addi %mul3A_2, %add3A_9 : i32
    %dma_start3A = arith.constant 0 : i32
    %dma_start3A_11 = tpu.memref_slice %arg2[%add3A_10, %dma_start3A] : memref<32768x1024xf32, #tpu.memory_space<hbm>> -> memref<16x1024xf32, #tpu.memory_space<hbm>>
    %dma_start3A_12 = arith.constant 0 : i32
    %dma_start3A_13 = tpu.memref_slice %arg2[%add3A_10, %dma_start3A_12] : memref<32768x1024xf32, #tpu.memory_space<hbm>> -> memref<16x1024xf32, #tpu.memory_space<hbm>>
    tpu.enqueue_dma source(%dma_start3A_13 : memref<16x1024xf32, #tpu.memory_space<hbm>>) target(%arg11 : memref<16x1024xf32, #tpu.memory_space<vmem>>) target_semaphore(%arg13 : memref<!tpu.dma_semaphore, #tpu.memory_space<semaphore_mem>>)
    %scan3A_14 = arith.constant 0 : i32
    %scan3A_15 = arith.constant 0 : i32
    %scan3A_16 = arith.constant 32 : i32
    %scan3A_17 = arith.addi %scan3A_15, %scan3A_16 : i32
    %scan3A_18 = arith.constant 1 : i32
    %scan3A_19 = scf.for %scan3A_26 = %scan3A_15 to %scan3A_17 step %scan3A_18 iter_args(%scan3A_27 = %scan3A_14) -> (i32)  : i32 {
      %mul3A_28 = arith.constant 2 : i32
      %mul3A_29 = arith.muli %scan3A_26, %mul3A_28 : i32
      %dma_wait3A_30 = arith.constant 0 : i32
      %dma_wait3A_31 = arith.constant 0 : i32
      %dma_wait3A_32 = tpu.memref_slice %arg2[%dma_wait3A_30, %dma_wait3A_31] : memref<32768x1024xf32, #tpu.memory_space<hbm>> -> memref<16x1024xf32, #tpu.memory_space<hbm>>
      %dma_wait3A_33 = arith.constant 0 : i32
      %dma_wait3A_34 = arith.constant 0 : i32
      %dma_wait3A_35 = tpu.memref_slice %arg2[%dma_wait3A_33, %dma_wait3A_34] : memref<32768x1024xf32, #tpu.memory_space<hbm>> -> memref<16x1024xf32, #tpu.memory_space<hbm>>
      tpu.wait_dma2 semaphore(%arg13 : memref<!tpu.dma_semaphore, #tpu.memory_space<semaphore_mem>>) src(%dma_wait3A_35 : memref<16x1024xf32, #tpu.memory_space<hbm>>) dst(%arg11 : memref<16x1024xf32, #tpu.memory_space<vmem>>)
      %ge3A = arith.constant 1 : i32
      %ge3A_36 = arith.cmpi sge, %mul3A_29, %ge3A : i32
      %convert_element_type3A = arith.extui %ge3A_36 : i1 to i32
      %cond3A = arith.constant 0 : i32
      %cond3A_37 = arith.cmpi ne, %convert_element_type3A, %cond3A : i32
      scf.if %cond3A_37 {
        %dma_wait3A_86 = arith.constant 0 : i32
        %dma_wait3A_87 = arith.constant 0 : i32
        %dma_wait3A_88 = tpu.memref_slice %arg6[%dma_wait3A_86, %dma_wait3A_87] : memref<32768x1024xf32, #tpu.memory_space<hbm>> -> memref<16x1024xf32, #tpu.memory_space<hbm>>
        %dma_wait3A_89 = arith.constant 0 : i32
        %dma_wait3A_90 = arith.constant 0 : i32
        %dma_wait3A_91 = tpu.memref_slice %arg6[%dma_wait3A_89, %dma_wait3A_90] : memref<32768x1024xf32, #tpu.memory_space<hbm>> -> memref<16x1024xf32, #tpu.memory_space<hbm>>
        tpu.wait_dma2 semaphore(%arg16 : memref<!tpu.dma_semaphore, #tpu.memory_space<semaphore_mem>>) src(%arg12 : memref<16x1024xf32, #tpu.memory_space<vmem>>) dst(%dma_wait3A_91 : memref<16x1024xf32, #tpu.memory_space<hbm>>)
      } else {
      }
      %add3A_38 = arith.constant 1 : i32
      %add3A_39 = arith.addi %mul3A_29, %add3A_38 : i32
      %lt3A = arith.constant 64 : i32
      %lt3A_40 = arith.cmpi slt, %add3A_39, %lt3A : i32
      %convert_element_type3A_41 = arith.extui %lt3A_40 : i1 to i32
      %cond3A_42 = arith.constant 0 : i32
      %cond3A_43 = arith.cmpi ne, %convert_element_type3A_41, %cond3A_42 : i32
      scf.if %cond3A_43 {
        %add3A_86 = arith.constant 1 : i32
        %add3A_87 = arith.addi %mul3A_29, %add3A_86 : i32
        %mul3A_88 = arith.constant 16 : i32
        %mul3A_89 = arith.muli %add3A_87, %mul3A_88 : i32
        %add3A_90 = arith.addi %mul3A_2, %mul3A_89 : i32
        %dma_start3A_91 = arith.constant 0 : i32
        %dma_start3A_92 = tpu.memref_slice %arg2[%add3A_90, %dma_start3A_91] : memref<32768x1024xf32, #tpu.memory_space<hbm>> -> memref<16x1024xf32, #tpu.memory_space<hbm>>
        %dma_start3A_93 = arith.constant 0 : i32
        %dma_start3A_94 = tpu.memref_slice %arg2[%add3A_90, %dma_start3A_93] : memref<32768x1024xf32, #tpu.memory_space<hbm>> -> memref<16x1024xf32, #tpu.memory_space<hbm>>
        tpu.enqueue_dma source(%dma_start3A_94 : memref<16x1024xf32, #tpu.memory_space<hbm>>) target(%arg12 : memref<16x1024xf32, #tpu.memory_space<vmem>>) target_semaphore(%arg14 : memref<!tpu.dma_semaphore, #tpu.memory_space<semaphore_mem>>)
      } else {
      }
      %parallel_loop3A = arith.constant 0 : i32
      %parallel_loop3A_44 = arith.constant 16 : i32
      %parallel_loop3A_45 = arith.constant 1 : i32
      scf.for %parallel_loop3A_86 = %parallel_loop3A to %parallel_loop3A_44 step %parallel_loop3A_45  : i32 {
        %parallel_loop3A_87 = arith.constant 16 : i32
        %parallel_loop3A_88 = arith.muli %mul3A_29, %parallel_loop3A_87 : i32
        %parallel_loop3A_89 = arith.addi %parallel_loop3A_88, %parallel_loop3A_86 : i32
        %parallel_loop3A_90 = arith.index_cast %parallel_loop3A_89 : i32 to index
        %parallel_loop3A_91 = tpu.vector_load %arg9[%parallel_loop3A_90] {strides = array<i32>} : memref<1040xi32, #tpu.memory_space<vmem>>, vector<16xi32>,
        %parallel_loop3A_92 = vector.shape_cast %parallel_loop3A_91 : vector<16xi32> to vector<16xi32>
        %parallel_loop3A_93 = vector.extract_strided_slice %parallel_loop3A_92 {offsets = [0], sizes = [1], strides = [1]} : vector<16xi32> to vector<1xi32>
        %parallel_loop3A_94 = vector.extract %parallel_loop3A_93[0] : i32 from vector<1xi32>
        %parallel_loop3A_95 = arith.constant 0 : i32
        %parallel_loop3A_96 = tpu.memref_slice %arg10[%parallel_loop3A_94, %parallel_loop3A_95] : memref<72x1024xf32, #tpu.memory_space<vmem>> -> memref<1x1024xf32, #tpu.memory_space<vmem>>
        %parallel_loop3A_97 = tpu.memref_squeeze %parallel_loop3A_96 : memref<1x1024xf32, #tpu.memory_space<vmem>> -> memref<1024xf32, #tpu.memory_space<vmem>>
        %parallel_loop3A_98 = arith.constant 0 : index
        %parallel_loop3A_99 = tpu.vector_load %parallel_loop3A_97[%parallel_loop3A_98] {strides = array<i32>} : memref<1024xf32, #tpu.memory_space<vmem>>, vector<16xf32>,
        %parallel_loop3A_100 = vector.shape_cast %parallel_loop3A_99 : vector<16xf32> to vector<16xf32>
        %parallel_loop3A_101 = arith.constant 0 : i32
        %parallel_loop3A_102 = tpu.memref_slice %arg11[%parallel_loop3A_86, %parallel_loop3A_101] : memref<16x1024xf32, #tpu.memory_space<vmem>> -> memref<1x1024xf32, #tpu.memory_space<vmem>>
        %parallel_loop3A_103 = tpu.memref_squeeze %parallel_loop3A_102 : memref<1x1024xf32, #tpu.memory_space<vmem>> -> memref<1024xf32, #tpu.memory_space<vmem>>
        %parallel_loop3A_104 = arith.constant 0 : index
        %parallel_loop3A_105 = tpu.vector_load %parallel_loop3A_103[%parallel_loop3A_104] {strides = array<i32>} : memref<1024xf32, #tpu.memory_space<vmem>>, vector<16xf32>,
        %parallel_loop3A_106 = vector.shape_cast %parallel_loop3A_105 : vector<16xf32> to vector<16xf32>
        %parallel_loop3A_107 = vector.shape_cast %parallel_loop3A_100 : vector<16xf32> to vector<16xf32>
        tpu.vector_store %parallel_loop3A_103[%parallel_loop3A_104], %parallel_loop3A_107 {add = true, strides = array<i32>} : memref<1024xf32, #tpu.memory_space<vmem>>, vector<16xf32>,
        %parallel_loop3A_108 = arith.constant 0 : i32
        %parallel_loop3A_109 = tpu.memref_slice %arg10[%parallel_loop3A_94, %parallel_loop3A_108] : memref<72x1024xf32, #tpu.memory_space<vmem>> -> memref<1x1024xf32, #tpu.memory_space<vmem>>
        %parallel_loop3A_110 = tpu.memref_squeeze %parallel_loop3A_109 : memref<1x1024xf32, #tpu.memory_space<vmem>> -> memref<1024xf32, #tpu.memory_space<vmem>>
        %parallel_loop3A_111 = arith.constant 16 : index
        %parallel_loop3A_112 = tpu.vector_load %parallel_loop3A_110[%parallel_loop3A_111] {strides = array<i32>} : memref<1024xf32, #tpu.memory_space<vmem>>, vector<16xf32>,
        %parallel_loop3A_113 = vector.shape_cast %parallel_loop3A_112 : vector<16xf32> to vector<16xf32>
        %parallel_loop3A_114 = arith.constant 0 : i32
        %parallel_loop3A_115 = tpu.memref_slice %arg11[%parallel_loop3A_86, %parallel_loop3A_114] : memref<16x1024xf32, #tpu.memory_space<vmem>> -> memref<1x1024xf32, #tpu.memory_space<vmem>>
        %parallel_loop3A_116 = tpu.memref_squeeze %parallel_loop3A_115 : memref<1x1024xf32, #tpu.memory_space<vmem>> -> memref<1024xf32, #tpu.memory_space<vmem>>
        %parallel_loop3A_117 = arith.constant 16 : index
        %parallel_loop3A_118 = tpu.vector_load %parallel_loop3A_116[%parallel_loop3A_117] {strides = array<i32>} : memref<1024xf32, #tpu.memory_space<vmem>>, vector<16xf32>,
        %parallel_loop3A_119 = vector.shape_cast %parallel_loop3A_118 : vector<16xf32> to vector<16xf32>
        %parallel_loop3A_120 = vector.shape_cast %parallel_loop3A_113 : vector<16xf32> to vector<16xf32>
        tpu.vector_store %parallel_loop3A_116[%parallel_loop3A_117], %parallel_loop3A_120 {add = true, strides = array<i32>} : memref<1024xf32, #tpu.memory_space<vmem>>, vector<16xf32>,
        %parallel_loop3A_121 = arith.constant 0 : i32
        %parallel_loop3A_122 = tpu.memref_slice %arg10[%parallel_loop3A_94, %parallel_loop3A_121] : memref<72x1024xf32, #tpu.memory_space<vmem>> -> memref<1x1024xf32, #tpu.memory_space<vmem>>
        %parallel_loop3A_123 = tpu.memref_squeeze %parallel_loop3A_122 : memref<1x1024xf32, #tpu.memory_space<vmem>> -> memref<1024xf32, #tpu.memory_space<vmem>>
        %parallel_loop3A_124 = arith.constant 32 : index
        %parallel_loop3A_125 = tpu.vector_load %parallel_loop3A_123[%parallel_loop3A_124] {strides = array<i32>} : memref<1024xf32, #tpu.memory_space<vmem>>, vector<16xf32>,
        %parallel_loop3A_126 = vector.shape_cast %parallel_loop3A_125 : vector<16xf32> to vector<16xf32>
        %parallel_loop3A_127 = arith.constant 0 : i32
        %parallel_loop3A_128 = tpu.memref_slice %arg11[%parallel_loop3A_86, %parallel_loop3A_127] : memref<16x1024xf32, #tpu.memory_space<vmem>> -> memref<1x1024xf32, #tpu.memory_space<vmem>>
        %parallel_loop3A_129 = tpu.memref_squeeze %parallel_loop3A_128 : memref<1x1024xf32, #tpu.memory_space<vmem>> -> memref<1024xf32, #tpu.memory_space<vmem>>
        %parallel_loop3A_130 = arith.constant 32 : index
        %parallel_loop3A_131 = tpu.vector_load %parallel_loop3A_129[%parallel_loop3A_130] {strides = array<i32>} : memref<1024xf32, #tpu.memory_space<vmem>>, vector<16xf32>,
        %parallel_loop3A_132 = vector.shape_cast %parallel_loop3A_131 : vector<16xf32> to vector<16xf32>
        %parallel_loop3A_133 = vector.shape_cast %parallel_loop3A_126 : vector<16xf32> to vector<16xf32>
        tpu.vector_store %parallel_loop3A_129[%parallel_loop3A_130], %parallel_loop3A_133 {add = true, strides = array<i32>} : memref<1024xf32, #tpu.memory_space<vmem>>, vector<16xf32>,
        %parallel_loop3A_134 = arith.constant 0 : i32
        %parallel_loop3A_135 = tpu.memref_slice %arg10[%parallel_loop3A_94, %parallel_loop3A_134] : memref<72x1024xf32, #tpu.memory_space<vmem>> -> memref<1x1024xf32, #tpu.memory_space<vmem>>
        %parallel_loop3A_136 = tpu.memref_squeeze %parallel_loop3A_135 : memref<1x1024xf32, #tpu.memory_space<vmem>> -> memref<1024xf32, #tpu.memory_space<vmem>>
        %parallel_loop3A_137 = arith.constant 48 : index
        %parallel_loop3A_138 = tpu.vector_load %parallel_loop3A_136[%parallel_loop3A_137] {strides = array<i32>} : memref<1024xf32, #tpu.memory_space<vmem>>, vector<16xf32>,
        %parallel_loop3A_139 = vector.shape_cast %parallel_loop3A_138 : vector<16xf32> to vector<16xf32>
        %parallel_loop3A_140 = arith.constant 0 : i32
        %parallel_loop3A_141 = tpu.memref_slice %arg11[%parallel_loop3A_86, %parallel_loop3A_140] : memref<16x1024xf32, #tpu.memory_space<vmem>> -> memref<1x1024xf32, #tpu.memory_space<vmem>>
        %parallel_loop3A_142 = tpu.memref_squeeze %parallel_loop3A_141 : memref<1x1024xf32, #tpu.memory_space<vmem>> -> memref<1024xf32, #tpu.memory_space<vmem>>
        %parallel_loop3A_143 = arith.constant 48 : index
        %parallel_loop3A_144 = tpu.vector_load %parallel_loop3A_142[%parallel_loop3A_143] {strides = array<i32>} : memref<1024xf32, #tpu.memory_space<vmem>>, vector<16xf32>,
        %parallel_loop3A_145 = vector.shape_cast %parallel_loop3A_144 : vector<16xf32> to vector<16xf32>
        %parallel_loop3A_146 = vector.shape_cast %parallel_loop3A_139 : vector<16xf32> to vector<16xf32>
        tpu.vector_store %parallel_loop3A_142[%parallel_loop3A_143], %parallel_loop3A_146 {add = true, strides = array<i32>} : memref<1024xf32, #tpu.memory_space<vmem>>, vector<16xf32>,
        %parallel_loop3A_147 = arith.constant 0 : i32
        %parallel_loop3A_148 = tpu.memref_slice %arg10[%parallel_loop3A_94, %parallel_loop3A_147] : memref<72x1024xf32, #tpu.memory_space<vmem>> -> memref<1x1024xf32, #tpu.memory_space<vmem>>
        %parallel_loop3A_149 = tpu.memref_squeeze %parallel_loop3A_148 : memref<1x1024xf32, #tpu.memory_space<vmem>> -> memref<1024xf32, #tpu.memory_space<vmem>>
        %parallel_loop3A_150 = arith.constant 64 : index
        %parallel_loop3A_151 = tpu.vector_load %parallel_loop3A_149[%parallel_loop3A_150] {strides = array<i32>} : memref<1024xf32, #tpu.memory_space<vmem>>, vector<16xf32>,
        %parallel_loop3A_152 = vector.shape_cast %parallel_loop3A_151 : vector<16xf32> to vector<16xf32>
        %parallel_loop3A_153 = arith.constant 0 : i32
        %parallel_loop3A_154 = tpu.memref_slice %arg11[%parallel_loop3A_86, %parallel_loop3A_153] : memref<16x1024xf32, #tpu.memory_space<vmem>> -> memref<1x1024xf32, #tpu.memory_space<vmem>>
        %parallel_loop3A_155 = tpu.memref_squeeze %parallel_loop3A_154 : memref<1x1024xf32, #tpu.memory_space<vmem>> -> memref<1024xf32, #tpu.memory_space<vmem>>
        %parallel_loop3A_156 = arith.constant 64 : index
        %parallel_loop3A_157 = tpu.vector_load %parallel_loop3A_155[%parallel_loop3A_156] {strides = array<i32>} : memref<1024xf32, #tpu.memory_space<vmem>>, vector<16xf32>,
        %parallel_loop3A_158 = vector.shape_cast %parallel_loop3A_157 : vector<16xf32> to vector<16xf32>
        %parallel_loop3A_159 = vector.shape_cast %parallel_loop3A_152 : vector<16xf32> to vector<16xf32>
        tpu.vector_store %parallel_loop3A_155[%parallel_loop3A_156], %parallel_loop3A_159 {add = true, strides = array<i32>} : memref<1024xf32, #tpu.memory_space<vmem>>, vector<16xf32>,
        %parallel_loop3A_160 = arith.constant 0 : i32
        %parallel_loop3A_161 = tpu.memref_slice %arg10[%parallel_loop3A_94, %parallel_loop3A_160] : memref<72x1024xf32, #tpu.memory_space<vmem>> -> memref<1x1024xf32, #tpu.memory_space<vmem>>
        %parallel_loop3A_162 = tpu.memref_squeeze %parallel_loop3A_161 : memref<1x1024xf32, #tpu.memory_space<vmem>> -> memref<1024xf32, #tpu.memory_space<vmem>>
        %parallel_loop3A_163 = arith.constant 80 : index
        %parallel_loop3A_164 = tpu.vector_load %parallel_loop3A_162[%parallel_loop3A_163] {strides = array<i32>} : memref<1024xf32, #tpu.memory_space<vmem>>, vector<16xf32>,
        %parallel_loop3A_165 = vector.shape_cast %parallel_loop3A_164 : vector<16xf32> to vector<16xf32>
        %parallel_loop3A_166 = arith.constant 0 : i32
        %parallel_loop3A_167 = tpu.memref_slice %arg11[%parallel_loop3A_86, %parallel_loop3A_166] : memref<16x1024xf32, #tpu.memory_space<vmem>> -> memref<1x1024xf32, #tpu.memory_space<vmem>>
        %parallel_loop3A_168 = tpu.memref_squeeze %parallel_loop3A_167 : memref<1x1024xf32, #tpu.memory_space<vmem>> -> memref<1024xf32, #tpu.memory_space<vmem>>
        %parallel_loop3A_169 = arith.constant 80 : index
        %parallel_loop3A_170 = tpu.vector_load %parallel_loop3A_168[%parallel_loop3A_169] {strides = array<i32>} : memref<1024xf32, #tpu.memory_space<vmem>>, vector<16xf32>,
        %parallel_loop3A_171 = vector.shape_cast %parallel_loop3A_170 : vector<16xf32> to vector<16xf32>
        %parallel_loop3A_172 = vector.shape_cast %parallel_loop3A_165 : vector<16xf32> to vector<16xf32>
        tpu.vector_store %parallel_loop3A_168[%parallel_loop3A_169], %parallel_loop3A_172 {add = true, strides = array<i32>} : memref<1024xf32, #tpu.memory_space<vmem>>, vector<16xf32>,
        %parallel_loop3A_173 = arith.constant 0 : i32
        %parallel_loop3A_174 = tpu.memref_slice %arg10[%parallel_loop3A_94, %parallel_loop3A_173] : memref<72x1024xf32, #tpu.memory_space<vmem>> -> memref<1x1024xf32, #tpu.memory_space<vmem>>
        %parallel_loop3A_175 = tpu.memref_squeeze %parallel_loop3A_174 : memref<1x1024xf32, #tpu.memory_space<vmem>> -> memref<1024xf32, #tpu.memory_space<vmem>>
        %parallel_loop3A_176 = arith.constant 96 : index
        %parallel_loop3A_177 = tpu.vector_load %parallel_loop3A_175[%parallel_loop3A_176] {strides = array<i32>} : memref<1024xf32, #tpu.memory_space<vmem>>, vector<16xf32>,
        %parallel_loop3A_178 = vector.shape_cast %parallel_loop3A_177 : vector<16xf32> to vector<16xf32>
        %parallel_loop3A_179 = arith.constant 0 : i32
        %parallel_loop3A_180 = tpu.memref_slice %arg11[%parallel_loop3A_86, %parallel_loop3A_179] : memref<16x1024xf32, #tpu.memory_space<vmem>> -> memref<1x1024xf32, #tpu.memory_space<vmem>>
        %parallel_loop3A_181 = tpu.memref_squeeze %parallel_loop3A_180 : memref<1x1024xf32, #tpu.memory_space<vmem>> -> memref<1024xf32, #tpu.memory_space<vmem>>
        %parallel_loop3A_182 = arith.constant 96 : index
        %parallel_loop3A_183 = tpu.vector_load %parallel_loop3A_181[%parallel_loop3A_182] {strides = array<i32>} : memref<1024xf32, #tpu.memory_space<vmem>>, vector<16xf32>,
        %parallel_loop3A_184 = vector.shape_cast %parallel_loop3A_183 : vector<16xf32> to vector<16xf32>
        %parallel_loop3A_185 = vector.shape_cast %parallel_loop3A_178 : vector<16xf32> to vector<16xf32>
        tpu.vector_store %parallel_loop3A_181[%parallel_loop3A_182], %parallel_loop3A_185 {add = true, strides = array<i32>} : memref<1024xf32, #tpu.memory_space<vmem>>, vector<16xf32>,
        %parallel_loop3A_186 = arith.constant 0 : i32
        %parallel_loop3A_187 = tpu.memref_slice %arg10[%parallel_loop3A_94, %parallel_loop3A_186] : memref<72x1024xf32, #tpu.memory_space<vmem>> -> memref<1x1024xf32, #tpu.memory_space<vmem>>
        %parallel_loop3A_188 = tpu.memref_squeeze %parallel_loop3A_187 : memref<1x1024xf32, #tpu.memory_space<vmem>> -> memref<1024xf32, #tpu.memory_space<vmem>>
        %parallel_loop3A_189 = arith.constant 112 : index
        %parallel_loop3A_190 = tpu.vector_load %parallel_loop3A_188[%parallel_loop3A_189] {strides = array<i32>} : memref<1024xf32, #tpu.memory_space<vmem>>, vector<16xf32>,
        %parallel_loop3A_191 = vector.shape_cast %parallel_loop3A_190 : vector<16xf32> to vector<16xf32>
        %parallel_loop3A_192 = arith.constant 0 : i32
        %parallel_loop3A_193 = tpu.memref_slice %arg11[%parallel_loop3A_86, %parallel_loop3A_192] : memref<16x1024xf32, #tpu.memory_space<vmem>> -> memref<1x1024xf32, #tpu.memory_space<vmem>>
        %parallel_loop3A_194 = tpu.memref_squeeze %parallel_loop3A_193 : memref<1x1024xf32, #tpu.memory_space<vmem>> -> memref<1024xf32, #tpu.memory_space<vmem>>
        %parallel_loop3A_195 = arith.constant 112 : index
        %parallel_loop3A_196 = tpu.vector_load %parallel_loop3A_194[%parallel_loop3A_195] {strides = array<i32>} : memref<1024xf32, #tpu.memory_space<vmem>>, vector<16xf32>,
        %parallel_loop3A_197 = vector.shape_cast %parallel_loop3A_196 : vector<16xf32> to vector<16xf32>
        %parallel_loop3A_198 = vector.shape_cast %parallel_loop3A_191 : vector<16xf32> to vector<16xf32>
        tpu.vector_store %parallel_loop3A_194[%parallel_loop3A_195], %parallel_loop3A_198 {add = true, strides = array<i32>} : memref<1024xf32, #tpu.memory_space<vmem>>, vector<16xf32>,
        %parallel_loop3A_199 = arith.constant 0 : i32
        %parallel_loop3A_200 = tpu.memref_slice %arg10[%parallel_loop3A_94, %parallel_loop3A_199] : memref<72x1024xf32, #tpu.memory_space<vmem>> -> memref<1x1024xf32, #tpu.memory_space<vmem>>
        %parallel_loop3A_201 = tpu.memref_squeeze %parallel_loop3A_200 : memref<1x1024xf32, #tpu.memory_space<vmem>> -> memref<1024xf32, #tpu.memory_space<vmem>>
        %parallel_loop3A_202 = arith.constant 128 : index
        %parallel_loop3A_203 = tpu.vector_load %parallel_loop3A_201[%parallel_loop3A_202] {strides = array<i32>} : memref<1024xf32, #tpu.memory_space<vmem>>, vector<16xf32>,
        %parallel_loop3A_204 = vector.shape_cast %parallel_loop3A_203 : vector<16xf32> to vector<16xf32>
        %parallel_loop3A_205 = arith.constant 0 : i32
        %parallel_loop3A_206 = tpu.memref_slice %arg11[%parallel_loop3A_86, %parallel_loop3A_205] : memref<16x1024xf32, #tpu.memory_space<vmem>> -> memref<1x1024xf32, #tpu.memory_space<vmem>>
        %parallel_loop3A_207 = tpu.memref_squeeze %parallel_loop3A_206 : memref<1x1024xf32, #tpu.memory_space<vmem>> -> memref<1024xf32, #tpu.memory_space<vmem>>
        %parallel_loop3A_208 = arith.constant 128 : index
        %parallel_loop3A_209 = tpu.vector_load %parallel_loop3A_207[%parallel_loop3A_208] {strides = array<i32>} : memref<1024xf32, #tpu.memory_space<vmem>>, vector<16xf32>,
        %parallel_loop3A_210 = vector.shape_cast %parallel_loop3A_209 : vector<16xf32> to vector<16xf32>
        %parallel_loop3A_211 = vector.shape_cast %parallel_loop3A_204 : vector<16xf32> to vector<16xf32>
        tpu.vector_store %parallel_loop3A_207[%parallel_loop3A_208], %parallel_loop3A_211 {add = true, strides = array<i32>} : memref<1024xf32, #tpu.memory_space<vmem>>, vector<16xf32>,
        %parallel_loop3A_212 = arith.constant 0 : i32
        %parallel_loop3A_213 = tpu.memref_slice %arg10[%parallel_loop3A_94, %parallel_loop3A_212] : memref<72x1024xf32, #tpu.memory_space<vmem>> -> memref<1x1024xf32, #tpu.memory_space<vmem>>
        %parallel_loop3A_214 = tpu.memref_squeeze %parallel_loop3A_213 : memref<1x1024xf32, #tpu.memory_space<vmem>> -> memref<1024xf32, #tpu.memory_space<vmem>>
        %parallel_loop3A_215 = arith.constant 144 : index
        %parallel_loop3A_216 = tpu.vector_load %parallel_loop3A_214[%parallel_loop3A_215] {strides = array<i32>} : memref<1024xf32, #tpu.memory_space<vmem>>, vector<16xf32>,
        %parallel_loop3A_217 = vector.shape_cast %parallel_loop3A_216 : vector<16xf32> to vector<16xf32>
        %parallel_loop3A_218 = arith.constant 0 : i32
        %parallel_loop3A_219 = tpu.memref_slice %arg11[%parallel_loop3A_86, %parallel_loop3A_218] : memref<16x1024xf32, #tpu.memory_space<vmem>> -> memref<1x1024xf32, #tpu.memory_space<vmem>>
        %parallel_loop3A_220 = tpu.memref_squeeze %parallel_loop3A_219 : memref<1x1024xf32, #tpu.memory_space<vmem>> -> memref<1024xf32, #tpu.memory_space<vmem>>
        %parallel_loop3A_221 = arith.constant 144 : index
        %parallel_loop3A_222 = tpu.vector_load %parallel_loop3A_220[%parallel_loop3A_221] {strides = array<i32>} : memref<1024xf32, #tpu.memory_space<vmem>>, vector<16xf32>,
        %parallel_loop3A_223 = vector.shape_cast %parallel_loop3A_222 : vector<16xf32> to vector<16xf32>
        %parallel_loop3A_224 = vector.shape_cast %parallel_loop3A_217 : vector<16xf32> to vector<16xf32>
        tpu.vector_store %parallel_loop3A_220[%parallel_loop3A_221], %parallel_loop3A_224 {add = true, strides = array<i32>} : memref<1024xf32, #tpu.memory_space<vmem>>, vector<16xf32>,
        %parallel_loop3A_225 = arith.constant 0 : i32
        %parallel_loop3A_226 = tpu.memref_slice %arg10[%parallel_loop3A_94, %parallel_loop3A_225] : memref<72x1024xf32, #tpu.memory_space<vmem>> -> memref<1x1024xf32, #tpu.memory_space<vmem>>
        %parallel_loop3A_227 = tpu.memref_squeeze %parallel_loop3A_226 : memref<1x1024xf32, #tpu.memory_space<vmem>> -> memref<1024xf32, #tpu.memory_space<vmem>>
        %parallel_loop3A_228 = arith.constant 160 : index
        %parallel_loop3A_229 = tpu.vector_load %parallel_loop3A_227[%parallel_loop3A_228] {strides = array<i32>} : memref<1024xf32, #tpu.memory_space<vmem>>, vector<16xf32>,
        %parallel_loop3A_230 = vector.shape_cast %parallel_loop3A_229 : vector<16xf32> to vector<16xf32>
        %parallel_loop3A_231 = arith.constant 0 : i32
        %parallel_loop3A_232 = tpu.memref_slice %arg11[%parallel_loop3A_86, %parallel_loop3A_231] : memref<16x1024xf32, #tpu.memory_space<vmem>> -> memref<1x1024xf32, #tpu.memory_space<vmem>>
        %parallel_loop3A_233 = tpu.memref_squeeze %parallel_loop3A_232 : memref<1x1024xf32, #tpu.memory_space<vmem>> -> memref<1024xf32, #tpu.memory_space<vmem>>
        %parallel_loop3A_234 = arith.constant 160 : index
        %parallel_loop3A_235 = tpu.vector_load %parallel_loop3A_233[%parallel_loop3A_234] {strides = array<i32>} : memref<1024xf32, #tpu.memory_space<vmem>>, vector<16xf32>,
        %parallel_loop3A_236 = vector.shape_cast %parallel_loop3A_235 : vector<16xf32> to vector<16xf32>
        %parallel_loop3A_237 = vector.shape_cast %parallel_loop3A_230 : vector<16xf32> to vector<16xf32>
        tpu.vector_store %parallel_loop3A_233[%parallel_loop3A_234], %parallel_loop3A_237 {add = true, strides = array<i32>} : memref<1024xf32, #tpu.memory_space<vmem>>, vector<16xf32>,
        %parallel_loop3A_238 = arith.constant 0 : i32
        %parallel_loop3A_239 = tpu.memref_slice %arg10[%parallel_loop3A_94, %parallel_loop3A_238] : memref<72x1024xf32, #tpu.memory_space<vmem>> -> memref<1x1024xf32, #tpu.memory_space<vmem>>
        %parallel_loop3A_240 = tpu.memref_squeeze %parallel_loop3A_239 : memref<1x1024xf32, #tpu.memory_space<vmem>> -> memref<1024xf32, #tpu.memory_space<vmem>>
        %parallel_loop3A_241 = arith.constant 176 : index
        %parallel_loop3A_242 = tpu.vector_load %parallel_loop3A_240[%parallel_loop3A_241] {strides = array<i32>} : memref<1024xf32, #tpu.memory_space<vmem>>, vector<16xf32>,
        %parallel_loop3A_243 = vector.shape_cast %parallel_loop3A_242 : vector<16xf32> to vector<16xf32>
        %parallel_loop3A_244 = arith.constant 0 : i32
        %parallel_loop3A_245 = tpu.memref_slice %arg11[%parallel_loop3A_86, %parallel_loop3A_244] : memref<16x1024xf32, #tpu.memory_space<vmem>> -> memref<1x1024xf32, #tpu.memory_space<vmem>>
        %parallel_loop3A_246 = tpu.memref_squeeze %parallel_loop3A_245 : memref<1x1024xf32, #tpu.memory_space<vmem>> -> memref<1024xf32, #tpu.memory_space<vmem>>
        %parallel_loop3A_247 = arith.constant 176 : index
        %parallel_loop3A_248 = tpu.vector_load %parallel_loop3A_246[%parallel_loop3A_247] {strides = array<i32>} : memref<1024xf32, #tpu.memory_space<vmem>>, vector<16xf32>,
        %parallel_loop3A_249 = vector.shape_cast %parallel_loop3A_248 : vector<16xf32> to vector<16xf32>
        %parallel_loop3A_250 = vector.shape_cast %parallel_loop3A_243 : vector<16xf32> to vector<16xf32>
        tpu.vector_store %parallel_loop3A_246[%parallel_loop3A_247], %parallel_loop3A_250 {add = true, strides = array<i32>} : memref<1024xf32, #tpu.memory_space<vmem>>, vector<16xf32>,
        %parallel_loop3A_251 = arith.constant 0 : i32
        %parallel_loop3A_252 = tpu.memref_slice %arg10[%parallel_loop3A_94, %parallel_loop3A_251] : memref<72x1024xf32, #tpu.memory_space<vmem>> -> memref<1x1024xf32, #tpu.memory_space<vmem>>
        %parallel_loop3A_253 = tpu.memref_squeeze %parallel_loop3A_252 : memref<1x1024xf32, #tpu.memory_space<vmem>> -> memref<1024xf32, #tpu.memory_space<vmem>>
        %parallel_loop3A_254 = arith.constant 192 : index
        %parallel_loop3A_255 = tpu.vector_load %parallel_loop3A_253[%parallel_loop3A_254] {strides = array<i32>} : memref<1024xf32, #tpu.memory_space<vmem>>, vector<16xf32>,
        %parallel_loop3A_256 = vector.shape_cast %parallel_loop3A_255 : vector<16xf32> to vector<16xf32>
        %parallel_loop3A_257 = arith.constant 0 : i32
        %parallel_loop3A_258 = tpu.memref_slice %arg11[%parallel_loop3A_86, %parallel_loop3A_257] : memref<16x1024xf32, #tpu.memory_space<vmem>> -> memref<1x1024xf32, #tpu.memory_space<vmem>>
        %parallel_loop3A_259 = tpu.memref_squeeze %parallel_loop3A_258 : memref<1x1024xf32, #tpu.memory_space<vmem>> -> memref<1024xf32, #tpu.memory_space<vmem>>
        %parallel_loop3A_260 = arith.constant 192 : index
        %parallel_loop3A_261 = tpu.vector_load %parallel_loop3A_259[%parallel_loop3A_260] {strides = array<i32>} : memref<1024xf32, #tpu.memory_space<vmem>>, vector<16xf32>,
        %parallel_loop3A_262 = vector.shape_cast %parallel_loop3A_261 : vector<16xf32> to vector<16xf32>
        %parallel_loop3A_263 = vector.shape_cast %parallel_loop3A_256 : vector<16xf32> to vector<16xf32>
        tpu.vector_store %parallel_loop3A_259[%parallel_loop3A_260], %parallel_loop3A_263 {add = true, strides = array<i32>} : memref<1024xf32, #tpu.memory_space<vmem>>, vector<16xf32>,
        %parallel_loop3A_264 = arith.constant 0 : i32
        %parallel_loop3A_265 = tpu.memref_slice %arg10[%parallel_loop3A_94, %parallel_loop3A_264] : memref<72x1024xf32, #tpu.memory_space<vmem>> -> memref<1x1024xf32, #tpu.memory_space<vmem>>
        %parallel_loop3A_266 = tpu.memref_squeeze %parallel_loop3A_265 : memref<1x1024xf32, #tpu.memory_space<vmem>> -> memref<1024xf32, #tpu.memory_space<vmem>>
        %parallel_loop3A_267 = arith.constant 208 : index
        %parallel_loop3A_268 = tpu.vector_load %parallel_loop3A_266[%parallel_loop3A_267] {strides = array<i32>} : memref<1024xf32, #tpu.memory_space<vmem>>, vector<16xf32>,
        %parallel_loop3A_269 = vector.shape_cast %parallel_loop3A_268 : vector<16xf32> to vector<16xf32>
        %parallel_loop3A_270 = arith.constant 0 : i32
        %parallel_loop3A_271 = tpu.memref_slice %arg11[%parallel_loop3A_86, %parallel_loop3A_270] : memref<16x1024xf32, #tpu.memory_space<vmem>> -> memref<1x1024xf32, #tpu.memory_space<vmem>>
        %parallel_loop3A_272 = tpu.memref_squeeze %parallel_loop3A_271 : memref<1x1024xf32, #tpu.memory_space<vmem>> -> memref<1024xf32, #tpu.memory_space<vmem>>
        %parallel_loop3A_273 = arith.constant 208 : index
        %parallel_loop3A_274 = tpu.vector_load %parallel_loop3A_272[%parallel_loop3A_273] {strides = array<i32>} : memref<1024xf32, #tpu.memory_space<vmem>>, vector<16xf32>,
        %parallel_loop3A_275 = vector.shape_cast %parallel_loop3A_274 : vector<16xf32> to vector<16xf32>
        %parallel_loop3A_276 = vector.shape_cast %parallel_loop3A_269 : vector<16xf32> to vector<16xf32>
        tpu.vector_store %parallel_loop3A_272[%parallel_loop3A_273], %parallel_loop3A_276 {add = true, strides = array<i32>} : memref<1024xf32, #tpu.memory_space<vmem>>, vector<16xf32>,
        %parallel_loop3A_277 = arith.constant 0 : i32
        %parallel_loop3A_278 = tpu.memref_slice %arg10[%parallel_loop3A_94, %parallel_loop3A_277] : memref<72x1024xf32, #tpu.memory_space<vmem>> -> memref<1x1024xf32, #tpu.memory_space<vmem>>
        %parallel_loop3A_279 = tpu.memref_squeeze %parallel_loop3A_278 : memref<1x1024xf32, #tpu.memory_space<vmem>> -> memref<1024xf32, #tpu.memory_space<vmem>>
        %parallel_loop3A_280 = arith.constant 224 : index
        %parallel_loop3A_281 = tpu.vector_load %parallel_loop3A_279[%parallel_loop3A_280] {strides = array<i32>} : memref<1024xf32, #tpu.memory_space<vmem>>, vector<16xf32>,
        %parallel_loop3A_282 = vector.shape_cast %parallel_loop3A_281 : vector<16xf32> to vector<16xf32>
        %parallel_loop3A_283 = arith.constant 0 : i32
        %parallel_loop3A_284 = tpu.memref_slice %arg11[%parallel_loop3A_86, %parallel_loop3A_283] : memref<16x1024xf32, #tpu.memory_space<vmem>> -> memref<1x1024xf32, #tpu.memory_space<vmem>>
        %parallel_loop3A_285 = tpu.memref_squeeze %parallel_loop3A_284 : memref<1x1024xf32, #tpu.memory_space<vmem>> -> memref<1024xf32, #tpu.memory_space<vmem>>
        %parallel_loop3A_286 = arith.constant 224 : index
        %parallel_loop3A_287 = tpu.vector_load %parallel_loop3A_285[%parallel_loop3A_286] {strides = array<i32>} : memref<1024xf32, #tpu.memory_space<vmem>>, vector<16xf32>,
        %parallel_loop3A_288 = vector.shape_cast %parallel_loop3A_287 : vector<16xf32> to vector<16xf32>
        %parallel_loop3A_289 = vector.shape_cast %parallel_loop3A_282 : vector<16xf32> to vector<16xf32>
        tpu.vector_store %parallel_loop3A_285[%parallel_loop3A_286], %parallel_loop3A_289 {add = true, strides = array<i32>} : memref<1024xf32, #tpu.memory_space<vmem>>, vector<16xf32>,
        %parallel_loop3A_290 = arith.constant 0 : i32
        %parallel_loop3A_291 = tpu.memref_slice %arg10[%parallel_loop3A_94, %parallel_loop3A_290] : memref<72x1024xf32, #tpu.memory_space<vmem>> -> memref<1x1024xf32, #tpu.memory_space<vmem>>
        %parallel_loop3A_292 = tpu.memref_squeeze %parallel_loop3A_291 : memref<1x1024xf32, #tpu.memory_space<vmem>> -> memref<1024xf32, #tpu.memory_space<vmem>>
        %parallel_loop3A_293 = arith.constant 240 : index
        %parallel_loop3A_294 = tpu.vector_load %parallel_loop3A_292[%parallel_loop3A_293] {strides = array<i32>} : memref<1024xf32, #tpu.memory_space<vmem>>, vector<16xf32>,
        %parallel_loop3A_295 = vector.shape_cast %parallel_loop3A_294 : vector<16xf32> to vector<16xf32>
        %parallel_loop3A_296 = arith.constant 0 : i32
        %parallel_loop3A_297 = tpu.memref_slice %arg11[%parallel_loop3A_86, %parallel_loop3A_296] : memref<16x1024xf32, #tpu.memory_space<vmem>> -> memref<1x1024xf32, #tpu.memory_space<vmem>>
        %parallel_loop3A_298 = tpu.memref_squeeze %parallel_loop3A_297 : memref<1x1024xf32, #tpu.memory_space<vmem>> -> memref<1024xf32, #tpu.memory_space<vmem>>
        %parallel_loop3A_299 = arith.constant 240 : index
        %parallel_loop3A_300 = tpu.vector_load %parallel_loop3A_298[%parallel_loop3A_299] {strides = array<i32>} : memref<1024xf32, #tpu.memory_space<vmem>>, vector<16xf32>,
        %parallel_loop3A_301 = vector.shape_cast %parallel_loop3A_300 : vector<16xf32> to vector<16xf32>
        %parallel_loop3A_302 = vector.shape_cast %parallel_loop3A_295 : vector<16xf32> to vector<16xf32>
        tpu.vector_store %parallel_loop3A_298[%parallel_loop3A_299], %parallel_loop3A_302 {add = true, strides = array<i32>} : memref<1024xf32, #tpu.memory_space<vmem>>, vector<16xf32>,
        %parallel_loop3A_303 = arith.constant 0 : i32
        %parallel_loop3A_304 = tpu.memref_slice %arg10[%parallel_loop3A_94, %parallel_loop3A_303] : memref<72x1024xf32, #tpu.memory_space<vmem>> -> memref<1x1024xf32, #tpu.memory_space<vmem>>
        %parallel_loop3A_305 = tpu.memref_squeeze %parallel_loop3A_304 : memref<1x1024xf32, #tpu.memory_space<vmem>> -> memref<1024xf32, #tpu.memory_space<vmem>>
        %parallel_loop3A_306 = arith.constant 256 : index
        %parallel_loop3A_307 = tpu.vector_load %parallel_loop3A_305[%parallel_loop3A_306] {strides = array<i32>} : memref<1024xf32, #tpu.memory_space<vmem>>, vector<16xf32>,
        %parallel_loop3A_308 = vector.shape_cast %parallel_loop3A_307 : vector<16xf32> to vector<16xf32>
        %parallel_loop3A_309 = arith.constant 0 : i32
        %parallel_loop3A_310 = tpu.memref_slice %arg11[%parallel_loop3A_86, %parallel_loop3A_309] : memref<16x1024xf32, #tpu.memory_space<vmem>> -> memref<1x1024xf32, #tpu.memory_space<vmem>>
        %parallel_loop3A_311 = tpu.memref_squeeze %parallel_loop3A_310 : memref<1x1024xf32, #tpu.memory_space<vmem>> -> memref<1024xf32, #tpu.memory_space<vmem>>
        %parallel_loop3A_312 = arith.constant 256 : index
        %parallel_loop3A_313 = tpu.vector_load %parallel_loop3A_311[%parallel_loop3A_312] {strides = array<i32>} : memref<1024xf32, #tpu.memory_space<vmem>>, vector<16xf32>,
        %parallel_loop3A_314 = vector.shape_cast %parallel_loop3A_313 : vector<16xf32> to vector<16xf32>
        %parallel_loop3A_315 = vector.shape_cast %parallel_loop3A_308 : vector<16xf32> to vector<16xf32>
        tpu.vector_store %parallel_loop3A_311[%parallel_loop3A_312], %parallel_loop3A_315 {add = true, strides = array<i32>} : memref<1024xf32, #tpu.memory_space<vmem>>, vector<16xf32>,
        %parallel_loop3A_316 = arith.constant 0 : i32
        %parallel_loop3A_317 = tpu.memref_slice %arg10[%parallel_loop3A_94, %parallel_loop3A_316] : memref<72x1024xf32, #tpu.memory_space<vmem>> -> memref<1x1024xf32, #tpu.memory_space<vmem>>
        %parallel_loop3A_318 = tpu.memref_squeeze %parallel_loop3A_317 : memref<1x1024xf32, #tpu.memory_space<vmem>> -> memref<1024xf32, #tpu.memory_space<vmem>>
        %parallel_loop3A_319 = arith.constant 272 : index
        %parallel_loop3A_320 = tpu.vector_load %parallel_loop3A_318[%parallel_loop3A_319] {strides = array<i32>} : memref<1024xf32, #tpu.memory_space<vmem>>, vector<16xf32>,
        %parallel_loop3A_321 = vector.shape_cast %parallel_loop3A_320 : vector<16xf32> to vector<16xf32>
        %parallel_loop3A_322 = arith.constant 0 : i32
        %parallel_loop3A_323 = tpu.memref_slice %arg11[%parallel_loop3A_86, %parallel_loop3A_322] : memref<16x1024xf32, #tpu.memory_space<vmem>> -> memref<1x1024xf32, #tpu.memory_space<vmem>>
        %parallel_loop3A_324 = tpu.memref_squeeze %parallel_loop3A_323 : memref<1x1024xf32, #tpu.memory_space<vmem>> -> memref<1024xf32, #tpu.memory_space<vmem>>
        %parallel_loop3A_325 = arith.constant 272 : index
        %parallel_loop3A_326 = tpu.vector_load %parallel_loop3A_324[%parallel_loop3A_325] {strides = array<i32>} : memref<1024xf32, #tpu.memory_space<vmem>>, vector<16xf32>,
        %parallel_loop3A_327 = vector.shape_cast %parallel_loop3A_326 : vector<16xf32> to vector<16xf32>
        %parallel_loop3A_328 = vector.shape_cast %parallel_loop3A_321 : vector<16xf32> to vector<16xf32>
        tpu.vector_store %parallel_loop3A_324[%parallel_loop3A_325], %parallel_loop3A_328 {add = true, strides = array<i32>} : memref<1024xf32, #tpu.memory_space<vmem>>, vector<16xf32>,
        %parallel_loop3A_329 = arith.constant 0 : i32
        %parallel_loop3A_330 = tpu.memref_slice %arg10[%parallel_loop3A_94, %parallel_loop3A_329] : memref<72x1024xf32, #tpu.memory_space<vmem>> -> memref<1x1024xf32, #tpu.memory_space<vmem>>
        %parallel_loop3A_331 = tpu.memref_squeeze %parallel_loop3A_330 : memref<1x1024xf32, #tpu.memory_space<vmem>> -> memref<1024xf32, #tpu.memory_space<vmem>>
        %parallel_loop3A_332 = arith.constant 288 : index
        %parallel_loop3A_333 = tpu.vector_load %parallel_loop3A_331[%parallel_loop3A_332] {strides = array<i32>} : memref<1024xf32, #tpu.memory_space<vmem>>, vector<16xf32>,
        %parallel_loop3A_334 = vector.shape_cast %parallel_loop3A_333 : vector<16xf32> to vector<16xf32>
        %parallel_loop3A_335 = arith.constant 0 : i32
        %parallel_loop3A_336 = tpu.memref_slice %arg11[%parallel_loop3A_86, %parallel_loop3A_335] : memref<16x1024xf32, #tpu.memory_space<vmem>> -> memref<1x1024xf32, #tpu.memory_space<vmem>>
        %parallel_loop3A_337 = tpu.memref_squeeze %parallel_loop3A_336 : memref<1x1024xf32, #tpu.memory_space<vmem>> -> memref<1024xf32, #tpu.memory_space<vmem>>
        %parallel_loop3A_338 = arith.constant 288 : index
        %parallel_loop3A_339 = tpu.vector_load %parallel_loop3A_337[%parallel_loop3A_338] {strides = array<i32>} : memref<1024xf32, #tpu.memory_space<vmem>>, vector<16xf32>,
        %parallel_loop3A_340 = vector.shape_cast %parallel_loop3A_339 : vector<16xf32> to vector<16xf32>
        %parallel_loop3A_341 = vector.shape_cast %parallel_loop3A_334 : vector<16xf32> to vector<16xf32>
        tpu.vector_store %parallel_loop3A_337[%parallel_loop3A_338], %parallel_loop3A_341 {add = true, strides = array<i32>} : memref<1024xf32, #tpu.memory_space<vmem>>, vector<16xf32>,
        %parallel_loop3A_342 = arith.constant 0 : i32
        %parallel_loop3A_343 = tpu.memref_slice %arg10[%parallel_loop3A_94, %parallel_loop3A_342] : memref<72x1024xf32, #tpu.memory_space<vmem>> -> memref<1x1024xf32, #tpu.memory_space<vmem>>
        %parallel_loop3A_344 = tpu.memref_squeeze %parallel_loop3A_343 : memref<1x1024xf32, #tpu.memory_space<vmem>> -> memref<1024xf32, #tpu.memory_space<vmem>>
        %parallel_loop3A_345 = arith.constant 304 : index
        %parallel_loop3A_346 = tpu.vector_load %parallel_loop3A_344[%parallel_loop3A_345] {strides = array<i32>} : memref<1024xf32, #tpu.memory_space<vmem>>, vector<16xf32>,
        %parallel_loop3A_347 = vector.shape_cast %parallel_loop3A_346 : vector<16xf32> to vector<16xf32>
        %parallel_loop3A_348 = arith.constant 0 : i32
        %parallel_loop3A_349 = tpu.memref_slice %arg11[%parallel_loop3A_86, %parallel_loop3A_348] : memref<16x1024xf32, #tpu.memory_space<vmem>> -> memref<1x1024xf32, #tpu.memory_space<vmem>>
        %parallel_loop3A_350 = tpu.memref_squeeze %parallel_loop3A_349 : memref<1x1024xf32, #tpu.memory_space<vmem>> -> memref<1024xf32, #tpu.memory_space<vmem>>
        %parallel_loop3A_351 = arith.constant 304 : index
        %parallel_loop3A_352 = tpu.vector_load %parallel_loop3A_350[%parallel_loop3A_351] {strides = array<i32>} : memref<1024xf32, #tpu.memory_space<vmem>>, vector<16xf32>,
        %parallel_loop3A_353 = vector.shape_cast %parallel_loop3A_352 : vector<16xf32> to vector<16xf32>
        %parallel_loop3A_354 = vector.shape_cast %parallel_loop3A_347 : vector<16xf32> to vector<16xf32>
        tpu.vector_store %parallel_loop3A_350[%parallel_loop3A_351], %parallel_loop3A_354 {add = true, strides = array<i32>} : memref<1024xf32, #tpu.memory_space<vmem>>, vector<16xf32>,
        %parallel_loop3A_355 = arith.constant 0 : i32
        %parallel_loop3A_356 = tpu.memref_slice %arg10[%parallel_loop3A_94, %parallel_loop3A_355] : memref<72x1024xf32, #tpu.memory_space<vmem>> -> memref<1x1024xf32, #tpu.memory_space<vmem>>
        %parallel_loop3A_357 = tpu.memref_squeeze %parallel_loop3A_356 : memref<1x1024xf32, #tpu.memory_space<vmem>> -> memref<1024xf32, #tpu.memory_space<vmem>>
        %parallel_loop3A_358 = arith.constant 320 : index
        %parallel_loop3A_359 = tpu.vector_load %parallel_loop3A_357[%parallel_loop3A_358] {strides = array<i32>} : memref<1024xf32, #tpu.memory_space<vmem>>, vector<16xf32>,
        %parallel_loop3A_360 = vector.shape_cast %parallel_loop3A_359 : vector<16xf32> to vector<16xf32>
        %parallel_loop3A_361 = arith.constant 0 : i32
        %parallel_loop3A_362 = tpu.memref_slice %arg11[%parallel_loop3A_86, %parallel_loop3A_361] : memref<16x1024xf32, #tpu.memory_space<vmem>> -> memref<1x1024xf32, #tpu.memory_space<vmem>>
        %parallel_loop3A_363 = tpu.memref_squeeze %parallel_loop3A_362 : memref<1x1024xf32, #tpu.memory_space<vmem>> -> memref<1024xf32, #tpu.memory_space<vmem>>
        %parallel_loop3A_364 = arith.constant 320 : index
        %parallel_loop3A_365 = tpu.vector_load %parallel_loop3A_363[%parallel_loop3A_364] {strides = array<i32>} : memref<1024xf32, #tpu.memory_space<vmem>>, vector<16xf32>,
        %parallel_loop3A_366 = vector.shape_cast %parallel_loop3A_365 : vector<16xf32> to vector<16xf32>
        %parallel_loop3A_367 = vector.shape_cast %parallel_loop3A_360 : vector<16xf32> to vector<16xf32>
        tpu.vector_store %parallel_loop3A_363[%parallel_loop3A_364], %parallel_loop3A_367 {add = true, strides = array<i32>} : memref<1024xf32, #tpu.memory_space<vmem>>, vector<16xf32>,
        %parallel_loop3A_368 = arith.constant 0 : i32
        %parallel_loop3A_369 = tpu.memref_slice %arg10[%parallel_loop3A_94, %parallel_loop3A_368] : memref<72x1024xf32, #tpu.memory_space<vmem>> -> memref<1x1024xf32, #tpu.memory_space<vmem>>
        %parallel_loop3A_370 = tpu.memref_squeeze %parallel_loop3A_369 : memref<1x1024xf32, #tpu.memory_space<vmem>> -> memref<1024xf32, #tpu.memory_space<vmem>>
        %parallel_loop3A_371 = arith.constant 336 : index
        %parallel_loop3A_372 = tpu.vector_load %parallel_loop3A_370[%parallel_loop3A_371] {strides = array<i32>} : memref<1024xf32, #tpu.memory_space<vmem>>, vector<16xf32>,
        %parallel_loop3A_373 = vector.shape_cast %parallel_loop3A_372 : vector<16xf32> to vector<16xf32>
        %parallel_loop3A_374 = arith.constant 0 : i32
        %parallel_loop3A_375 = tpu.memref_slice %arg11[%parallel_loop3A_86, %parallel_loop3A_374] : memref<16x1024xf32, #tpu.memory_space<vmem>> -> memref<1x1024xf32, #tpu.memory_space<vmem>>
        %parallel_loop3A_376 = tpu.memref_squeeze %parallel_loop3A_375 : memref<1x1024xf32, #tpu.memory_space<vmem>> -> memref<1024xf32, #tpu.memory_space<vmem>>
        %parallel_loop3A_377 = arith.constant 336 : index
        %parallel_loop3A_378 = tpu.vector_load %parallel_loop3A_376[%parallel_loop3A_377] {strides = array<i32>} : memref<1024xf32, #tpu.memory_space<vmem>>, vector<16xf32>,
        %parallel_loop3A_379 = vector.shape_cast %parallel_loop3A_378 : vector<16xf32> to vector<16xf32>
        %parallel_loop3A_380 = vector.shape_cast %parallel_loop3A_373 : vector<16xf32> to vector<16xf32>
        tpu.vector_store %parallel_loop3A_376[%parallel_loop3A_377], %parallel_loop3A_380 {add = true, strides = array<i32>} : memref<1024xf32, #tpu.memory_space<vmem>>, vector<16xf32>,
        %parallel_loop3A_381 = arith.constant 0 : i32
        %parallel_loop3A_382 = tpu.memref_slice %arg10[%parallel_loop3A_94, %parallel_loop3A_381] : memref<72x1024xf32, #tpu.memory_space<vmem>> -> memref<1x1024xf32, #tpu.memory_space<vmem>>
        %parallel_loop3A_383 = tpu.memref_squeeze %parallel_loop3A_382 : memref<1x1024xf32, #tpu.memory_space<vmem>> -> memref<1024xf32, #tpu.memory_space<vmem>>
        %parallel_loop3A_384 = arith.constant 352 : index
        %parallel_loop3A_385 = tpu.vector_load %parallel_loop3A_383[%parallel_loop3A_384] {strides = array<i32>} : memref<1024xf32, #tpu.memory_space<vmem>>, vector<16xf32>,
        %parallel_loop3A_386 = vector.shape_cast %parallel_loop3A_385 : vector<16xf32> to vector<16xf32>
        %parallel_loop3A_387 = arith.constant 0 : i32
        %parallel_loop3A_388 = tpu.memref_slice %arg11[%parallel_loop3A_86, %parallel_loop3A_387] : memref<16x1024xf32, #tpu.memory_space<vmem>> -> memref<1x1024xf32, #tpu.memory_space<vmem>>
        %parallel_loop3A_389 = tpu.memref_squeeze %parallel_loop3A_388 : memref<1x1024xf32, #tpu.memory_space<vmem>> -> memref<1024xf32, #tpu.memory_space<vmem>>
        %parallel_loop3A_390 = arith.constant 352 : index
        %parallel_loop3A_391 = tpu.vector_load %parallel_loop3A_389[%parallel_loop3A_390] {strides = array<i32>} : memref<1024xf32, #tpu.memory_space<vmem>>, vector<16xf32>,
        %parallel_loop3A_392 = vector.shape_cast %parallel_loop3A_391 : vector<16xf32> to vector<16xf32>
        %parallel_loop3A_393 = vector.shape_cast %parallel_loop3A_386 : vector<16xf32> to vector<16xf32>
        tpu.vector_store %parallel_loop3A_389[%parallel_loop3A_390], %parallel_loop3A_393 {add = true, strides = array<i32>} : memref<1024xf32, #tpu.memory_space<vmem>>, vector<16xf32>,
        %parallel_loop3A_394 = arith.constant 0 : i32
        %parallel_loop3A_395 = tpu.memref_slice %arg10[%parallel_loop3A_94, %parallel_loop3A_394] : memref<72x1024xf32, #tpu.memory_space<vmem>> -> memref<1x1024xf32, #tpu.memory_space<vmem>>
        %parallel_loop3A_396 = tpu.memref_squeeze %parallel_loop3A_395 : memref<1x1024xf32, #tpu.memory_space<vmem>> -> memref<1024xf32, #tpu.memory_space<vmem>>
        %parallel_loop3A_397 = arith.constant 368 : index
        %parallel_loop3A_398 = tpu.vector_load %parallel_loop3A_396[%parallel_loop3A_397] {strides = array<i32>} : memref<1024xf32, #tpu.memory_space<vmem>>, vector<16xf32>,
        %parallel_loop3A_399 = vector.shape_cast %parallel_loop3A_398 : vector<16xf32> to vector<16xf32>
        %parallel_loop3A_400 = arith.constant 0 : i32
        %parallel_loop3A_401 = tpu.memref_slice %arg11[%parallel_loop3A_86, %parallel_loop3A_400] : memref<16x1024xf32, #tpu.memory_space<vmem>> -> memref<1x1024xf32, #tpu.memory_space<vmem>>
        %parallel_loop3A_402 = tpu.memref_squeeze %parallel_loop3A_401 : memref<1x1024xf32, #tpu.memory_space<vmem>> -> memref<1024xf32, #tpu.memory_space<vmem>>
        %parallel_loop3A_403 = arith.constant 368 : index
        %parallel_loop3A_404 = tpu.vector_load %parallel_loop3A_402[%parallel_loop3A_403] {strides = array<i32>} : memref<1024xf32, #tpu.memory_space<vmem>>, vector<16xf32>,
        %parallel_loop3A_405 = vector.shape_cast %parallel_loop3A_404 : vector<16xf32> to vector<16xf32>
        %parallel_loop3A_406 = vector.shape_cast %parallel_loop3A_399 : vector<16xf32> to vector<16xf32>
        tpu.vector_store %parallel_loop3A_402[%parallel_loop3A_403], %parallel_loop3A_406 {add = true, strides = array<i32>} : memref<1024xf32, #tpu.memory_space<vmem>>, vector<16xf32>,
        %parallel_loop3A_407 = arith.constant 0 : i32
        %parallel_loop3A_408 = tpu.memref_slice %arg10[%parallel_loop3A_94, %parallel_loop3A_407] : memref<72x1024xf32, #tpu.memory_space<vmem>> -> memref<1x1024xf32, #tpu.memory_space<vmem>>
        %parallel_loop3A_409 = tpu.memref_squeeze %parallel_loop3A_408 : memref<1x1024xf32, #tpu.memory_space<vmem>> -> memref<1024xf32, #tpu.memory_space<vmem>>
        %parallel_loop3A_410 = arith.constant 384 : index
        %parallel_loop3A_411 = tpu.vector_load %parallel_loop3A_409[%parallel_loop3A_410] {strides = array<i32>} : memref<1024xf32, #tpu.memory_space<vmem>>, vector<16xf32>,
        %parallel_loop3A_412 = vector.shape_cast %parallel_loop3A_411 : vector<16xf32> to vector<16xf32>
        %parallel_loop3A_413 = arith.constant 0 : i32
        %parallel_loop3A_414 = tpu.memref_slice %arg11[%parallel_loop3A_86, %parallel_loop3A_413] : memref<16x1024xf32, #tpu.memory_space<vmem>> -> memref<1x1024xf32, #tpu.memory_space<vmem>>
        %parallel_loop3A_415 = tpu.memref_squeeze %parallel_loop3A_414 : memref<1x1024xf32, #tpu.memory_space<vmem>> -> memref<1024xf32, #tpu.memory_space<vmem>>
        %parallel_loop3A_416 = arith.constant 384 : index
        %parallel_loop3A_417 = tpu.vector_load %parallel_loop3A_415[%parallel_loop3A_416] {strides = array<i32>} : memref<1024xf32, #tpu.memory_space<vmem>>, vector<16xf32>,
        %parallel_loop3A_418 = vector.shape_cast %parallel_loop3A_417 : vector<16xf32> to vector<16xf32>
        %parallel_loop3A_419 = vector.shape_cast %parallel_loop3A_412 : vector<16xf32> to vector<16xf32>
        tpu.vector_store %parallel_loop3A_415[%parallel_loop3A_416], %parallel_loop3A_419 {add = true, strides = array<i32>} : memref<1024xf32, #tpu.memory_space<vmem>>, vector<16xf32>,
        %parallel_loop3A_420 = arith.constant 0 : i32
        %parallel_loop3A_421 = tpu.memref_slice %arg10[%parallel_loop3A_94, %parallel_loop3A_420] : memref<72x1024xf32, #tpu.memory_space<vmem>> -> memref<1x1024xf32, #tpu.memory_space<vmem>>
        %parallel_loop3A_422 = tpu.memref_squeeze %parallel_loop3A_421 : memref<1x1024xf32, #tpu.memory_space<vmem>> -> memref<1024xf32, #tpu.memory_space<vmem>>
        %parallel_loop3A_423 = arith.constant 400 : index
        %parallel_loop3A_424 = tpu.vector_load %parallel_loop3A_422[%parallel_loop3A_423] {strides = array<i32>} : memref<1024xf32, #tpu.memory_space<vmem>>, vector<16xf32>,
        %parallel_loop3A_425 = vector.shape_cast %parallel_loop3A_424 : vector<16xf32> to vector<16xf32>
        %parallel_loop3A_426 = arith.constant 0 : i32
        %parallel_loop3A_427 = tpu.memref_slice %arg11[%parallel_loop3A_86, %parallel_loop3A_426] : memref<16x1024xf32, #tpu.memory_space<vmem>> -> memref<1x1024xf32, #tpu.memory_space<vmem>>
        %parallel_loop3A_428 = tpu.memref_squeeze %parallel_loop3A_427 : memref<1x1024xf32, #tpu.memory_space<vmem>> -> memref<1024xf32, #tpu.memory_space<vmem>>
        %parallel_loop3A_429 = arith.constant 400 : index
        %parallel_loop3A_430 = tpu.vector_load %parallel_loop3A_428[%parallel_loop3A_429] {strides = array<i32>} : memref<1024xf32, #tpu.memory_space<vmem>>, vector<16xf32>,
        %parallel_loop3A_431 = vector.shape_cast %parallel_loop3A_430 : vector<16xf32> to vector<16xf32>
        %parallel_loop3A_432 = vector.shape_cast %parallel_loop3A_425 : vector<16xf32> to vector<16xf32>
        tpu.vector_store %parallel_loop3A_428[%parallel_loop3A_429], %parallel_loop3A_432 {add = true, strides = array<i32>} : memref<1024xf32, #tpu.memory_space<vmem>>, vector<16xf32>,
        %parallel_loop3A_433 = arith.constant 0 : i32
        %parallel_loop3A_434 = tpu.memref_slice %arg10[%parallel_loop3A_94, %parallel_loop3A_433] : memref<72x1024xf32, #tpu.memory_space<vmem>> -> memref<1x1024xf32, #tpu.memory_space<vmem>>
        %parallel_loop3A_435 = tpu.memref_squeeze %parallel_loop3A_434 : memref<1x1024xf32, #tpu.memory_space<vmem>> -> memref<1024xf32, #tpu.memory_space<vmem>>
        %parallel_loop3A_436 = arith.constant 416 : index
        %parallel_loop3A_437 = tpu.vector_load %parallel_loop3A_435[%parallel_loop3A_436] {strides = array<i32>} : memref<1024xf32, #tpu.memory_space<vmem>>, vector<16xf32>,
        %parallel_loop3A_438 = vector.shape_cast %parallel_loop3A_437 : vector<16xf32> to vector<16xf32>
        %parallel_loop3A_439 = arith.constant 0 : i32
        %parallel_loop3A_440 = tpu.memref_slice %arg11[%parallel_loop3A_86, %parallel_loop3A_439] : memref<16x1024xf32, #tpu.memory_space<vmem>> -> memref<1x1024xf32, #tpu.memory_space<vmem>>
        %parallel_loop3A_441 = tpu.memref_squeeze %parallel_loop3A_440 : memref<1x1024xf32, #tpu.memory_space<vmem>> -> memref<1024xf32, #tpu.memory_space<vmem>>
        %parallel_loop3A_442 = arith.constant 416 : index
        %parallel_loop3A_443 = tpu.vector_load %parallel_loop3A_441[%parallel_loop3A_442] {strides = array<i32>} : memref<1024xf32, #tpu.memory_space<vmem>>, vector<16xf32>,
        %parallel_loop3A_444 = vector.shape_cast %parallel_loop3A_443 : vector<16xf32> to vector<16xf32>
        %parallel_loop3A_445 = vector.shape_cast %parallel_loop3A_438 : vector<16xf32> to vector<16xf32>
        tpu.vector_store %parallel_loop3A_441[%parallel_loop3A_442], %parallel_loop3A_445 {add = true, strides = array<i32>} : memref<1024xf32, #tpu.memory_space<vmem>>, vector<16xf32>,
        %parallel_loop3A_446 = arith.constant 0 : i32
        %parallel_loop3A_447 = tpu.memref_slice %arg10[%parallel_loop3A_94, %parallel_loop3A_446] : memref<72x1024xf32, #tpu.memory_space<vmem>> -> memref<1x1024xf32, #tpu.memory_space<vmem>>
        %parallel_loop3A_448 = tpu.memref_squeeze %parallel_loop3A_447 : memref<1x1024xf32, #tpu.memory_space<vmem>> -> memref<1024xf32, #tpu.memory_space<vmem>>
        %parallel_loop3A_449 = arith.constant 432 : index
        %parallel_loop3A_450 = tpu.vector_load %parallel_loop3A_448[%parallel_loop3A_449] {strides = array<i32>} : memref<1024xf32, #tpu.memory_space<vmem>>, vector<16xf32>,
        %parallel_loop3A_451 = vector.shape_cast %parallel_loop3A_450 : vector<16xf32> to vector<16xf32>
        %parallel_loop3A_452 = arith.constant 0 : i32
        %parallel_loop3A_453 = tpu.memref_slice %arg11[%parallel_loop3A_86, %parallel_loop3A_452] : memref<16x1024xf32, #tpu.memory_space<vmem>> -> memref<1x1024xf32, #tpu.memory_space<vmem>>
        %parallel_loop3A_454 = tpu.memref_squeeze %parallel_loop3A_453 : memref<1x1024xf32, #tpu.memory_space<vmem>> -> memref<1024xf32, #tpu.memory_space<vmem>>
        %parallel_loop3A_455 = arith.constant 432 : index
        %parallel_loop3A_456 = tpu.vector_load %parallel_loop3A_454[%parallel_loop3A_455] {strides = array<i32>} : memref<1024xf32, #tpu.memory_space<vmem>>, vector<16xf32>,
        %parallel_loop3A_457 = vector.shape_cast %parallel_loop3A_456 : vector<16xf32> to vector<16xf32>
        %parallel_loop3A_458 = vector.shape_cast %parallel_loop3A_451 : vector<16xf32> to vector<16xf32>
        tpu.vector_store %parallel_loop3A_454[%parallel_loop3A_455], %parallel_loop3A_458 {add = true, strides = array<i32>} : memref<1024xf32, #tpu.memory_space<vmem>>, vector<16xf32>,
        %parallel_loop3A_459 = arith.constant 0 : i32
        %parallel_loop3A_460 = tpu.memref_slice %arg10[%parallel_loop3A_94, %parallel_loop3A_459] : memref<72x1024xf32, #tpu.memory_space<vmem>> -> memref<1x1024xf32, #tpu.memory_space<vmem>>
        %parallel_loop3A_461 = tpu.memref_squeeze %parallel_loop3A_460 : memref<1x1024xf32, #tpu.memory_space<vmem>> -> memref<1024xf32, #tpu.memory_space<vmem>>
        %parallel_loop3A_462 = arith.constant 448 : index
        %parallel_loop3A_463 = tpu.vector_load %parallel_loop3A_461[%parallel_loop3A_462] {strides = array<i32>} : memref<1024xf32, #tpu.memory_space<vmem>>, vector<16xf32>,
        %parallel_loop3A_464 = vector.shape_cast %parallel_loop3A_463 : vector<16xf32> to vector<16xf32>
        %parallel_loop3A_465 = arith.constant 0 : i32
        %parallel_loop3A_466 = tpu.memref_slice %arg11[%parallel_loop3A_86, %parallel_loop3A_465] : memref<16x1024xf32, #tpu.memory_space<vmem>> -> memref<1x1024xf32, #tpu.memory_space<vmem>>
        %parallel_loop3A_467 = tpu.memref_squeeze %parallel_loop3A_466 : memref<1x1024xf32, #tpu.memory_space<vmem>> -> memref<1024xf32, #tpu.memory_space<vmem>>
        %parallel_loop3A_468 = arith.constant 448 : index
        %parallel_loop3A_469 = tpu.vector_load %parallel_loop3A_467[%parallel_loop3A_468] {strides = array<i32>} : memref<1024xf32, #tpu.memory_space<vmem>>, vector<16xf32>,
        %parallel_loop3A_470 = vector.shape_cast %parallel_loop3A_469 : vector<16xf32> to vector<16xf32>
        %parallel_loop3A_471 = vector.shape_cast %parallel_loop3A_464 : vector<16xf32> to vector<16xf32>
        tpu.vector_store %parallel_loop3A_467[%parallel_loop3A_468], %parallel_loop3A_471 {add = true, strides = array<i32>} : memref<1024xf32, #tpu.memory_space<vmem>>, vector<16xf32>,
        %parallel_loop3A_472 = arith.constant 0 : i32
        %parallel_loop3A_473 = tpu.memref_slice %arg10[%parallel_loop3A_94, %parallel_loop3A_472] : memref<72x1024xf32, #tpu.memory_space<vmem>> -> memref<1x1024xf32, #tpu.memory_space<vmem>>
        %parallel_loop3A_474 = tpu.memref_squeeze %parallel_loop3A_473 : memref<1x1024xf32, #tpu.memory_space<vmem>> -> memref<1024xf32, #tpu.memory_space<vmem>>
        %parallel_loop3A_475 = arith.constant 464 : index
        %parallel_loop3A_476 = tpu.vector_load %parallel_loop3A_474[%parallel_loop3A_475] {strides = array<i32>} : memref<1024xf32, #tpu.memory_space<vmem>>, vector<16xf32>,
        %parallel_loop3A_477 = vector.shape_cast %parallel_loop3A_476 : vector<16xf32> to vector<16xf32>
        %parallel_loop3A_478 = arith.constant 0 : i32
        %parallel_loop3A_479 = tpu.memref_slice %arg11[%parallel_loop3A_86, %parallel_loop3A_478] : memref<16x1024xf32, #tpu.memory_space<vmem>> -> memref<1x1024xf32, #tpu.memory_space<vmem>>
        %parallel_loop3A_480 = tpu.memref_squeeze %parallel_loop3A_479 : memref<1x1024xf32, #tpu.memory_space<vmem>> -> memref<1024xf32, #tpu.memory_space<vmem>>
        %parallel_loop3A_481 = arith.constant 464 : index
        %parallel_loop3A_482 = tpu.vector_load %parallel_loop3A_480[%parallel_loop3A_481] {strides = array<i32>} : memref<1024xf32, #tpu.memory_space<vmem>>, vector<16xf32>,
        %parallel_loop3A_483 = vector.shape_cast %parallel_loop3A_482 : vector<16xf32> to vector<16xf32>
        %parallel_loop3A_484 = vector.shape_cast %parallel_loop3A_477 : vector<16xf32> to vector<16xf32>
        tpu.vector_store %parallel_loop3A_480[%parallel_loop3A_481], %parallel_loop3A_484 {add = true, strides = array<i32>} : memref<1024xf32, #tpu.memory_space<vmem>>, vector<16xf32>,
        %parallel_loop3A_485 = arith.constant 0 : i32
        %parallel_loop3A_486 = tpu.memref_slice %arg10[%parallel_loop3A_94, %parallel_loop3A_485] : memref<72x1024xf32, #tpu.memory_space<vmem>> -> memref<1x1024xf32, #tpu.memory_space<vmem>>
        %parallel_loop3A_487 = tpu.memref_squeeze %parallel_loop3A_486 : memref<1x1024xf32, #tpu.memory_space<vmem>> -> memref<1024xf32, #tpu.memory_space<vmem>>
        %parallel_loop3A_488 = arith.constant 480 : index
        %parallel_loop3A_489 = tpu.vector_load %parallel_loop3A_487[%parallel_loop3A_488] {strides = array<i32>} : memref<1024xf32, #tpu.memory_space<vmem>>, vector<16xf32>,
        %parallel_loop3A_490 = vector.shape_cast %parallel_loop3A_489 : vector<16xf32> to vector<16xf32>
        %parallel_loop3A_491 = arith.constant 0 : i32
        %parallel_loop3A_492 = tpu.memref_slice %arg11[%parallel_loop3A_86, %parallel_loop3A_491] : memref<16x1024xf32, #tpu.memory_space<vmem>> -> memref<1x1024xf32, #tpu.memory_space<vmem>>
        %parallel_loop3A_493 = tpu.memref_squeeze %parallel_loop3A_492 : memref<1x1024xf32, #tpu.memory_space<vmem>> -> memref<1024xf32, #tpu.memory_space<vmem>>
        %parallel_loop3A_494 = arith.constant 480 : index
        %parallel_loop3A_495 = tpu.vector_load %parallel_loop3A_493[%parallel_loop3A_494] {strides = array<i32>} : memref<1024xf32, #tpu.memory_space<vmem>>, vector<16xf32>,
        %parallel_loop3A_496 = vector.shape_cast %parallel_loop3A_495 : vector<16xf32> to vector<16xf32>
        %parallel_loop3A_497 = vector.shape_cast %parallel_loop3A_490 : vector<16xf32> to vector<16xf32>
        tpu.vector_store %parallel_loop3A_493[%parallel_loop3A_494], %parallel_loop3A_497 {add = true, strides = array<i32>} : memref<1024xf32, #tpu.memory_space<vmem>>, vector<16xf32>,
        %parallel_loop3A_498 = arith.constant 0 : i32
        %parallel_loop3A_499 = tpu.memref_slice %arg10[%parallel_loop3A_94, %parallel_loop3A_498] : memref<72x1024xf32, #tpu.memory_space<vmem>> -> memref<1x1024xf32, #tpu.memory_space<vmem>>
        %parallel_loop3A_500 = tpu.memref_squeeze %parallel_loop3A_499 : memref<1x1024xf32, #tpu.memory_space<vmem>> -> memref<1024xf32, #tpu.memory_space<vmem>>
        %parallel_loop3A_501 = arith.constant 496 : index
        %parallel_loop3A_502 = tpu.vector_load %parallel_loop3A_500[%parallel_loop3A_501] {strides = array<i32>} : memref<1024xf32, #tpu.memory_space<vmem>>, vector<16xf32>,
        %parallel_loop3A_503 = vector.shape_cast %parallel_loop3A_502 : vector<16xf32> to vector<16xf32>
        %parallel_loop3A_504 = arith.constant 0 : i32
        %parallel_loop3A_505 = tpu.memref_slice %arg11[%parallel_loop3A_86, %parallel_loop3A_504] : memref<16x1024xf32, #tpu.memory_space<vmem>> -> memref<1x1024xf32, #tpu.memory_space<vmem>>
        %parallel_loop3A_506 = tpu.memref_squeeze %parallel_loop3A_505 : memref<1x1024xf32, #tpu.memory_space<vmem>> -> memref<1024xf32, #tpu.memory_space<vmem>>
        %parallel_loop3A_507 = arith.constant 496 : index
        %parallel_loop3A_508 = tpu.vector_load %parallel_loop3A_506[%parallel_loop3A_507] {strides = array<i32>} : memref<1024xf32, #tpu.memory_space<vmem>>, vector<16xf32>,
        %parallel_loop3A_509 = vector.shape_cast %parallel_loop3A_508 : vector<16xf32> to vector<16xf32>
        %parallel_loop3A_510 = vector.shape_cast %parallel_loop3A_503 : vector<16xf32> to vector<16xf32>
        tpu.vector_store %parallel_loop3A_506[%parallel_loop3A_507], %parallel_loop3A_510 {add = true, strides = array<i32>} : memref<1024xf32, #tpu.memory_space<vmem>>, vector<16xf32>,
        %parallel_loop3A_511 = arith.constant 0 : i32
        %parallel_loop3A_512 = tpu.memref_slice %arg10[%parallel_loop3A_94, %parallel_loop3A_511] : memref<72x1024xf32, #tpu.memory_space<vmem>> -> memref<1x1024xf32, #tpu.memory_space<vmem>>
        %parallel_loop3A_513 = tpu.memref_squeeze %parallel_loop3A_512 : memref<1x1024xf32, #tpu.memory_space<vmem>> -> memref<1024xf32, #tpu.memory_space<vmem>>
        %parallel_loop3A_514 = arith.constant 512 : index
        %parallel_loop3A_515 = tpu.vector_load %parallel_loop3A_513[%parallel_loop3A_514] {strides = array<i32>} : memref<1024xf32, #tpu.memory_space<vmem>>, vector<16xf32>,
        %parallel_loop3A_516 = vector.shape_cast %parallel_loop3A_515 : vector<16xf32> to vector<16xf32>
        %parallel_loop3A_517 = arith.constant 0 : i32
        %parallel_loop3A_518 = tpu.memref_slice %arg11[%parallel_loop3A_86, %parallel_loop3A_517] : memref<16x1024xf32, #tpu.memory_space<vmem>> -> memref<1x1024xf32, #tpu.memory_space<vmem>>
        %parallel_loop3A_519 = tpu.memref_squeeze %parallel_loop3A_518 : memref<1x1024xf32, #tpu.memory_space<vmem>> -> memref<1024xf32, #tpu.memory_space<vmem>>
        %parallel_loop3A_520 = arith.constant 512 : index
        %parallel_loop3A_521 = tpu.vector_load %parallel_loop3A_519[%parallel_loop3A_520] {strides = array<i32>} : memref<1024xf32, #tpu.memory_space<vmem>>, vector<16xf32>,
        %parallel_loop3A_522 = vector.shape_cast %parallel_loop3A_521 : vector<16xf32> to vector<16xf32>
        %parallel_loop3A_523 = vector.shape_cast %parallel_loop3A_516 : vector<16xf32> to vector<16xf32>
        tpu.vector_store %parallel_loop3A_519[%parallel_loop3A_520], %parallel_loop3A_523 {add = true, strides = array<i32>} : memref<1024xf32, #tpu.memory_space<vmem>>, vector<16xf32>,
        %parallel_loop3A_524 = arith.constant 0 : i32
        %parallel_loop3A_525 = tpu.memref_slice %arg10[%parallel_loop3A_94, %parallel_loop3A_524] : memref<72x1024xf32, #tpu.memory_space<vmem>> -> memref<1x1024xf32, #tpu.memory_space<vmem>>
        %parallel_loop3A_526 = tpu.memref_squeeze %parallel_loop3A_525 : memref<1x1024xf32, #tpu.memory_space<vmem>> -> memref<1024xf32, #tpu.memory_space<vmem>>
        %parallel_loop3A_527 = arith.constant 528 : index
        %parallel_loop3A_528 = tpu.vector_load %parallel_loop3A_526[%parallel_loop3A_527] {strides = array<i32>} : memref<1024xf32, #tpu.memory_space<vmem>>, vector<16xf32>,
        %parallel_loop3A_529 = vector.shape_cast %parallel_loop3A_528 : vector<16xf32> to vector<16xf32>
        %parallel_loop3A_530 = arith.constant 0 : i32
        %parallel_loop3A_531 = tpu.memref_slice %arg11[%parallel_loop3A_86, %parallel_loop3A_530] : memref<16x1024xf32, #tpu.memory_space<vmem>> -> memref<1x1024xf32, #tpu.memory_space<vmem>>
        %parallel_loop3A_532 = tpu.memref_squeeze %parallel_loop3A_531 : memref<1x1024xf32, #tpu.memory_space<vmem>> -> memref<1024xf32, #tpu.memory_space<vmem>>
        %parallel_loop3A_533 = arith.constant 528 : index
        %parallel_loop3A_534 = tpu.vector_load %parallel_loop3A_532[%parallel_loop3A_533] {strides = array<i32>} : memref<1024xf32, #tpu.memory_space<vmem>>, vector<16xf32>,
        %parallel_loop3A_535 = vector.shape_cast %parallel_loop3A_534 : vector<16xf32> to vector<16xf32>
        %parallel_loop3A_536 = vector.shape_cast %parallel_loop3A_529 : vector<16xf32> to vector<16xf32>
        tpu.vector_store %parallel_loop3A_532[%parallel_loop3A_533], %parallel_loop3A_536 {add = true, strides = array<i32>} : memref<1024xf32, #tpu.memory_space<vmem>>, vector<16xf32>,
        %parallel_loop3A_537 = arith.constant 0 : i32
        %parallel_loop3A_538 = tpu.memref_slice %arg10[%parallel_loop3A_94, %parallel_loop3A_537] : memref<72x1024xf32, #tpu.memory_space<vmem>> -> memref<1x1024xf32, #tpu.memory_space<vmem>>
        %parallel_loop3A_539 = tpu.memref_squeeze %parallel_loop3A_538 : memref<1x1024xf32, #tpu.memory_space<vmem>> -> memref<1024xf32, #tpu.memory_space<vmem>>
        %parallel_loop3A_540 = arith.constant 544 : index
        %parallel_loop3A_541 = tpu.vector_load %parallel_loop3A_539[%parallel_loop3A_540] {strides = array<i32>} : memref<1024xf32, #tpu.memory_space<vmem>>, vector<16xf32>,
        %parallel_loop3A_542 = vector.shape_cast %parallel_loop3A_541 : vector<16xf32> to vector<16xf32>
        %parallel_loop3A_543 = arith.constant 0 : i32
        %parallel_loop3A_544 = tpu.memref_slice %arg11[%parallel_loop3A_86, %parallel_loop3A_543] : memref<16x1024xf32, #tpu.memory_space<vmem>> -> memref<1x1024xf32, #tpu.memory_space<vmem>>
        %parallel_loop3A_545 = tpu.memref_squeeze %parallel_loop3A_544 : memref<1x1024xf32, #tpu.memory_space<vmem>> -> memref<1024xf32, #tpu.memory_space<vmem>>
        %parallel_loop3A_546 = arith.constant 544 : index
        %parallel_loop3A_547 = tpu.vector_load %parallel_loop3A_545[%parallel_loop3A_546] {strides = array<i32>} : memref<1024xf32, #tpu.memory_space<vmem>>, vector<16xf32>,
        %parallel_loop3A_548 = vector.shape_cast %parallel_loop3A_547 : vector<16xf32> to vector<16xf32>
        %parallel_loop3A_549 = vector.shape_cast %parallel_loop3A_542 : vector<16xf32> to vector<16xf32>
        tpu.vector_store %parallel_loop3A_545[%parallel_loop3A_546], %parallel_loop3A_549 {add = true, strides = array<i32>} : memref<1024xf32, #tpu.memory_space<vmem>>, vector<16xf32>,
        %parallel_loop3A_550 = arith.constant 0 : i32
        %parallel_loop3A_551 = tpu.memref_slice %arg10[%parallel_loop3A_94, %parallel_loop3A_550] : memref<72x1024xf32, #tpu.memory_space<vmem>> -> memref<1x1024xf32, #tpu.memory_space<vmem>>
        %parallel_loop3A_552 = tpu.memref_squeeze %parallel_loop3A_551 : memref<1x1024xf32, #tpu.memory_space<vmem>> -> memref<1024xf32, #tpu.memory_space<vmem>>
        %parallel_loop3A_553 = arith.constant 560 : index
        %parallel_loop3A_554 = tpu.vector_load %parallel_loop3A_552[%parallel_loop3A_553] {strides = array<i32>} : memref<1024xf32, #tpu.memory_space<vmem>>, vector<16xf32>,
        %parallel_loop3A_555 = vector.shape_cast %parallel_loop3A_554 : vector<16xf32> to vector<16xf32>
        %parallel_loop3A_556 = arith.constant 0 : i32
        %parallel_loop3A_557 = tpu.memref_slice %arg11[%parallel_loop3A_86, %parallel_loop3A_556] : memref<16x1024xf32, #tpu.memory_space<vmem>> -> memref<1x1024xf32, #tpu.memory_space<vmem>>
        %parallel_loop3A_558 = tpu.memref_squeeze %parallel_loop3A_557 : memref<1x1024xf32, #tpu.memory_space<vmem>> -> memref<1024xf32, #tpu.memory_space<vmem>>
        %parallel_loop3A_559 = arith.constant 560 : index
        %parallel_loop3A_560 = tpu.vector_load %parallel_loop3A_558[%parallel_loop3A_559] {strides = array<i32>} : memref<1024xf32, #tpu.memory_space<vmem>>, vector<16xf32>,
        %parallel_loop3A_561 = vector.shape_cast %parallel_loop3A_560 : vector<16xf32> to vector<16xf32>
        %parallel_loop3A_562 = vector.shape_cast %parallel_loop3A_555 : vector<16xf32> to vector<16xf32>
        tpu.vector_store %parallel_loop3A_558[%parallel_loop3A_559], %parallel_loop3A_562 {add = true, strides = array<i32>} : memref<1024xf32, #tpu.memory_space<vmem>>, vector<16xf32>,
        %parallel_loop3A_563 = arith.constant 0 : i32
        %parallel_loop3A_564 = tpu.memref_slice %arg10[%parallel_loop3A_94, %parallel_loop3A_563] : memref<72x1024xf32, #tpu.memory_space<vmem>> -> memref<1x1024xf32, #tpu.memory_space<vmem>>
        %parallel_loop3A_565 = tpu.memref_squeeze %parallel_loop3A_564 : memref<1x1024xf32, #tpu.memory_space<vmem>> -> memref<1024xf32, #tpu.memory_space<vmem>>
        %parallel_loop3A_566 = arith.constant 576 : index
        %parallel_loop3A_567 = tpu.vector_load %parallel_loop3A_565[%parallel_loop3A_566] {strides = array<i32>} : memref<1024xf32, #tpu.memory_space<vmem>>, vector<16xf32>,
        %parallel_loop3A_568 = vector.shape_cast %parallel_loop3A_567 : vector<16xf32> to vector<16xf32>
        %parallel_loop3A_569 = arith.constant 0 : i32
        %parallel_loop3A_570 = tpu.memref_slice %arg11[%parallel_loop3A_86, %parallel_loop3A_569] : memref<16x1024xf32, #tpu.memory_space<vmem>> -> memref<1x1024xf32, #tpu.memory_space<vmem>>
        %parallel_loop3A_571 = tpu.memref_squeeze %parallel_loop3A_570 : memref<1x1024xf32, #tpu.memory_space<vmem>> -> memref<1024xf32, #tpu.memory_space<vmem>>
        %parallel_loop3A_572 = arith.constant 576 : index
        %parallel_loop3A_573 = tpu.vector_load %parallel_loop3A_571[%parallel_loop3A_572] {strides = array<i32>} : memref<1024xf32, #tpu.memory_space<vmem>>, vector<16xf32>,
        %parallel_loop3A_574 = vector.shape_cast %parallel_loop3A_573 : vector<16xf32> to vector<16xf32>
        %parallel_loop3A_575 = vector.shape_cast %parallel_loop3A_568 : vector<16xf32> to vector<16xf32>
        tpu.vector_store %parallel_loop3A_571[%parallel_loop3A_572], %parallel_loop3A_575 {add = true, strides = array<i32>} : memref<1024xf32, #tpu.memory_space<vmem>>, vector<16xf32>,
        %parallel_loop3A_576 = arith.constant 0 : i32
        %parallel_loop3A_577 = tpu.memref_slice %arg10[%parallel_loop3A_94, %parallel_loop3A_576] : memref<72x1024xf32, #tpu.memory_space<vmem>> -> memref<1x1024xf32, #tpu.memory_space<vmem>>
        %parallel_loop3A_578 = tpu.memref_squeeze %parallel_loop3A_577 : memref<1x1024xf32, #tpu.memory_space<vmem>> -> memref<1024xf32, #tpu.memory_space<vmem>>
        %parallel_loop3A_579 = arith.constant 592 : index
        %parallel_loop3A_580 = tpu.vector_load %parallel_loop3A_578[%parallel_loop3A_579] {strides = array<i32>} : memref<1024xf32, #tpu.memory_space<vmem>>, vector<16xf32>,
        %parallel_loop3A_581 = vector.shape_cast %parallel_loop3A_580 : vector<16xf32> to vector<16xf32>
        %parallel_loop3A_582 = arith.constant 0 : i32
        %parallel_loop3A_583 = tpu.memref_slice %arg11[%parallel_loop3A_86, %parallel_loop3A_582] : memref<16x1024xf32, #tpu.memory_space<vmem>> -> memref<1x1024xf32, #tpu.memory_space<vmem>>
        %parallel_loop3A_584 = tpu.memref_squeeze %parallel_loop3A_583 : memref<1x1024xf32, #tpu.memory_space<vmem>> -> memref<1024xf32, #tpu.memory_space<vmem>>
        %parallel_loop3A_585 = arith.constant 592 : index
        %parallel_loop3A_586 = tpu.vector_load %parallel_loop3A_584[%parallel_loop3A_585] {strides = array<i32>} : memref<1024xf32, #tpu.memory_space<vmem>>, vector<16xf32>,
        %parallel_loop3A_587 = vector.shape_cast %parallel_loop3A_586 : vector<16xf32> to vector<16xf32>
        %parallel_loop3A_588 = vector.shape_cast %parallel_loop3A_581 : vector<16xf32> to vector<16xf32>
        tpu.vector_store %parallel_loop3A_584[%parallel_loop3A_585], %parallel_loop3A_588 {add = true, strides = array<i32>} : memref<1024xf32, #tpu.memory_space<vmem>>, vector<16xf32>,
        %parallel_loop3A_589 = arith.constant 0 : i32
        %parallel_loop3A_590 = tpu.memref_slice %arg10[%parallel_loop3A_94, %parallel_loop3A_589] : memref<72x1024xf32, #tpu.memory_space<vmem>> -> memref<1x1024xf32, #tpu.memory_space<vmem>>
        %parallel_loop3A_591 = tpu.memref_squeeze %parallel_loop3A_590 : memref<1x1024xf32, #tpu.memory_space<vmem>> -> memref<1024xf32, #tpu.memory_space<vmem>>
        %parallel_loop3A_592 = arith.constant 608 : index
        %parallel_loop3A_593 = tpu.vector_load %parallel_loop3A_591[%parallel_loop3A_592] {strides = array<i32>} : memref<1024xf32, #tpu.memory_space<vmem>>, vector<16xf32>,
        %parallel_loop3A_594 = vector.shape_cast %parallel_loop3A_593 : vector<16xf32> to vector<16xf32>
        %parallel_loop3A_595 = arith.constant 0 : i32
        %parallel_loop3A_596 = tpu.memref_slice %arg11[%parallel_loop3A_86, %parallel_loop3A_595] : memref<16x1024xf32, #tpu.memory_space<vmem>> -> memref<1x1024xf32, #tpu.memory_space<vmem>>
        %parallel_loop3A_597 = tpu.memref_squeeze %parallel_loop3A_596 : memref<1x1024xf32, #tpu.memory_space<vmem>> -> memref<1024xf32, #tpu.memory_space<vmem>>
        %parallel_loop3A_598 = arith.constant 608 : index
        %parallel_loop3A_599 = tpu.vector_load %parallel_loop3A_597[%parallel_loop3A_598] {strides = array<i32>} : memref<1024xf32, #tpu.memory_space<vmem>>, vector<16xf32>,
        %parallel_loop3A_600 = vector.shape_cast %parallel_loop3A_599 : vector<16xf32> to vector<16xf32>
        %parallel_loop3A_601 = vector.shape_cast %parallel_loop3A_594 : vector<16xf32> to vector<16xf32>
        tpu.vector_store %parallel_loop3A_597[%parallel_loop3A_598], %parallel_loop3A_601 {add = true, strides = array<i32>} : memref<1024xf32, #tpu.memory_space<vmem>>, vector<16xf32>,
        %parallel_loop3A_602 = arith.constant 0 : i32
        %parallel_loop3A_603 = tpu.memref_slice %arg10[%parallel_loop3A_94, %parallel_loop3A_602] : memref<72x1024xf32, #tpu.memory_space<vmem>> -> memref<1x1024xf32, #tpu.memory_space<vmem>>
        %parallel_loop3A_604 = tpu.memref_squeeze %parallel_loop3A_603 : memref<1x1024xf32, #tpu.memory_space<vmem>> -> memref<1024xf32, #tpu.memory_space<vmem>>
        %parallel_loop3A_605 = arith.constant 624 : index
        %parallel_loop3A_606 = tpu.vector_load %parallel_loop3A_604[%parallel_loop3A_605] {strides = array<i32>} : memref<1024xf32, #tpu.memory_space<vmem>>, vector<16xf32>,
        %parallel_loop3A_607 = vector.shape_cast %parallel_loop3A_606 : vector<16xf32> to vector<16xf32>
        %parallel_loop3A_608 = arith.constant 0 : i32
        %parallel_loop3A_609 = tpu.memref_slice %arg11[%parallel_loop3A_86, %parallel_loop3A_608] : memref<16x1024xf32, #tpu.memory_space<vmem>> -> memref<1x1024xf32, #tpu.memory_space<vmem>>
        %parallel_loop3A_610 = tpu.memref_squeeze %parallel_loop3A_609 : memref<1x1024xf32, #tpu.memory_space<vmem>> -> memref<1024xf32, #tpu.memory_space<vmem>>
        %parallel_loop3A_611 = arith.constant 624 : index
        %parallel_loop3A_612 = tpu.vector_load %parallel_loop3A_610[%parallel_loop3A_611] {strides = array<i32>} : memref<1024xf32, #tpu.memory_space<vmem>>, vector<16xf32>,
        %parallel_loop3A_613 = vector.shape_cast %parallel_loop3A_612 : vector<16xf32> to vector<16xf32>
        %parallel_loop3A_614 = vector.shape_cast %parallel_loop3A_607 : vector<16xf32> to vector<16xf32>
        tpu.vector_store %parallel_loop3A_610[%parallel_loop3A_611], %parallel_loop3A_614 {add = true, strides = array<i32>} : memref<1024xf32, #tpu.memory_space<vmem>>, vector<16xf32>,
        %parallel_loop3A_615 = arith.constant 0 : i32
        %parallel_loop3A_616 = tpu.memref_slice %arg10[%parallel_loop3A_94, %parallel_loop3A_615] : memref<72x1024xf32, #tpu.memory_space<vmem>> -> memref<1x1024xf32, #tpu.memory_space<vmem>>
        %parallel_loop3A_617 = tpu.memref_squeeze %parallel_loop3A_616 : memref<1x1024xf32, #tpu.memory_space<vmem>> -> memref<1024xf32, #tpu.memory_space<vmem>>
        %parallel_loop3A_618 = arith.constant 640 : index
        %parallel_loop3A_619 = tpu.vector_load %parallel_loop3A_617[%parallel_loop3A_618] {strides = array<i32>} : memref<1024xf32, #tpu.memory_space<vmem>>, vector<16xf32>,
        %parallel_loop3A_620 = vector.shape_cast %parallel_loop3A_619 : vector<16xf32> to vector<16xf32>
        %parallel_loop3A_621 = arith.constant 0 : i32
        %parallel_loop3A_622 = tpu.memref_slice %arg11[%parallel_loop3A_86, %parallel_loop3A_621] : memref<16x1024xf32, #tpu.memory_space<vmem>> -> memref<1x1024xf32, #tpu.memory_space<vmem>>
        %parallel_loop3A_623 = tpu.memref_squeeze %parallel_loop3A_622 : memref<1x1024xf32, #tpu.memory_space<vmem>> -> memref<1024xf32, #tpu.memory_space<vmem>>
        %parallel_loop3A_624 = arith.constant 640 : index
        %parallel_loop3A_625 = tpu.vector_load %parallel_loop3A_623[%parallel_loop3A_624] {strides = array<i32>} : memref<1024xf32, #tpu.memory_space<vmem>>, vector<16xf32>,
        %parallel_loop3A_626 = vector.shape_cast %parallel_loop3A_625 : vector<16xf32> to vector<16xf32>
        %parallel_loop3A_627 = vector.shape_cast %parallel_loop3A_620 : vector<16xf32> to vector<16xf32>
        tpu.vector_store %parallel_loop3A_623[%parallel_loop3A_624], %parallel_loop3A_627 {add = true, strides = array<i32>} : memref<1024xf32, #tpu.memory_space<vmem>>, vector<16xf32>,
        %parallel_loop3A_628 = arith.constant 0 : i32
        %parallel_loop3A_629 = tpu.memref_slice %arg10[%parallel_loop3A_94, %parallel_loop3A_628] : memref<72x1024xf32, #tpu.memory_space<vmem>> -> memref<1x1024xf32, #tpu.memory_space<vmem>>
        %parallel_loop3A_630 = tpu.memref_squeeze %parallel_loop3A_629 : memref<1x1024xf32, #tpu.memory_space<vmem>> -> memref<1024xf32, #tpu.memory_space<vmem>>
        %parallel_loop3A_631 = arith.constant 656 : index
        %parallel_loop3A_632 = tpu.vector_load %parallel_loop3A_630[%parallel_loop3A_631] {strides = array<i32>} : memref<1024xf32, #tpu.memory_space<vmem>>, vector<16xf32>,
        %parallel_loop3A_633 = vector.shape_cast %parallel_loop3A_632 : vector<16xf32> to vector<16xf32>
        %parallel_loop3A_634 = arith.constant 0 : i32
        %parallel_loop3A_635 = tpu.memref_slice %arg11[%parallel_loop3A_86, %parallel_loop3A_634] : memref<16x1024xf32, #tpu.memory_space<vmem>> -> memref<1x1024xf32, #tpu.memory_space<vmem>>
        %parallel_loop3A_636 = tpu.memref_squeeze %parallel_loop3A_635 : memref<1x1024xf32, #tpu.memory_space<vmem>> -> memref<1024xf32, #tpu.memory_space<vmem>>
        %parallel_loop3A_637 = arith.constant 656 : index
        %parallel_loop3A_638 = tpu.vector_load %parallel_loop3A_636[%parallel_loop3A_637] {strides = array<i32>} : memref<1024xf32, #tpu.memory_space<vmem>>, vector<16xf32>,
        %parallel_loop3A_639 = vector.shape_cast %parallel_loop3A_638 : vector<16xf32> to vector<16xf32>
        %parallel_loop3A_640 = vector.shape_cast %parallel_loop3A_633 : vector<16xf32> to vector<16xf32>
        tpu.vector_store %parallel_loop3A_636[%parallel_loop3A_637], %parallel_loop3A_640 {add = true, strides = array<i32>} : memref<1024xf32, #tpu.memory_space<vmem>>, vector<16xf32>,
        %parallel_loop3A_641 = arith.constant 0 : i32
        %parallel_loop3A_642 = tpu.memref_slice %arg10[%parallel_loop3A_94, %parallel_loop3A_641] : memref<72x1024xf32, #tpu.memory_space<vmem>> -> memref<1x1024xf32, #tpu.memory_space<vmem>>
        %parallel_loop3A_643 = tpu.memref_squeeze %parallel_loop3A_642 : memref<1x1024xf32, #tpu.memory_space<vmem>> -> memref<1024xf32, #tpu.memory_space<vmem>>
        %parallel_loop3A_644 = arith.constant 672 : index
        %parallel_loop3A_645 = tpu.vector_load %parallel_loop3A_643[%parallel_loop3A_644] {strides = array<i32>} : memref<1024xf32, #tpu.memory_space<vmem>>, vector<16xf32>,
        %parallel_loop3A_646 = vector.shape_cast %parallel_loop3A_645 : vector<16xf32> to vector<16xf32>
        %parallel_loop3A_647 = arith.constant 0 : i32
        %parallel_loop3A_648 = tpu.memref_slice %arg11[%parallel_loop3A_86, %parallel_loop3A_647] : memref<16x1024xf32, #tpu.memory_space<vmem>> -> memref<1x1024xf32, #tpu.memory_space<vmem>>
        %parallel_loop3A_649 = tpu.memref_squeeze %parallel_loop3A_648 : memref<1x1024xf32, #tpu.memory_space<vmem>> -> memref<1024xf32, #tpu.memory_space<vmem>>
        %parallel_loop3A_650 = arith.constant 672 : index
        %parallel_loop3A_651 = tpu.vector_load %parallel_loop3A_649[%parallel_loop3A_650] {strides = array<i32>} : memref<1024xf32, #tpu.memory_space<vmem>>, vector<16xf32>,
        %parallel_loop3A_652 = vector.shape_cast %parallel_loop3A_651 : vector<16xf32> to vector<16xf32>
        %parallel_loop3A_653 = vector.shape_cast %parallel_loop3A_646 : vector<16xf32> to vector<16xf32>
        tpu.vector_store %parallel_loop3A_649[%parallel_loop3A_650], %parallel_loop3A_653 {add = true, strides = array<i32>} : memref<1024xf32, #tpu.memory_space<vmem>>, vector<16xf32>,
        %parallel_loop3A_654 = arith.constant 0 : i32
        %parallel_loop3A_655 = tpu.memref_slice %arg10[%parallel_loop3A_94, %parallel_loop3A_654] : memref<72x1024xf32, #tpu.memory_space<vmem>> -> memref<1x1024xf32, #tpu.memory_space<vmem>>
        %parallel_loop3A_656 = tpu.memref_squeeze %parallel_loop3A_655 : memref<1x1024xf32, #tpu.memory_space<vmem>> -> memref<1024xf32, #tpu.memory_space<vmem>>
        %parallel_loop3A_657 = arith.constant 688 : index
        %parallel_loop3A_658 = tpu.vector_load %parallel_loop3A_656[%parallel_loop3A_657] {strides = array<i32>} : memref<1024xf32, #tpu.memory_space<vmem>>, vector<16xf32>,
        %parallel_loop3A_659 = vector.shape_cast %parallel_loop3A_658 : vector<16xf32> to vector<16xf32>
        %parallel_loop3A_660 = arith.constant 0 : i32
        %parallel_loop3A_661 = tpu.memref_slice %arg11[%parallel_loop3A_86, %parallel_loop3A_660] : memref<16x1024xf32, #tpu.memory_space<vmem>> -> memref<1x1024xf32, #tpu.memory_space<vmem>>
        %parallel_loop3A_662 = tpu.memref_squeeze %parallel_loop3A_661 : memref<1x1024xf32, #tpu.memory_space<vmem>> -> memref<1024xf32, #tpu.memory_space<vmem>>
        %parallel_loop3A_663 = arith.constant 688 : index
        %parallel_loop3A_664 = tpu.vector_load %parallel_loop3A_662[%parallel_loop3A_663] {strides = array<i32>} : memref<1024xf32, #tpu.memory_space<vmem>>, vector<16xf32>,
        %parallel_loop3A_665 = vector.shape_cast %parallel_loop3A_664 : vector<16xf32> to vector<16xf32>
        %parallel_loop3A_666 = vector.shape_cast %parallel_loop3A_659 : vector<16xf32> to vector<16xf32>
        tpu.vector_store %parallel_loop3A_662[%parallel_loop3A_663], %parallel_loop3A_666 {add = true, strides = array<i32>} : memref<1024xf32, #tpu.memory_space<vmem>>, vector<16xf32>,
        %parallel_loop3A_667 = arith.constant 0 : i32
        %parallel_loop3A_668 = tpu.memref_slice %arg10[%parallel_loop3A_94, %parallel_loop3A_667] : memref<72x1024xf32, #tpu.memory_space<vmem>> -> memref<1x1024xf32, #tpu.memory_space<vmem>>
        %parallel_loop3A_669 = tpu.memref_squeeze %parallel_loop3A_668 : memref<1x1024xf32, #tpu.memory_space<vmem>> -> memref<1024xf32, #tpu.memory_space<vmem>>
        %parallel_loop3A_670 = arith.constant 704 : index
        %parallel_loop3A_671 = tpu.vector_load %parallel_loop3A_669[%parallel_loop3A_670] {strides = array<i32>} : memref<1024xf32, #tpu.memory_space<vmem>>, vector<16xf32>,
        %parallel_loop3A_672 = vector.shape_cast %parallel_loop3A_671 : vector<16xf32> to vector<16xf32>
        %parallel_loop3A_673 = arith.constant 0 : i32
        %parallel_loop3A_674 = tpu.memref_slice %arg11[%parallel_loop3A_86, %parallel_loop3A_673] : memref<16x1024xf32, #tpu.memory_space<vmem>> -> memref<1x1024xf32, #tpu.memory_space<vmem>>
        %parallel_loop3A_675 = tpu.memref_squeeze %parallel_loop3A_674 : memref<1x1024xf32, #tpu.memory_space<vmem>> -> memref<1024xf32, #tpu.memory_space<vmem>>
        %parallel_loop3A_676 = arith.constant 704 : index
        %parallel_loop3A_677 = tpu.vector_load %parallel_loop3A_675[%parallel_loop3A_676] {strides = array<i32>} : memref<1024xf32, #tpu.memory_space<vmem>>, vector<16xf32>,
        %parallel_loop3A_678 = vector.shape_cast %parallel_loop3A_677 : vector<16xf32> to vector<16xf32>
        %parallel_loop3A_679 = vector.shape_cast %parallel_loop3A_672 : vector<16xf32> to vector<16xf32>
        tpu.vector_store %parallel_loop3A_675[%parallel_loop3A_676], %parallel_loop3A_679 {add = true, strides = array<i32>} : memref<1024xf32, #tpu.memory_space<vmem>>, vector<16xf32>,
        %parallel_loop3A_680 = arith.constant 0 : i32
        %parallel_loop3A_681 = tpu.memref_slice %arg10[%parallel_loop3A_94, %parallel_loop3A_680] : memref<72x1024xf32, #tpu.memory_space<vmem>> -> memref<1x1024xf32, #tpu.memory_space<vmem>>
        %parallel_loop3A_682 = tpu.memref_squeeze %parallel_loop3A_681 : memref<1x1024xf32, #tpu.memory_space<vmem>> -> memref<1024xf32, #tpu.memory_space<vmem>>
        %parallel_loop3A_683 = arith.constant 720 : index
        %parallel_loop3A_684 = tpu.vector_load %parallel_loop3A_682[%parallel_loop3A_683] {strides = array<i32>} : memref<1024xf32, #tpu.memory_space<vmem>>, vector<16xf32>,
        %parallel_loop3A_685 = vector.shape_cast %parallel_loop3A_684 : vector<16xf32> to vector<16xf32>
        %parallel_loop3A_686 = arith.constant 0 : i32
        %parallel_loop3A_687 = tpu.memref_slice %arg11[%parallel_loop3A_86, %parallel_loop3A_686] : memref<16x1024xf32, #tpu.memory_space<vmem>> -> memref<1x1024xf32, #tpu.memory_space<vmem>>
        %parallel_loop3A_688 = tpu.memref_squeeze %parallel_loop3A_687 : memref<1x1024xf32, #tpu.memory_space<vmem>> -> memref<1024xf32, #tpu.memory_space<vmem>>
        %parallel_loop3A_689 = arith.constant 720 : index
        %parallel_loop3A_690 = tpu.vector_load %parallel_loop3A_688[%parallel_loop3A_689] {strides = array<i32>} : memref<1024xf32, #tpu.memory_space<vmem>>, vector<16xf32>,
        %parallel_loop3A_691 = vector.shape_cast %parallel_loop3A_690 : vector<16xf32> to vector<16xf32>
        %parallel_loop3A_692 = vector.shape_cast %parallel_loop3A_685 : vector<16xf32> to vector<16xf32>
        tpu.vector_store %parallel_loop3A_688[%parallel_loop3A_689], %parallel_loop3A_692 {add = true, strides = array<i32>} : memref<1024xf32, #tpu.memory_space<vmem>>, vector<16xf32>,
        %parallel_loop3A_693 = arith.constant 0 : i32
        %parallel_loop3A_694 = tpu.memref_slice %arg10[%parallel_loop3A_94, %parallel_loop3A_693] : memref<72x1024xf32, #tpu.memory_space<vmem>> -> memref<1x1024xf32, #tpu.memory_space<vmem>>
        %parallel_loop3A_695 = tpu.memref_squeeze %parallel_loop3A_694 : memref<1x1024xf32, #tpu.memory_space<vmem>> -> memref<1024xf32, #tpu.memory_space<vmem>>
        %parallel_loop3A_696 = arith.constant 736 : index
        %parallel_loop3A_697 = tpu.vector_load %parallel_loop3A_695[%parallel_loop3A_696] {strides = array<i32>} : memref<1024xf32, #tpu.memory_space<vmem>>, vector<16xf32>,
        %parallel_loop3A_698 = vector.shape_cast %parallel_loop3A_697 : vector<16xf32> to vector<16xf32>
        %parallel_loop3A_699 = arith.constant 0 : i32
        %parallel_loop3A_700 = tpu.memref_slice %arg11[%parallel_loop3A_86, %parallel_loop3A_699] : memref<16x1024xf32, #tpu.memory_space<vmem>> -> memref<1x1024xf32, #tpu.memory_space<vmem>>
        %parallel_loop3A_701 = tpu.memref_squeeze %parallel_loop3A_700 : memref<1x1024xf32, #tpu.memory_space<vmem>> -> memref<1024xf32, #tpu.memory_space<vmem>>
        %parallel_loop3A_702 = arith.constant 736 : index
        %parallel_loop3A_703 = tpu.vector_load %parallel_loop3A_701[%parallel_loop3A_702] {strides = array<i32>} : memref<1024xf32, #tpu.memory_space<vmem>>, vector<16xf32>,
        %parallel_loop3A_704 = vector.shape_cast %parallel_loop3A_703 : vector<16xf32> to vector<16xf32>
        %parallel_loop3A_705 = vector.shape_cast %parallel_loop3A_698 : vector<16xf32> to vector<16xf32>
        tpu.vector_store %parallel_loop3A_701[%parallel_loop3A_702], %parallel_loop3A_705 {add = true, strides = array<i32>} : memref<1024xf32, #tpu.memory_space<vmem>>, vector<16xf32>,
        %parallel_loop3A_706 = arith.constant 0 : i32
        %parallel_loop3A_707 = tpu.memref_slice %arg10[%parallel_loop3A_94, %parallel_loop3A_706] : memref<72x1024xf32, #tpu.memory_space<vmem>> -> memref<1x1024xf32, #tpu.memory_space<vmem>>
        %parallel_loop3A_708 = tpu.memref_squeeze %parallel_loop3A_707 : memref<1x1024xf32, #tpu.memory_space<vmem>> -> memref<1024xf32, #tpu.memory_space<vmem>>
        %parallel_loop3A_709 = arith.constant 752 : index
        %parallel_loop3A_710 = tpu.vector_load %parallel_loop3A_708[%parallel_loop3A_709] {strides = array<i32>} : memref<1024xf32, #tpu.memory_space<vmem>>, vector<16xf32>,
        %parallel_loop3A_711 = vector.shape_cast %parallel_loop3A_710 : vector<16xf32> to vector<16xf32>
        %parallel_loop3A_712 = arith.constant 0 : i32
        %parallel_loop3A_713 = tpu.memref_slice %arg11[%parallel_loop3A_86, %parallel_loop3A_712] : memref<16x1024xf32, #tpu.memory_space<vmem>> -> memref<1x1024xf32, #tpu.memory_space<vmem>>
        %parallel_loop3A_714 = tpu.memref_squeeze %parallel_loop3A_713 : memref<1x1024xf32, #tpu.memory_space<vmem>> -> memref<1024xf32, #tpu.memory_space<vmem>>
        %parallel_loop3A_715 = arith.constant 752 : index
        %parallel_loop3A_716 = tpu.vector_load %parallel_loop3A_714[%parallel_loop3A_715] {strides = array<i32>} : memref<1024xf32, #tpu.memory_space<vmem>>, vector<16xf32>,
        %parallel_loop3A_717 = vector.shape_cast %parallel_loop3A_716 : vector<16xf32> to vector<16xf32>
        %parallel_loop3A_718 = vector.shape_cast %parallel_loop3A_711 : vector<16xf32> to vector<16xf32>
        tpu.vector_store %parallel_loop3A_714[%parallel_loop3A_715], %parallel_loop3A_718 {add = true, strides = array<i32>} : memref<1024xf32, #tpu.memory_space<vmem>>, vector<16xf32>,
        %parallel_loop3A_719 = arith.constant 0 : i32
        %parallel_loop3A_720 = tpu.memref_slice %arg10[%parallel_loop3A_94, %parallel_loop3A_719] : memref<72x1024xf32, #tpu.memory_space<vmem>> -> memref<1x1024xf32, #tpu.memory_space<vmem>>
        %parallel_loop3A_721 = tpu.memref_squeeze %parallel_loop3A_720 : memref<1x1024xf32, #tpu.memory_space<vmem>> -> memref<1024xf32, #tpu.memory_space<vmem>>
        %parallel_loop3A_722 = arith.constant 768 : index
        %parallel_loop3A_723 = tpu.vector_load %parallel_loop3A_721[%parallel_loop3A_722] {strides = array<i32>} : memref<1024xf32, #tpu.memory_space<vmem>>, vector<16xf32>,
        %parallel_loop3A_724 = vector.shape_cast %parallel_loop3A_723 : vector<16xf32> to vector<16xf32>
        %parallel_loop3A_725 = arith.constant 0 : i32
        %parallel_loop3A_726 = tpu.memref_slice %arg11[%parallel_loop3A_86, %parallel_loop3A_725] : memref<16x1024xf32, #tpu.memory_space<vmem>> -> memref<1x1024xf32, #tpu.memory_space<vmem>>
        %parallel_loop3A_727 = tpu.memref_squeeze %parallel_loop3A_726 : memref<1x1024xf32, #tpu.memory_space<vmem>> -> memref<1024xf32, #tpu.memory_space<vmem>>
        %parallel_loop3A_728 = arith.constant 768 : index
        %parallel_loop3A_729 = tpu.vector_load %parallel_loop3A_727[%parallel_loop3A_728] {strides = array<i32>} : memref<1024xf32, #tpu.memory_space<vmem>>, vector<16xf32>,
        %parallel_loop3A_730 = vector.shape_cast %parallel_loop3A_729 : vector<16xf32> to vector<16xf32>
        %parallel_loop3A_731 = vector.shape_cast %parallel_loop3A_724 : vector<16xf32> to vector<16xf32>
        tpu.vector_store %parallel_loop3A_727[%parallel_loop3A_728], %parallel_loop3A_731 {add = true, strides = array<i32>} : memref<1024xf32, #tpu.memory_space<vmem>>, vector<16xf32>,
        %parallel_loop3A_732 = arith.constant 0 : i32
        %parallel_loop3A_733 = tpu.memref_slice %arg10[%parallel_loop3A_94, %parallel_loop3A_732] : memref<72x1024xf32, #tpu.memory_space<vmem>> -> memref<1x1024xf32, #tpu.memory_space<vmem>>
        %parallel_loop3A_734 = tpu.memref_squeeze %parallel_loop3A_733 : memref<1x1024xf32, #tpu.memory_space<vmem>> -> memref<1024xf32, #tpu.memory_space<vmem>>
        %parallel_loop3A_735 = arith.constant 784 : index
        %parallel_loop3A_736 = tpu.vector_load %parallel_loop3A_734[%parallel_loop3A_735] {strides = array<i32>} : memref<1024xf32, #tpu.memory_space<vmem>>, vector<16xf32>,
        %parallel_loop3A_737 = vector.shape_cast %parallel_loop3A_736 : vector<16xf32> to vector<16xf32>
        %parallel_loop3A_738 = arith.constant 0 : i32
        %parallel_loop3A_739 = tpu.memref_slice %arg11[%parallel_loop3A_86, %parallel_loop3A_738] : memref<16x1024xf32, #tpu.memory_space<vmem>> -> memref<1x1024xf32, #tpu.memory_space<vmem>>
        %parallel_loop3A_740 = tpu.memref_squeeze %parallel_loop3A_739 : memref<1x1024xf32, #tpu.memory_space<vmem>> -> memref<1024xf32, #tpu.memory_space<vmem>>
        %parallel_loop3A_741 = arith.constant 784 : index
        %parallel_loop3A_742 = tpu.vector_load %parallel_loop3A_740[%parallel_loop3A_741] {strides = array<i32>} : memref<1024xf32, #tpu.memory_space<vmem>>, vector<16xf32>,
        %parallel_loop3A_743 = vector.shape_cast %parallel_loop3A_742 : vector<16xf32> to vector<16xf32>
        %parallel_loop3A_744 = vector.shape_cast %parallel_loop3A_737 : vector<16xf32> to vector<16xf32>
        tpu.vector_store %parallel_loop3A_740[%parallel_loop3A_741], %parallel_loop3A_744 {add = true, strides = array<i32>} : memref<1024xf32, #tpu.memory_space<vmem>>, vector<16xf32>,
        %parallel_loop3A_745 = arith.constant 0 : i32
        %parallel_loop3A_746 = tpu.memref_slice %arg10[%parallel_loop3A_94, %parallel_loop3A_745] : memref<72x1024xf32, #tpu.memory_space<vmem>> -> memref<1x1024xf32, #tpu.memory_space<vmem>>
        %parallel_loop3A_747 = tpu.memref_squeeze %parallel_loop3A_746 : memref<1x1024xf32, #tpu.memory_space<vmem>> -> memref<1024xf32, #tpu.memory_space<vmem>>
        %parallel_loop3A_748 = arith.constant 800 : index
        %parallel_loop3A_749 = tpu.vector_load %parallel_loop3A_747[%parallel_loop3A_748] {strides = array<i32>} : memref<1024xf32, #tpu.memory_space<vmem>>, vector<16xf32>,
        %parallel_loop3A_750 = vector.shape_cast %parallel_loop3A_749 : vector<16xf32> to vector<16xf32>
        %parallel_loop3A_751 = arith.constant 0 : i32
        %parallel_loop3A_752 = tpu.memref_slice %arg11[%parallel_loop3A_86, %parallel_loop3A_751] : memref<16x1024xf32, #tpu.memory_space<vmem>> -> memref<1x1024xf32, #tpu.memory_space<vmem>>
        %parallel_loop3A_753 = tpu.memref_squeeze %parallel_loop3A_752 : memref<1x1024xf32, #tpu.memory_space<vmem>> -> memref<1024xf32, #tpu.memory_space<vmem>>
        %parallel_loop3A_754 = arith.constant 800 : index
        %parallel_loop3A_755 = tpu.vector_load %parallel_loop3A_753[%parallel_loop3A_754] {strides = array<i32>} : memref<1024xf32, #tpu.memory_space<vmem>>, vector<16xf32>,
        %parallel_loop3A_756 = vector.shape_cast %parallel_loop3A_755 : vector<16xf32> to vector<16xf32>
        %parallel_loop3A_757 = vector.shape_cast %parallel_loop3A_750 : vector<16xf32> to vector<16xf32>
        tpu.vector_store %parallel_loop3A_753[%parallel_loop3A_754], %parallel_loop3A_757 {add = true, strides = array<i32>} : memref<1024xf32, #tpu.memory_space<vmem>>, vector<16xf32>,
        %parallel_loop3A_758 = arith.constant 0 : i32
        %parallel_loop3A_759 = tpu.memref_slice %arg10[%parallel_loop3A_94, %parallel_loop3A_758] : memref<72x1024xf32, #tpu.memory_space<vmem>> -> memref<1x1024xf32, #tpu.memory_space<vmem>>
        %parallel_loop3A_760 = tpu.memref_squeeze %parallel_loop3A_759 : memref<1x1024xf32, #tpu.memory_space<vmem>> -> memref<1024xf32, #tpu.memory_space<vmem>>
        %parallel_loop3A_761 = arith.constant 816 : index
        %parallel_loop3A_762 = tpu.vector_load %parallel_loop3A_760[%parallel_loop3A_761] {strides = array<i32>} : memref<1024xf32, #tpu.memory_space<vmem>>, vector<16xf32>,
        %parallel_loop3A_763 = vector.shape_cast %parallel_loop3A_762 : vector<16xf32> to vector<16xf32>
        %parallel_loop3A_764 = arith.constant 0 : i32
        %parallel_loop3A_765 = tpu.memref_slice %arg11[%parallel_loop3A_86, %parallel_loop3A_764] : memref<16x1024xf32, #tpu.memory_space<vmem>> -> memref<1x1024xf32, #tpu.memory_space<vmem>>
        %parallel_loop3A_766 = tpu.memref_squeeze %parallel_loop3A_765 : memref<1x1024xf32, #tpu.memory_space<vmem>> -> memref<1024xf32, #tpu.memory_space<vmem>>
        %parallel_loop3A_767 = arith.constant 816 : index
        %parallel_loop3A_768 = tpu.vector_load %parallel_loop3A_766[%parallel_loop3A_767] {strides = array<i32>} : memref<1024xf32, #tpu.memory_space<vmem>>, vector<16xf32>,
        %parallel_loop3A_769 = vector.shape_cast %parallel_loop3A_768 : vector<16xf32> to vector<16xf32>
        %parallel_loop3A_770 = vector.shape_cast %parallel_loop3A_763 : vector<16xf32> to vector<16xf32>
        tpu.vector_store %parallel_loop3A_766[%parallel_loop3A_767], %parallel_loop3A_770 {add = true, strides = array<i32>} : memref<1024xf32, #tpu.memory_space<vmem>>, vector<16xf32>,
        %parallel_loop3A_771 = arith.constant 0 : i32
        %parallel_loop3A_772 = tpu.memref_slice %arg10[%parallel_loop3A_94, %parallel_loop3A_771] : memref<72x1024xf32, #tpu.memory_space<vmem>> -> memref<1x1024xf32, #tpu.memory_space<vmem>>
        %parallel_loop3A_773 = tpu.memref_squeeze %parallel_loop3A_772 : memref<1x1024xf32, #tpu.memory_space<vmem>> -> memref<1024xf32, #tpu.memory_space<vmem>>
        %parallel_loop3A_774 = arith.constant 832 : index
        %parallel_loop3A_775 = tpu.vector_load %parallel_loop3A_773[%parallel_loop3A_774] {strides = array<i32>} : memref<1024xf32, #tpu.memory_space<vmem>>, vector<16xf32>,
        %parallel_loop3A_776 = vector.shape_cast %parallel_loop3A_775 : vector<16xf32> to vector<16xf32>
        %parallel_loop3A_777 = arith.constant 0 : i32
        %parallel_loop3A_778 = tpu.memref_slice %arg11[%parallel_loop3A_86, %parallel_loop3A_777] : memref<16x1024xf32, #tpu.memory_space<vmem>> -> memref<1x1024xf32, #tpu.memory_space<vmem>>
        %parallel_loop3A_779 = tpu.memref_squeeze %parallel_loop3A_778 : memref<1x1024xf32, #tpu.memory_space<vmem>> -> memref<1024xf32, #tpu.memory_space<vmem>>
        %parallel_loop3A_780 = arith.constant 832 : index
        %parallel_loop3A_781 = tpu.vector_load %parallel_loop3A_779[%parallel_loop3A_780] {strides = array<i32>} : memref<1024xf32, #tpu.memory_space<vmem>>, vector<16xf32>,
        %parallel_loop3A_782 = vector.shape_cast %parallel_loop3A_781 : vector<16xf32> to vector<16xf32>
        %parallel_loop3A_783 = vector.shape_cast %parallel_loop3A_776 : vector<16xf32> to vector<16xf32>
        tpu.vector_store %parallel_loop3A_779[%parallel_loop3A_780], %parallel_loop3A_783 {add = true, strides = array<i32>} : memref<1024xf32, #tpu.memory_space<vmem>>, vector<16xf32>,
        %parallel_loop3A_784 = arith.constant 0 : i32
        %parallel_loop3A_785 = tpu.memref_slice %arg10[%parallel_loop3A_94, %parallel_loop3A_784] : memref<72x1024xf32, #tpu.memory_space<vmem>> -> memref<1x1024xf32, #tpu.memory_space<vmem>>
        %parallel_loop3A_786 = tpu.memref_squeeze %parallel_loop3A_785 : memref<1x1024xf32, #tpu.memory_space<vmem>> -> memref<1024xf32, #tpu.memory_space<vmem>>
        %parallel_loop3A_787 = arith.constant 848 : index
        %parallel_loop3A_788 = tpu.vector_load %parallel_loop3A_786[%parallel_loop3A_787] {strides = array<i32>} : memref<1024xf32, #tpu.memory_space<vmem>>, vector<16xf32>,
        %parallel_loop3A_789 = vector.shape_cast %parallel_loop3A_788 : vector<16xf32> to vector<16xf32>
        %parallel_loop3A_790 = arith.constant 0 : i32
        %parallel_loop3A_791 = tpu.memref_slice %arg11[%parallel_loop3A_86, %parallel_loop3A_790] : memref<16x1024xf32, #tpu.memory_space<vmem>> -> memref<1x1024xf32, #tpu.memory_space<vmem>>
        %parallel_loop3A_792 = tpu.memref_squeeze %parallel_loop3A_791 : memref<1x1024xf32, #tpu.memory_space<vmem>> -> memref<1024xf32, #tpu.memory_space<vmem>>
        %parallel_loop3A_793 = arith.constant 848 : index
        %parallel_loop3A_794 = tpu.vector_load %parallel_loop3A_792[%parallel_loop3A_793] {strides = array<i32>} : memref<1024xf32, #tpu.memory_space<vmem>>, vector<16xf32>,
        %parallel_loop3A_795 = vector.shape_cast %parallel_loop3A_794 : vector<16xf32> to vector<16xf32>
        %parallel_loop3A_796 = vector.shape_cast %parallel_loop3A_789 : vector<16xf32> to vector<16xf32>
        tpu.vector_store %parallel_loop3A_792[%parallel_loop3A_793], %parallel_loop3A_796 {add = true, strides = array<i32>} : memref<1024xf32, #tpu.memory_space<vmem>>, vector<16xf32>,
        %parallel_loop3A_797 = arith.constant 0 : i32
        %parallel_loop3A_798 = tpu.memref_slice %arg10[%parallel_loop3A_94, %parallel_loop3A_797] : memref<72x1024xf32, #tpu.memory_space<vmem>> -> memref<1x1024xf32, #tpu.memory_space<vmem>>
        %parallel_loop3A_799 = tpu.memref_squeeze %parallel_loop3A_798 : memref<1x1024xf32, #tpu.memory_space<vmem>> -> memref<1024xf32, #tpu.memory_space<vmem>>
        %parallel_loop3A_800 = arith.constant 864 : index
        %parallel_loop3A_801 = tpu.vector_load %parallel_loop3A_799[%parallel_loop3A_800] {strides = array<i32>} : memref<1024xf32, #tpu.memory_space<vmem>>, vector<16xf32>,
        %parallel_loop3A_802 = vector.shape_cast %parallel_loop3A_801 : vector<16xf32> to vector<16xf32>
        %parallel_loop3A_803 = arith.constant 0 : i32
        %parallel_loop3A_804 = tpu.memref_slice %arg11[%parallel_loop3A_86, %parallel_loop3A_803] : memref<16x1024xf32, #tpu.memory_space<vmem>> -> memref<1x1024xf32, #tpu.memory_space<vmem>>
        %parallel_loop3A_805 = tpu.memref_squeeze %parallel_loop3A_804 : memref<1x1024xf32, #tpu.memory_space<vmem>> -> memref<1024xf32, #tpu.memory_space<vmem>>
        %parallel_loop3A_806 = arith.constant 864 : index
        %parallel_loop3A_807 = tpu.vector_load %parallel_loop3A_805[%parallel_loop3A_806] {strides = array<i32>} : memref<1024xf32, #tpu.memory_space<vmem>>, vector<16xf32>,
        %parallel_loop3A_808 = vector.shape_cast %parallel_loop3A_807 : vector<16xf32> to vector<16xf32>
        %parallel_loop3A_809 = vector.shape_cast %parallel_loop3A_802 : vector<16xf32> to vector<16xf32>
        tpu.vector_store %parallel_loop3A_805[%parallel_loop3A_806], %parallel_loop3A_809 {add = true, strides = array<i32>} : memref<1024xf32, #tpu.memory_space<vmem>>, vector<16xf32>,
        %parallel_loop3A_810 = arith.constant 0 : i32
        %parallel_loop3A_811 = tpu.memref_slice %arg10[%parallel_loop3A_94, %parallel_loop3A_810] : memref<72x1024xf32, #tpu.memory_space<vmem>> -> memref<1x1024xf32, #tpu.memory_space<vmem>>
        %parallel_loop3A_812 = tpu.memref_squeeze %parallel_loop3A_811 : memref<1x1024xf32, #tpu.memory_space<vmem>> -> memref<1024xf32, #tpu.memory_space<vmem>>
        %parallel_loop3A_813 = arith.constant 880 : index
        %parallel_loop3A_814 = tpu.vector_load %parallel_loop3A_812[%parallel_loop3A_813] {strides = array<i32>} : memref<1024xf32, #tpu.memory_space<vmem>>, vector<16xf32>,
        %parallel_loop3A_815 = vector.shape_cast %parallel_loop3A_814 : vector<16xf32> to vector<16xf32>
        %parallel_loop3A_816 = arith.constant 0 : i32
        %parallel_loop3A_817 = tpu.memref_slice %arg11[%parallel_loop3A_86, %parallel_loop3A_816] : memref<16x1024xf32, #tpu.memory_space<vmem>> -> memref<1x1024xf32, #tpu.memory_space<vmem>>
        %parallel_loop3A_818 = tpu.memref_squeeze %parallel_loop3A_817 : memref<1x1024xf32, #tpu.memory_space<vmem>> -> memref<1024xf32, #tpu.memory_space<vmem>>
        %parallel_loop3A_819 = arith.constant 880 : index
        %parallel_loop3A_820 = tpu.vector_load %parallel_loop3A_818[%parallel_loop3A_819] {strides = array<i32>} : memref<1024xf32, #tpu.memory_space<vmem>>, vector<16xf32>,
        %parallel_loop3A_821 = vector.shape_cast %parallel_loop3A_820 : vector<16xf32> to vector<16xf32>
        %parallel_loop3A_822 = vector.shape_cast %parallel_loop3A_815 : vector<16xf32> to vector<16xf32>
        tpu.vector_store %parallel_loop3A_818[%parallel_loop3A_819], %parallel_loop3A_822 {add = true, strides = array<i32>} : memref<1024xf32, #tpu.memory_space<vmem>>, vector<16xf32>,
        %parallel_loop3A_823 = arith.constant 0 : i32
        %parallel_loop3A_824 = tpu.memref_slice %arg10[%parallel_loop3A_94, %parallel_loop3A_823] : memref<72x1024xf32, #tpu.memory_space<vmem>> -> memref<1x1024xf32, #tpu.memory_space<vmem>>
        %parallel_loop3A_825 = tpu.memref_squeeze %parallel_loop3A_824 : memref<1x1024xf32, #tpu.memory_space<vmem>> -> memref<1024xf32, #tpu.memory_space<vmem>>
        %parallel_loop3A_826 = arith.constant 896 : index
        %parallel_loop3A_827 = tpu.vector_load %parallel_loop3A_825[%parallel_loop3A_826] {strides = array<i32>} : memref<1024xf32, #tpu.memory_space<vmem>>, vector<16xf32>,
        %parallel_loop3A_828 = vector.shape_cast %parallel_loop3A_827 : vector<16xf32> to vector<16xf32>
        %parallel_loop3A_829 = arith.constant 0 : i32
        %parallel_loop3A_830 = tpu.memref_slice %arg11[%parallel_loop3A_86, %parallel_loop3A_829] : memref<16x1024xf32, #tpu.memory_space<vmem>> -> memref<1x1024xf32, #tpu.memory_space<vmem>>
        %parallel_loop3A_831 = tpu.memref_squeeze %parallel_loop3A_830 : memref<1x1024xf32, #tpu.memory_space<vmem>> -> memref<1024xf32, #tpu.memory_space<vmem>>
        %parallel_loop3A_832 = arith.constant 896 : index
        %parallel_loop3A_833 = tpu.vector_load %parallel_loop3A_831[%parallel_loop3A_832] {strides = array<i32>} : memref<1024xf32, #tpu.memory_space<vmem>>, vector<16xf32>,
        %parallel_loop3A_834 = vector.shape_cast %parallel_loop3A_833 : vector<16xf32> to vector<16xf32>
        %parallel_loop3A_835 = vector.shape_cast %parallel_loop3A_828 : vector<16xf32> to vector<16xf32>
        tpu.vector_store %parallel_loop3A_831[%parallel_loop3A_832], %parallel_loop3A_835 {add = true, strides = array<i32>} : memref<1024xf32, #tpu.memory_space<vmem>>, vector<16xf32>,
        %parallel_loop3A_836 = arith.constant 0 : i32
        %parallel_loop3A_837 = tpu.memref_slice %arg10[%parallel_loop3A_94, %parallel_loop3A_836] : memref<72x1024xf32, #tpu.memory_space<vmem>> -> memref<1x1024xf32, #tpu.memory_space<vmem>>
        %parallel_loop3A_838 = tpu.memref_squeeze %parallel_loop3A_837 : memref<1x1024xf32, #tpu.memory_space<vmem>> -> memref<1024xf32, #tpu.memory_space<vmem>>
        %parallel_loop3A_839 = arith.constant 912 : index
        %parallel_loop3A_840 = tpu.vector_load %parallel_loop3A_838[%parallel_loop3A_839] {strides = array<i32>} : memref<1024xf32, #tpu.memory_space<vmem>>, vector<16xf32>,
        %parallel_loop3A_841 = vector.shape_cast %parallel_loop3A_840 : vector<16xf32> to vector<16xf32>
        %parallel_loop3A_842 = arith.constant 0 : i32
        %parallel_loop3A_843 = tpu.memref_slice %arg11[%parallel_loop3A_86, %parallel_loop3A_842] : memref<16x1024xf32, #tpu.memory_space<vmem>> -> memref<1x1024xf32, #tpu.memory_space<vmem>>
        %parallel_loop3A_844 = tpu.memref_squeeze %parallel_loop3A_843 : memref<1x1024xf32, #tpu.memory_space<vmem>> -> memref<1024xf32, #tpu.memory_space<vmem>>
        %parallel_loop3A_845 = arith.constant 912 : index
        %parallel_loop3A_846 = tpu.vector_load %parallel_loop3A_844[%parallel_loop3A_845] {strides = array<i32>} : memref<1024xf32, #tpu.memory_space<vmem>>, vector<16xf32>,
        %parallel_loop3A_847 = vector.shape_cast %parallel_loop3A_846 : vector<16xf32> to vector<16xf32>
        %parallel_loop3A_848 = vector.shape_cast %parallel_loop3A_841 : vector<16xf32> to vector<16xf32>
        tpu.vector_store %parallel_loop3A_844[%parallel_loop3A_845], %parallel_loop3A_848 {add = true, strides = array<i32>} : memref<1024xf32, #tpu.memory_space<vmem>>, vector<16xf32>,
        %parallel_loop3A_849 = arith.constant 0 : i32
        %parallel_loop3A_850 = tpu.memref_slice %arg10[%parallel_loop3A_94, %parallel_loop3A_849] : memref<72x1024xf32, #tpu.memory_space<vmem>> -> memref<1x1024xf32, #tpu.memory_space<vmem>>
        %parallel_loop3A_851 = tpu.memref_squeeze %parallel_loop3A_850 : memref<1x1024xf32, #tpu.memory_space<vmem>> -> memref<1024xf32, #tpu.memory_space<vmem>>
        %parallel_loop3A_852 = arith.constant 928 : index
        %parallel_loop3A_853 = tpu.vector_load %parallel_loop3A_851[%parallel_loop3A_852] {strides = array<i32>} : memref<1024xf32, #tpu.memory_space<vmem>>, vector<16xf32>,
        %parallel_loop3A_854 = vector.shape_cast %parallel_loop3A_853 : vector<16xf32> to vector<16xf32>
        %parallel_loop3A_855 = arith.constant 0 : i32
        %parallel_loop3A_856 = tpu.memref_slice %arg11[%parallel_loop3A_86, %parallel_loop3A_855] : memref<16x1024xf32, #tpu.memory_space<vmem>> -> memref<1x1024xf32, #tpu.memory_space<vmem>>
        %parallel_loop3A_857 = tpu.memref_squeeze %parallel_loop3A_856 : memref<1x1024xf32, #tpu.memory_space<vmem>> -> memref<1024xf32, #tpu.memory_space<vmem>>
        %parallel_loop3A_858 = arith.constant 928 : index
        %parallel_loop3A_859 = tpu.vector_load %parallel_loop3A_857[%parallel_loop3A_858] {strides = array<i32>} : memref<1024xf32, #tpu.memory_space<vmem>>, vector<16xf32>,
        %parallel_loop3A_860 = vector.shape_cast %parallel_loop3A_859 : vector<16xf32> to vector<16xf32>
        %parallel_loop3A_861 = vector.shape_cast %parallel_loop3A_854 : vector<16xf32> to vector<16xf32>
        tpu.vector_store %parallel_loop3A_857[%parallel_loop3A_858], %parallel_loop3A_861 {add = true, strides = array<i32>} : memref<1024xf32, #tpu.memory_space<vmem>>, vector<16xf32>,
        %parallel_loop3A_862 = arith.constant 0 : i32
        %parallel_loop3A_863 = tpu.memref_slice %arg10[%parallel_loop3A_94, %parallel_loop3A_862] : memref<72x1024xf32, #tpu.memory_space<vmem>> -> memref<1x1024xf32, #tpu.memory_space<vmem>>
        %parallel_loop3A_864 = tpu.memref_squeeze %parallel_loop3A_863 : memref<1x1024xf32, #tpu.memory_space<vmem>> -> memref<1024xf32, #tpu.memory_space<vmem>>
        %parallel_loop3A_865 = arith.constant 944 : index
        %parallel_loop3A_866 = tpu.vector_load %parallel_loop3A_864[%parallel_loop3A_865] {strides = array<i32>} : memref<1024xf32, #tpu.memory_space<vmem>>, vector<16xf32>,
        %parallel_loop3A_867 = vector.shape_cast %parallel_loop3A_866 : vector<16xf32> to vector<16xf32>
        %parallel_loop3A_868 = arith.constant 0 : i32
        %parallel_loop3A_869 = tpu.memref_slice %arg11[%parallel_loop3A_86, %parallel_loop3A_868] : memref<16x1024xf32, #tpu.memory_space<vmem>> -> memref<1x1024xf32, #tpu.memory_space<vmem>>
        %parallel_loop3A_870 = tpu.memref_squeeze %parallel_loop3A_869 : memref<1x1024xf32, #tpu.memory_space<vmem>> -> memref<1024xf32, #tpu.memory_space<vmem>>
        %parallel_loop3A_871 = arith.constant 944 : index
        %parallel_loop3A_872 = tpu.vector_load %parallel_loop3A_870[%parallel_loop3A_871] {strides = array<i32>} : memref<1024xf32, #tpu.memory_space<vmem>>, vector<16xf32>,
        %parallel_loop3A_873 = vector.shape_cast %parallel_loop3A_872 : vector<16xf32> to vector<16xf32>
        %parallel_loop3A_874 = vector.shape_cast %parallel_loop3A_867 : vector<16xf32> to vector<16xf32>
        tpu.vector_store %parallel_loop3A_870[%parallel_loop3A_871], %parallel_loop3A_874 {add = true, strides = array<i32>} : memref<1024xf32, #tpu.memory_space<vmem>>, vector<16xf32>,
        %parallel_loop3A_875 = arith.constant 0 : i32
        %parallel_loop3A_876 = tpu.memref_slice %arg10[%parallel_loop3A_94, %parallel_loop3A_875] : memref<72x1024xf32, #tpu.memory_space<vmem>> -> memref<1x1024xf32, #tpu.memory_space<vmem>>
        %parallel_loop3A_877 = tpu.memref_squeeze %parallel_loop3A_876 : memref<1x1024xf32, #tpu.memory_space<vmem>> -> memref<1024xf32, #tpu.memory_space<vmem>>
        %parallel_loop3A_878 = arith.constant 960 : index
        %parallel_loop3A_879 = tpu.vector_load %parallel_loop3A_877[%parallel_loop3A_878] {strides = array<i32>} : memref<1024xf32, #tpu.memory_space<vmem>>, vector<16xf32>,
        %parallel_loop3A_880 = vector.shape_cast %parallel_loop3A_879 : vector<16xf32> to vector<16xf32>
        %parallel_loop3A_881 = arith.constant 0 : i32
        %parallel_loop3A_882 = tpu.memref_slice %arg11[%parallel_loop3A_86, %parallel_loop3A_881] : memref<16x1024xf32, #tpu.memory_space<vmem>> -> memref<1x1024xf32, #tpu.memory_space<vmem>>
        %parallel_loop3A_883 = tpu.memref_squeeze %parallel_loop3A_882 : memref<1x1024xf32, #tpu.memory_space<vmem>> -> memref<1024xf32, #tpu.memory_space<vmem>>
        %parallel_loop3A_884 = arith.constant 960 : index
        %parallel_loop3A_885 = tpu.vector_load %parallel_loop3A_883[%parallel_loop3A_884] {strides = array<i32>} : memref<1024xf32, #tpu.memory_space<vmem>>, vector<16xf32>,
        %parallel_loop3A_886 = vector.shape_cast %parallel_loop3A_885 : vector<16xf32> to vector<16xf32>
        %parallel_loop3A_887 = vector.shape_cast %parallel_loop3A_880 : vector<16xf32> to vector<16xf32>
        tpu.vector_store %parallel_loop3A_883[%parallel_loop3A_884], %parallel_loop3A_887 {add = true, strides = array<i32>} : memref<1024xf32, #tpu.memory_space<vmem>>, vector<16xf32>,
        %parallel_loop3A_888 = arith.constant 0 : i32
        %parallel_loop3A_889 = tpu.memref_slice %arg10[%parallel_loop3A_94, %parallel_loop3A_888] : memref<72x1024xf32, #tpu.memory_space<vmem>> -> memref<1x1024xf32, #tpu.memory_space<vmem>>
        %parallel_loop3A_890 = tpu.memref_squeeze %parallel_loop3A_889 : memref<1x1024xf32, #tpu.memory_space<vmem>> -> memref<1024xf32, #tpu.memory_space<vmem>>
        %parallel_loop3A_891 = arith.constant 976 : index
        %parallel_loop3A_892 = tpu.vector_load %parallel_loop3A_890[%parallel_loop3A_891] {strides = array<i32>} : memref<1024xf32, #tpu.memory_space<vmem>>, vector<16xf32>,
        %parallel_loop3A_893 = vector.shape_cast %parallel_loop3A_892 : vector<16xf32> to vector<16xf32>
        %parallel_loop3A_894 = arith.constant 0 : i32
        %parallel_loop3A_895 = tpu.memref_slice %arg11[%parallel_loop3A_86, %parallel_loop3A_894] : memref<16x1024xf32, #tpu.memory_space<vmem>> -> memref<1x1024xf32, #tpu.memory_space<vmem>>
        %parallel_loop3A_896 = tpu.memref_squeeze %parallel_loop3A_895 : memref<1x1024xf32, #tpu.memory_space<vmem>> -> memref<1024xf32, #tpu.memory_space<vmem>>
        %parallel_loop3A_897 = arith.constant 976 : index
        %parallel_loop3A_898 = tpu.vector_load %parallel_loop3A_896[%parallel_loop3A_897] {strides = array<i32>} : memref<1024xf32, #tpu.memory_space<vmem>>, vector<16xf32>,
        %parallel_loop3A_899 = vector.shape_cast %parallel_loop3A_898 : vector<16xf32> to vector<16xf32>
        %parallel_loop3A_900 = vector.shape_cast %parallel_loop3A_893 : vector<16xf32> to vector<16xf32>
        tpu.vector_store %parallel_loop3A_896[%parallel_loop3A_897], %parallel_loop3A_900 {add = true, strides = array<i32>} : memref<1024xf32, #tpu.memory_space<vmem>>, vector<16xf32>,
        %parallel_loop3A_901 = arith.constant 0 : i32
        %parallel_loop3A_902 = tpu.memref_slice %arg10[%parallel_loop3A_94, %parallel_loop3A_901] : memref<72x1024xf32, #tpu.memory_space<vmem>> -> memref<1x1024xf32, #tpu.memory_space<vmem>>
        %parallel_loop3A_903 = tpu.memref_squeeze %parallel_loop3A_902 : memref<1x1024xf32, #tpu.memory_space<vmem>> -> memref<1024xf32, #tpu.memory_space<vmem>>
        %parallel_loop3A_904 = arith.constant 992 : index
        %parallel_loop3A_905 = tpu.vector_load %parallel_loop3A_903[%parallel_loop3A_904] {strides = array<i32>} : memref<1024xf32, #tpu.memory_space<vmem>>, vector<16xf32>,
        %parallel_loop3A_906 = vector.shape_cast %parallel_loop3A_905 : vector<16xf32> to vector<16xf32>
        %parallel_loop3A_907 = arith.constant 0 : i32
        %parallel_loop3A_908 = tpu.memref_slice %arg11[%parallel_loop3A_86, %parallel_loop3A_907] : memref<16x1024xf32, #tpu.memory_space<vmem>> -> memref<1x1024xf32, #tpu.memory_space<vmem>>
        %parallel_loop3A_909 = tpu.memref_squeeze %parallel_loop3A_908 : memref<1x1024xf32, #tpu.memory_space<vmem>> -> memref<1024xf32, #tpu.memory_space<vmem>>
        %parallel_loop3A_910 = arith.constant 992 : index
        %parallel_loop3A_911 = tpu.vector_load %parallel_loop3A_909[%parallel_loop3A_910] {strides = array<i32>} : memref<1024xf32, #tpu.memory_space<vmem>>, vector<16xf32>,
        %parallel_loop3A_912 = vector.shape_cast %parallel_loop3A_911 : vector<16xf32> to vector<16xf32>
        %parallel_loop3A_913 = vector.shape_cast %parallel_loop3A_906 : vector<16xf32> to vector<16xf32>
        tpu.vector_store %parallel_loop3A_909[%parallel_loop3A_910], %parallel_loop3A_913 {add = true, strides = array<i32>} : memref<1024xf32, #tpu.memory_space<vmem>>, vector<16xf32>,
        %parallel_loop3A_914 = arith.constant 0 : i32
        %parallel_loop3A_915 = tpu.memref_slice %arg10[%parallel_loop3A_94, %parallel_loop3A_914] : memref<72x1024xf32, #tpu.memory_space<vmem>> -> memref<1x1024xf32, #tpu.memory_space<vmem>>
        %parallel_loop3A_916 = tpu.memref_squeeze %parallel_loop3A_915 : memref<1x1024xf32, #tpu.memory_space<vmem>> -> memref<1024xf32, #tpu.memory_space<vmem>>
        %parallel_loop3A_917 = arith.constant 1008 : index
        %parallel_loop3A_918 = tpu.vector_load %parallel_loop3A_916[%parallel_loop3A_917] {strides = array<i32>} : memref<1024xf32, #tpu.memory_space<vmem>>, vector<16xf32>,
        %parallel_loop3A_919 = vector.shape_cast %parallel_loop3A_918 : vector<16xf32> to vector<16xf32>
        %parallel_loop3A_920 = arith.constant 0 : i32
        %parallel_loop3A_921 = tpu.memref_slice %arg11[%parallel_loop3A_86, %parallel_loop3A_920] : memref<16x1024xf32, #tpu.memory_space<vmem>> -> memref<1x1024xf32, #tpu.memory_space<vmem>>
        %parallel_loop3A_922 = tpu.memref_squeeze %parallel_loop3A_921 : memref<1x1024xf32, #tpu.memory_space<vmem>> -> memref<1024xf32, #tpu.memory_space<vmem>>
        %parallel_loop3A_923 = arith.constant 1008 : index
        %parallel_loop3A_924 = tpu.vector_load %parallel_loop3A_922[%parallel_loop3A_923] {strides = array<i32>} : memref<1024xf32, #tpu.memory_space<vmem>>, vector<16xf32>,
        %parallel_loop3A_925 = vector.shape_cast %parallel_loop3A_924 : vector<16xf32> to vector<16xf32>
        %parallel_loop3A_926 = vector.shape_cast %parallel_loop3A_919 : vector<16xf32> to vector<16xf32>
        tpu.vector_store %parallel_loop3A_922[%parallel_loop3A_923], %parallel_loop3A_926 {add = true, strides = array<i32>} : memref<1024xf32, #tpu.memory_space<vmem>>, vector<16xf32>,
      } {sc.loop_unroll_factor = 2 : i64, sc.parallel_access}
      %mul3A_46 = arith.constant 16 : i32
      %mul3A_47 = arith.muli %mul3A_29, %mul3A_46 : i32
      %add3A_48 = arith.addi %mul3A_2, %mul3A_47 : i32
      %dma_start3A_49 = arith.constant 0 : i32
      %dma_start3A_50 = tpu.memref_slice %arg6[%add3A_48, %dma_start3A_49] : memref<32768x1024xf32, #tpu.memory_space<hbm>> -> memref<16x1024xf32, #tpu.memory_space<hbm>>
      %dma_start3A_51 = arith.constant 0 : i32
      %dma_start3A_52 = tpu.memref_slice %arg6[%add3A_48, %dma_start3A_51] : memref<32768x1024xf32, #tpu.memory_space<hbm>> -> memref<16x1024xf32, #tpu.memory_space<hbm>>
      tpu.enqueue_dma source(%arg11 : memref<16x1024xf32, #tpu.memory_space<vmem>>) target(%dma_start3A_52 : memref<16x1024xf32, #tpu.memory_space<hbm>>) target_semaphore(%arg15 : memref<!tpu.dma_semaphore, #tpu.memory_space<semaphore_mem>>)
      %mul3A_53 = arith.constant 2 : i32
      %mul3A_54 = arith.muli %scan3A_26, %mul3A_53 : i32
      %add3A_55 = arith.constant 1 : i32
      %add3A_56 = arith.addi %mul3A_54, %add3A_55 : i32
      %dma_wait3A_57 = arith.constant 0 : i32
      %dma_wait3A_58 = arith.constant 0 : i32
      %dma_wait3A_59 = tpu.memref_slice %arg2[%dma_wait3A_57, %dma_wait3A_58] : memref<32768x1024xf32, #tpu.memory_space<hbm>> -> memref<16x1024xf32, #tpu.memory_space<hbm>>
      %dma_wait3A_60 = arith.constant 0 : i32
      %dma_wait3A_61 = arith.constant 0 : i32
      %dma_wait3A_62 = tpu.memref_slice %arg2[%dma_wait3A_60, %dma_wait3A_61] : memref<32768x1024xf32, #tpu.memory_space<hbm>> -> memref<16x1024xf32, #tpu.memory_space<hbm>>
      tpu.wait_dma2 semaphore(%arg14 : memref<!tpu.dma_semaphore, #tpu.memory_space<semaphore_mem>>) src(%dma_wait3A_62 : memref<16x1024xf32, #tpu.memory_space<hbm>>) dst(%arg12 : memref<16x1024xf32, #tpu.memory_space<vmem>>)
      %ge3A_63 = arith.constant 1 : i32
      %ge3A_64 = arith.cmpi sge, %add3A_56, %ge3A_63 : i32
      %convert_element_type3A_65 = arith.extui %ge3A_64 : i1 to i32
      %cond3A_66 = arith.constant 0 : i32
      %cond3A_67 = arith.cmpi ne, %convert_element_type3A_65, %cond3A_66 : i32
      scf.if %cond3A_67 {
        %dma_wait3A_86 = arith.constant 0 : i32
        %dma_wait3A_87 = arith.constant 0 : i32
        %dma_wait3A_88 = tpu.memref_slice %arg6[%dma_wait3A_86, %dma_wait3A_87] : memref<32768x1024xf32, #tpu.memory_space<hbm>> -> memref<16x1024xf32, #tpu.memory_space<hbm>>
        %dma_wait3A_89 = arith.constant 0 : i32
        %dma_wait3A_90 = arith.constant 0 : i32
        %dma_wait3A_91 = tpu.memref_slice %arg6[%dma_wait3A_89, %dma_wait3A_90] : memref<32768x1024xf32, #tpu.memory_space<hbm>> -> memref<16x1024xf32, #tpu.memory_space<hbm>>
        tpu.wait_dma2 semaphore(%arg15 : memref<!tpu.dma_semaphore, #tpu.memory_space<semaphore_mem>>) src(%arg11 : memref<16x1024xf32, #tpu.memory_space<vmem>>) dst(%dma_wait3A_91 : memref<16x1024xf32, #tpu.memory_space<hbm>>)
      } else {
      }
      %add3A_68 = arith.constant 1 : i32
      %add3A_69 = arith.addi %add3A_56, %add3A_68 : i32
      %lt3A_70 = arith.constant 64 : i32
      %lt3A_71 = arith.cmpi slt, %add3A_69, %lt3A_70 : i32
      %convert_element_type3A_72 = arith.extui %lt3A_71 : i1 to i32
      %cond3A_73 = arith.constant 0 : i32
      %cond3A_74 = arith.cmpi ne, %convert_element_type3A_72, %cond3A_73 : i32
      scf.if %cond3A_74 {
        %add3A_86 = arith.constant 1 : i32
        %add3A_87 = arith.addi %add3A_56, %add3A_86 : i32
        %mul3A_88 = arith.constant 16 : i32
        %mul3A_89 = arith.muli %add3A_87, %mul3A_88 : i32
        %add3A_90 = arith.addi %mul3A_2, %mul3A_89 : i32
        %dma_start3A_91 = arith.constant 0 : i32
        %dma_start3A_92 = tpu.memref_slice %arg2[%add3A_90, %dma_start3A_91] : memref<32768x1024xf32, #tpu.memory_space<hbm>> -> memref<16x1024xf32, #tpu.memory_space<hbm>>
        %dma_start3A_93 = arith.constant 0 : i32
        %dma_start3A_94 = tpu.memref_slice %arg2[%add3A_90, %dma_start3A_93] : memref<32768x1024xf32, #tpu.memory_space<hbm>> -> memref<16x1024xf32, #tpu.memory_space<hbm>>
        tpu.enqueue_dma source(%dma_start3A_94 : memref<16x1024xf32, #tpu.memory_space<hbm>>) target(%arg11 : memref<16x1024xf32, #tpu.memory_space<vmem>>) target_semaphore(%arg13 : memref<!tpu.dma_semaphore, #tpu.memory_space<semaphore_mem>>)
      } else {
      }
      %parallel_loop3A_75 = arith.constant 0 : i32
      %parallel_loop3A_76 = arith.constant 16 : i32
      %parallel_loop3A_77 = arith.constant 1 : i32
      scf.for %parallel_loop3A_86 = %parallel_loop3A_75 to %parallel_loop3A_76 step %parallel_loop3A_77  : i32 {
        %parallel_loop3A_87 = arith.constant 16 : i32
        %parallel_loop3A_88 = arith.muli %add3A_56, %parallel_loop3A_87 : i32
        %parallel_loop3A_89 = arith.addi %parallel_loop3A_88, %parallel_loop3A_86 : i32
        %parallel_loop3A_90 = arith.index_cast %parallel_loop3A_89 : i32 to index
        %parallel_loop3A_91 = tpu.vector_load %arg9[%parallel_loop3A_90] {strides = array<i32>} : memref<1040xi32, #tpu.memory_space<vmem>>, vector<16xi32>,
        %parallel_loop3A_92 = vector.shape_cast %parallel_loop3A_91 : vector<16xi32> to vector<16xi32>
        %parallel_loop3A_93 = vector.extract_strided_slice %parallel_loop3A_92 {offsets = [0], sizes = [1], strides = [1]} : vector<16xi32> to vector<1xi32>
        %parallel_loop3A_94 = vector.extract %parallel_loop3A_93[0] : i32 from vector<1xi32>
        %parallel_loop3A_95 = arith.constant 0 : i32
        %parallel_loop3A_96 = tpu.memref_slice %arg10[%parallel_loop3A_94, %parallel_loop3A_95] : memref<72x1024xf32, #tpu.memory_space<vmem>> -> memref<1x1024xf32, #tpu.memory_space<vmem>>
        %parallel_loop3A_97 = tpu.memref_squeeze %parallel_loop3A_96 : memref<1x1024xf32, #tpu.memory_space<vmem>> -> memref<1024xf32, #tpu.memory_space<vmem>>
        %parallel_loop3A_98 = arith.constant 0 : index
        %parallel_loop3A_99 = tpu.vector_load %parallel_loop3A_97[%parallel_loop3A_98] {strides = array<i32>} : memref<1024xf32, #tpu.memory_space<vmem>>, vector<16xf32>,
        %parallel_loop3A_100 = vector.shape_cast %parallel_loop3A_99 : vector<16xf32> to vector<16xf32>
        %parallel_loop3A_101 = arith.constant 0 : i32
        %parallel_loop3A_102 = tpu.memref_slice %arg12[%parallel_loop3A_86, %parallel_loop3A_101] : memref<16x1024xf32, #tpu.memory_space<vmem>> -> memref<1x1024xf32, #tpu.memory_space<vmem>>
        %parallel_loop3A_103 = tpu.memref_squeeze %parallel_loop3A_102 : memref<1x1024xf32, #tpu.memory_space<vmem>> -> memref<1024xf32, #tpu.memory_space<vmem>>
        %parallel_loop3A_104 = arith.constant 0 : index
        %parallel_loop3A_105 = tpu.vector_load %parallel_loop3A_103[%parallel_loop3A_104] {strides = array<i32>} : memref<1024xf32, #tpu.memory_space<vmem>>, vector<16xf32>,
        %parallel_loop3A_106 = vector.shape_cast %parallel_loop3A_105 : vector<16xf32> to vector<16xf32>
        %parallel_loop3A_107 = vector.shape_cast %parallel_loop3A_100 : vector<16xf32> to vector<16xf32>
        tpu.vector_store %parallel_loop3A_103[%parallel_loop3A_104], %parallel_loop3A_107 {add = true, strides = array<i32>} : memref<1024xf32, #tpu.memory_space<vmem>>, vector<16xf32>,
        %parallel_loop3A_108 = arith.constant 0 : i32
        %parallel_loop3A_109 = tpu.memref_slice %arg10[%parallel_loop3A_94, %parallel_loop3A_108] : memref<72x1024xf32, #tpu.memory_space<vmem>> -> memref<1x1024xf32, #tpu.memory_space<vmem>>
        %parallel_loop3A_110 = tpu.memref_squeeze %parallel_loop3A_109 : memref<1x1024xf32, #tpu.memory_space<vmem>> -> memref<1024xf32, #tpu.memory_space<vmem>>
        %parallel_loop3A_111 = arith.constant 16 : index
        %parallel_loop3A_112 = tpu.vector_load %parallel_loop3A_110[%parallel_loop3A_111] {strides = array<i32>} : memref<1024xf32, #tpu.memory_space<vmem>>, vector<16xf32>,
        %parallel_loop3A_113 = vector.shape_cast %parallel_loop3A_112 : vector<16xf32> to vector<16xf32>
        %parallel_loop3A_114 = arith.constant 0 : i32
        %parallel_loop3A_115 = tpu.memref_slice %arg12[%parallel_loop3A_86, %parallel_loop3A_114] : memref<16x1024xf32, #tpu.memory_space<vmem>> -> memref<1x1024xf32, #tpu.memory_space<vmem>>
        %parallel_loop3A_116 = tpu.memref_squeeze %parallel_loop3A_115 : memref<1x1024xf32, #tpu.memory_space<vmem>> -> memref<1024xf32, #tpu.memory_space<vmem>>
        %parallel_loop3A_117 = arith.constant 16 : index
        %parallel_loop3A_118 = tpu.vector_load %parallel_loop3A_116[%parallel_loop3A_117] {strides = array<i32>} : memref<1024xf32, #tpu.memory_space<vmem>>, vector<16xf32>,
        %parallel_loop3A_119 = vector.shape_cast %parallel_loop3A_118 : vector<16xf32> to vector<16xf32>
        %parallel_loop3A_120 = vector.shape_cast %parallel_loop3A_113 : vector<16xf32> to vector<16xf32>
        tpu.vector_store %parallel_loop3A_116[%parallel_loop3A_117], %parallel_loop3A_120 {add = true, strides = array<i32>} : memref<1024xf32, #tpu.memory_space<vmem>>, vector<16xf32>,
        %parallel_loop3A_121 = arith.constant 0 : i32
        %parallel_loop3A_122 = tpu.memref_slice %arg10[%parallel_loop3A_94, %parallel_loop3A_121] : memref<72x1024xf32, #tpu.memory_space<vmem>> -> memref<1x1024xf32, #tpu.memory_space<vmem>>
        %parallel_loop3A_123 = tpu.memref_squeeze %parallel_loop3A_122 : memref<1x1024xf32, #tpu.memory_space<vmem>> -> memref<1024xf32, #tpu.memory_space<vmem>>
        %parallel_loop3A_124 = arith.constant 32 : index
        %parallel_loop3A_125 = tpu.vector_load %parallel_loop3A_123[%parallel_loop3A_124] {strides = array<i32>} : memref<1024xf32, #tpu.memory_space<vmem>>, vector<16xf32>,
        %parallel_loop3A_126 = vector.shape_cast %parallel_loop3A_125 : vector<16xf32> to vector<16xf32>
        %parallel_loop3A_127 = arith.constant 0 : i32
        %parallel_loop3A_128 = tpu.memref_slice %arg12[%parallel_loop3A_86, %parallel_loop3A_127] : memref<16x1024xf32, #tpu.memory_space<vmem>> -> memref<1x1024xf32, #tpu.memory_space<vmem>>
        %parallel_loop3A_129 = tpu.memref_squeeze %parallel_loop3A_128 : memref<1x1024xf32, #tpu.memory_space<vmem>> -> memref<1024xf32, #tpu.memory_space<vmem>>
        %parallel_loop3A_130 = arith.constant 32 : index
        %parallel_loop3A_131 = tpu.vector_load %parallel_loop3A_129[%parallel_loop3A_130] {strides = array<i32>} : memref<1024xf32, #tpu.memory_space<vmem>>, vector<16xf32>,
        %parallel_loop3A_132 = vector.shape_cast %parallel_loop3A_131 : vector<16xf32> to vector<16xf32>
        %parallel_loop3A_133 = vector.shape_cast %parallel_loop3A_126 : vector<16xf32> to vector<16xf32>
        tpu.vector_store %parallel_loop3A_129[%parallel_loop3A_130], %parallel_loop3A_133 {add = true, strides = array<i32>} : memref<1024xf32, #tpu.memory_space<vmem>>, vector<16xf32>,
        %parallel_loop3A_134 = arith.constant 0 : i32
        %parallel_loop3A_135 = tpu.memref_slice %arg10[%parallel_loop3A_94, %parallel_loop3A_134] : memref<72x1024xf32, #tpu.memory_space<vmem>> -> memref<1x1024xf32, #tpu.memory_space<vmem>>
        %parallel_loop3A_136 = tpu.memref_squeeze %parallel_loop3A_135 : memref<1x1024xf32, #tpu.memory_space<vmem>> -> memref<1024xf32, #tpu.memory_space<vmem>>
        %parallel_loop3A_137 = arith.constant 48 : index
        %parallel_loop3A_138 = tpu.vector_load %parallel_loop3A_136[%parallel_loop3A_137] {strides = array<i32>} : memref<1024xf32, #tpu.memory_space<vmem>>, vector<16xf32>,
        %parallel_loop3A_139 = vector.shape_cast %parallel_loop3A_138 : vector<16xf32> to vector<16xf32>
        %parallel_loop3A_140 = arith.constant 0 : i32
        %parallel_loop3A_141 = tpu.memref_slice %arg12[%parallel_loop3A_86, %parallel_loop3A_140] : memref<16x1024xf32, #tpu.memory_space<vmem>> -> memref<1x1024xf32, #tpu.memory_space<vmem>>
        %parallel_loop3A_142 = tpu.memref_squeeze %parallel_loop3A_141 : memref<1x1024xf32, #tpu.memory_space<vmem>> -> memref<1024xf32, #tpu.memory_space<vmem>>
        %parallel_loop3A_143 = arith.constant 48 : index
        %parallel_loop3A_144 = tpu.vector_load %parallel_loop3A_142[%parallel_loop3A_143] {strides = array<i32>} : memref<1024xf32, #tpu.memory_space<vmem>>, vector<16xf32>,
        %parallel_loop3A_145 = vector.shape_cast %parallel_loop3A_144 : vector<16xf32> to vector<16xf32>
        %parallel_loop3A_146 = vector.shape_cast %parallel_loop3A_139 : vector<16xf32> to vector<16xf32>
        tpu.vector_store %parallel_loop3A_142[%parallel_loop3A_143], %parallel_loop3A_146 {add = true, strides = array<i32>} : memref<1024xf32, #tpu.memory_space<vmem>>, vector<16xf32>,
        %parallel_loop3A_147 = arith.constant 0 : i32
        %parallel_loop3A_148 = tpu.memref_slice %arg10[%parallel_loop3A_94, %parallel_loop3A_147] : memref<72x1024xf32, #tpu.memory_space<vmem>> -> memref<1x1024xf32, #tpu.memory_space<vmem>>
        %parallel_loop3A_149 = tpu.memref_squeeze %parallel_loop3A_148 : memref<1x1024xf32, #tpu.memory_space<vmem>> -> memref<1024xf32, #tpu.memory_space<vmem>>
        %parallel_loop3A_150 = arith.constant 64 : index
        %parallel_loop3A_151 = tpu.vector_load %parallel_loop3A_149[%parallel_loop3A_150] {strides = array<i32>} : memref<1024xf32, #tpu.memory_space<vmem>>, vector<16xf32>,
        %parallel_loop3A_152 = vector.shape_cast %parallel_loop3A_151 : vector<16xf32> to vector<16xf32>
        %parallel_loop3A_153 = arith.constant 0 : i32
        %parallel_loop3A_154 = tpu.memref_slice %arg12[%parallel_loop3A_86, %parallel_loop3A_153] : memref<16x1024xf32, #tpu.memory_space<vmem>> -> memref<1x1024xf32, #tpu.memory_space<vmem>>
        %parallel_loop3A_155 = tpu.memref_squeeze %parallel_loop3A_154 : memref<1x1024xf32, #tpu.memory_space<vmem>> -> memref<1024xf32, #tpu.memory_space<vmem>>
        %parallel_loop3A_156 = arith.constant 64 : index
        %parallel_loop3A_157 = tpu.vector_load %parallel_loop3A_155[%parallel_loop3A_156] {strides = array<i32>} : memref<1024xf32, #tpu.memory_space<vmem>>, vector<16xf32>,
        %parallel_loop3A_158 = vector.shape_cast %parallel_loop3A_157 : vector<16xf32> to vector<16xf32>
        %parallel_loop3A_159 = vector.shape_cast %parallel_loop3A_152 : vector<16xf32> to vector<16xf32>
        tpu.vector_store %parallel_loop3A_155[%parallel_loop3A_156], %parallel_loop3A_159 {add = true, strides = array<i32>} : memref<1024xf32, #tpu.memory_space<vmem>>, vector<16xf32>,
        %parallel_loop3A_160 = arith.constant 0 : i32
        %parallel_loop3A_161 = tpu.memref_slice %arg10[%parallel_loop3A_94, %parallel_loop3A_160] : memref<72x1024xf32, #tpu.memory_space<vmem>> -> memref<1x1024xf32, #tpu.memory_space<vmem>>
        %parallel_loop3A_162 = tpu.memref_squeeze %parallel_loop3A_161 : memref<1x1024xf32, #tpu.memory_space<vmem>> -> memref<1024xf32, #tpu.memory_space<vmem>>
        %parallel_loop3A_163 = arith.constant 80 : index
        %parallel_loop3A_164 = tpu.vector_load %parallel_loop3A_162[%parallel_loop3A_163] {strides = array<i32>} : memref<1024xf32, #tpu.memory_space<vmem>>, vector<16xf32>,
        %parallel_loop3A_165 = vector.shape_cast %parallel_loop3A_164 : vector<16xf32> to vector<16xf32>
        %parallel_loop3A_166 = arith.constant 0 : i32
        %parallel_loop3A_167 = tpu.memref_slice %arg12[%parallel_loop3A_86, %parallel_loop3A_166] : memref<16x1024xf32, #tpu.memory_space<vmem>> -> memref<1x1024xf32, #tpu.memory_space<vmem>>
        %parallel_loop3A_168 = tpu.memref_squeeze %parallel_loop3A_167 : memref<1x1024xf32, #tpu.memory_space<vmem>> -> memref<1024xf32, #tpu.memory_space<vmem>>
        %parallel_loop3A_169 = arith.constant 80 : index
        %parallel_loop3A_170 = tpu.vector_load %parallel_loop3A_168[%parallel_loop3A_169] {strides = array<i32>} : memref<1024xf32, #tpu.memory_space<vmem>>, vector<16xf32>,
        %parallel_loop3A_171 = vector.shape_cast %parallel_loop3A_170 : vector<16xf32> to vector<16xf32>
        %parallel_loop3A_172 = vector.shape_cast %parallel_loop3A_165 : vector<16xf32> to vector<16xf32>
        tpu.vector_store %parallel_loop3A_168[%parallel_loop3A_169], %parallel_loop3A_172 {add = true, strides = array<i32>} : memref<1024xf32, #tpu.memory_space<vmem>>, vector<16xf32>,
        %parallel_loop3A_173 = arith.constant 0 : i32
        %parallel_loop3A_174 = tpu.memref_slice %arg10[%parallel_loop3A_94, %parallel_loop3A_173] : memref<72x1024xf32, #tpu.memory_space<vmem>> -> memref<1x1024xf32, #tpu.memory_space<vmem>>
        %parallel_loop3A_175 = tpu.memref_squeeze %parallel_loop3A_174 : memref<1x1024xf32, #tpu.memory_space<vmem>> -> memref<1024xf32, #tpu.memory_space<vmem>>
        %parallel_loop3A_176 = arith.constant 96 : index
        %parallel_loop3A_177 = tpu.vector_load %parallel_loop3A_175[%parallel_loop3A_176] {strides = array<i32>} : memref<1024xf32, #tpu.memory_space<vmem>>, vector<16xf32>,
        %parallel_loop3A_178 = vector.shape_cast %parallel_loop3A_177 : vector<16xf32> to vector<16xf32>
        %parallel_loop3A_179 = arith.constant 0 : i32
        %parallel_loop3A_180 = tpu.memref_slice %arg12[%parallel_loop3A_86, %parallel_loop3A_179] : memref<16x1024xf32, #tpu.memory_space<vmem>> -> memref<1x1024xf32, #tpu.memory_space<vmem>>
        %parallel_loop3A_181 = tpu.memref_squeeze %parallel_loop3A_180 : memref<1x1024xf32, #tpu.memory_space<vmem>> -> memref<1024xf32, #tpu.memory_space<vmem>>
        %parallel_loop3A_182 = arith.constant 96 : index
        %parallel_loop3A_183 = tpu.vector_load %parallel_loop3A_181[%parallel_loop3A_182] {strides = array<i32>} : memref<1024xf32, #tpu.memory_space<vmem>>, vector<16xf32>,
        %parallel_loop3A_184 = vector.shape_cast %parallel_loop3A_183 : vector<16xf32> to vector<16xf32>
        %parallel_loop3A_185 = vector.shape_cast %parallel_loop3A_178 : vector<16xf32> to vector<16xf32>
        tpu.vector_store %parallel_loop3A_181[%parallel_loop3A_182], %parallel_loop3A_185 {add = true, strides = array<i32>} : memref<1024xf32, #tpu.memory_space<vmem>>, vector<16xf32>,
        %parallel_loop3A_186 = arith.constant 0 : i32
        %parallel_loop3A_187 = tpu.memref_slice %arg10[%parallel_loop3A_94, %parallel_loop3A_186] : memref<72x1024xf32, #tpu.memory_space<vmem>> -> memref<1x1024xf32, #tpu.memory_space<vmem>>
        %parallel_loop3A_188 = tpu.memref_squeeze %parallel_loop3A_187 : memref<1x1024xf32, #tpu.memory_space<vmem>> -> memref<1024xf32, #tpu.memory_space<vmem>>
        %parallel_loop3A_189 = arith.constant 112 : index
        %parallel_loop3A_190 = tpu.vector_load %parallel_loop3A_188[%parallel_loop3A_189] {strides = array<i32>} : memref<1024xf32, #tpu.memory_space<vmem>>, vector<16xf32>,
        %parallel_loop3A_191 = vector.shape_cast %parallel_loop3A_190 : vector<16xf32> to vector<16xf32>
        %parallel_loop3A_192 = arith.constant 0 : i32
        %parallel_loop3A_193 = tpu.memref_slice %arg12[%parallel_loop3A_86, %parallel_loop3A_192] : memref<16x1024xf32, #tpu.memory_space<vmem>> -> memref<1x1024xf32, #tpu.memory_space<vmem>>
        %parallel_loop3A_194 = tpu.memref_squeeze %parallel_loop3A_193 : memref<1x1024xf32, #tpu.memory_space<vmem>> -> memref<1024xf32, #tpu.memory_space<vmem>>
        %parallel_loop3A_195 = arith.constant 112 : index
        %parallel_loop3A_196 = tpu.vector_load %parallel_loop3A_194[%parallel_loop3A_195] {strides = array<i32>} : memref<1024xf32, #tpu.memory_space<vmem>>, vector<16xf32>,
        %parallel_loop3A_197 = vector.shape_cast %parallel_loop3A_196 : vector<16xf32> to vector<16xf32>
        %parallel_loop3A_198 = vector.shape_cast %parallel_loop3A_191 : vector<16xf32> to vector<16xf32>
        tpu.vector_store %parallel_loop3A_194[%parallel_loop3A_195], %parallel_loop3A_198 {add = true, strides = array<i32>} : memref<1024xf32, #tpu.memory_space<vmem>>, vector<16xf32>,
        %parallel_loop3A_199 = arith.constant 0 : i32
        %parallel_loop3A_200 = tpu.memref_slice %arg10[%parallel_loop3A_94, %parallel_loop3A_199] : memref<72x1024xf32, #tpu.memory_space<vmem>> -> memref<1x1024xf32, #tpu.memory_space<vmem>>
        %parallel_loop3A_201 = tpu.memref_squeeze %parallel_loop3A_200 : memref<1x1024xf32, #tpu.memory_space<vmem>> -> memref<1024xf32, #tpu.memory_space<vmem>>
        %parallel_loop3A_202 = arith.constant 128 : index
        %parallel_loop3A_203 = tpu.vector_load %parallel_loop3A_201[%parallel_loop3A_202] {strides = array<i32>} : memref<1024xf32, #tpu.memory_space<vmem>>, vector<16xf32>,
        %parallel_loop3A_204 = vector.shape_cast %parallel_loop3A_203 : vector<16xf32> to vector<16xf32>
        %parallel_loop3A_205 = arith.constant 0 : i32
        %parallel_loop3A_206 = tpu.memref_slice %arg12[%parallel_loop3A_86, %parallel_loop3A_205] : memref<16x1024xf32, #tpu.memory_space<vmem>> -> memref<1x1024xf32, #tpu.memory_space<vmem>>
        %parallel_loop3A_207 = tpu.memref_squeeze %parallel_loop3A_206 : memref<1x1024xf32, #tpu.memory_space<vmem>> -> memref<1024xf32, #tpu.memory_space<vmem>>
        %parallel_loop3A_208 = arith.constant 128 : index
        %parallel_loop3A_209 = tpu.vector_load %parallel_loop3A_207[%parallel_loop3A_208] {strides = array<i32>} : memref<1024xf32, #tpu.memory_space<vmem>>, vector<16xf32>,
        %parallel_loop3A_210 = vector.shape_cast %parallel_loop3A_209 : vector<16xf32> to vector<16xf32>
        %parallel_loop3A_211 = vector.shape_cast %parallel_loop3A_204 : vector<16xf32> to vector<16xf32>
        tpu.vector_store %parallel_loop3A_207[%parallel_loop3A_208], %parallel_loop3A_211 {add = true, strides = array<i32>} : memref<1024xf32, #tpu.memory_space<vmem>>, vector<16xf32>,
        %parallel_loop3A_212 = arith.constant 0 : i32
        %parallel_loop3A_213 = tpu.memref_slice %arg10[%parallel_loop3A_94, %parallel_loop3A_212] : memref<72x1024xf32, #tpu.memory_space<vmem>> -> memref<1x1024xf32, #tpu.memory_space<vmem>>
        %parallel_loop3A_214 = tpu.memref_squeeze %parallel_loop3A_213 : memref<1x1024xf32, #tpu.memory_space<vmem>> -> memref<1024xf32, #tpu.memory_space<vmem>>
        %parallel_loop3A_215 = arith.constant 144 : index
        %parallel_loop3A_216 = tpu.vector_load %parallel_loop3A_214[%parallel_loop3A_215] {strides = array<i32>} : memref<1024xf32, #tpu.memory_space<vmem>>, vector<16xf32>,
        %parallel_loop3A_217 = vector.shape_cast %parallel_loop3A_216 : vector<16xf32> to vector<16xf32>
        %parallel_loop3A_218 = arith.constant 0 : i32
        %parallel_loop3A_219 = tpu.memref_slice %arg12[%parallel_loop3A_86, %parallel_loop3A_218] : memref<16x1024xf32, #tpu.memory_space<vmem>> -> memref<1x1024xf32, #tpu.memory_space<vmem>>
        %parallel_loop3A_220 = tpu.memref_squeeze %parallel_loop3A_219 : memref<1x1024xf32, #tpu.memory_space<vmem>> -> memref<1024xf32, #tpu.memory_space<vmem>>
        %parallel_loop3A_221 = arith.constant 144 : index
        %parallel_loop3A_222 = tpu.vector_load %parallel_loop3A_220[%parallel_loop3A_221] {strides = array<i32>} : memref<1024xf32, #tpu.memory_space<vmem>>, vector<16xf32>,
        %parallel_loop3A_223 = vector.shape_cast %parallel_loop3A_222 : vector<16xf32> to vector<16xf32>
        %parallel_loop3A_224 = vector.shape_cast %parallel_loop3A_217 : vector<16xf32> to vector<16xf32>
        tpu.vector_store %parallel_loop3A_220[%parallel_loop3A_221], %parallel_loop3A_224 {add = true, strides = array<i32>} : memref<1024xf32, #tpu.memory_space<vmem>>, vector<16xf32>,
        %parallel_loop3A_225 = arith.constant 0 : i32
        %parallel_loop3A_226 = tpu.memref_slice %arg10[%parallel_loop3A_94, %parallel_loop3A_225] : memref<72x1024xf32, #tpu.memory_space<vmem>> -> memref<1x1024xf32, #tpu.memory_space<vmem>>
        %parallel_loop3A_227 = tpu.memref_squeeze %parallel_loop3A_226 : memref<1x1024xf32, #tpu.memory_space<vmem>> -> memref<1024xf32, #tpu.memory_space<vmem>>
        %parallel_loop3A_228 = arith.constant 160 : index
        %parallel_loop3A_229 = tpu.vector_load %parallel_loop3A_227[%parallel_loop3A_228] {strides = array<i32>} : memref<1024xf32, #tpu.memory_space<vmem>>, vector<16xf32>,
        %parallel_loop3A_230 = vector.shape_cast %parallel_loop3A_229 : vector<16xf32> to vector<16xf32>
        %parallel_loop3A_231 = arith.constant 0 : i32
        %parallel_loop3A_232 = tpu.memref_slice %arg12[%parallel_loop3A_86, %parallel_loop3A_231] : memref<16x1024xf32, #tpu.memory_space<vmem>> -> memref<1x1024xf32, #tpu.memory_space<vmem>>
        %parallel_loop3A_233 = tpu.memref_squeeze %parallel_loop3A_232 : memref<1x1024xf32, #tpu.memory_space<vmem>> -> memref<1024xf32, #tpu.memory_space<vmem>>
        %parallel_loop3A_234 = arith.constant 160 : index
        %parallel_loop3A_235 = tpu.vector_load %parallel_loop3A_233[%parallel_loop3A_234] {strides = array<i32>} : memref<1024xf32, #tpu.memory_space<vmem>>, vector<16xf32>,
        %parallel_loop3A_236 = vector.shape_cast %parallel_loop3A_235 : vector<16xf32> to vector<16xf32>
        %parallel_loop3A_237 = vector.shape_cast %parallel_loop3A_230 : vector<16xf32> to vector<16xf32>
        tpu.vector_store %parallel_loop3A_233[%parallel_loop3A_234], %parallel_loop3A_237 {add = true, strides = array<i32>} : memref<1024xf32, #tpu.memory_space<vmem>>, vector<16xf32>,
        %parallel_loop3A_238 = arith.constant 0 : i32
        %parallel_loop3A_239 = tpu.memref_slice %arg10[%parallel_loop3A_94, %parallel_loop3A_238] : memref<72x1024xf32, #tpu.memory_space<vmem>> -> memref<1x1024xf32, #tpu.memory_space<vmem>>
        %parallel_loop3A_240 = tpu.memref_squeeze %parallel_loop3A_239 : memref<1x1024xf32, #tpu.memory_space<vmem>> -> memref<1024xf32, #tpu.memory_space<vmem>>
        %parallel_loop3A_241 = arith.constant 176 : index
        %parallel_loop3A_242 = tpu.vector_load %parallel_loop3A_240[%parallel_loop3A_241] {strides = array<i32>} : memref<1024xf32, #tpu.memory_space<vmem>>, vector<16xf32>,
        %parallel_loop3A_243 = vector.shape_cast %parallel_loop3A_242 : vector<16xf32> to vector<16xf32>
        %parallel_loop3A_244 = arith.constant 0 : i32
        %parallel_loop3A_245 = tpu.memref_slice %arg12[%parallel_loop3A_86, %parallel_loop3A_244] : memref<16x1024xf32, #tpu.memory_space<vmem>> -> memref<1x1024xf32, #tpu.memory_space<vmem>>
        %parallel_loop3A_246 = tpu.memref_squeeze %parallel_loop3A_245 : memref<1x1024xf32, #tpu.memory_space<vmem>> -> memref<1024xf32, #tpu.memory_space<vmem>>
        %parallel_loop3A_247 = arith.constant 176 : index
        %parallel_loop3A_248 = tpu.vector_load %parallel_loop3A_246[%parallel_loop3A_247] {strides = array<i32>} : memref<1024xf32, #tpu.memory_space<vmem>>, vector<16xf32>,
        %parallel_loop3A_249 = vector.shape_cast %parallel_loop3A_248 : vector<16xf32> to vector<16xf32>
        %parallel_loop3A_250 = vector.shape_cast %parallel_loop3A_243 : vector<16xf32> to vector<16xf32>
        tpu.vector_store %parallel_loop3A_246[%parallel_loop3A_247], %parallel_loop3A_250 {add = true, strides = array<i32>} : memref<1024xf32, #tpu.memory_space<vmem>>, vector<16xf32>,
        %parallel_loop3A_251 = arith.constant 0 : i32
        %parallel_loop3A_252 = tpu.memref_slice %arg10[%parallel_loop3A_94, %parallel_loop3A_251] : memref<72x1024xf32, #tpu.memory_space<vmem>> -> memref<1x1024xf32, #tpu.memory_space<vmem>>
        %parallel_loop3A_253 = tpu.memref_squeeze %parallel_loop3A_252 : memref<1x1024xf32, #tpu.memory_space<vmem>> -> memref<1024xf32, #tpu.memory_space<vmem>>
        %parallel_loop3A_254 = arith.constant 192 : index
        %parallel_loop3A_255 = tpu.vector_load %parallel_loop3A_253[%parallel_loop3A_254] {strides = array<i32>} : memref<1024xf32, #tpu.memory_space<vmem>>, vector<16xf32>,
        %parallel_loop3A_256 = vector.shape_cast %parallel_loop3A_255 : vector<16xf32> to vector<16xf32>
        %parallel_loop3A_257 = arith.constant 0 : i32
        %parallel_loop3A_258 = tpu.memref_slice %arg12[%parallel_loop3A_86, %parallel_loop3A_257] : memref<16x1024xf32, #tpu.memory_space<vmem>> -> memref<1x1024xf32, #tpu.memory_space<vmem>>
        %parallel_loop3A_259 = tpu.memref_squeeze %parallel_loop3A_258 : memref<1x1024xf32, #tpu.memory_space<vmem>> -> memref<1024xf32, #tpu.memory_space<vmem>>
        %parallel_loop3A_260 = arith.constant 192 : index
        %parallel_loop3A_261 = tpu.vector_load %parallel_loop3A_259[%parallel_loop3A_260] {strides = array<i32>} : memref<1024xf32, #tpu.memory_space<vmem>>, vector<16xf32>,
        %parallel_loop3A_262 = vector.shape_cast %parallel_loop3A_261 : vector<16xf32> to vector<16xf32>
        %parallel_loop3A_263 = vector.shape_cast %parallel_loop3A_256 : vector<16xf32> to vector<16xf32>
        tpu.vector_store %parallel_loop3A_259[%parallel_loop3A_260], %parallel_loop3A_263 {add = true, strides = array<i32>} : memref<1024xf32, #tpu.memory_space<vmem>>, vector<16xf32>,
        %parallel_loop3A_264 = arith.constant 0 : i32
        %parallel_loop3A_265 = tpu.memref_slice %arg10[%parallel_loop3A_94, %parallel_loop3A_264] : memref<72x1024xf32, #tpu.memory_space<vmem>> -> memref<1x1024xf32, #tpu.memory_space<vmem>>
        %parallel_loop3A_266 = tpu.memref_squeeze %parallel_loop3A_265 : memref<1x1024xf32, #tpu.memory_space<vmem>> -> memref<1024xf32, #tpu.memory_space<vmem>>
        %parallel_loop3A_267 = arith.constant 208 : index
        %parallel_loop3A_268 = tpu.vector_load %parallel_loop3A_266[%parallel_loop3A_267] {strides = array<i32>} : memref<1024xf32, #tpu.memory_space<vmem>>, vector<16xf32>,
        %parallel_loop3A_269 = vector.shape_cast %parallel_loop3A_268 : vector<16xf32> to vector<16xf32>
        %parallel_loop3A_270 = arith.constant 0 : i32
        %parallel_loop3A_271 = tpu.memref_slice %arg12[%parallel_loop3A_86, %parallel_loop3A_270] : memref<16x1024xf32, #tpu.memory_space<vmem>> -> memref<1x1024xf32, #tpu.memory_space<vmem>>
        %parallel_loop3A_272 = tpu.memref_squeeze %parallel_loop3A_271 : memref<1x1024xf32, #tpu.memory_space<vmem>> -> memref<1024xf32, #tpu.memory_space<vmem>>
        %parallel_loop3A_273 = arith.constant 208 : index
        %parallel_loop3A_274 = tpu.vector_load %parallel_loop3A_272[%parallel_loop3A_273] {strides = array<i32>} : memref<1024xf32, #tpu.memory_space<vmem>>, vector<16xf32>,
        %parallel_loop3A_275 = vector.shape_cast %parallel_loop3A_274 : vector<16xf32> to vector<16xf32>
        %parallel_loop3A_276 = vector.shape_cast %parallel_loop3A_269 : vector<16xf32> to vector<16xf32>
        tpu.vector_store %parallel_loop3A_272[%parallel_loop3A_273], %parallel_loop3A_276 {add = true, strides = array<i32>} : memref<1024xf32, #tpu.memory_space<vmem>>, vector<16xf32>,
        %parallel_loop3A_277 = arith.constant 0 : i32
        %parallel_loop3A_278 = tpu.memref_slice %arg10[%parallel_loop3A_94, %parallel_loop3A_277] : memref<72x1024xf32, #tpu.memory_space<vmem>> -> memref<1x1024xf32, #tpu.memory_space<vmem>>
        %parallel_loop3A_279 = tpu.memref_squeeze %parallel_loop3A_278 : memref<1x1024xf32, #tpu.memory_space<vmem>> -> memref<1024xf32, #tpu.memory_space<vmem>>
        %parallel_loop3A_280 = arith.constant 224 : index
        %parallel_loop3A_281 = tpu.vector_load %parallel_loop3A_279[%parallel_loop3A_280] {strides = array<i32>} : memref<1024xf32, #tpu.memory_space<vmem>>, vector<16xf32>,
        %parallel_loop3A_282 = vector.shape_cast %parallel_loop3A_281 : vector<16xf32> to vector<16xf32>
        %parallel_loop3A_283 = arith.constant 0 : i32
        %parallel_loop3A_284 = tpu.memref_slice %arg12[%parallel_loop3A_86, %parallel_loop3A_283] : memref<16x1024xf32, #tpu.memory_space<vmem>> -> memref<1x1024xf32, #tpu.memory_space<vmem>>
        %parallel_loop3A_285 = tpu.memref_squeeze %parallel_loop3A_284 : memref<1x1024xf32, #tpu.memory_space<vmem>> -> memref<1024xf32, #tpu.memory_space<vmem>>
        %parallel_loop3A_286 = arith.constant 224 : index
        %parallel_loop3A_287 = tpu.vector_load %parallel_loop3A_285[%parallel_loop3A_286] {strides = array<i32>} : memref<1024xf32, #tpu.memory_space<vmem>>, vector<16xf32>,
        %parallel_loop3A_288 = vector.shape_cast %parallel_loop3A_287 : vector<16xf32> to vector<16xf32>
        %parallel_loop3A_289 = vector.shape_cast %parallel_loop3A_282 : vector<16xf32> to vector<16xf32>
        tpu.vector_store %parallel_loop3A_285[%parallel_loop3A_286], %parallel_loop3A_289 {add = true, strides = array<i32>} : memref<1024xf32, #tpu.memory_space<vmem>>, vector<16xf32>,
        %parallel_loop3A_290 = arith.constant 0 : i32
        %parallel_loop3A_291 = tpu.memref_slice %arg10[%parallel_loop3A_94, %parallel_loop3A_290] : memref<72x1024xf32, #tpu.memory_space<vmem>> -> memref<1x1024xf32, #tpu.memory_space<vmem>>
        %parallel_loop3A_292 = tpu.memref_squeeze %parallel_loop3A_291 : memref<1x1024xf32, #tpu.memory_space<vmem>> -> memref<1024xf32, #tpu.memory_space<vmem>>
        %parallel_loop3A_293 = arith.constant 240 : index
        %parallel_loop3A_294 = tpu.vector_load %parallel_loop3A_292[%parallel_loop3A_293] {strides = array<i32>} : memref<1024xf32, #tpu.memory_space<vmem>>, vector<16xf32>,
        %parallel_loop3A_295 = vector.shape_cast %parallel_loop3A_294 : vector<16xf32> to vector<16xf32>
        %parallel_loop3A_296 = arith.constant 0 : i32
        %parallel_loop3A_297 = tpu.memref_slice %arg12[%parallel_loop3A_86, %parallel_loop3A_296] : memref<16x1024xf32, #tpu.memory_space<vmem>> -> memref<1x1024xf32, #tpu.memory_space<vmem>>
        %parallel_loop3A_298 = tpu.memref_squeeze %parallel_loop3A_297 : memref<1x1024xf32, #tpu.memory_space<vmem>> -> memref<1024xf32, #tpu.memory_space<vmem>>
        %parallel_loop3A_299 = arith.constant 240 : index
        %parallel_loop3A_300 = tpu.vector_load %parallel_loop3A_298[%parallel_loop3A_299] {strides = array<i32>} : memref<1024xf32, #tpu.memory_space<vmem>>, vector<16xf32>,
        %parallel_loop3A_301 = vector.shape_cast %parallel_loop3A_300 : vector<16xf32> to vector<16xf32>
        %parallel_loop3A_302 = vector.shape_cast %parallel_loop3A_295 : vector<16xf32> to vector<16xf32>
        tpu.vector_store %parallel_loop3A_298[%parallel_loop3A_299], %parallel_loop3A_302 {add = true, strides = array<i32>} : memref<1024xf32, #tpu.memory_space<vmem>>, vector<16xf32>,
        %parallel_loop3A_303 = arith.constant 0 : i32
        %parallel_loop3A_304 = tpu.memref_slice %arg10[%parallel_loop3A_94, %parallel_loop3A_303] : memref<72x1024xf32, #tpu.memory_space<vmem>> -> memref<1x1024xf32, #tpu.memory_space<vmem>>
        %parallel_loop3A_305 = tpu.memref_squeeze %parallel_loop3A_304 : memref<1x1024xf32, #tpu.memory_space<vmem>> -> memref<1024xf32, #tpu.memory_space<vmem>>
        %parallel_loop3A_306 = arith.constant 256 : index
        %parallel_loop3A_307 = tpu.vector_load %parallel_loop3A_305[%parallel_loop3A_306] {strides = array<i32>} : memref<1024xf32, #tpu.memory_space<vmem>>, vector<16xf32>,
        %parallel_loop3A_308 = vector.shape_cast %parallel_loop3A_307 : vector<16xf32> to vector<16xf32>
        %parallel_loop3A_309 = arith.constant 0 : i32
        %parallel_loop3A_310 = tpu.memref_slice %arg12[%parallel_loop3A_86, %parallel_loop3A_309] : memref<16x1024xf32, #tpu.memory_space<vmem>> -> memref<1x1024xf32, #tpu.memory_space<vmem>>
        %parallel_loop3A_311 = tpu.memref_squeeze %parallel_loop3A_310 : memref<1x1024xf32, #tpu.memory_space<vmem>> -> memref<1024xf32, #tpu.memory_space<vmem>>
        %parallel_loop3A_312 = arith.constant 256 : index
        %parallel_loop3A_313 = tpu.vector_load %parallel_loop3A_311[%parallel_loop3A_312] {strides = array<i32>} : memref<1024xf32, #tpu.memory_space<vmem>>, vector<16xf32>,
        %parallel_loop3A_314 = vector.shape_cast %parallel_loop3A_313 : vector<16xf32> to vector<16xf32>
        %parallel_loop3A_315 = vector.shape_cast %parallel_loop3A_308 : vector<16xf32> to vector<16xf32>
        tpu.vector_store %parallel_loop3A_311[%parallel_loop3A_312], %parallel_loop3A_315 {add = true, strides = array<i32>} : memref<1024xf32, #tpu.memory_space<vmem>>, vector<16xf32>,
        %parallel_loop3A_316 = arith.constant 0 : i32
        %parallel_loop3A_317 = tpu.memref_slice %arg10[%parallel_loop3A_94, %parallel_loop3A_316] : memref<72x1024xf32, #tpu.memory_space<vmem>> -> memref<1x1024xf32, #tpu.memory_space<vmem>>
        %parallel_loop3A_318 = tpu.memref_squeeze %parallel_loop3A_317 : memref<1x1024xf32, #tpu.memory_space<vmem>> -> memref<1024xf32, #tpu.memory_space<vmem>>
        %parallel_loop3A_319 = arith.constant 272 : index
        %parallel_loop3A_320 = tpu.vector_load %parallel_loop3A_318[%parallel_loop3A_319] {strides = array<i32>} : memref<1024xf32, #tpu.memory_space<vmem>>, vector<16xf32>,
        %parallel_loop3A_321 = vector.shape_cast %parallel_loop3A_320 : vector<16xf32> to vector<16xf32>
        %parallel_loop3A_322 = arith.constant 0 : i32
        %parallel_loop3A_323 = tpu.memref_slice %arg12[%parallel_loop3A_86, %parallel_loop3A_322] : memref<16x1024xf32, #tpu.memory_space<vmem>> -> memref<1x1024xf32, #tpu.memory_space<vmem>>
        %parallel_loop3A_324 = tpu.memref_squeeze %parallel_loop3A_323 : memref<1x1024xf32, #tpu.memory_space<vmem>> -> memref<1024xf32, #tpu.memory_space<vmem>>
        %parallel_loop3A_325 = arith.constant 272 : index
        %parallel_loop3A_326 = tpu.vector_load %parallel_loop3A_324[%parallel_loop3A_325] {strides = array<i32>} : memref<1024xf32, #tpu.memory_space<vmem>>, vector<16xf32>,
        %parallel_loop3A_327 = vector.shape_cast %parallel_loop3A_326 : vector<16xf32> to vector<16xf32>
        %parallel_loop3A_328 = vector.shape_cast %parallel_loop3A_321 : vector<16xf32> to vector<16xf32>
        tpu.vector_store %parallel_loop3A_324[%parallel_loop3A_325], %parallel_loop3A_328 {add = true, strides = array<i32>} : memref<1024xf32, #tpu.memory_space<vmem>>, vector<16xf32>,
        %parallel_loop3A_329 = arith.constant 0 : i32
        %parallel_loop3A_330 = tpu.memref_slice %arg10[%parallel_loop3A_94, %parallel_loop3A_329] : memref<72x1024xf32, #tpu.memory_space<vmem>> -> memref<1x1024xf32, #tpu.memory_space<vmem>>
        %parallel_loop3A_331 = tpu.memref_squeeze %parallel_loop3A_330 : memref<1x1024xf32, #tpu.memory_space<vmem>> -> memref<1024xf32, #tpu.memory_space<vmem>>
        %parallel_loop3A_332 = arith.constant 288 : index
        %parallel_loop3A_333 = tpu.vector_load %parallel_loop3A_331[%parallel_loop3A_332] {strides = array<i32>} : memref<1024xf32, #tpu.memory_space<vmem>>, vector<16xf32>,
        %parallel_loop3A_334 = vector.shape_cast %parallel_loop3A_333 : vector<16xf32> to vector<16xf32>
        %parallel_loop3A_335 = arith.constant 0 : i32
        %parallel_loop3A_336 = tpu.memref_slice %arg12[%parallel_loop3A_86, %parallel_loop3A_335] : memref<16x1024xf32, #tpu.memory_space<vmem>> -> memref<1x1024xf32, #tpu.memory_space<vmem>>
        %parallel_loop3A_337 = tpu.memref_squeeze %parallel_loop3A_336 : memref<1x1024xf32, #tpu.memory_space<vmem>> -> memref<1024xf32, #tpu.memory_space<vmem>>
        %parallel_loop3A_338 = arith.constant 288 : index
        %parallel_loop3A_339 = tpu.vector_load %parallel_loop3A_337[%parallel_loop3A_338] {strides = array<i32>} : memref<1024xf32, #tpu.memory_space<vmem>>, vector<16xf32>,
        %parallel_loop3A_340 = vector.shape_cast %parallel_loop3A_339 : vector<16xf32> to vector<16xf32>
        %parallel_loop3A_341 = vector.shape_cast %parallel_loop3A_334 : vector<16xf32> to vector<16xf32>
        tpu.vector_store %parallel_loop3A_337[%parallel_loop3A_338], %parallel_loop3A_341 {add = true, strides = array<i32>} : memref<1024xf32, #tpu.memory_space<vmem>>, vector<16xf32>,
        %parallel_loop3A_342 = arith.constant 0 : i32
        %parallel_loop3A_343 = tpu.memref_slice %arg10[%parallel_loop3A_94, %parallel_loop3A_342] : memref<72x1024xf32, #tpu.memory_space<vmem>> -> memref<1x1024xf32, #tpu.memory_space<vmem>>
        %parallel_loop3A_344 = tpu.memref_squeeze %parallel_loop3A_343 : memref<1x1024xf32, #tpu.memory_space<vmem>> -> memref<1024xf32, #tpu.memory_space<vmem>>
        %parallel_loop3A_345 = arith.constant 304 : index
        %parallel_loop3A_346 = tpu.vector_load %parallel_loop3A_344[%parallel_loop3A_345] {strides = array<i32>} : memref<1024xf32, #tpu.memory_space<vmem>>, vector<16xf32>,
        %parallel_loop3A_347 = vector.shape_cast %parallel_loop3A_346 : vector<16xf32> to vector<16xf32>
        %parallel_loop3A_348 = arith.constant 0 : i32
        %parallel_loop3A_349 = tpu.memref_slice %arg12[%parallel_loop3A_86, %parallel_loop3A_348] : memref<16x1024xf32, #tpu.memory_space<vmem>> -> memref<1x1024xf32, #tpu.memory_space<vmem>>
        %parallel_loop3A_350 = tpu.memref_squeeze %parallel_loop3A_349 : memref<1x1024xf32, #tpu.memory_space<vmem>> -> memref<1024xf32, #tpu.memory_space<vmem>>
        %parallel_loop3A_351 = arith.constant 304 : index
        %parallel_loop3A_352 = tpu.vector_load %parallel_loop3A_350[%parallel_loop3A_351] {strides = array<i32>} : memref<1024xf32, #tpu.memory_space<vmem>>, vector<16xf32>,
        %parallel_loop3A_353 = vector.shape_cast %parallel_loop3A_352 : vector<16xf32> to vector<16xf32>
        %parallel_loop3A_354 = vector.shape_cast %parallel_loop3A_347 : vector<16xf32> to vector<16xf32>
        tpu.vector_store %parallel_loop3A_350[%parallel_loop3A_351], %parallel_loop3A_354 {add = true, strides = array<i32>} : memref<1024xf32, #tpu.memory_space<vmem>>, vector<16xf32>,
        %parallel_loop3A_355 = arith.constant 0 : i32
        %parallel_loop3A_356 = tpu.memref_slice %arg10[%parallel_loop3A_94, %parallel_loop3A_355] : memref<72x1024xf32, #tpu.memory_space<vmem>> -> memref<1x1024xf32, #tpu.memory_space<vmem>>
        %parallel_loop3A_357 = tpu.memref_squeeze %parallel_loop3A_356 : memref<1x1024xf32, #tpu.memory_space<vmem>> -> memref<1024xf32, #tpu.memory_space<vmem>>
        %parallel_loop3A_358 = arith.constant 320 : index
        %parallel_loop3A_359 = tpu.vector_load %parallel_loop3A_357[%parallel_loop3A_358] {strides = array<i32>} : memref<1024xf32, #tpu.memory_space<vmem>>, vector<16xf32>,
        %parallel_loop3A_360 = vector.shape_cast %parallel_loop3A_359 : vector<16xf32> to vector<16xf32>
        %parallel_loop3A_361 = arith.constant 0 : i32
        %parallel_loop3A_362 = tpu.memref_slice %arg12[%parallel_loop3A_86, %parallel_loop3A_361] : memref<16x1024xf32, #tpu.memory_space<vmem>> -> memref<1x1024xf32, #tpu.memory_space<vmem>>
        %parallel_loop3A_363 = tpu.memref_squeeze %parallel_loop3A_362 : memref<1x1024xf32, #tpu.memory_space<vmem>> -> memref<1024xf32, #tpu.memory_space<vmem>>
        %parallel_loop3A_364 = arith.constant 320 : index
        %parallel_loop3A_365 = tpu.vector_load %parallel_loop3A_363[%parallel_loop3A_364] {strides = array<i32>} : memref<1024xf32, #tpu.memory_space<vmem>>, vector<16xf32>,
        %parallel_loop3A_366 = vector.shape_cast %parallel_loop3A_365 : vector<16xf32> to vector<16xf32>
        %parallel_loop3A_367 = vector.shape_cast %parallel_loop3A_360 : vector<16xf32> to vector<16xf32>
        tpu.vector_store %parallel_loop3A_363[%parallel_loop3A_364], %parallel_loop3A_367 {add = true, strides = array<i32>} : memref<1024xf32, #tpu.memory_space<vmem>>, vector<16xf32>,
        %parallel_loop3A_368 = arith.constant 0 : i32
        %parallel_loop3A_369 = tpu.memref_slice %arg10[%parallel_loop3A_94, %parallel_loop3A_368] : memref<72x1024xf32, #tpu.memory_space<vmem>> -> memref<1x1024xf32, #tpu.memory_space<vmem>>
        %parallel_loop3A_370 = tpu.memref_squeeze %parallel_loop3A_369 : memref<1x1024xf32, #tpu.memory_space<vmem>> -> memref<1024xf32, #tpu.memory_space<vmem>>
        %parallel_loop3A_371 = arith.constant 336 : index
        %parallel_loop3A_372 = tpu.vector_load %parallel_loop3A_370[%parallel_loop3A_371] {strides = array<i32>} : memref<1024xf32, #tpu.memory_space<vmem>>, vector<16xf32>,
        %parallel_loop3A_373 = vector.shape_cast %parallel_loop3A_372 : vector<16xf32> to vector<16xf32>
        %parallel_loop3A_374 = arith.constant 0 : i32
        %parallel_loop3A_375 = tpu.memref_slice %arg12[%parallel_loop3A_86, %parallel_loop3A_374] : memref<16x1024xf32, #tpu.memory_space<vmem>> -> memref<1x1024xf32, #tpu.memory_space<vmem>>
        %parallel_loop3A_376 = tpu.memref_squeeze %parallel_loop3A_375 : memref<1x1024xf32, #tpu.memory_space<vmem>> -> memref<1024xf32, #tpu.memory_space<vmem>>
        %parallel_loop3A_377 = arith.constant 336 : index
        %parallel_loop3A_378 = tpu.vector_load %parallel_loop3A_376[%parallel_loop3A_377] {strides = array<i32>} : memref<1024xf32, #tpu.memory_space<vmem>>, vector<16xf32>,
        %parallel_loop3A_379 = vector.shape_cast %parallel_loop3A_378 : vector<16xf32> to vector<16xf32>
        %parallel_loop3A_380 = vector.shape_cast %parallel_loop3A_373 : vector<16xf32> to vector<16xf32>
        tpu.vector_store %parallel_loop3A_376[%parallel_loop3A_377], %parallel_loop3A_380 {add = true, strides = array<i32>} : memref<1024xf32, #tpu.memory_space<vmem>>, vector<16xf32>,
        %parallel_loop3A_381 = arith.constant 0 : i32
        %parallel_loop3A_382 = tpu.memref_slice %arg10[%parallel_loop3A_94, %parallel_loop3A_381] : memref<72x1024xf32, #tpu.memory_space<vmem>> -> memref<1x1024xf32, #tpu.memory_space<vmem>>
        %parallel_loop3A_383 = tpu.memref_squeeze %parallel_loop3A_382 : memref<1x1024xf32, #tpu.memory_space<vmem>> -> memref<1024xf32, #tpu.memory_space<vmem>>
        %parallel_loop3A_384 = arith.constant 352 : index
        %parallel_loop3A_385 = tpu.vector_load %parallel_loop3A_383[%parallel_loop3A_384] {strides = array<i32>} : memref<1024xf32, #tpu.memory_space<vmem>>, vector<16xf32>,
        %parallel_loop3A_386 = vector.shape_cast %parallel_loop3A_385 : vector<16xf32> to vector<16xf32>
        %parallel_loop3A_387 = arith.constant 0 : i32
        %parallel_loop3A_388 = tpu.memref_slice %arg12[%parallel_loop3A_86, %parallel_loop3A_387] : memref<16x1024xf32, #tpu.memory_space<vmem>> -> memref<1x1024xf32, #tpu.memory_space<vmem>>
        %parallel_loop3A_389 = tpu.memref_squeeze %parallel_loop3A_388 : memref<1x1024xf32, #tpu.memory_space<vmem>> -> memref<1024xf32, #tpu.memory_space<vmem>>
        %parallel_loop3A_390 = arith.constant 352 : index
        %parallel_loop3A_391 = tpu.vector_load %parallel_loop3A_389[%parallel_loop3A_390] {strides = array<i32>} : memref<1024xf32, #tpu.memory_space<vmem>>, vector<16xf32>,
        %parallel_loop3A_392 = vector.shape_cast %parallel_loop3A_391 : vector<16xf32> to vector<16xf32>
        %parallel_loop3A_393 = vector.shape_cast %parallel_loop3A_386 : vector<16xf32> to vector<16xf32>
        tpu.vector_store %parallel_loop3A_389[%parallel_loop3A_390], %parallel_loop3A_393 {add = true, strides = array<i32>} : memref<1024xf32, #tpu.memory_space<vmem>>, vector<16xf32>,
        %parallel_loop3A_394 = arith.constant 0 : i32
        %parallel_loop3A_395 = tpu.memref_slice %arg10[%parallel_loop3A_94, %parallel_loop3A_394] : memref<72x1024xf32, #tpu.memory_space<vmem>> -> memref<1x1024xf32, #tpu.memory_space<vmem>>
        %parallel_loop3A_396 = tpu.memref_squeeze %parallel_loop3A_395 : memref<1x1024xf32, #tpu.memory_space<vmem>> -> memref<1024xf32, #tpu.memory_space<vmem>>
        %parallel_loop3A_397 = arith.constant 368 : index
        %parallel_loop3A_398 = tpu.vector_load %parallel_loop3A_396[%parallel_loop3A_397] {strides = array<i32>} : memref<1024xf32, #tpu.memory_space<vmem>>, vector<16xf32>,
        %parallel_loop3A_399 = vector.shape_cast %parallel_loop3A_398 : vector<16xf32> to vector<16xf32>
        %parallel_loop3A_400 = arith.constant 0 : i32
        %parallel_loop3A_401 = tpu.memref_slice %arg12[%parallel_loop3A_86, %parallel_loop3A_400] : memref<16x1024xf32, #tpu.memory_space<vmem>> -> memref<1x1024xf32, #tpu.memory_space<vmem>>
        %parallel_loop3A_402 = tpu.memref_squeeze %parallel_loop3A_401 : memref<1x1024xf32, #tpu.memory_space<vmem>> -> memref<1024xf32, #tpu.memory_space<vmem>>
        %parallel_loop3A_403 = arith.constant 368 : index
        %parallel_loop3A_404 = tpu.vector_load %parallel_loop3A_402[%parallel_loop3A_403] {strides = array<i32>} : memref<1024xf32, #tpu.memory_space<vmem>>, vector<16xf32>,
        %parallel_loop3A_405 = vector.shape_cast %parallel_loop3A_404 : vector<16xf32> to vector<16xf32>
        %parallel_loop3A_406 = vector.shape_cast %parallel_loop3A_399 : vector<16xf32> to vector<16xf32>
        tpu.vector_store %parallel_loop3A_402[%parallel_loop3A_403], %parallel_loop3A_406 {add = true, strides = array<i32>} : memref<1024xf32, #tpu.memory_space<vmem>>, vector<16xf32>,
        %parallel_loop3A_407 = arith.constant 0 : i32
        %parallel_loop3A_408 = tpu.memref_slice %arg10[%parallel_loop3A_94, %parallel_loop3A_407] : memref<72x1024xf32, #tpu.memory_space<vmem>> -> memref<1x1024xf32, #tpu.memory_space<vmem>>
        %parallel_loop3A_409 = tpu.memref_squeeze %parallel_loop3A_408 : memref<1x1024xf32, #tpu.memory_space<vmem>> -> memref<1024xf32, #tpu.memory_space<vmem>>
        %parallel_loop3A_410 = arith.constant 384 : index
        %parallel_loop3A_411 = tpu.vector_load %parallel_loop3A_409[%parallel_loop3A_410] {strides = array<i32>} : memref<1024xf32, #tpu.memory_space<vmem>>, vector<16xf32>,
        %parallel_loop3A_412 = vector.shape_cast %parallel_loop3A_411 : vector<16xf32> to vector<16xf32>
        %parallel_loop3A_413 = arith.constant 0 : i32
        %parallel_loop3A_414 = tpu.memref_slice %arg12[%parallel_loop3A_86, %parallel_loop3A_413] : memref<16x1024xf32, #tpu.memory_space<vmem>> -> memref<1x1024xf32, #tpu.memory_space<vmem>>
        %parallel_loop3A_415 = tpu.memref_squeeze %parallel_loop3A_414 : memref<1x1024xf32, #tpu.memory_space<vmem>> -> memref<1024xf32, #tpu.memory_space<vmem>>
        %parallel_loop3A_416 = arith.constant 384 : index
        %parallel_loop3A_417 = tpu.vector_load %parallel_loop3A_415[%parallel_loop3A_416] {strides = array<i32>} : memref<1024xf32, #tpu.memory_space<vmem>>, vector<16xf32>,
        %parallel_loop3A_418 = vector.shape_cast %parallel_loop3A_417 : vector<16xf32> to vector<16xf32>
        %parallel_loop3A_419 = vector.shape_cast %parallel_loop3A_412 : vector<16xf32> to vector<16xf32>
        tpu.vector_store %parallel_loop3A_415[%parallel_loop3A_416], %parallel_loop3A_419 {add = true, strides = array<i32>} : memref<1024xf32, #tpu.memory_space<vmem>>, vector<16xf32>,
        %parallel_loop3A_420 = arith.constant 0 : i32
        %parallel_loop3A_421 = tpu.memref_slice %arg10[%parallel_loop3A_94, %parallel_loop3A_420] : memref<72x1024xf32, #tpu.memory_space<vmem>> -> memref<1x1024xf32, #tpu.memory_space<vmem>>
        %parallel_loop3A_422 = tpu.memref_squeeze %parallel_loop3A_421 : memref<1x1024xf32, #tpu.memory_space<vmem>> -> memref<1024xf32, #tpu.memory_space<vmem>>
        %parallel_loop3A_423 = arith.constant 400 : index
        %parallel_loop3A_424 = tpu.vector_load %parallel_loop3A_422[%parallel_loop3A_423] {strides = array<i32>} : memref<1024xf32, #tpu.memory_space<vmem>>, vector<16xf32>,
        %parallel_loop3A_425 = vector.shape_cast %parallel_loop3A_424 : vector<16xf32> to vector<16xf32>
        %parallel_loop3A_426 = arith.constant 0 : i32
        %parallel_loop3A_427 = tpu.memref_slice %arg12[%parallel_loop3A_86, %parallel_loop3A_426] : memref<16x1024xf32, #tpu.memory_space<vmem>> -> memref<1x1024xf32, #tpu.memory_space<vmem>>
        %parallel_loop3A_428 = tpu.memref_squeeze %parallel_loop3A_427 : memref<1x1024xf32, #tpu.memory_space<vmem>> -> memref<1024xf32, #tpu.memory_space<vmem>>
        %parallel_loop3A_429 = arith.constant 400 : index
        %parallel_loop3A_430 = tpu.vector_load %parallel_loop3A_428[%parallel_loop3A_429] {strides = array<i32>} : memref<1024xf32, #tpu.memory_space<vmem>>, vector<16xf32>,
        %parallel_loop3A_431 = vector.shape_cast %parallel_loop3A_430 : vector<16xf32> to vector<16xf32>
        %parallel_loop3A_432 = vector.shape_cast %parallel_loop3A_425 : vector<16xf32> to vector<16xf32>
        tpu.vector_store %parallel_loop3A_428[%parallel_loop3A_429], %parallel_loop3A_432 {add = true, strides = array<i32>} : memref<1024xf32, #tpu.memory_space<vmem>>, vector<16xf32>,
        %parallel_loop3A_433 = arith.constant 0 : i32
        %parallel_loop3A_434 = tpu.memref_slice %arg10[%parallel_loop3A_94, %parallel_loop3A_433] : memref<72x1024xf32, #tpu.memory_space<vmem>> -> memref<1x1024xf32, #tpu.memory_space<vmem>>
        %parallel_loop3A_435 = tpu.memref_squeeze %parallel_loop3A_434 : memref<1x1024xf32, #tpu.memory_space<vmem>> -> memref<1024xf32, #tpu.memory_space<vmem>>
        %parallel_loop3A_436 = arith.constant 416 : index
        %parallel_loop3A_437 = tpu.vector_load %parallel_loop3A_435[%parallel_loop3A_436] {strides = array<i32>} : memref<1024xf32, #tpu.memory_space<vmem>>, vector<16xf32>,
        %parallel_loop3A_438 = vector.shape_cast %parallel_loop3A_437 : vector<16xf32> to vector<16xf32>
        %parallel_loop3A_439 = arith.constant 0 : i32
        %parallel_loop3A_440 = tpu.memref_slice %arg12[%parallel_loop3A_86, %parallel_loop3A_439] : memref<16x1024xf32, #tpu.memory_space<vmem>> -> memref<1x1024xf32, #tpu.memory_space<vmem>>
        %parallel_loop3A_441 = tpu.memref_squeeze %parallel_loop3A_440 : memref<1x1024xf32, #tpu.memory_space<vmem>> -> memref<1024xf32, #tpu.memory_space<vmem>>
        %parallel_loop3A_442 = arith.constant 416 : index
        %parallel_loop3A_443 = tpu.vector_load %parallel_loop3A_441[%parallel_loop3A_442] {strides = array<i32>} : memref<1024xf32, #tpu.memory_space<vmem>>, vector<16xf32>,
        %parallel_loop3A_444 = vector.shape_cast %parallel_loop3A_443 : vector<16xf32> to vector<16xf32>
        %parallel_loop3A_445 = vector.shape_cast %parallel_loop3A_438 : vector<16xf32> to vector<16xf32>
        tpu.vector_store %parallel_loop3A_441[%parallel_loop3A_442], %parallel_loop3A_445 {add = true, strides = array<i32>} : memref<1024xf32, #tpu.memory_space<vmem>>, vector<16xf32>,
        %parallel_loop3A_446 = arith.constant 0 : i32
        %parallel_loop3A_447 = tpu.memref_slice %arg10[%parallel_loop3A_94, %parallel_loop3A_446] : memref<72x1024xf32, #tpu.memory_space<vmem>> -> memref<1x1024xf32, #tpu.memory_space<vmem>>
        %parallel_loop3A_448 = tpu.memref_squeeze %parallel_loop3A_447 : memref<1x1024xf32, #tpu.memory_space<vmem>> -> memref<1024xf32, #tpu.memory_space<vmem>>
        %parallel_loop3A_449 = arith.constant 432 : index
        %parallel_loop3A_450 = tpu.vector_load %parallel_loop3A_448[%parallel_loop3A_449] {strides = array<i32>} : memref<1024xf32, #tpu.memory_space<vmem>>, vector<16xf32>,
        %parallel_loop3A_451 = vector.shape_cast %parallel_loop3A_450 : vector<16xf32> to vector<16xf32>
        %parallel_loop3A_452 = arith.constant 0 : i32
        %parallel_loop3A_453 = tpu.memref_slice %arg12[%parallel_loop3A_86, %parallel_loop3A_452] : memref<16x1024xf32, #tpu.memory_space<vmem>> -> memref<1x1024xf32, #tpu.memory_space<vmem>>
        %parallel_loop3A_454 = tpu.memref_squeeze %parallel_loop3A_453 : memref<1x1024xf32, #tpu.memory_space<vmem>> -> memref<1024xf32, #tpu.memory_space<vmem>>
        %parallel_loop3A_455 = arith.constant 432 : index
        %parallel_loop3A_456 = tpu.vector_load %parallel_loop3A_454[%parallel_loop3A_455] {strides = array<i32>} : memref<1024xf32, #tpu.memory_space<vmem>>, vector<16xf32>,
        %parallel_loop3A_457 = vector.shape_cast %parallel_loop3A_456 : vector<16xf32> to vector<16xf32>
        %parallel_loop3A_458 = vector.shape_cast %parallel_loop3A_451 : vector<16xf32> to vector<16xf32>
        tpu.vector_store %parallel_loop3A_454[%parallel_loop3A_455], %parallel_loop3A_458 {add = true, strides = array<i32>} : memref<1024xf32, #tpu.memory_space<vmem>>, vector<16xf32>,
        %parallel_loop3A_459 = arith.constant 0 : i32
        %parallel_loop3A_460 = tpu.memref_slice %arg10[%parallel_loop3A_94, %parallel_loop3A_459] : memref<72x1024xf32, #tpu.memory_space<vmem>> -> memref<1x1024xf32, #tpu.memory_space<vmem>>
        %parallel_loop3A_461 = tpu.memref_squeeze %parallel_loop3A_460 : memref<1x1024xf32, #tpu.memory_space<vmem>> -> memref<1024xf32, #tpu.memory_space<vmem>>
        %parallel_loop3A_462 = arith.constant 448 : index
        %parallel_loop3A_463 = tpu.vector_load %parallel_loop3A_461[%parallel_loop3A_462] {strides = array<i32>} : memref<1024xf32, #tpu.memory_space<vmem>>, vector<16xf32>,
        %parallel_loop3A_464 = vector.shape_cast %parallel_loop3A_463 : vector<16xf32> to vector<16xf32>
        %parallel_loop3A_465 = arith.constant 0 : i32
        %parallel_loop3A_466 = tpu.memref_slice %arg12[%parallel_loop3A_86, %parallel_loop3A_465] : memref<16x1024xf32, #tpu.memory_space<vmem>> -> memref<1x1024xf32, #tpu.memory_space<vmem>>
        %parallel_loop3A_467 = tpu.memref_squeeze %parallel_loop3A_466 : memref<1x1024xf32, #tpu.memory_space<vmem>> -> memref<1024xf32, #tpu.memory_space<vmem>>
        %parallel_loop3A_468 = arith.constant 448 : index
        %parallel_loop3A_469 = tpu.vector_load %parallel_loop3A_467[%parallel_loop3A_468] {strides = array<i32>} : memref<1024xf32, #tpu.memory_space<vmem>>, vector<16xf32>,
        %parallel_loop3A_470 = vector.shape_cast %parallel_loop3A_469 : vector<16xf32> to vector<16xf32>
        %parallel_loop3A_471 = vector.shape_cast %parallel_loop3A_464 : vector<16xf32> to vector<16xf32>
        tpu.vector_store %parallel_loop3A_467[%parallel_loop3A_468], %parallel_loop3A_471 {add = true, strides = array<i32>} : memref<1024xf32, #tpu.memory_space<vmem>>, vector<16xf32>,
        %parallel_loop3A_472 = arith.constant 0 : i32
        %parallel_loop3A_473 = tpu.memref_slice %arg10[%parallel_loop3A_94, %parallel_loop3A_472] : memref<72x1024xf32, #tpu.memory_space<vmem>> -> memref<1x1024xf32, #tpu.memory_space<vmem>>
        %parallel_loop3A_474 = tpu.memref_squeeze %parallel_loop3A_473 : memref<1x1024xf32, #tpu.memory_space<vmem>> -> memref<1024xf32, #tpu.memory_space<vmem>>
        %parallel_loop3A_475 = arith.constant 464 : index
        %parallel_loop3A_476 = tpu.vector_load %parallel_loop3A_474[%parallel_loop3A_475] {strides = array<i32>} : memref<1024xf32, #tpu.memory_space<vmem>>, vector<16xf32>,
        %parallel_loop3A_477 = vector.shape_cast %parallel_loop3A_476 : vector<16xf32> to vector<16xf32>
        %parallel_loop3A_478 = arith.constant 0 : i32
        %parallel_loop3A_479 = tpu.memref_slice %arg12[%parallel_loop3A_86, %parallel_loop3A_478] : memref<16x1024xf32, #tpu.memory_space<vmem>> -> memref<1x1024xf32, #tpu.memory_space<vmem>>
        %parallel_loop3A_480 = tpu.memref_squeeze %parallel_loop3A_479 : memref<1x1024xf32, #tpu.memory_space<vmem>> -> memref<1024xf32, #tpu.memory_space<vmem>>
        %parallel_loop3A_481 = arith.constant 464 : index
        %parallel_loop3A_482 = tpu.vector_load %parallel_loop3A_480[%parallel_loop3A_481] {strides = array<i32>} : memref<1024xf32, #tpu.memory_space<vmem>>, vector<16xf32>,
        %parallel_loop3A_483 = vector.shape_cast %parallel_loop3A_482 : vector<16xf32> to vector<16xf32>
        %parallel_loop3A_484 = vector.shape_cast %parallel_loop3A_477 : vector<16xf32> to vector<16xf32>
        tpu.vector_store %parallel_loop3A_480[%parallel_loop3A_481], %parallel_loop3A_484 {add = true, strides = array<i32>} : memref<1024xf32, #tpu.memory_space<vmem>>, vector<16xf32>,
        %parallel_loop3A_485 = arith.constant 0 : i32
        %parallel_loop3A_486 = tpu.memref_slice %arg10[%parallel_loop3A_94, %parallel_loop3A_485] : memref<72x1024xf32, #tpu.memory_space<vmem>> -> memref<1x1024xf32, #tpu.memory_space<vmem>>
        %parallel_loop3A_487 = tpu.memref_squeeze %parallel_loop3A_486 : memref<1x1024xf32, #tpu.memory_space<vmem>> -> memref<1024xf32, #tpu.memory_space<vmem>>
        %parallel_loop3A_488 = arith.constant 480 : index
        %parallel_loop3A_489 = tpu.vector_load %parallel_loop3A_487[%parallel_loop3A_488] {strides = array<i32>} : memref<1024xf32, #tpu.memory_space<vmem>>, vector<16xf32>,
        %parallel_loop3A_490 = vector.shape_cast %parallel_loop3A_489 : vector<16xf32> to vector<16xf32>
        %parallel_loop3A_491 = arith.constant 0 : i32
        %parallel_loop3A_492 = tpu.memref_slice %arg12[%parallel_loop3A_86, %parallel_loop3A_491] : memref<16x1024xf32, #tpu.memory_space<vmem>> -> memref<1x1024xf32, #tpu.memory_space<vmem>>
        %parallel_loop3A_493 = tpu.memref_squeeze %parallel_loop3A_492 : memref<1x1024xf32, #tpu.memory_space<vmem>> -> memref<1024xf32, #tpu.memory_space<vmem>>
        %parallel_loop3A_494 = arith.constant 480 : index
        %parallel_loop3A_495 = tpu.vector_load %parallel_loop3A_493[%parallel_loop3A_494] {strides = array<i32>} : memref<1024xf32, #tpu.memory_space<vmem>>, vector<16xf32>,
        %parallel_loop3A_496 = vector.shape_cast %parallel_loop3A_495 : vector<16xf32> to vector<16xf32>
        %parallel_loop3A_497 = vector.shape_cast %parallel_loop3A_490 : vector<16xf32> to vector<16xf32>
        tpu.vector_store %parallel_loop3A_493[%parallel_loop3A_494], %parallel_loop3A_497 {add = true, strides = array<i32>} : memref<1024xf32, #tpu.memory_space<vmem>>, vector<16xf32>,
        %parallel_loop3A_498 = arith.constant 0 : i32
        %parallel_loop3A_499 = tpu.memref_slice %arg10[%parallel_loop3A_94, %parallel_loop3A_498] : memref<72x1024xf32, #tpu.memory_space<vmem>> -> memref<1x1024xf32, #tpu.memory_space<vmem>>
        %parallel_loop3A_500 = tpu.memref_squeeze %parallel_loop3A_499 : memref<1x1024xf32, #tpu.memory_space<vmem>> -> memref<1024xf32, #tpu.memory_space<vmem>>
        %parallel_loop3A_501 = arith.constant 496 : index
        %parallel_loop3A_502 = tpu.vector_load %parallel_loop3A_500[%parallel_loop3A_501] {strides = array<i32>} : memref<1024xf32, #tpu.memory_space<vmem>>, vector<16xf32>,
        %parallel_loop3A_503 = vector.shape_cast %parallel_loop3A_502 : vector<16xf32> to vector<16xf32>
        %parallel_loop3A_504 = arith.constant 0 : i32
        %parallel_loop3A_505 = tpu.memref_slice %arg12[%parallel_loop3A_86, %parallel_loop3A_504] : memref<16x1024xf32, #tpu.memory_space<vmem>> -> memref<1x1024xf32, #tpu.memory_space<vmem>>
        %parallel_loop3A_506 = tpu.memref_squeeze %parallel_loop3A_505 : memref<1x1024xf32, #tpu.memory_space<vmem>> -> memref<1024xf32, #tpu.memory_space<vmem>>
        %parallel_loop3A_507 = arith.constant 496 : index
        %parallel_loop3A_508 = tpu.vector_load %parallel_loop3A_506[%parallel_loop3A_507] {strides = array<i32>} : memref<1024xf32, #tpu.memory_space<vmem>>, vector<16xf32>,
        %parallel_loop3A_509 = vector.shape_cast %parallel_loop3A_508 : vector<16xf32> to vector<16xf32>
        %parallel_loop3A_510 = vector.shape_cast %parallel_loop3A_503 : vector<16xf32> to vector<16xf32>
        tpu.vector_store %parallel_loop3A_506[%parallel_loop3A_507], %parallel_loop3A_510 {add = true, strides = array<i32>} : memref<1024xf32, #tpu.memory_space<vmem>>, vector<16xf32>,
        %parallel_loop3A_511 = arith.constant 0 : i32
        %parallel_loop3A_512 = tpu.memref_slice %arg10[%parallel_loop3A_94, %parallel_loop3A_511] : memref<72x1024xf32, #tpu.memory_space<vmem>> -> memref<1x1024xf32, #tpu.memory_space<vmem>>
        %parallel_loop3A_513 = tpu.memref_squeeze %parallel_loop3A_512 : memref<1x1024xf32, #tpu.memory_space<vmem>> -> memref<1024xf32, #tpu.memory_space<vmem>>
        %parallel_loop3A_514 = arith.constant 512 : index
        %parallel_loop3A_515 = tpu.vector_load %parallel_loop3A_513[%parallel_loop3A_514] {strides = array<i32>} : memref<1024xf32, #tpu.memory_space<vmem>>, vector<16xf32>,
        %parallel_loop3A_516 = vector.shape_cast %parallel_loop3A_515 : vector<16xf32> to vector<16xf32>
        %parallel_loop3A_517 = arith.constant 0 : i32
        %parallel_loop3A_518 = tpu.memref_slice %arg12[%parallel_loop3A_86, %parallel_loop3A_517] : memref<16x1024xf32, #tpu.memory_space<vmem>> -> memref<1x1024xf32, #tpu.memory_space<vmem>>
        %parallel_loop3A_519 = tpu.memref_squeeze %parallel_loop3A_518 : memref<1x1024xf32, #tpu.memory_space<vmem>> -> memref<1024xf32, #tpu.memory_space<vmem>>
        %parallel_loop3A_520 = arith.constant 512 : index
        %parallel_loop3A_521 = tpu.vector_load %parallel_loop3A_519[%parallel_loop3A_520] {strides = array<i32>} : memref<1024xf32, #tpu.memory_space<vmem>>, vector<16xf32>,
        %parallel_loop3A_522 = vector.shape_cast %parallel_loop3A_521 : vector<16xf32> to vector<16xf32>
        %parallel_loop3A_523 = vector.shape_cast %parallel_loop3A_516 : vector<16xf32> to vector<16xf32>
        tpu.vector_store %parallel_loop3A_519[%parallel_loop3A_520], %parallel_loop3A_523 {add = true, strides = array<i32>} : memref<1024xf32, #tpu.memory_space<vmem>>, vector<16xf32>,
        %parallel_loop3A_524 = arith.constant 0 : i32
        %parallel_loop3A_525 = tpu.memref_slice %arg10[%parallel_loop3A_94, %parallel_loop3A_524] : memref<72x1024xf32, #tpu.memory_space<vmem>> -> memref<1x1024xf32, #tpu.memory_space<vmem>>
        %parallel_loop3A_526 = tpu.memref_squeeze %parallel_loop3A_525 : memref<1x1024xf32, #tpu.memory_space<vmem>> -> memref<1024xf32, #tpu.memory_space<vmem>>
        %parallel_loop3A_527 = arith.constant 528 : index
        %parallel_loop3A_528 = tpu.vector_load %parallel_loop3A_526[%parallel_loop3A_527] {strides = array<i32>} : memref<1024xf32, #tpu.memory_space<vmem>>, vector<16xf32>,
        %parallel_loop3A_529 = vector.shape_cast %parallel_loop3A_528 : vector<16xf32> to vector<16xf32>
        %parallel_loop3A_530 = arith.constant 0 : i32
        %parallel_loop3A_531 = tpu.memref_slice %arg12[%parallel_loop3A_86, %parallel_loop3A_530] : memref<16x1024xf32, #tpu.memory_space<vmem>> -> memref<1x1024xf32, #tpu.memory_space<vmem>>
        %parallel_loop3A_532 = tpu.memref_squeeze %parallel_loop3A_531 : memref<1x1024xf32, #tpu.memory_space<vmem>> -> memref<1024xf32, #tpu.memory_space<vmem>>
        %parallel_loop3A_533 = arith.constant 528 : index
        %parallel_loop3A_534 = tpu.vector_load %parallel_loop3A_532[%parallel_loop3A_533] {strides = array<i32>} : memref<1024xf32, #tpu.memory_space<vmem>>, vector<16xf32>,
        %parallel_loop3A_535 = vector.shape_cast %parallel_loop3A_534 : vector<16xf32> to vector<16xf32>
        %parallel_loop3A_536 = vector.shape_cast %parallel_loop3A_529 : vector<16xf32> to vector<16xf32>
        tpu.vector_store %parallel_loop3A_532[%parallel_loop3A_533], %parallel_loop3A_536 {add = true, strides = array<i32>} : memref<1024xf32, #tpu.memory_space<vmem>>, vector<16xf32>,
        %parallel_loop3A_537 = arith.constant 0 : i32
        %parallel_loop3A_538 = tpu.memref_slice %arg10[%parallel_loop3A_94, %parallel_loop3A_537] : memref<72x1024xf32, #tpu.memory_space<vmem>> -> memref<1x1024xf32, #tpu.memory_space<vmem>>
        %parallel_loop3A_539 = tpu.memref_squeeze %parallel_loop3A_538 : memref<1x1024xf32, #tpu.memory_space<vmem>> -> memref<1024xf32, #tpu.memory_space<vmem>>
        %parallel_loop3A_540 = arith.constant 544 : index
        %parallel_loop3A_541 = tpu.vector_load %parallel_loop3A_539[%parallel_loop3A_540] {strides = array<i32>} : memref<1024xf32, #tpu.memory_space<vmem>>, vector<16xf32>,
        %parallel_loop3A_542 = vector.shape_cast %parallel_loop3A_541 : vector<16xf32> to vector<16xf32>
        %parallel_loop3A_543 = arith.constant 0 : i32
        %parallel_loop3A_544 = tpu.memref_slice %arg12[%parallel_loop3A_86, %parallel_loop3A_543] : memref<16x1024xf32, #tpu.memory_space<vmem>> -> memref<1x1024xf32, #tpu.memory_space<vmem>>
        %parallel_loop3A_545 = tpu.memref_squeeze %parallel_loop3A_544 : memref<1x1024xf32, #tpu.memory_space<vmem>> -> memref<1024xf32, #tpu.memory_space<vmem>>
        %parallel_loop3A_546 = arith.constant 544 : index
        %parallel_loop3A_547 = tpu.vector_load %parallel_loop3A_545[%parallel_loop3A_546] {strides = array<i32>} : memref<1024xf32, #tpu.memory_space<vmem>>, vector<16xf32>,
        %parallel_loop3A_548 = vector.shape_cast %parallel_loop3A_547 : vector<16xf32> to vector<16xf32>
        %parallel_loop3A_549 = vector.shape_cast %parallel_loop3A_542 : vector<16xf32> to vector<16xf32>
        tpu.vector_store %parallel_loop3A_545[%parallel_loop3A_546], %parallel_loop3A_549 {add = true, strides = array<i32>} : memref<1024xf32, #tpu.memory_space<vmem>>, vector<16xf32>,
        %parallel_loop3A_550 = arith.constant 0 : i32
        %parallel_loop3A_551 = tpu.memref_slice %arg10[%parallel_loop3A_94, %parallel_loop3A_550] : memref<72x1024xf32, #tpu.memory_space<vmem>> -> memref<1x1024xf32, #tpu.memory_space<vmem>>
        %parallel_loop3A_552 = tpu.memref_squeeze %parallel_loop3A_551 : memref<1x1024xf32, #tpu.memory_space<vmem>> -> memref<1024xf32, #tpu.memory_space<vmem>>
        %parallel_loop3A_553 = arith.constant 560 : index
        %parallel_loop3A_554 = tpu.vector_load %parallel_loop3A_552[%parallel_loop3A_553] {strides = array<i32>} : memref<1024xf32, #tpu.memory_space<vmem>>, vector<16xf32>,
        %parallel_loop3A_555 = vector.shape_cast %parallel_loop3A_554 : vector<16xf32> to vector<16xf32>
        %parallel_loop3A_556 = arith.constant 0 : i32
        %parallel_loop3A_557 = tpu.memref_slice %arg12[%parallel_loop3A_86, %parallel_loop3A_556] : memref<16x1024xf32, #tpu.memory_space<vmem>> -> memref<1x1024xf32, #tpu.memory_space<vmem>>
        %parallel_loop3A_558 = tpu.memref_squeeze %parallel_loop3A_557 : memref<1x1024xf32, #tpu.memory_space<vmem>> -> memref<1024xf32, #tpu.memory_space<vmem>>
        %parallel_loop3A_559 = arith.constant 560 : index
        %parallel_loop3A_560 = tpu.vector_load %parallel_loop3A_558[%parallel_loop3A_559] {strides = array<i32>} : memref<1024xf32, #tpu.memory_space<vmem>>, vector<16xf32>,
        %parallel_loop3A_561 = vector.shape_cast %parallel_loop3A_560 : vector<16xf32> to vector<16xf32>
        %parallel_loop3A_562 = vector.shape_cast %parallel_loop3A_555 : vector<16xf32> to vector<16xf32>
        tpu.vector_store %parallel_loop3A_558[%parallel_loop3A_559], %parallel_loop3A_562 {add = true, strides = array<i32>} : memref<1024xf32, #tpu.memory_space<vmem>>, vector<16xf32>,
        %parallel_loop3A_563 = arith.constant 0 : i32
        %parallel_loop3A_564 = tpu.memref_slice %arg10[%parallel_loop3A_94, %parallel_loop3A_563] : memref<72x1024xf32, #tpu.memory_space<vmem>> -> memref<1x1024xf32, #tpu.memory_space<vmem>>
        %parallel_loop3A_565 = tpu.memref_squeeze %parallel_loop3A_564 : memref<1x1024xf32, #tpu.memory_space<vmem>> -> memref<1024xf32, #tpu.memory_space<vmem>>
        %parallel_loop3A_566 = arith.constant 576 : index
        %parallel_loop3A_567 = tpu.vector_load %parallel_loop3A_565[%parallel_loop3A_566] {strides = array<i32>} : memref<1024xf32, #tpu.memory_space<vmem>>, vector<16xf32>,
        %parallel_loop3A_568 = vector.shape_cast %parallel_loop3A_567 : vector<16xf32> to vector<16xf32>
        %parallel_loop3A_569 = arith.constant 0 : i32
        %parallel_loop3A_570 = tpu.memref_slice %arg12[%parallel_loop3A_86, %parallel_loop3A_569] : memref<16x1024xf32, #tpu.memory_space<vmem>> -> memref<1x1024xf32, #tpu.memory_space<vmem>>
        %parallel_loop3A_571 = tpu.memref_squeeze %parallel_loop3A_570 : memref<1x1024xf32, #tpu.memory_space<vmem>> -> memref<1024xf32, #tpu.memory_space<vmem>>
        %parallel_loop3A_572 = arith.constant 576 : index
        %parallel_loop3A_573 = tpu.vector_load %parallel_loop3A_571[%parallel_loop3A_572] {strides = array<i32>} : memref<1024xf32, #tpu.memory_space<vmem>>, vector<16xf32>,
        %parallel_loop3A_574 = vector.shape_cast %parallel_loop3A_573 : vector<16xf32> to vector<16xf32>
        %parallel_loop3A_575 = vector.shape_cast %parallel_loop3A_568 : vector<16xf32> to vector<16xf32>
        tpu.vector_store %parallel_loop3A_571[%parallel_loop3A_572], %parallel_loop3A_575 {add = true, strides = array<i32>} : memref<1024xf32, #tpu.memory_space<vmem>>, vector<16xf32>,
        %parallel_loop3A_576 = arith.constant 0 : i32
        %parallel_loop3A_577 = tpu.memref_slice %arg10[%parallel_loop3A_94, %parallel_loop3A_576] : memref<72x1024xf32, #tpu.memory_space<vmem>> -> memref<1x1024xf32, #tpu.memory_space<vmem>>
        %parallel_loop3A_578 = tpu.memref_squeeze %parallel_loop3A_577 : memref<1x1024xf32, #tpu.memory_space<vmem>> -> memref<1024xf32, #tpu.memory_space<vmem>>
        %parallel_loop3A_579 = arith.constant 592 : index
        %parallel_loop3A_580 = tpu.vector_load %parallel_loop3A_578[%parallel_loop3A_579] {strides = array<i32>} : memref<1024xf32, #tpu.memory_space<vmem>>, vector<16xf32>,
        %parallel_loop3A_581 = vector.shape_cast %parallel_loop3A_580 : vector<16xf32> to vector<16xf32>
        %parallel_loop3A_582 = arith.constant 0 : i32
        %parallel_loop3A_583 = tpu.memref_slice %arg12[%parallel_loop3A_86, %parallel_loop3A_582] : memref<16x1024xf32, #tpu.memory_space<vmem>> -> memref<1x1024xf32, #tpu.memory_space<vmem>>
        %parallel_loop3A_584 = tpu.memref_squeeze %parallel_loop3A_583 : memref<1x1024xf32, #tpu.memory_space<vmem>> -> memref<1024xf32, #tpu.memory_space<vmem>>
        %parallel_loop3A_585 = arith.constant 592 : index
        %parallel_loop3A_586 = tpu.vector_load %parallel_loop3A_584[%parallel_loop3A_585] {strides = array<i32>} : memref<1024xf32, #tpu.memory_space<vmem>>, vector<16xf32>,
        %parallel_loop3A_587 = vector.shape_cast %parallel_loop3A_586 : vector<16xf32> to vector<16xf32>
        %parallel_loop3A_588 = vector.shape_cast %parallel_loop3A_581 : vector<16xf32> to vector<16xf32>
        tpu.vector_store %parallel_loop3A_584[%parallel_loop3A_585], %parallel_loop3A_588 {add = true, strides = array<i32>} : memref<1024xf32, #tpu.memory_space<vmem>>, vector<16xf32>,
        %parallel_loop3A_589 = arith.constant 0 : i32
        %parallel_loop3A_590 = tpu.memref_slice %arg10[%parallel_loop3A_94, %parallel_loop3A_589] : memref<72x1024xf32, #tpu.memory_space<vmem>> -> memref<1x1024xf32, #tpu.memory_space<vmem>>
        %parallel_loop3A_591 = tpu.memref_squeeze %parallel_loop3A_590 : memref<1x1024xf32, #tpu.memory_space<vmem>> -> memref<1024xf32, #tpu.memory_space<vmem>>
        %parallel_loop3A_592 = arith.constant 608 : index
        %parallel_loop3A_593 = tpu.vector_load %parallel_loop3A_591[%parallel_loop3A_592] {strides = array<i32>} : memref<1024xf32, #tpu.memory_space<vmem>>, vector<16xf32>,
        %parallel_loop3A_594 = vector.shape_cast %parallel_loop3A_593 : vector<16xf32> to vector<16xf32>
        %parallel_loop3A_595 = arith.constant 0 : i32
        %parallel_loop3A_596 = tpu.memref_slice %arg12[%parallel_loop3A_86, %parallel_loop3A_595] : memref<16x1024xf32, #tpu.memory_space<vmem>> -> memref<1x1024xf32, #tpu.memory_space<vmem>>
        %parallel_loop3A_597 = tpu.memref_squeeze %parallel_loop3A_596 : memref<1x1024xf32, #tpu.memory_space<vmem>> -> memref<1024xf32, #tpu.memory_space<vmem>>
        %parallel_loop3A_598 = arith.constant 608 : index
        %parallel_loop3A_599 = tpu.vector_load %parallel_loop3A_597[%parallel_loop3A_598] {strides = array<i32>} : memref<1024xf32, #tpu.memory_space<vmem>>, vector<16xf32>,
        %parallel_loop3A_600 = vector.shape_cast %parallel_loop3A_599 : vector<16xf32> to vector<16xf32>
        %parallel_loop3A_601 = vector.shape_cast %parallel_loop3A_594 : vector<16xf32> to vector<16xf32>
        tpu.vector_store %parallel_loop3A_597[%parallel_loop3A_598], %parallel_loop3A_601 {add = true, strides = array<i32>} : memref<1024xf32, #tpu.memory_space<vmem>>, vector<16xf32>,
        %parallel_loop3A_602 = arith.constant 0 : i32
        %parallel_loop3A_603 = tpu.memref_slice %arg10[%parallel_loop3A_94, %parallel_loop3A_602] : memref<72x1024xf32, #tpu.memory_space<vmem>> -> memref<1x1024xf32, #tpu.memory_space<vmem>>
        %parallel_loop3A_604 = tpu.memref_squeeze %parallel_loop3A_603 : memref<1x1024xf32, #tpu.memory_space<vmem>> -> memref<1024xf32, #tpu.memory_space<vmem>>
        %parallel_loop3A_605 = arith.constant 624 : index
        %parallel_loop3A_606 = tpu.vector_load %parallel_loop3A_604[%parallel_loop3A_605] {strides = array<i32>} : memref<1024xf32, #tpu.memory_space<vmem>>, vector<16xf32>,
        %parallel_loop3A_607 = vector.shape_cast %parallel_loop3A_606 : vector<16xf32> to vector<16xf32>
        %parallel_loop3A_608 = arith.constant 0 : i32
        %parallel_loop3A_609 = tpu.memref_slice %arg12[%parallel_loop3A_86, %parallel_loop3A_608] : memref<16x1024xf32, #tpu.memory_space<vmem>> -> memref<1x1024xf32, #tpu.memory_space<vmem>>
        %parallel_loop3A_610 = tpu.memref_squeeze %parallel_loop3A_609 : memref<1x1024xf32, #tpu.memory_space<vmem>> -> memref<1024xf32, #tpu.memory_space<vmem>>
        %parallel_loop3A_611 = arith.constant 624 : index
        %parallel_loop3A_612 = tpu.vector_load %parallel_loop3A_610[%parallel_loop3A_611] {strides = array<i32>} : memref<1024xf32, #tpu.memory_space<vmem>>, vector<16xf32>,
        %parallel_loop3A_613 = vector.shape_cast %parallel_loop3A_612 : vector<16xf32> to vector<16xf32>
        %parallel_loop3A_614 = vector.shape_cast %parallel_loop3A_607 : vector<16xf32> to vector<16xf32>
        tpu.vector_store %parallel_loop3A_610[%parallel_loop3A_611], %parallel_loop3A_614 {add = true, strides = array<i32>} : memref<1024xf32, #tpu.memory_space<vmem>>, vector<16xf32>,
        %parallel_loop3A_615 = arith.constant 0 : i32
        %parallel_loop3A_616 = tpu.memref_slice %arg10[%parallel_loop3A_94, %parallel_loop3A_615] : memref<72x1024xf32, #tpu.memory_space<vmem>> -> memref<1x1024xf32, #tpu.memory_space<vmem>>
        %parallel_loop3A_617 = tpu.memref_squeeze %parallel_loop3A_616 : memref<1x1024xf32, #tpu.memory_space<vmem>> -> memref<1024xf32, #tpu.memory_space<vmem>>
        %parallel_loop3A_618 = arith.constant 640 : index
        %parallel_loop3A_619 = tpu.vector_load %parallel_loop3A_617[%parallel_loop3A_618] {strides = array<i32>} : memref<1024xf32, #tpu.memory_space<vmem>>, vector<16xf32>,
        %parallel_loop3A_620 = vector.shape_cast %parallel_loop3A_619 : vector<16xf32> to vector<16xf32>
        %parallel_loop3A_621 = arith.constant 0 : i32
        %parallel_loop3A_622 = tpu.memref_slice %arg12[%parallel_loop3A_86, %parallel_loop3A_621] : memref<16x1024xf32, #tpu.memory_space<vmem>> -> memref<1x1024xf32, #tpu.memory_space<vmem>>
        %parallel_loop3A_623 = tpu.memref_squeeze %parallel_loop3A_622 : memref<1x1024xf32, #tpu.memory_space<vmem>> -> memref<1024xf32, #tpu.memory_space<vmem>>
        %parallel_loop3A_624 = arith.constant 640 : index
        %parallel_loop3A_625 = tpu.vector_load %parallel_loop3A_623[%parallel_loop3A_624] {strides = array<i32>} : memref<1024xf32, #tpu.memory_space<vmem>>, vector<16xf32>,
        %parallel_loop3A_626 = vector.shape_cast %parallel_loop3A_625 : vector<16xf32> to vector<16xf32>
        %parallel_loop3A_627 = vector.shape_cast %parallel_loop3A_620 : vector<16xf32> to vector<16xf32>
        tpu.vector_store %parallel_loop3A_623[%parallel_loop3A_624], %parallel_loop3A_627 {add = true, strides = array<i32>} : memref<1024xf32, #tpu.memory_space<vmem>>, vector<16xf32>,
        %parallel_loop3A_628 = arith.constant 0 : i32
        %parallel_loop3A_629 = tpu.memref_slice %arg10[%parallel_loop3A_94, %parallel_loop3A_628] : memref<72x1024xf32, #tpu.memory_space<vmem>> -> memref<1x1024xf32, #tpu.memory_space<vmem>>
        %parallel_loop3A_630 = tpu.memref_squeeze %parallel_loop3A_629 : memref<1x1024xf32, #tpu.memory_space<vmem>> -> memref<1024xf32, #tpu.memory_space<vmem>>
        %parallel_loop3A_631 = arith.constant 656 : index
        %parallel_loop3A_632 = tpu.vector_load %parallel_loop3A_630[%parallel_loop3A_631] {strides = array<i32>} : memref<1024xf32, #tpu.memory_space<vmem>>, vector<16xf32>,
        %parallel_loop3A_633 = vector.shape_cast %parallel_loop3A_632 : vector<16xf32> to vector<16xf32>
        %parallel_loop3A_634 = arith.constant 0 : i32
        %parallel_loop3A_635 = tpu.memref_slice %arg12[%parallel_loop3A_86, %parallel_loop3A_634] : memref<16x1024xf32, #tpu.memory_space<vmem>> -> memref<1x1024xf32, #tpu.memory_space<vmem>>
        %parallel_loop3A_636 = tpu.memref_squeeze %parallel_loop3A_635 : memref<1x1024xf32, #tpu.memory_space<vmem>> -> memref<1024xf32, #tpu.memory_space<vmem>>
        %parallel_loop3A_637 = arith.constant 656 : index
        %parallel_loop3A_638 = tpu.vector_load %parallel_loop3A_636[%parallel_loop3A_637] {strides = array<i32>} : memref<1024xf32, #tpu.memory_space<vmem>>, vector<16xf32>,
        %parallel_loop3A_639 = vector.shape_cast %parallel_loop3A_638 : vector<16xf32> to vector<16xf32>
        %parallel_loop3A_640 = vector.shape_cast %parallel_loop3A_633 : vector<16xf32> to vector<16xf32>
        tpu.vector_store %parallel_loop3A_636[%parallel_loop3A_637], %parallel_loop3A_640 {add = true, strides = array<i32>} : memref<1024xf32, #tpu.memory_space<vmem>>, vector<16xf32>,
        %parallel_loop3A_641 = arith.constant 0 : i32
        %parallel_loop3A_642 = tpu.memref_slice %arg10[%parallel_loop3A_94, %parallel_loop3A_641] : memref<72x1024xf32, #tpu.memory_space<vmem>> -> memref<1x1024xf32, #tpu.memory_space<vmem>>
        %parallel_loop3A_643 = tpu.memref_squeeze %parallel_loop3A_642 : memref<1x1024xf32, #tpu.memory_space<vmem>> -> memref<1024xf32, #tpu.memory_space<vmem>>
        %parallel_loop3A_644 = arith.constant 672 : index
        %parallel_loop3A_645 = tpu.vector_load %parallel_loop3A_643[%parallel_loop3A_644] {strides = array<i32>} : memref<1024xf32, #tpu.memory_space<vmem>>, vector<16xf32>,
        %parallel_loop3A_646 = vector.shape_cast %parallel_loop3A_645 : vector<16xf32> to vector<16xf32>
        %parallel_loop3A_647 = arith.constant 0 : i32
        %parallel_loop3A_648 = tpu.memref_slice %arg12[%parallel_loop3A_86, %parallel_loop3A_647] : memref<16x1024xf32, #tpu.memory_space<vmem>> -> memref<1x1024xf32, #tpu.memory_space<vmem>>
        %parallel_loop3A_649 = tpu.memref_squeeze %parallel_loop3A_648 : memref<1x1024xf32, #tpu.memory_space<vmem>> -> memref<1024xf32, #tpu.memory_space<vmem>>
        %parallel_loop3A_650 = arith.constant 672 : index
        %parallel_loop3A_651 = tpu.vector_load %parallel_loop3A_649[%parallel_loop3A_650] {strides = array<i32>} : memref<1024xf32, #tpu.memory_space<vmem>>, vector<16xf32>,
        %parallel_loop3A_652 = vector.shape_cast %parallel_loop3A_651 : vector<16xf32> to vector<16xf32>
        %parallel_loop3A_653 = vector.shape_cast %parallel_loop3A_646 : vector<16xf32> to vector<16xf32>
        tpu.vector_store %parallel_loop3A_649[%parallel_loop3A_650], %parallel_loop3A_653 {add = true, strides = array<i32>} : memref<1024xf32, #tpu.memory_space<vmem>>, vector<16xf32>,
        %parallel_loop3A_654 = arith.constant 0 : i32
        %parallel_loop3A_655 = tpu.memref_slice %arg10[%parallel_loop3A_94, %parallel_loop3A_654] : memref<72x1024xf32, #tpu.memory_space<vmem>> -> memref<1x1024xf32, #tpu.memory_space<vmem>>
        %parallel_loop3A_656 = tpu.memref_squeeze %parallel_loop3A_655 : memref<1x1024xf32, #tpu.memory_space<vmem>> -> memref<1024xf32, #tpu.memory_space<vmem>>
        %parallel_loop3A_657 = arith.constant 688 : index
        %parallel_loop3A_658 = tpu.vector_load %parallel_loop3A_656[%parallel_loop3A_657] {strides = array<i32>} : memref<1024xf32, #tpu.memory_space<vmem>>, vector<16xf32>,
        %parallel_loop3A_659 = vector.shape_cast %parallel_loop3A_658 : vector<16xf32> to vector<16xf32>
        %parallel_loop3A_660 = arith.constant 0 : i32
        %parallel_loop3A_661 = tpu.memref_slice %arg12[%parallel_loop3A_86, %parallel_loop3A_660] : memref<16x1024xf32, #tpu.memory_space<vmem>> -> memref<1x1024xf32, #tpu.memory_space<vmem>>
        %parallel_loop3A_662 = tpu.memref_squeeze %parallel_loop3A_661 : memref<1x1024xf32, #tpu.memory_space<vmem>> -> memref<1024xf32, #tpu.memory_space<vmem>>
        %parallel_loop3A_663 = arith.constant 688 : index
        %parallel_loop3A_664 = tpu.vector_load %parallel_loop3A_662[%parallel_loop3A_663] {strides = array<i32>} : memref<1024xf32, #tpu.memory_space<vmem>>, vector<16xf32>,
        %parallel_loop3A_665 = vector.shape_cast %parallel_loop3A_664 : vector<16xf32> to vector<16xf32>
        %parallel_loop3A_666 = vector.shape_cast %parallel_loop3A_659 : vector<16xf32> to vector<16xf32>
        tpu.vector_store %parallel_loop3A_662[%parallel_loop3A_663], %parallel_loop3A_666 {add = true, strides = array<i32>} : memref<1024xf32, #tpu.memory_space<vmem>>, vector<16xf32>,
        %parallel_loop3A_667 = arith.constant 0 : i32
        %parallel_loop3A_668 = tpu.memref_slice %arg10[%parallel_loop3A_94, %parallel_loop3A_667] : memref<72x1024xf32, #tpu.memory_space<vmem>> -> memref<1x1024xf32, #tpu.memory_space<vmem>>
        %parallel_loop3A_669 = tpu.memref_squeeze %parallel_loop3A_668 : memref<1x1024xf32, #tpu.memory_space<vmem>> -> memref<1024xf32, #tpu.memory_space<vmem>>
        %parallel_loop3A_670 = arith.constant 704 : index
        %parallel_loop3A_671 = tpu.vector_load %parallel_loop3A_669[%parallel_loop3A_670] {strides = array<i32>} : memref<1024xf32, #tpu.memory_space<vmem>>, vector<16xf32>,
        %parallel_loop3A_672 = vector.shape_cast %parallel_loop3A_671 : vector<16xf32> to vector<16xf32>
        %parallel_loop3A_673 = arith.constant 0 : i32
        %parallel_loop3A_674 = tpu.memref_slice %arg12[%parallel_loop3A_86, %parallel_loop3A_673] : memref<16x1024xf32, #tpu.memory_space<vmem>> -> memref<1x1024xf32, #tpu.memory_space<vmem>>
        %parallel_loop3A_675 = tpu.memref_squeeze %parallel_loop3A_674 : memref<1x1024xf32, #tpu.memory_space<vmem>> -> memref<1024xf32, #tpu.memory_space<vmem>>
        %parallel_loop3A_676 = arith.constant 704 : index
        %parallel_loop3A_677 = tpu.vector_load %parallel_loop3A_675[%parallel_loop3A_676] {strides = array<i32>} : memref<1024xf32, #tpu.memory_space<vmem>>, vector<16xf32>,
        %parallel_loop3A_678 = vector.shape_cast %parallel_loop3A_677 : vector<16xf32> to vector<16xf32>
        %parallel_loop3A_679 = vector.shape_cast %parallel_loop3A_672 : vector<16xf32> to vector<16xf32>
        tpu.vector_store %parallel_loop3A_675[%parallel_loop3A_676], %parallel_loop3A_679 {add = true, strides = array<i32>} : memref<1024xf32, #tpu.memory_space<vmem>>, vector<16xf32>,
        %parallel_loop3A_680 = arith.constant 0 : i32
        %parallel_loop3A_681 = tpu.memref_slice %arg10[%parallel_loop3A_94, %parallel_loop3A_680] : memref<72x1024xf32, #tpu.memory_space<vmem>> -> memref<1x1024xf32, #tpu.memory_space<vmem>>
        %parallel_loop3A_682 = tpu.memref_squeeze %parallel_loop3A_681 : memref<1x1024xf32, #tpu.memory_space<vmem>> -> memref<1024xf32, #tpu.memory_space<vmem>>
        %parallel_loop3A_683 = arith.constant 720 : index
        %parallel_loop3A_684 = tpu.vector_load %parallel_loop3A_682[%parallel_loop3A_683] {strides = array<i32>} : memref<1024xf32, #tpu.memory_space<vmem>>, vector<16xf32>,
        %parallel_loop3A_685 = vector.shape_cast %parallel_loop3A_684 : vector<16xf32> to vector<16xf32>
        %parallel_loop3A_686 = arith.constant 0 : i32
        %parallel_loop3A_687 = tpu.memref_slice %arg12[%parallel_loop3A_86, %parallel_loop3A_686] : memref<16x1024xf32, #tpu.memory_space<vmem>> -> memref<1x1024xf32, #tpu.memory_space<vmem>>
        %parallel_loop3A_688 = tpu.memref_squeeze %parallel_loop3A_687 : memref<1x1024xf32, #tpu.memory_space<vmem>> -> memref<1024xf32, #tpu.memory_space<vmem>>
        %parallel_loop3A_689 = arith.constant 720 : index
        %parallel_loop3A_690 = tpu.vector_load %parallel_loop3A_688[%parallel_loop3A_689] {strides = array<i32>} : memref<1024xf32, #tpu.memory_space<vmem>>, vector<16xf32>,
        %parallel_loop3A_691 = vector.shape_cast %parallel_loop3A_690 : vector<16xf32> to vector<16xf32>
        %parallel_loop3A_692 = vector.shape_cast %parallel_loop3A_685 : vector<16xf32> to vector<16xf32>
        tpu.vector_store %parallel_loop3A_688[%parallel_loop3A_689], %parallel_loop3A_692 {add = true, strides = array<i32>} : memref<1024xf32, #tpu.memory_space<vmem>>, vector<16xf32>,
        %parallel_loop3A_693 = arith.constant 0 : i32
        %parallel_loop3A_694 = tpu.memref_slice %arg10[%parallel_loop3A_94, %parallel_loop3A_693] : memref<72x1024xf32, #tpu.memory_space<vmem>> -> memref<1x1024xf32, #tpu.memory_space<vmem>>
        %parallel_loop3A_695 = tpu.memref_squeeze %parallel_loop3A_694 : memref<1x1024xf32, #tpu.memory_space<vmem>> -> memref<1024xf32, #tpu.memory_space<vmem>>
        %parallel_loop3A_696 = arith.constant 736 : index
        %parallel_loop3A_697 = tpu.vector_load %parallel_loop3A_695[%parallel_loop3A_696] {strides = array<i32>} : memref<1024xf32, #tpu.memory_space<vmem>>, vector<16xf32>,
        %parallel_loop3A_698 = vector.shape_cast %parallel_loop3A_697 : vector<16xf32> to vector<16xf32>
        %parallel_loop3A_699 = arith.constant 0 : i32
        %parallel_loop3A_700 = tpu.memref_slice %arg12[%parallel_loop3A_86, %parallel_loop3A_699] : memref<16x1024xf32, #tpu.memory_space<vmem>> -> memref<1x1024xf32, #tpu.memory_space<vmem>>
        %parallel_loop3A_701 = tpu.memref_squeeze %parallel_loop3A_700 : memref<1x1024xf32, #tpu.memory_space<vmem>> -> memref<1024xf32, #tpu.memory_space<vmem>>
        %parallel_loop3A_702 = arith.constant 736 : index
        %parallel_loop3A_703 = tpu.vector_load %parallel_loop3A_701[%parallel_loop3A_702] {strides = array<i32>} : memref<1024xf32, #tpu.memory_space<vmem>>, vector<16xf32>,
        %parallel_loop3A_704 = vector.shape_cast %parallel_loop3A_703 : vector<16xf32> to vector<16xf32>
        %parallel_loop3A_705 = vector.shape_cast %parallel_loop3A_698 : vector<16xf32> to vector<16xf32>
        tpu.vector_store %parallel_loop3A_701[%parallel_loop3A_702], %parallel_loop3A_705 {add = true, strides = array<i32>} : memref<1024xf32, #tpu.memory_space<vmem>>, vector<16xf32>,
        %parallel_loop3A_706 = arith.constant 0 : i32
        %parallel_loop3A_707 = tpu.memref_slice %arg10[%parallel_loop3A_94, %parallel_loop3A_706] : memref<72x1024xf32, #tpu.memory_space<vmem>> -> memref<1x1024xf32, #tpu.memory_space<vmem>>
        %parallel_loop3A_708 = tpu.memref_squeeze %parallel_loop3A_707 : memref<1x1024xf32, #tpu.memory_space<vmem>> -> memref<1024xf32, #tpu.memory_space<vmem>>
        %parallel_loop3A_709 = arith.constant 752 : index
        %parallel_loop3A_710 = tpu.vector_load %parallel_loop3A_708[%parallel_loop3A_709] {strides = array<i32>} : memref<1024xf32, #tpu.memory_space<vmem>>, vector<16xf32>,
        %parallel_loop3A_711 = vector.shape_cast %parallel_loop3A_710 : vector<16xf32> to vector<16xf32>
        %parallel_loop3A_712 = arith.constant 0 : i32
        %parallel_loop3A_713 = tpu.memref_slice %arg12[%parallel_loop3A_86, %parallel_loop3A_712] : memref<16x1024xf32, #tpu.memory_space<vmem>> -> memref<1x1024xf32, #tpu.memory_space<vmem>>
        %parallel_loop3A_714 = tpu.memref_squeeze %parallel_loop3A_713 : memref<1x1024xf32, #tpu.memory_space<vmem>> -> memref<1024xf32, #tpu.memory_space<vmem>>
        %parallel_loop3A_715 = arith.constant 752 : index
        %parallel_loop3A_716 = tpu.vector_load %parallel_loop3A_714[%parallel_loop3A_715] {strides = array<i32>} : memref<1024xf32, #tpu.memory_space<vmem>>, vector<16xf32>,
        %parallel_loop3A_717 = vector.shape_cast %parallel_loop3A_716 : vector<16xf32> to vector<16xf32>
        %parallel_loop3A_718 = vector.shape_cast %parallel_loop3A_711 : vector<16xf32> to vector<16xf32>
        tpu.vector_store %parallel_loop3A_714[%parallel_loop3A_715], %parallel_loop3A_718 {add = true, strides = array<i32>} : memref<1024xf32, #tpu.memory_space<vmem>>, vector<16xf32>,
        %parallel_loop3A_719 = arith.constant 0 : i32
        %parallel_loop3A_720 = tpu.memref_slice %arg10[%parallel_loop3A_94, %parallel_loop3A_719] : memref<72x1024xf32, #tpu.memory_space<vmem>> -> memref<1x1024xf32, #tpu.memory_space<vmem>>
        %parallel_loop3A_721 = tpu.memref_squeeze %parallel_loop3A_720 : memref<1x1024xf32, #tpu.memory_space<vmem>> -> memref<1024xf32, #tpu.memory_space<vmem>>
        %parallel_loop3A_722 = arith.constant 768 : index
        %parallel_loop3A_723 = tpu.vector_load %parallel_loop3A_721[%parallel_loop3A_722] {strides = array<i32>} : memref<1024xf32, #tpu.memory_space<vmem>>, vector<16xf32>,
        %parallel_loop3A_724 = vector.shape_cast %parallel_loop3A_723 : vector<16xf32> to vector<16xf32>
        %parallel_loop3A_725 = arith.constant 0 : i32
        %parallel_loop3A_726 = tpu.memref_slice %arg12[%parallel_loop3A_86, %parallel_loop3A_725] : memref<16x1024xf32, #tpu.memory_space<vmem>> -> memref<1x1024xf32, #tpu.memory_space<vmem>>
        %parallel_loop3A_727 = tpu.memref_squeeze %parallel_loop3A_726 : memref<1x1024xf32, #tpu.memory_space<vmem>> -> memref<1024xf32, #tpu.memory_space<vmem>>
        %parallel_loop3A_728 = arith.constant 768 : index
        %parallel_loop3A_729 = tpu.vector_load %parallel_loop3A_727[%parallel_loop3A_728] {strides = array<i32>} : memref<1024xf32, #tpu.memory_space<vmem>>, vector<16xf32>,
        %parallel_loop3A_730 = vector.shape_cast %parallel_loop3A_729 : vector<16xf32> to vector<16xf32>
        %parallel_loop3A_731 = vector.shape_cast %parallel_loop3A_724 : vector<16xf32> to vector<16xf32>
        tpu.vector_store %parallel_loop3A_727[%parallel_loop3A_728], %parallel_loop3A_731 {add = true, strides = array<i32>} : memref<1024xf32, #tpu.memory_space<vmem>>, vector<16xf32>,
        %parallel_loop3A_732 = arith.constant 0 : i32
        %parallel_loop3A_733 = tpu.memref_slice %arg10[%parallel_loop3A_94, %parallel_loop3A_732] : memref<72x1024xf32, #tpu.memory_space<vmem>> -> memref<1x1024xf32, #tpu.memory_space<vmem>>
        %parallel_loop3A_734 = tpu.memref_squeeze %parallel_loop3A_733 : memref<1x1024xf32, #tpu.memory_space<vmem>> -> memref<1024xf32, #tpu.memory_space<vmem>>
        %parallel_loop3A_735 = arith.constant 784 : index
        %parallel_loop3A_736 = tpu.vector_load %parallel_loop3A_734[%parallel_loop3A_735] {strides = array<i32>} : memref<1024xf32, #tpu.memory_space<vmem>>, vector<16xf32>,
        %parallel_loop3A_737 = vector.shape_cast %parallel_loop3A_736 : vector<16xf32> to vector<16xf32>
        %parallel_loop3A_738 = arith.constant 0 : i32
        %parallel_loop3A_739 = tpu.memref_slice %arg12[%parallel_loop3A_86, %parallel_loop3A_738] : memref<16x1024xf32, #tpu.memory_space<vmem>> -> memref<1x1024xf32, #tpu.memory_space<vmem>>
        %parallel_loop3A_740 = tpu.memref_squeeze %parallel_loop3A_739 : memref<1x1024xf32, #tpu.memory_space<vmem>> -> memref<1024xf32, #tpu.memory_space<vmem>>
        %parallel_loop3A_741 = arith.constant 784 : index
        %parallel_loop3A_742 = tpu.vector_load %parallel_loop3A_740[%parallel_loop3A_741] {strides = array<i32>} : memref<1024xf32, #tpu.memory_space<vmem>>, vector<16xf32>,
        %parallel_loop3A_743 = vector.shape_cast %parallel_loop3A_742 : vector<16xf32> to vector<16xf32>
        %parallel_loop3A_744 = vector.shape_cast %parallel_loop3A_737 : vector<16xf32> to vector<16xf32>
        tpu.vector_store %parallel_loop3A_740[%parallel_loop3A_741], %parallel_loop3A_744 {add = true, strides = array<i32>} : memref<1024xf32, #tpu.memory_space<vmem>>, vector<16xf32>,
        %parallel_loop3A_745 = arith.constant 0 : i32
        %parallel_loop3A_746 = tpu.memref_slice %arg10[%parallel_loop3A_94, %parallel_loop3A_745] : memref<72x1024xf32, #tpu.memory_space<vmem>> -> memref<1x1024xf32, #tpu.memory_space<vmem>>
        %parallel_loop3A_747 = tpu.memref_squeeze %parallel_loop3A_746 : memref<1x1024xf32, #tpu.memory_space<vmem>> -> memref<1024xf32, #tpu.memory_space<vmem>>
        %parallel_loop3A_748 = arith.constant 800 : index
        %parallel_loop3A_749 = tpu.vector_load %parallel_loop3A_747[%parallel_loop3A_748] {strides = array<i32>} : memref<1024xf32, #tpu.memory_space<vmem>>, vector<16xf32>,
        %parallel_loop3A_750 = vector.shape_cast %parallel_loop3A_749 : vector<16xf32> to vector<16xf32>
        %parallel_loop3A_751 = arith.constant 0 : i32
        %parallel_loop3A_752 = tpu.memref_slice %arg12[%parallel_loop3A_86, %parallel_loop3A_751] : memref<16x1024xf32, #tpu.memory_space<vmem>> -> memref<1x1024xf32, #tpu.memory_space<vmem>>
        %parallel_loop3A_753 = tpu.memref_squeeze %parallel_loop3A_752 : memref<1x1024xf32, #tpu.memory_space<vmem>> -> memref<1024xf32, #tpu.memory_space<vmem>>
        %parallel_loop3A_754 = arith.constant 800 : index
        %parallel_loop3A_755 = tpu.vector_load %parallel_loop3A_753[%parallel_loop3A_754] {strides = array<i32>} : memref<1024xf32, #tpu.memory_space<vmem>>, vector<16xf32>,
        %parallel_loop3A_756 = vector.shape_cast %parallel_loop3A_755 : vector<16xf32> to vector<16xf32>
        %parallel_loop3A_757 = vector.shape_cast %parallel_loop3A_750 : vector<16xf32> to vector<16xf32>
        tpu.vector_store %parallel_loop3A_753[%parallel_loop3A_754], %parallel_loop3A_757 {add = true, strides = array<i32>} : memref<1024xf32, #tpu.memory_space<vmem>>, vector<16xf32>,
        %parallel_loop3A_758 = arith.constant 0 : i32
        %parallel_loop3A_759 = tpu.memref_slice %arg10[%parallel_loop3A_94, %parallel_loop3A_758] : memref<72x1024xf32, #tpu.memory_space<vmem>> -> memref<1x1024xf32, #tpu.memory_space<vmem>>
        %parallel_loop3A_760 = tpu.memref_squeeze %parallel_loop3A_759 : memref<1x1024xf32, #tpu.memory_space<vmem>> -> memref<1024xf32, #tpu.memory_space<vmem>>
        %parallel_loop3A_761 = arith.constant 816 : index
        %parallel_loop3A_762 = tpu.vector_load %parallel_loop3A_760[%parallel_loop3A_761] {strides = array<i32>} : memref<1024xf32, #tpu.memory_space<vmem>>, vector<16xf32>,
        %parallel_loop3A_763 = vector.shape_cast %parallel_loop3A_762 : vector<16xf32> to vector<16xf32>
        %parallel_loop3A_764 = arith.constant 0 : i32
        %parallel_loop3A_765 = tpu.memref_slice %arg12[%parallel_loop3A_86, %parallel_loop3A_764] : memref<16x1024xf32, #tpu.memory_space<vmem>> -> memref<1x1024xf32, #tpu.memory_space<vmem>>
        %parallel_loop3A_766 = tpu.memref_squeeze %parallel_loop3A_765 : memref<1x1024xf32, #tpu.memory_space<vmem>> -> memref<1024xf32, #tpu.memory_space<vmem>>
        %parallel_loop3A_767 = arith.constant 816 : index
        %parallel_loop3A_768 = tpu.vector_load %parallel_loop3A_766[%parallel_loop3A_767] {strides = array<i32>} : memref<1024xf32, #tpu.memory_space<vmem>>, vector<16xf32>,
        %parallel_loop3A_769 = vector.shape_cast %parallel_loop3A_768 : vector<16xf32> to vector<16xf32>
        %parallel_loop3A_770 = vector.shape_cast %parallel_loop3A_763 : vector<16xf32> to vector<16xf32>
        tpu.vector_store %parallel_loop3A_766[%parallel_loop3A_767], %parallel_loop3A_770 {add = true, strides = array<i32>} : memref<1024xf32, #tpu.memory_space<vmem>>, vector<16xf32>,
        %parallel_loop3A_771 = arith.constant 0 : i32
        %parallel_loop3A_772 = tpu.memref_slice %arg10[%parallel_loop3A_94, %parallel_loop3A_771] : memref<72x1024xf32, #tpu.memory_space<vmem>> -> memref<1x1024xf32, #tpu.memory_space<vmem>>
        %parallel_loop3A_773 = tpu.memref_squeeze %parallel_loop3A_772 : memref<1x1024xf32, #tpu.memory_space<vmem>> -> memref<1024xf32, #tpu.memory_space<vmem>>
        %parallel_loop3A_774 = arith.constant 832 : index
        %parallel_loop3A_775 = tpu.vector_load %parallel_loop3A_773[%parallel_loop3A_774] {strides = array<i32>} : memref<1024xf32, #tpu.memory_space<vmem>>, vector<16xf32>,
        %parallel_loop3A_776 = vector.shape_cast %parallel_loop3A_775 : vector<16xf32> to vector<16xf32>
        %parallel_loop3A_777 = arith.constant 0 : i32
        %parallel_loop3A_778 = tpu.memref_slice %arg12[%parallel_loop3A_86, %parallel_loop3A_777] : memref<16x1024xf32, #tpu.memory_space<vmem>> -> memref<1x1024xf32, #tpu.memory_space<vmem>>
        %parallel_loop3A_779 = tpu.memref_squeeze %parallel_loop3A_778 : memref<1x1024xf32, #tpu.memory_space<vmem>> -> memref<1024xf32, #tpu.memory_space<vmem>>
        %parallel_loop3A_780 = arith.constant 832 : index
        %parallel_loop3A_781 = tpu.vector_load %parallel_loop3A_779[%parallel_loop3A_780] {strides = array<i32>} : memref<1024xf32, #tpu.memory_space<vmem>>, vector<16xf32>,
        %parallel_loop3A_782 = vector.shape_cast %parallel_loop3A_781 : vector<16xf32> to vector<16xf32>
        %parallel_loop3A_783 = vector.shape_cast %parallel_loop3A_776 : vector<16xf32> to vector<16xf32>
        tpu.vector_store %parallel_loop3A_779[%parallel_loop3A_780], %parallel_loop3A_783 {add = true, strides = array<i32>} : memref<1024xf32, #tpu.memory_space<vmem>>, vector<16xf32>,
        %parallel_loop3A_784 = arith.constant 0 : i32
        %parallel_loop3A_785 = tpu.memref_slice %arg10[%parallel_loop3A_94, %parallel_loop3A_784] : memref<72x1024xf32, #tpu.memory_space<vmem>> -> memref<1x1024xf32, #tpu.memory_space<vmem>>
        %parallel_loop3A_786 = tpu.memref_squeeze %parallel_loop3A_785 : memref<1x1024xf32, #tpu.memory_space<vmem>> -> memref<1024xf32, #tpu.memory_space<vmem>>
        %parallel_loop3A_787 = arith.constant 848 : index
        %parallel_loop3A_788 = tpu.vector_load %parallel_loop3A_786[%parallel_loop3A_787] {strides = array<i32>} : memref<1024xf32, #tpu.memory_space<vmem>>, vector<16xf32>,
        %parallel_loop3A_789 = vector.shape_cast %parallel_loop3A_788 : vector<16xf32> to vector<16xf32>
        %parallel_loop3A_790 = arith.constant 0 : i32
        %parallel_loop3A_791 = tpu.memref_slice %arg12[%parallel_loop3A_86, %parallel_loop3A_790] : memref<16x1024xf32, #tpu.memory_space<vmem>> -> memref<1x1024xf32, #tpu.memory_space<vmem>>
        %parallel_loop3A_792 = tpu.memref_squeeze %parallel_loop3A_791 : memref<1x1024xf32, #tpu.memory_space<vmem>> -> memref<1024xf32, #tpu.memory_space<vmem>>
        %parallel_loop3A_793 = arith.constant 848 : index
        %parallel_loop3A_794 = tpu.vector_load %parallel_loop3A_792[%parallel_loop3A_793] {strides = array<i32>} : memref<1024xf32, #tpu.memory_space<vmem>>, vector<16xf32>,
        %parallel_loop3A_795 = vector.shape_cast %parallel_loop3A_794 : vector<16xf32> to vector<16xf32>
        %parallel_loop3A_796 = vector.shape_cast %parallel_loop3A_789 : vector<16xf32> to vector<16xf32>
        tpu.vector_store %parallel_loop3A_792[%parallel_loop3A_793], %parallel_loop3A_796 {add = true, strides = array<i32>} : memref<1024xf32, #tpu.memory_space<vmem>>, vector<16xf32>,
        %parallel_loop3A_797 = arith.constant 0 : i32
        %parallel_loop3A_798 = tpu.memref_slice %arg10[%parallel_loop3A_94, %parallel_loop3A_797] : memref<72x1024xf32, #tpu.memory_space<vmem>> -> memref<1x1024xf32, #tpu.memory_space<vmem>>
        %parallel_loop3A_799 = tpu.memref_squeeze %parallel_loop3A_798 : memref<1x1024xf32, #tpu.memory_space<vmem>> -> memref<1024xf32, #tpu.memory_space<vmem>>
        %parallel_loop3A_800 = arith.constant 864 : index
        %parallel_loop3A_801 = tpu.vector_load %parallel_loop3A_799[%parallel_loop3A_800] {strides = array<i32>} : memref<1024xf32, #tpu.memory_space<vmem>>, vector<16xf32>,
        %parallel_loop3A_802 = vector.shape_cast %parallel_loop3A_801 : vector<16xf32> to vector<16xf32>
        %parallel_loop3A_803 = arith.constant 0 : i32
        %parallel_loop3A_804 = tpu.memref_slice %arg12[%parallel_loop3A_86, %parallel_loop3A_803] : memref<16x1024xf32, #tpu.memory_space<vmem>> -> memref<1x1024xf32, #tpu.memory_space<vmem>>
        %parallel_loop3A_805 = tpu.memref_squeeze %parallel_loop3A_804 : memref<1x1024xf32, #tpu.memory_space<vmem>> -> memref<1024xf32, #tpu.memory_space<vmem>>
        %parallel_loop3A_806 = arith.constant 864 : index
        %parallel_loop3A_807 = tpu.vector_load %parallel_loop3A_805[%parallel_loop3A_806] {strides = array<i32>} : memref<1024xf32, #tpu.memory_space<vmem>>, vector<16xf32>,
        %parallel_loop3A_808 = vector.shape_cast %parallel_loop3A_807 : vector<16xf32> to vector<16xf32>
        %parallel_loop3A_809 = vector.shape_cast %parallel_loop3A_802 : vector<16xf32> to vector<16xf32>
        tpu.vector_store %parallel_loop3A_805[%parallel_loop3A_806], %parallel_loop3A_809 {add = true, strides = array<i32>} : memref<1024xf32, #tpu.memory_space<vmem>>, vector<16xf32>,
        %parallel_loop3A_810 = arith.constant 0 : i32
        %parallel_loop3A_811 = tpu.memref_slice %arg10[%parallel_loop3A_94, %parallel_loop3A_810] : memref<72x1024xf32, #tpu.memory_space<vmem>> -> memref<1x1024xf32, #tpu.memory_space<vmem>>
        %parallel_loop3A_812 = tpu.memref_squeeze %parallel_loop3A_811 : memref<1x1024xf32, #tpu.memory_space<vmem>> -> memref<1024xf32, #tpu.memory_space<vmem>>
        %parallel_loop3A_813 = arith.constant 880 : index
        %parallel_loop3A_814 = tpu.vector_load %parallel_loop3A_812[%parallel_loop3A_813] {strides = array<i32>} : memref<1024xf32, #tpu.memory_space<vmem>>, vector<16xf32>,
        %parallel_loop3A_815 = vector.shape_cast %parallel_loop3A_814 : vector<16xf32> to vector<16xf32>
        %parallel_loop3A_816 = arith.constant 0 : i32
        %parallel_loop3A_817 = tpu.memref_slice %arg12[%parallel_loop3A_86, %parallel_loop3A_816] : memref<16x1024xf32, #tpu.memory_space<vmem>> -> memref<1x1024xf32, #tpu.memory_space<vmem>>
        %parallel_loop3A_818 = tpu.memref_squeeze %parallel_loop3A_817 : memref<1x1024xf32, #tpu.memory_space<vmem>> -> memref<1024xf32, #tpu.memory_space<vmem>>
        %parallel_loop3A_819 = arith.constant 880 : index
        %parallel_loop3A_820 = tpu.vector_load %parallel_loop3A_818[%parallel_loop3A_819] {strides = array<i32>} : memref<1024xf32, #tpu.memory_space<vmem>>, vector<16xf32>,
        %parallel_loop3A_821 = vector.shape_cast %parallel_loop3A_820 : vector<16xf32> to vector<16xf32>
        %parallel_loop3A_822 = vector.shape_cast %parallel_loop3A_815 : vector<16xf32> to vector<16xf32>
        tpu.vector_store %parallel_loop3A_818[%parallel_loop3A_819], %parallel_loop3A_822 {add = true, strides = array<i32>} : memref<1024xf32, #tpu.memory_space<vmem>>, vector<16xf32>,
        %parallel_loop3A_823 = arith.constant 0 : i32
        %parallel_loop3A_824 = tpu.memref_slice %arg10[%parallel_loop3A_94, %parallel_loop3A_823] : memref<72x1024xf32, #tpu.memory_space<vmem>> -> memref<1x1024xf32, #tpu.memory_space<vmem>>
        %parallel_loop3A_825 = tpu.memref_squeeze %parallel_loop3A_824 : memref<1x1024xf32, #tpu.memory_space<vmem>> -> memref<1024xf32, #tpu.memory_space<vmem>>
        %parallel_loop3A_826 = arith.constant 896 : index
        %parallel_loop3A_827 = tpu.vector_load %parallel_loop3A_825[%parallel_loop3A_826] {strides = array<i32>} : memref<1024xf32, #tpu.memory_space<vmem>>, vector<16xf32>,
        %parallel_loop3A_828 = vector.shape_cast %parallel_loop3A_827 : vector<16xf32> to vector<16xf32>
        %parallel_loop3A_829 = arith.constant 0 : i32
        %parallel_loop3A_830 = tpu.memref_slice %arg12[%parallel_loop3A_86, %parallel_loop3A_829] : memref<16x1024xf32, #tpu.memory_space<vmem>> -> memref<1x1024xf32, #tpu.memory_space<vmem>>
        %parallel_loop3A_831 = tpu.memref_squeeze %parallel_loop3A_830 : memref<1x1024xf32, #tpu.memory_space<vmem>> -> memref<1024xf32, #tpu.memory_space<vmem>>
        %parallel_loop3A_832 = arith.constant 896 : index
        %parallel_loop3A_833 = tpu.vector_load %parallel_loop3A_831[%parallel_loop3A_832] {strides = array<i32>} : memref<1024xf32, #tpu.memory_space<vmem>>, vector<16xf32>,
        %parallel_loop3A_834 = vector.shape_cast %parallel_loop3A_833 : vector<16xf32> to vector<16xf32>
        %parallel_loop3A_835 = vector.shape_cast %parallel_loop3A_828 : vector<16xf32> to vector<16xf32>
        tpu.vector_store %parallel_loop3A_831[%parallel_loop3A_832], %parallel_loop3A_835 {add = true, strides = array<i32>} : memref<1024xf32, #tpu.memory_space<vmem>>, vector<16xf32>,
        %parallel_loop3A_836 = arith.constant 0 : i32
        %parallel_loop3A_837 = tpu.memref_slice %arg10[%parallel_loop3A_94, %parallel_loop3A_836] : memref<72x1024xf32, #tpu.memory_space<vmem>> -> memref<1x1024xf32, #tpu.memory_space<vmem>>
        %parallel_loop3A_838 = tpu.memref_squeeze %parallel_loop3A_837 : memref<1x1024xf32, #tpu.memory_space<vmem>> -> memref<1024xf32, #tpu.memory_space<vmem>>
        %parallel_loop3A_839 = arith.constant 912 : index
        %parallel_loop3A_840 = tpu.vector_load %parallel_loop3A_838[%parallel_loop3A_839] {strides = array<i32>} : memref<1024xf32, #tpu.memory_space<vmem>>, vector<16xf32>,
        %parallel_loop3A_841 = vector.shape_cast %parallel_loop3A_840 : vector<16xf32> to vector<16xf32>
        %parallel_loop3A_842 = arith.constant 0 : i32
        %parallel_loop3A_843 = tpu.memref_slice %arg12[%parallel_loop3A_86, %parallel_loop3A_842] : memref<16x1024xf32, #tpu.memory_space<vmem>> -> memref<1x1024xf32, #tpu.memory_space<vmem>>
        %parallel_loop3A_844 = tpu.memref_squeeze %parallel_loop3A_843 : memref<1x1024xf32, #tpu.memory_space<vmem>> -> memref<1024xf32, #tpu.memory_space<vmem>>
        %parallel_loop3A_845 = arith.constant 912 : index
        %parallel_loop3A_846 = tpu.vector_load %parallel_loop3A_844[%parallel_loop3A_845] {strides = array<i32>} : memref<1024xf32, #tpu.memory_space<vmem>>, vector<16xf32>,
        %parallel_loop3A_847 = vector.shape_cast %parallel_loop3A_846 : vector<16xf32> to vector<16xf32>
        %parallel_loop3A_848 = vector.shape_cast %parallel_loop3A_841 : vector<16xf32> to vector<16xf32>
        tpu.vector_store %parallel_loop3A_844[%parallel_loop3A_845], %parallel_loop3A_848 {add = true, strides = array<i32>} : memref<1024xf32, #tpu.memory_space<vmem>>, vector<16xf32>,
        %parallel_loop3A_849 = arith.constant 0 : i32
        %parallel_loop3A_850 = tpu.memref_slice %arg10[%parallel_loop3A_94, %parallel_loop3A_849] : memref<72x1024xf32, #tpu.memory_space<vmem>> -> memref<1x1024xf32, #tpu.memory_space<vmem>>
        %parallel_loop3A_851 = tpu.memref_squeeze %parallel_loop3A_850 : memref<1x1024xf32, #tpu.memory_space<vmem>> -> memref<1024xf32, #tpu.memory_space<vmem>>
        %parallel_loop3A_852 = arith.constant 928 : index
        %parallel_loop3A_853 = tpu.vector_load %parallel_loop3A_851[%parallel_loop3A_852] {strides = array<i32>} : memref<1024xf32, #tpu.memory_space<vmem>>, vector<16xf32>,
        %parallel_loop3A_854 = vector.shape_cast %parallel_loop3A_853 : vector<16xf32> to vector<16xf32>
        %parallel_loop3A_855 = arith.constant 0 : i32
        %parallel_loop3A_856 = tpu.memref_slice %arg12[%parallel_loop3A_86, %parallel_loop3A_855] : memref<16x1024xf32, #tpu.memory_space<vmem>> -> memref<1x1024xf32, #tpu.memory_space<vmem>>
        %parallel_loop3A_857 = tpu.memref_squeeze %parallel_loop3A_856 : memref<1x1024xf32, #tpu.memory_space<vmem>> -> memref<1024xf32, #tpu.memory_space<vmem>>
        %parallel_loop3A_858 = arith.constant 928 : index
        %parallel_loop3A_859 = tpu.vector_load %parallel_loop3A_857[%parallel_loop3A_858] {strides = array<i32>} : memref<1024xf32, #tpu.memory_space<vmem>>, vector<16xf32>,
        %parallel_loop3A_860 = vector.shape_cast %parallel_loop3A_859 : vector<16xf32> to vector<16xf32>
        %parallel_loop3A_861 = vector.shape_cast %parallel_loop3A_854 : vector<16xf32> to vector<16xf32>
        tpu.vector_store %parallel_loop3A_857[%parallel_loop3A_858], %parallel_loop3A_861 {add = true, strides = array<i32>} : memref<1024xf32, #tpu.memory_space<vmem>>, vector<16xf32>,
        %parallel_loop3A_862 = arith.constant 0 : i32
        %parallel_loop3A_863 = tpu.memref_slice %arg10[%parallel_loop3A_94, %parallel_loop3A_862] : memref<72x1024xf32, #tpu.memory_space<vmem>> -> memref<1x1024xf32, #tpu.memory_space<vmem>>
        %parallel_loop3A_864 = tpu.memref_squeeze %parallel_loop3A_863 : memref<1x1024xf32, #tpu.memory_space<vmem>> -> memref<1024xf32, #tpu.memory_space<vmem>>
        %parallel_loop3A_865 = arith.constant 944 : index
        %parallel_loop3A_866 = tpu.vector_load %parallel_loop3A_864[%parallel_loop3A_865] {strides = array<i32>} : memref<1024xf32, #tpu.memory_space<vmem>>, vector<16xf32>,
        %parallel_loop3A_867 = vector.shape_cast %parallel_loop3A_866 : vector<16xf32> to vector<16xf32>
        %parallel_loop3A_868 = arith.constant 0 : i32
        %parallel_loop3A_869 = tpu.memref_slice %arg12[%parallel_loop3A_86, %parallel_loop3A_868] : memref<16x1024xf32, #tpu.memory_space<vmem>> -> memref<1x1024xf32, #tpu.memory_space<vmem>>
        %parallel_loop3A_870 = tpu.memref_squeeze %parallel_loop3A_869 : memref<1x1024xf32, #tpu.memory_space<vmem>> -> memref<1024xf32, #tpu.memory_space<vmem>>
        %parallel_loop3A_871 = arith.constant 944 : index
        %parallel_loop3A_872 = tpu.vector_load %parallel_loop3A_870[%parallel_loop3A_871] {strides = array<i32>} : memref<1024xf32, #tpu.memory_space<vmem>>, vector<16xf32>,
        %parallel_loop3A_873 = vector.shape_cast %parallel_loop3A_872 : vector<16xf32> to vector<16xf32>
        %parallel_loop3A_874 = vector.shape_cast %parallel_loop3A_867 : vector<16xf32> to vector<16xf32>
        tpu.vector_store %parallel_loop3A_870[%parallel_loop3A_871], %parallel_loop3A_874 {add = true, strides = array<i32>} : memref<1024xf32, #tpu.memory_space<vmem>>, vector<16xf32>,
        %parallel_loop3A_875 = arith.constant 0 : i32
        %parallel_loop3A_876 = tpu.memref_slice %arg10[%parallel_loop3A_94, %parallel_loop3A_875] : memref<72x1024xf32, #tpu.memory_space<vmem>> -> memref<1x1024xf32, #tpu.memory_space<vmem>>
        %parallel_loop3A_877 = tpu.memref_squeeze %parallel_loop3A_876 : memref<1x1024xf32, #tpu.memory_space<vmem>> -> memref<1024xf32, #tpu.memory_space<vmem>>
        %parallel_loop3A_878 = arith.constant 960 : index
        %parallel_loop3A_879 = tpu.vector_load %parallel_loop3A_877[%parallel_loop3A_878] {strides = array<i32>} : memref<1024xf32, #tpu.memory_space<vmem>>, vector<16xf32>,
        %parallel_loop3A_880 = vector.shape_cast %parallel_loop3A_879 : vector<16xf32> to vector<16xf32>
        %parallel_loop3A_881 = arith.constant 0 : i32
        %parallel_loop3A_882 = tpu.memref_slice %arg12[%parallel_loop3A_86, %parallel_loop3A_881] : memref<16x1024xf32, #tpu.memory_space<vmem>> -> memref<1x1024xf32, #tpu.memory_space<vmem>>
        %parallel_loop3A_883 = tpu.memref_squeeze %parallel_loop3A_882 : memref<1x1024xf32, #tpu.memory_space<vmem>> -> memref<1024xf32, #tpu.memory_space<vmem>>
        %parallel_loop3A_884 = arith.constant 960 : index
        %parallel_loop3A_885 = tpu.vector_load %parallel_loop3A_883[%parallel_loop3A_884] {strides = array<i32>} : memref<1024xf32, #tpu.memory_space<vmem>>, vector<16xf32>,
        %parallel_loop3A_886 = vector.shape_cast %parallel_loop3A_885 : vector<16xf32> to vector<16xf32>
        %parallel_loop3A_887 = vector.shape_cast %parallel_loop3A_880 : vector<16xf32> to vector<16xf32>
        tpu.vector_store %parallel_loop3A_883[%parallel_loop3A_884], %parallel_loop3A_887 {add = true, strides = array<i32>} : memref<1024xf32, #tpu.memory_space<vmem>>, vector<16xf32>,
        %parallel_loop3A_888 = arith.constant 0 : i32
        %parallel_loop3A_889 = tpu.memref_slice %arg10[%parallel_loop3A_94, %parallel_loop3A_888] : memref<72x1024xf32, #tpu.memory_space<vmem>> -> memref<1x1024xf32, #tpu.memory_space<vmem>>
        %parallel_loop3A_890 = tpu.memref_squeeze %parallel_loop3A_889 : memref<1x1024xf32, #tpu.memory_space<vmem>> -> memref<1024xf32, #tpu.memory_space<vmem>>
        %parallel_loop3A_891 = arith.constant 976 : index
        %parallel_loop3A_892 = tpu.vector_load %parallel_loop3A_890[%parallel_loop3A_891] {strides = array<i32>} : memref<1024xf32, #tpu.memory_space<vmem>>, vector<16xf32>,
        %parallel_loop3A_893 = vector.shape_cast %parallel_loop3A_892 : vector<16xf32> to vector<16xf32>
        %parallel_loop3A_894 = arith.constant 0 : i32
        %parallel_loop3A_895 = tpu.memref_slice %arg12[%parallel_loop3A_86, %parallel_loop3A_894] : memref<16x1024xf32, #tpu.memory_space<vmem>> -> memref<1x1024xf32, #tpu.memory_space<vmem>>
        %parallel_loop3A_896 = tpu.memref_squeeze %parallel_loop3A_895 : memref<1x1024xf32, #tpu.memory_space<vmem>> -> memref<1024xf32, #tpu.memory_space<vmem>>
        %parallel_loop3A_897 = arith.constant 976 : index
        %parallel_loop3A_898 = tpu.vector_load %parallel_loop3A_896[%parallel_loop3A_897] {strides = array<i32>} : memref<1024xf32, #tpu.memory_space<vmem>>, vector<16xf32>,
        %parallel_loop3A_899 = vector.shape_cast %parallel_loop3A_898 : vector<16xf32> to vector<16xf32>
        %parallel_loop3A_900 = vector.shape_cast %parallel_loop3A_893 : vector<16xf32> to vector<16xf32>
        tpu.vector_store %parallel_loop3A_896[%parallel_loop3A_897], %parallel_loop3A_900 {add = true, strides = array<i32>} : memref<1024xf32, #tpu.memory_space<vmem>>, vector<16xf32>,
        %parallel_loop3A_901 = arith.constant 0 : i32
        %parallel_loop3A_902 = tpu.memref_slice %arg10[%parallel_loop3A_94, %parallel_loop3A_901] : memref<72x1024xf32, #tpu.memory_space<vmem>> -> memref<1x1024xf32, #tpu.memory_space<vmem>>
        %parallel_loop3A_903 = tpu.memref_squeeze %parallel_loop3A_902 : memref<1x1024xf32, #tpu.memory_space<vmem>> -> memref<1024xf32, #tpu.memory_space<vmem>>
        %parallel_loop3A_904 = arith.constant 992 : index
        %parallel_loop3A_905 = tpu.vector_load %parallel_loop3A_903[%parallel_loop3A_904] {strides = array<i32>} : memref<1024xf32, #tpu.memory_space<vmem>>, vector<16xf32>,
        %parallel_loop3A_906 = vector.shape_cast %parallel_loop3A_905 : vector<16xf32> to vector<16xf32>
        %parallel_loop3A_907 = arith.constant 0 : i32
        %parallel_loop3A_908 = tpu.memref_slice %arg12[%parallel_loop3A_86, %parallel_loop3A_907] : memref<16x1024xf32, #tpu.memory_space<vmem>> -> memref<1x1024xf32, #tpu.memory_space<vmem>>
        %parallel_loop3A_909 = tpu.memref_squeeze %parallel_loop3A_908 : memref<1x1024xf32, #tpu.memory_space<vmem>> -> memref<1024xf32, #tpu.memory_space<vmem>>
        %parallel_loop3A_910 = arith.constant 992 : index
        %parallel_loop3A_911 = tpu.vector_load %parallel_loop3A_909[%parallel_loop3A_910] {strides = array<i32>} : memref<1024xf32, #tpu.memory_space<vmem>>, vector<16xf32>,
        %parallel_loop3A_912 = vector.shape_cast %parallel_loop3A_911 : vector<16xf32> to vector<16xf32>
        %parallel_loop3A_913 = vector.shape_cast %parallel_loop3A_906 : vector<16xf32> to vector<16xf32>
        tpu.vector_store %parallel_loop3A_909[%parallel_loop3A_910], %parallel_loop3A_913 {add = true, strides = array<i32>} : memref<1024xf32, #tpu.memory_space<vmem>>, vector<16xf32>,
        %parallel_loop3A_914 = arith.constant 0 : i32
        %parallel_loop3A_915 = tpu.memref_slice %arg10[%parallel_loop3A_94, %parallel_loop3A_914] : memref<72x1024xf32, #tpu.memory_space<vmem>> -> memref<1x1024xf32, #tpu.memory_space<vmem>>
        %parallel_loop3A_916 = tpu.memref_squeeze %parallel_loop3A_915 : memref<1x1024xf32, #tpu.memory_space<vmem>> -> memref<1024xf32, #tpu.memory_space<vmem>>
        %parallel_loop3A_917 = arith.constant 1008 : index
        %parallel_loop3A_918 = tpu.vector_load %parallel_loop3A_916[%parallel_loop3A_917] {strides = array<i32>} : memref<1024xf32, #tpu.memory_space<vmem>>, vector<16xf32>,
        %parallel_loop3A_919 = vector.shape_cast %parallel_loop3A_918 : vector<16xf32> to vector<16xf32>
        %parallel_loop3A_920 = arith.constant 0 : i32
        %parallel_loop3A_921 = tpu.memref_slice %arg12[%parallel_loop3A_86, %parallel_loop3A_920] : memref<16x1024xf32, #tpu.memory_space<vmem>> -> memref<1x1024xf32, #tpu.memory_space<vmem>>
        %parallel_loop3A_922 = tpu.memref_squeeze %parallel_loop3A_921 : memref<1x1024xf32, #tpu.memory_space<vmem>> -> memref<1024xf32, #tpu.memory_space<vmem>>
        %parallel_loop3A_923 = arith.constant 1008 : index
        %parallel_loop3A_924 = tpu.vector_load %parallel_loop3A_922[%parallel_loop3A_923] {strides = array<i32>} : memref<1024xf32, #tpu.memory_space<vmem>>, vector<16xf32>,
        %parallel_loop3A_925 = vector.shape_cast %parallel_loop3A_924 : vector<16xf32> to vector<16xf32>
        %parallel_loop3A_926 = vector.shape_cast %parallel_loop3A_919 : vector<16xf32> to vector<16xf32>
        tpu.vector_store %parallel_loop3A_922[%parallel_loop3A_923], %parallel_loop3A_926 {add = true, strides = array<i32>} : memref<1024xf32, #tpu.memory_space<vmem>>, vector<16xf32>,
      } {sc.loop_unroll_factor = 2 : i64, sc.parallel_access}
      %mul3A_78 = arith.constant 16 : i32
      %mul3A_79 = arith.muli %add3A_56, %mul3A_78 : i32
      %add3A_80 = arith.addi %mul3A_2, %mul3A_79 : i32
      %dma_start3A_81 = arith.constant 0 : i32
      %dma_start3A_82 = tpu.memref_slice %arg6[%add3A_80, %dma_start3A_81] : memref<32768x1024xf32, #tpu.memory_space<hbm>> -> memref<16x1024xf32, #tpu.memory_space<hbm>>
      %dma_start3A_83 = arith.constant 0 : i32
      %dma_start3A_84 = tpu.memref_slice %arg6[%add3A_80, %dma_start3A_83] : memref<32768x1024xf32, #tpu.memory_space<hbm>> -> memref<16x1024xf32, #tpu.memory_space<hbm>>
      tpu.enqueue_dma source(%arg12 : memref<16x1024xf32, #tpu.memory_space<vmem>>) target(%dma_start3A_84 : memref<16x1024xf32, #tpu.memory_space<hbm>>) target_semaphore(%arg16 : memref<!tpu.dma_semaphore, #tpu.memory_space<semaphore_mem>>)
      %scan3A_85 = arith.constant 0 : i32
      scf.yield %scan3A_85 : i32
    }
    %scan3A_20 = arith.constant 32 : i32
    %dma_wait3A = arith.constant 0 : i32
    %dma_wait3A_21 = arith.constant 0 : i32
    %dma_wait3A_22 = tpu.memref_slice %arg6[%dma_wait3A, %dma_wait3A_21] : memref<32768x1024xf32, #tpu.memory_space<hbm>> -> memref<16x1024xf32, #tpu.memory_space<hbm>>
    %dma_wait3A_23 = arith.constant 0 : i32
    %dma_wait3A_24 = arith.constant 0 : i32
    %dma_wait3A_25 = tpu.memref_slice %arg6[%dma_wait3A_23, %dma_wait3A_24] : memref<32768x1024xf32, #tpu.memory_space<hbm>> -> memref<16x1024xf32, #tpu.memory_space<hbm>>
    tpu.wait_dma2 semaphore(%arg16 : memref<!tpu.dma_semaphore, #tpu.memory_space<semaphore_mem>>) src(%arg12 : memref<16x1024xf32, #tpu.memory_space<vmem>>) dst(%dma_wait3A_25 : memref<16x1024xf32, #tpu.memory_space<hbm>>)
    return
  }
}

</mosaic_0001>

<sc_bundles>
// kernel: kernel.3.cloned.1.call-start
scs
__scs_entry_jumppad:
0x0: {  	(pc) =	sbr.rel $0x88, $3  }
0x1: {  	(tag) =	ssettag $0x0;
	lr =	simm.s32 $0x1  }
0x2: {  	[smem:$0x3F9D] =	sst lr;
	_ =	strace $0xD0000000  }
0x3: {  	_ = 	snop  }
0x4: {  	_ = 	snop  }
0x5: {  	_ = 	snop  }
0x6: {  	_ = 	snop  }
0x7: {  	_ = 	snop  }
__scs_overlays_trampoline_lowered:
0x8: {  	[smem:$0x3FAC] =	sst s0  }
0x9: {  	[smem:$0x3FAD] =	sst s1  }
0xa: {  	[smem:$0x3FAE] =	sst s2  }
0xb: {  	[smem:$0x3FAF] =	sst s3  }
0xc: {  	[smem:$0x3FB0] =	sst s4  }
0xd: {  	[smem:$0x3FB1] =	sst s5  }
0xe: {  	[smem:$0x3FB2] =	sst s6  }
0xf: {  	[smem:$0x3FB3] =	sst s7  }
0x10: {  	[smem:$0x3FB4] =	sst s8  }
0x11: {  	[smem:$0x3FB5] =	sst s9;
	s0 =	simm.s32 @!p0 $0x0  }
0x12: {  	s1 =	sld [smem:$0x3F9B];
	s0 =	simm.s32 @p0 $0x1  }
0x13: {  	[smem:$0x3FB6] =	sst s0;
	s0 =	simm.s32 @!p1 $0x0  }
0x14: {  	s2 =	sld [smem:$0x3F9A];
	s0 =	simm.s32 @p1 $0x1  }
0x15: {  	[smem:$0x3FB7] =	sst s0;
	s0 =	simm.s32 @!p2 $0x0  }
0x16: {  	s3 =	sld [smem:$0x3FDB];
	s0 =	simm.s32 @p2 $0x1  }
0x17: {  	s4 =	simm.s32 $0x1BF5;
	[smem:$0x3FB9] =	sst s0  }
0x18: {  	s0 =	sld [smem:$0x3F9C];
	_ =	swait.ge [sflag:s4], $0x0  }
0x19: {  	s7 =	sld [smem:$0x3F9D]  }
0x1a: {  	s8 =	sadd.s32 $0xFFFFE003, lr  }
0x1b: {  	s9 =	sadd.s32 $0xFFFFFEF7, lr;
	s5 =	simm.s32 $0xFFFFFFFF;
	p2 =	slt.u32 s8, $0xFFFFF086  }
0x1c: {  	p1 =	slt.u32 s9, $0xF7A;
	s5 =	simm.s32 @!p2 $0x0  }
0x1d: {  	s5 =	simm.s32 @p1 $0x1;
	p0 =	seq.s32 s7, s2  }
0x1e: {  	s7 =	smul.u32 @!p0 $0xF7A, s2;
	p2 =	seq.s32 @!p0 s5, $0x0  }
0x1f: {  	s9 =	smul.u32 $0xF7A, s1;
	s8 =	simm.s32 @!p0 $0x1BF5;
	p2 =	por !p2, p0  }
0x20: {  	[sflag:s8] =	ssyncset.s32 @!p0 $0xFFFFF086;
	s6 =	sadd.s32 @!p0 s3, s7;
	s7 =	simm.s32 @!p0 $0x108  }
0x21: {  	s3 =	sadd.s32 s3, s9;
	s6 =	sadd.s32 @!p0 $0x88, s6;
	s7 =	simm.s32 @p2 $0x1082  }
0x22: {  	[simem:s7], [sflag:s8] =	dma.local @!p0 [hbm:s6], $0xF7A  }
0x23: {  	s9 =	sor.u32 $0xD0000000, s2;
	s6 =	simm.s32 $0x108;
	_ =	swait.ge @!p0 [sflag:s8], $0x0  }
0x24: {  	s3 =	sadd.s32 $0x88, s3;
	s6 =	simm.s32 @!p1 $0x1082;
	[sflag:s4] =	ssyncset.s32 $0xFFFFF086  }
0x25: {  	[simem:s6], [sflag:s4] =	dma.local [hbm:s3], $0xF7A  }
0x26: {  	[smem:$0x3F9D] =	sst s1;
	(tag) =	ssettag s2;
	_ =	strace s9  }
0x27: {  	s1 =	sld [smem:$0x3FAD]  }
0x28: {  	s2 =	sld [smem:$0x3FAE]  }
0x29: {  	s4 =	sld [smem:$0x3FB0]  }
0x2a: {  	p0 =	seq.s32 s5, $0x0;
	s5 =	sld [smem:$0x3FB1]  }
0x2b: {  	s6 =	sld [smem:$0x3FB2]  }
0x2c: {  	s7 =	sld [smem:$0x3FB3]  }
0x2d: {  	s3 =	simm.s32 $0x108;
	s8 =	sld [smem:$0x3FB4]  }
0x2e: {  	s3 =	simm.s32 @!p0 $0x1082;
	s9 =	sld [smem:$0x3FB5]  }
0x2f: {  	lr =	sadd.s32 s0, s3;
	s0 =	sld [smem:$0x3FAC]  }
0x30: {  	s3 =	sld [smem:$0x3FAF]  }
0x31: {  	[smem:$0x3FB8] =	sst s10  }
0x32: {  	s10 =	sld [smem:$0x3FB6];
	_ =	sdelay $0x3  }
0x33: {  	p0 =	seq.s32 s10, $0x1;
	s10 =	sld [smem:$0x3FB8];
	_ =	sdelay $0x3  }
0x34: {  	[smem:$0x3FB8] =	sst s10  }
0x35: {  	s10 =	sld [smem:$0x3FB7];
	_ =	sdelay $0x3  }
0x36: {  	p1 =	seq.s32 s10, $0x1;
	s10 =	sld [smem:$0x3FB8];
	_ =	sdelay $0x3  }
0x37: {  	[smem:$0x3FB8] =	sst s10  }
0x38: {  	s10 =	sld [smem:$0x3FB9]  }
0x39: {  	_ = 	snop;
	(pc) =	sbr.ind lr, $3  }
0x3a: {  	_ = 	snop  }
0x3b: {  	_ = 	snop  }
0x3c: {  	p2 =	seq.s32 s10, $0x1;
	s10 =	sld [smem:$0x3FB8]  }
0x3d: {  	_ =	shalt  }
0x3e: {  	_ =	shalt  }
0x3f: {  	_ =	shalt  }
0x40: {  	_ =	shalt  }
0x41: {  	_ =	shalt  }
0x42: {  	_ =	shalt  }
0x43: {  	_ =	shalt  }
0x44: {  	_ =	shalt  }
0x45: {  	_ =	shalt  }
0x46: {  	_ =	shalt  }
0x47: {  	_ =	shalt  }
0x48: {  	_ =	shalt  }
0x49: {  	_ =	shalt  }
0x4a: {  	_ =	shalt  }
0x4b: {  	_ =	shalt  }
0x4c: {  	_ =	shalt  }
0x4d: {  	_ =	shalt  }
0x4e: {  	_ =	shalt  }
0x4f: {  	_ =	shalt  }
0x50: {  	_ =	shalt  }
0x51: {  	_ =	shalt  }
0x52: {  	_ =	shalt  }
0x53: {  	_ =	shalt  }
0x54: {  	_ =	shalt  }
0x55: {  	_ =	shalt  }
0x56: {  	_ =	shalt  }
0x57: {  	_ =	shalt  }
0x58: {  	_ =	shalt  }
0x59: {  	_ =	shalt  }
0x5a: {  	_ =	shalt  }
0x5b: {  	_ =	shalt  }
0x5c: {  	_ =	shalt  }
0x5d: {  	_ =	shalt  }
0x5e: {  	_ =	shalt  }
0x5f: {  	_ =	shalt  }
0x60: {  	_ =	shalt  }
0x61: {  	_ =	shalt  }
0x62: {  	_ =	shalt  }
0x63: {  	_ =	shalt  }
0x64: {  	_ =	shalt  }
0x65: {  	_ =	shalt  }
0x66: {  	_ =	shalt  }
0x67: {  	_ =	shalt  }
0x68: {  	_ =	shalt  }
0x69: {  	_ =	shalt  }
0x6a: {  	_ =	shalt  }
0x6b: {  	_ =	shalt  }
0x6c: {  	_ =	shalt  }
0x6d: {  	_ =	shalt  }
0x6e: {  	_ =	shalt  }
0x6f: {  	_ =	shalt  }
0x70: {  	_ =	shalt  }
0x71: {  	_ =	shalt  }
0x72: {  	_ =	shalt  }
0x73: {  	_ =	shalt  }
0x74: {  	_ =	shalt  }
0x75: {  	_ =	shalt  }
0x76: {  	_ =	shalt  }
0x77: {  	_ =	shalt  }
0x78: {  	_ =	shalt  }
0x79: {  	_ =	shalt  }
0x7a: {  	_ =	shalt  }
0x7b: {  	_ =	shalt  }
0x7c: {  	_ =	shalt  }
0x7d: {  	_ =	shalt  }
0x7e: {  	_ =	shalt  }
0x7f: {  	_ =	shalt  }
0x80: {  	_ =	shalt  }
0x81: {  	_ =	shalt  }
0x82: {  	_ =	shalt  }
0x83: {  	_ =	shalt  }
0x84: {  	_ =	shalt  }
0x85: {  	_ =	shalt  }
0x86: {  	_ =	shalt  }
0x87: {  	_ =	shalt  }
.Lfunc_end0:
.L_simem_size_0:
called_computation_lowered:
.L_overlay_start_0:
0x88: {  	s2 =	sld [smem:$0x3FD9]  }
0x89: {  	s3 =	sld [smem:$0x3FFE];
	_ =	sdelay $0x1  }
0x8a: {  	s1 =	srdreg.scid  }
0x8b: {  	s0 =	sand.u32 $0x1, s1  }
0x8c: {  	s17 =	sshll.u32 s0, $0xA;
	s2 =	sadd.s32 s3, s2  }
0x8d: {  	s2 =	sadd.s32 s2, s17  }
0x8e: {  	[smem:$0x3FC4] =	sst s2  }
0x8f: {  	_ = 	snop  }
0x90: {  	s2 =	sld [smem:$0x3FC9]  }
0x91: {  	s18 =	sld [smem:$0x3FD0];
	(tm) =	ssettm $0x1  }
0x92: {  	s4 =	sld [smem:$0x3FFB];
	_ =	sdelay $0x3  }
0x93: {  	_ =	strace s4  }
0x94: {  	s4 =	sld [smem:$0x3FFC];
	_ =	sdelay $0x3  }
0x95: {  	_ =	strace s4  }
0x96: {  	s4 =	sld [smem:$0x3FFD];
	_ =	sdelay $0x3  }
0x97: {  	_ =	strace s4  }
0x98: {  	_ =	strace $0x8FFFFFFF  }
0x99: {  	s19 =	sld [smem:$0x3FDB];
	_ =	sdelay $0x1  }
0x9a: {  	s5 =	simm.s32 $_scs_section_size  }
0x9b: {  	s6 =	simm.s32 $_size__tile_overlayer_lowered;
	s7 =	simm.s32 $_tile_overlayer_lowered  }
0x9c: {  	s22 =	simm.s32 $0x1BFF;
	s21 =	sshll.u32 s7, $0x1;
	s4 =	sadd.s32 s5, s19  }
0x9d: {  	s8 =	simm.s32 $0x0;
	s20 =	sshll.u32 s6, $0x1;
	s6 =	sadd.s32 s21, s4  }
0x9e: {  	[timem:s8], [sflag:s22] =	dma.local [hbm:s6], s20  }
0x9f: {  	_ =	swait.ge [sflag:s22], s20  }
0xa0: {  	s5 =	ssub.s32 $0x0, s20;
	[sflag:s22] =	ssyncset.done $0x0  }
0xa1: {  	[sflag:s22] =	ssyncadd.s32 s5;
	_ =	sdelay $0x1  }
0xa2: {  	s23 =	simm.s32 $0x1B8B  }
0xa3: {  	_ =	swait.ge [sflag:s23], $0x1  }
0xa4: {  	[sflag:s23] =	ssyncset.done $0x0  }
0xa5: {  	s25 =	simm.s32 $0x1B8E;
	s24 =	sld [smem:$0x3FFE];
	[sflag:s23] =	ssyncadd.s32 $0xFFFFFFFF  }
0xa6: {  	s26 =	simm.s32 $execute0_lowered;
	[smem:$0x3FD2] =	sst s25  }
0xa7: {  	s6 =	sshll.u32 s26, $0x1;
	_ =	strace $0x80000046;
	[dreg:$0x1] =	wrdreg $0xFFFFFFFF  }
0xa8: {  	s28 =	simm.s32 $_size_execute0_lowered;
	s4 =	sadd.s32 s4, s6;
	[dreg:$0x0] =	wrdreg $0x0  }
0xa9: {  	s6 =	sshll.u32 s28, $0x1;
	[dreg:$0x2] =	wrdreg s4  }
0xaa: {  	[dreg:$0x3] =	wrdreg s6  }
0xab: {  	[dreg:$0x4] =	wrdreg $0xC0  }
0xac: {  	_ =	task [dreg:s8], $0x5FFFF  }
0xad: {  	[dreg:$0x1] =	wrdreg $0xFFFFFFFF  }
0xae: {  	[dreg:$0x0] =	wrdreg $0x60  }
0xaf: {  	[dreg:$0x2] =	wrdreg s2  }
0xb0: {  	[dreg:$0x3] =	wrdreg s24  }
0xb1: {  	[dreg:$0x4] =	wrdreg s18  }
0xb2: {  	[dreg:$0x5] =	wrdreg $0x9  }
0xb3: {  	_ =	task.clear_ibuf [dreg:s8], $0x6FFFF;
	_ =	strace $0x90000046  }
0xb4: {  	s29 =	simm.s32 $0x9;
	_ =	strace $0x80000048  }
0xb5: {  	_ =	swait.ge [sflag:s29], $0x1  }
0xb6: {  	[sflag:s29] =	ssyncadd.s32 $0xFFFFFFFF  }
0xb7: {  	_ =	strace $0x90000048  }
0xb8: {  	_ =	sfence  }
0xb9: {  	s30 =	sld [smem:$0x0];
	_ =	sdelay $0x2  }
0xba: {  	s31 =	sshll.u32 s1, $0xD;
	s1 =	sshrl.u32 s1, $0x2  }
0xbb: {  	s3 =	sand.u32 $0x4000, s31;
	s1 =	sadd.s32 s1, s30  }
0xbc: {  	s0 =	sor.u32 s3, s0;
	s1 =	sshll.u32 s1, $0x11  }
0xbd: {  	s0 =	sor.u32 s1, s0  }
0xbe: {  	s0 =	sadd.s32 $0x8F2B, s0  }
0xbf: {  	[sflag:s0] =	ssyncadd.remote.s32 $0x1  }
0xc0: {  	_ =	sfence.sel $0xFFFF  }
0xc1: {  	[dreg:$0x0] =	wrdreg $0xFFFFFFFF;
	(pc) =	sbr.abs _section_cstart, $3  }
0xc2: {  	[dreg:$0x1] =	wrdreg $0xFFFFFFFF  }
0xc3: {  	_ =	task.clear_ibuf [dreg:s8], $0x2FFFF;
	_ =	strace $0x9FFFFFFF  }
0xc4: {  	(tm) =	ssettm $0x7FFFFFFF  }
0xc5: {  	_ =	shalt  }
tec
execute0_lowered:
.L_overlay_start_1:
0x0: {  	(tag) =	ssettag $0x1  }
0x1: {  	s4 =	rddreg [dreg:$0x0]  }
0x2: {  	s0 =	rddreg [dreg:$0x1];
	s1 =	srdreg.scid  }
0x3: {  	s5 =	rddreg [dreg:$0x2];
	s2 =	stileid.u32;
	s1 =	sand.u32 $0x1, s1  }
0x4: {  	s6 =	simm.s32 $0x0;
	s2 =	sshll.u32 s2, $0xB;
	s3 =	sshll.u32 s1, $0xA  }
0x5: {  	[smem:$0x7FF] =	sst s6;
	s2 =	sor.u32 s3, s2  }
0x6: {  	_ =	strace $0x80000047;
	s3 =	sshrl.u32 s2, $0x3;
	s28 =	sshll.u32 s2, $0x7  }
0x7: {  	s3 =	sadd.s32 s3, s0;
	s0 =	sadd.s32 $0x2400, s0;
	[dreg:$0x6] =	wrdreg s28  }
0x8: {  	s30 =	sadd.s32 s4, s28;
	[dreg:$0x4] =	wrdreg s0  }
0x9: {  	s1 =	ssub.s32 $0x2, s1;
	s26 =	sadd.s32 $0x400, s3;
	[dreg:$0x8] =	wrdreg s30  }
0xa: {  	s25 =	sshrl.u32 s1, $0x1;
	s29 =	sadd.s32 $0x1400, s3;
	[dreg:$0x5] =	wrdreg s26  }
0xb: {  	s0 =	ssub.s32 s1, s25;
	s1 =	sadd.s32 s5, s28;
	[dreg:$0x7] =	wrdreg s29  }
0xc: {  	s31 =	sadd.s32 $0x1000, s30;
	[dreg:$0x9] =	wrdreg s1  }
0xd: {  	[dreg:$0xa] =	wrdreg s31;
	s0 =	smax.u32 s0, $0x1  }
0xe: {  	s2 =	simm.s32 $0x0;
	s4 =	simm.s32 $0x16C80;
	[dreg:$0xb] =	wrdreg s0  }
.LBB2_1:
0xf: {  	[dreg:$0xc] =	wrdreg s2;
	s0 =	simm.s32 $0x0  }
0x10: {  	s1 =	rddreg [dreg:$0x4];
	s28 =	simm.s32 $0xC80;
	s29 =	simm.s32 $0x5  }
0x11: {  	[tilespmem:s28], [sflag:$0x5] =	stream.linear.gather [hbm4b:s1+s0], $0x12000, $0x38;
	[tilespmem:$0x1AC80] =	vst v63  }
0x12: {  	_ =	swait.ge [sflag:s29], $0x12000  }
0x13: {  	[sflag:s29] =	ssyncset.done $0x0  }
0x14: {  	s30 =	rddreg [dreg:$0x5];
	[sflag:s29] =	ssyncadd.s32 $0xFFFEE000  }
0x15: {  	[tilespmem:s0], [sflag:$0x5] =	stream.linear.gather [hbm4b:s30+s0], $0x400, $0x38;
	[tilespmem:$0x1AC80] =	vst v63  }
0x16: {  	_ =	swait.ge [sflag:s29], $0x400  }
0x17: {  	[sflag:s29] =	ssyncset.done $0x0  }
0x18: {  	s3 =	simm.s32 $0x400;
	s31 =	rddreg [dreg:$0x7];
	[sflag:s29] =	ssyncadd.s32 $0xFFFFFC00  }
0x19: {  	[tilespmem:s3], [sflag:$0x5] =	stream.linear.gather [hbm4b:s31+s0], $0x400, $0x38;
	[tilespmem:$0x1AC80] =	vst v63  }
0x1a: {  	_ =	swait.ge [sflag:s29], $0x400  }
0x1b: {  	[sflag:s29] =	ssyncset.done $0x0  }
0x1c: {  	s0 =	simm.s32 $0x0;
	[sflag:s29] =	ssyncadd.s32 $0xFFFFFC00  }
0x1d: {  	v0 =	vld [tilespmem:s0+$0x400]  }
0x1e: {  	s1 =	simm.s32 $0x40;
	v1 =	vld [tilespmem:s0+$0x0]  }
.LBB2_2:
0x1f: {  	p0 =	sne.s32 s1, $0xFC0  }
.Ltmp0:
0x20: {  	_ = 	snop;
	(pc) =	sbr.rel @p0 .LBB2_2-.Ltmp0, $4  }
0x21: {  	_ = 	snop  }
0x22: {  	s2 =	sshra.s32 s1, $0x2;
	s1 =	sadd.s32 $0x40, s1;
	vm0 =	veq.s32 v0, $0x0  }
0x23: {  	v0 =	vld [tilespmem:s2+$0x400];
	v2 =	vsel vm0, $0x40, v1  }
0x24: {  	v1 =	vld [tilespmem:s2+$0x0];
	[tilespmem:s0+$0x800] =	vst v2;
	s0 =	smov.u32 s2  }
0x25: {  	_ =	sdelay $0x2  }
0x26: {  	s2 =	simm.s32 $0x0;
	vm0 =	veq.s32 v0, $0x0  }
0x27: {  	s30 =	rddreg [dreg:$0x8];
	s1 =	simm.s32 $0x12C80;
	s31 =	simm.s32 $0x811;
	v0 =	vsel vm0, $0x40, v1  }
0x28: {  	s6 =	simm.s32 $0x801;
	s26 =	simm.s32 $0x0;
	[dreg:$0xe] =	wrdreg s31;
	[tilespmem:s0+$0x800] =	vst v0  }
0x29: {  	[tilespmem:s1], [sflag:$0x1] =	stream.linear.gather [hbm4b:s30+s2], $0x4000, $0x38;
	[tilespmem:$0x1AC80] =	vst v63  }
.LBB2_4:
0x2a: {  	s1 =	simm.s32 $0x1  }
0x2b: {  	_ =	swait.ge [sflag:s1], $0x4000  }
0x2c: {  	p0 =	seq.s32 s26, $0x0;
	[sflag:s1] =	ssyncset.done $0x0  }
0x2d: {  	[sflag:s1] =	ssyncadd.s32 $0xFFFFC000;
	s1 =	simm.s32 @!p0 $0x4  }
0x2e: {  	s0 =	sshll.u32 s26, $0x1;
	_ =	swait.ge @!p0 [sflag:s1], $0x4000  }
0x2f: {  	s0 =	sshll.u32 s0, $0xB;
	s2 =	rddreg [dreg:$0x6];
	[sflag:s1] =	ssyncset.done @!p0 $0x0  }
0x30: {  	s0 =	sadd.s32 s0, s2;
	[sflag:s1] =	ssyncadd.s32 @!p0 $0xFFFFC000  }
0x31: {  	s2 =	sadd.s32 $0x800, s0;
	s19 =	rddreg [dreg:$0x0]  }
0x32: {  	s5 =	simm.s32 $0x0;
	[dreg:$0xf] =	wrdreg s2;
	s0 =	sadd.s32 s19, s2  }
0x33: {  	[tilespmem:s4], [sflag:$0x2] =	stream.linear.gather [hbm4b:s0+s5], $0x4000, $0x38;
	[tilespmem:$0x1AC80] =	vst v63  }
0x34: {  	v0 =	vld [tilespmem:s6+$0x0];
	_ =	sdelay $0x2  }
0x35: {  	v1 =	vld [tilespmem:s6+$0xFFFFFFFF];
	_ =	sdelay $0x1  }
0x36: {  	(v2sf) =	vpush v0, $0x0;
	_ =	sdelay $0x2  }
0x37: {  	(v2sf) =	vpush v1, $0x0;
	_ =	sdelay $0xb  }
0x38: {  	s20 =	spop (v2sf)  }
0x39: {  	s21 =	sshll.u32 s20, $0xA;
	s0 =	sshll.u32 s20, $0x7  }
0x3a: {  	s1 =	sand.u32 $0xFFFFE000, s21;
	s0 =	sand.u32 $0x380, s0  }
0x3b: {  	s22 =	spop (v2sf);
	s2 =	sor.u32 s0, s1  }
0x3c: {  	s23 =	sshll.u32 s22, $0xA;
	s0 =	sshll.u32 s22, $0x7;
	v0 =	vld [tilespmem:s2+$0xC80]  }
0x3d: {  	s1 =	sand.u32 $0xFFFFE000, s23;
	s0 =	sand.u32 $0x380, s0  }
0x3e: {  	s3 =	simm.s32 $0x80;
	s24 =	sand.u32 $0x2000, s5;
	s29 =	sor.u32 s0, s1  }
0x3f: {  	s25 =	sand.u32 $0x380, s3;
	s0 =	sadd.s32 $0x12C80, s24;
	v1 =	vld [tilespmem:s29+$0xC80]  }
0x40: {  	s5 =	sadd.s32 s25, s0  }
0x41: {  	s28 =	simm.s32 $0x0;
	[tilespmem:s5+$0x0] =	vst.add.f32.msk $0xffff, v0  }
0x42: {  	s1 =	sand.u32 $0x300, s28;
	v0 =	vld [tilespmem:s2+$0xC90]  }
0x43: {  	s30 =	sor.u32 s1, s0  }
0x44: {  	[tilespmem:s30+$0x0] =	vst.add.f32.msk $0xffff, v1  }
0x45: {  	v1 =	vld [tilespmem:s29+$0xC90]  }
0x46: {  	s3 =	sor.u32 $0x10, s5  }
0x47: {  	[tilespmem:s3+$0x0] =	vst.add.f32.msk $0xffff, v0  }
0x48: {  	v0 =	vld [tilespmem:s2+$0xCA0]  }
0x49: {  	s4 =	sor.u32 $0x10, s30  }
0x4a: {  	[tilespmem:s4+$0x0] =	vst.add.f32.msk $0xffff, v1  }
0x4b: {  	v1 =	vld [tilespmem:s29+$0xCA0]  }
0x4c: {  	s7 =	sor.u32 $0x20, s5  }
0x4d: {  	[tilespmem:s7+$0x0] =	vst.add.f32.msk $0xffff, v0  }
0x4e: {  	v0 =	vld [tilespmem:s2+$0xCB0]  }
0x4f: {  	s8 =	sor.u32 $0x20, s30  }
0x50: {  	[tilespmem:s8+$0x0] =	vst.add.f32.msk $0xffff, v1  }
0x51: {  	v1 =	vld [tilespmem:s29+$0xCB0]  }
0x52: {  	s9 =	sor.u32 $0x30, s5  }
0x53: {  	[tilespmem:s9+$0x0] =	vst.add.f32.msk $0xffff, v0  }
0x54: {  	v0 =	vld [tilespmem:s2+$0xCC0]  }
0x55: {  	s10 =	sor.u32 $0x30, s30  }
0x56: {  	[tilespmem:s10+$0x0] =	vst.add.f32.msk $0xffff, v1  }
0x57: {  	v1 =	vld [tilespmem:s29+$0xCC0]  }
0x58: {  	s11 =	sor.u32 $0x40, s5  }
0x59: {  	[tilespmem:s11+$0x0] =	vst.add.f32.msk $0xffff, v0  }
0x5a: {  	v0 =	vld [tilespmem:s2+$0xCD0]  }
0x5b: {  	s12 =	sor.u32 $0x40, s30  }
0x5c: {  	[tilespmem:s12+$0x0] =	vst.add.f32.msk $0xffff, v1  }
0x5d: {  	v1 =	vld [tilespmem:s29+$0xCD0]  }
0x5e: {  	s13 =	sor.u32 $0x50, s5  }
0x5f: {  	[tilespmem:s13+$0x0] =	vst.add.f32.msk $0xffff, v0  }
0x60: {  	v0 =	vld [tilespmem:s2+$0xCE0]  }
0x61: {  	s14 =	sor.u32 $0x50, s30  }
0x62: {  	[tilespmem:s14+$0x0] =	vst.add.f32.msk $0xffff, v1  }
0x63: {  	v1 =	vld [tilespmem:s29+$0xCE0]  }
0x64: {  	s15 =	sor.u32 $0x60, s5  }
0x65: {  	[tilespmem:s15+$0x0] =	vst.add.f32.msk $0xffff, v0  }
0x66: {  	v0 =	vld [tilespmem:s2+$0xCF0]  }
0x67: {  	s16 =	sor.u32 $0x60, s30  }
0x68: {  	[tilespmem:s16+$0x0] =	vst.add.f32.msk $0xffff, v1  }
0x69: {  	v1 =	vld [tilespmem:s29+$0xCF0]  }
0x6a: {  	s17 =	sor.u32 $0x70, s5  }
0x6b: {  	[tilespmem:s17+$0x0] =	vst.add.f32.msk $0xffff, v0  }
0x6c: {  	v0 =	vld [tilespmem:s2+$0x1080]  }
0x6d: {  	s18 =	sor.u32 $0x70, s30  }
0x6e: {  	[tilespmem:s18+$0x0] =	vst.add.f32.msk $0xffff, v1  }
0x6f: {  	v1 =	vld [tilespmem:s29+$0x1080];
	_ =	sdelay $0x1  }
0x70: {  	[tilespmem:s5+$0x400] =	vst.add.f32.msk $0xffff, v0  }
0x71: {  	v0 =	vld [tilespmem:s2+$0x1090];
	_ =	sdelay $0x1  }
0x72: {  	[tilespmem:s30+$0x400] =	vst.add.f32.msk $0xffff, v1  }
0x73: {  	v1 =	vld [tilespmem:s29+$0x1090];
	_ =	sdelay $0x1  }
0x74: {  	[tilespmem:s5+$0x410] =	vst.add.f32.msk $0xffff, v0  }
0x75: {  	v0 =	vld [tilespmem:s2+$0x10A0];
	_ =	sdelay $0x1  }
0x76: {  	[tilespmem:s30+$0x410] =	vst.add.f32.msk $0xffff, v1  }
0x77: {  	v1 =	vld [tilespmem:s29+$0x10A0];
	_ =	sdelay $0x1  }
0x78: {  	[tilespmem:s5+$0x420] =	vst.add.f32.msk $0xffff, v0  }
0x79: {  	v0 =	vld [tilespmem:s2+$0x10B0];
	_ =	sdelay $0x1  }
0x7a: {  	[tilespmem:s30+$0x420] =	vst.add.f32.msk $0xffff, v1  }
0x7b: {  	v1 =	vld [tilespmem:s29+$0x10B0];
	_ =	sdelay $0x1  }
0x7c: {  	[tilespmem:s5+$0x430] =	vst.add.f32.msk $0xffff, v0  }
0x7d: {  	v0 =	vld [tilespmem:s2+$0x10C0];
	_ =	sdelay $0x1  }
0x7e: {  	[tilespmem:s30+$0x430] =	vst.add.f32.msk $0xffff, v1  }
0x7f: {  	v1 =	vld [tilespmem:s29+$0x10C0];
	_ =	sdelay $0x1  }
0x80: {  	[tilespmem:s5+$0x440] =	vst.add.f32.msk $0xffff, v0  }
0x81: {  	v0 =	vld [tilespmem:s2+$0x10D0];
	_ =	sdelay $0x1  }
0x82: {  	[tilespmem:s30+$0x440] =	vst.add.f32.msk $0xffff, v1  }
0x83: {  	v1 =	vld [tilespmem:s29+$0x10D0];
	_ =	sdelay $0x1  }
0x84: {  	[tilespmem:s5+$0x450] =	vst.add.f32.msk $0xffff, v0  }
0x85: {  	v0 =	vld [tilespmem:s2+$0x10E0];
	_ =	sdelay $0x1  }
0x86: {  	[tilespmem:s30+$0x450] =	vst.add.f32.msk $0xffff, v1  }
0x87: {  	v1 =	vld [tilespmem:s29+$0x10E0];
	_ =	sdelay $0x1  }
0x88: {  	[tilespmem:s5+$0x460] =	vst.add.f32.msk $0xffff, v0  }
0x89: {  	v0 =	vld [tilespmem:s2+$0x10F0];
	_ =	sdelay $0x1  }
0x8a: {  	[tilespmem:s30+$0x460] =	vst.add.f32.msk $0xffff, v1  }
0x8b: {  	v1 =	vld [tilespmem:s29+$0x10F0];
	_ =	sdelay $0x1  }
0x8c: {  	[tilespmem:s5+$0x470] =	vst.add.f32.msk $0xffff, v0  }
0x8d: {  	v0 =	vld [tilespmem:s2+$0x1480];
	_ =	sdelay $0x1  }
0x8e: {  	[tilespmem:s30+$0x470] =	vst.add.f32.msk $0xffff, v1  }
0x8f: {  	v1 =	vld [tilespmem:s29+$0x1480];
	_ =	sdelay $0x1  }
0x90: {  	[tilespmem:s5+$0x800] =	vst.add.f32.msk $0xffff, v0  }
0x91: {  	v0 =	vld [tilespmem:s2+$0x1490];
	_ =	sdelay $0x1  }
0x92: {  	[tilespmem:s30+$0x800] =	vst.add.f32.msk $0xffff, v1  }
0x93: {  	v1 =	vld [tilespmem:s29+$0x1490];
	_ =	sdelay $0x1  }
0x94: {  	[tilespmem:s5+$0x810] =	vst.add.f32.msk $0xffff, v0  }
0x95: {  	v0 =	vld [tilespmem:s2+$0x14A0];
	_ =	sdelay $0x1  }
0x96: {  	[tilespmem:s30+$0x810] =	vst.add.f32.msk $0xffff, v1  }
0x97: {  	v1 =	vld [tilespmem:s29+$0x14A0];
	_ =	sdelay $0x1  }
0x98: {  	[tilespmem:s5+$0x820] =	vst.add.f32.msk $0xffff, v0  }
0x99: {  	v0 =	vld [tilespmem:s2+$0x14B0];
	_ =	sdelay $0x1  }
0x9a: {  	[tilespmem:s30+$0x820] =	vst.add.f32.msk $0xffff, v1  }
0x9b: {  	v1 =	vld [tilespmem:s29+$0x14B0];
	_ =	sdelay $0x1  }
0x9c: {  	[tilespmem:s5+$0x830] =	vst.add.f32.msk $0xffff, v0  }
0x9d: {  	v0 =	vld [tilespmem:s2+$0x14C0];
	_ =	sdelay $0x1  }
0x9e: {  	[tilespmem:s30+$0x830] =	vst.add.f32.msk $0xffff, v1  }
0x9f: {  	v1 =	vld [tilespmem:s29+$0x14C0];
	_ =	sdelay $0x1  }
0xa0: {  	[tilespmem:s5+$0x840] =	vst.add.f32.msk $0xffff, v0  }
0xa1: {  	v0 =	vld [tilespmem:s2+$0x14D0];
	_ =	sdelay $0x1  }
0xa2: {  	[tilespmem:s30+$0x840] =	vst.add.f32.msk $0xffff, v1  }
0xa3: {  	v1 =	vld [tilespmem:s29+$0x14D0];
	_ =	sdelay $0x1  }
0xa4: {  	[tilespmem:s5+$0x850] =	vst.add.f32.msk $0xffff, v0  }
0xa5: {  	v0 =	vld [tilespmem:s2+$0x14E0];
	_ =	sdelay $0x1  }
0xa6: {  	[tilespmem:s30+$0x850] =	vst.add.f32.msk $0xffff, v1  }
0xa7: {  	v1 =	vld [tilespmem:s29+$0x14E0];
	_ =	sdelay $0x1  }
0xa8: {  	[tilespmem:s5+$0x860] =	vst.add.f32.msk $0xffff, v0  }
0xa9: {  	v0 =	vld [tilespmem:s2+$0x14F0];
	_ =	sdelay $0x1  }
0xaa: {  	[tilespmem:s30+$0x860] =	vst.add.f32.msk $0xffff, v1  }
0xab: {  	v1 =	vld [tilespmem:s29+$0x14F0];
	_ =	sdelay $0x1  }
0xac: {  	[tilespmem:s5+$0x870] =	vst.add.f32.msk $0xffff, v0  }
0xad: {  	v0 =	vld [tilespmem:s2+$0x1880];
	_ =	sdelay $0x1  }
0xae: {  	[tilespmem:s30+$0x870] =	vst.add.f32.msk $0xffff, v1  }
0xaf: {  	v1 =	vld [tilespmem:s29+$0x1880];
	_ =	sdelay $0x1  }
0xb0: {  	[tilespmem:s5+$0xC00] =	vst.add.f32.msk $0xffff, v0  }
0xb1: {  	v0 =	vld [tilespmem:s2+$0x1890];
	_ =	sdelay $0x1  }
0xb2: {  	[tilespmem:s30+$0xC00] =	vst.add.f32.msk $0xffff, v1  }
0xb3: {  	v1 =	vld [tilespmem:s29+$0x1890];
	_ =	sdelay $0x1  }
0xb4: {  	[tilespmem:s5+$0xC10] =	vst.add.f32.msk $0xffff, v0  }
0xb5: {  	v0 =	vld [tilespmem:s2+$0x18A0];
	_ =	sdelay $0x1  }
0xb6: {  	[tilespmem:s30+$0xC10] =	vst.add.f32.msk $0xffff, v1  }
0xb7: {  	v1 =	vld [tilespmem:s29+$0x18A0];
	_ =	sdelay $0x1  }
0xb8: {  	[tilespmem:s5+$0xC20] =	vst.add.f32.msk $0xffff, v0  }
0xb9: {  	v0 =	vld [tilespmem:s2+$0x18B0];
	_ =	sdelay $0x1  }
0xba: {  	[tilespmem:s30+$0xC20] =	vst.add.f32.msk $0xffff, v1  }
0xbb: {  	v1 =	vld [tilespmem:s29+$0x18B0];
	_ =	sdelay $0x1  }
0xbc: {  	[tilespmem:s5+$0xC30] =	vst.add.f32.msk $0xffff, v0  }
0xbd: {  	v0 =	vld [tilespmem:s2+$0x18C0];
	_ =	sdelay $0x1  }
0xbe: {  	[tilespmem:s30+$0xC30] =	vst.add.f32.msk $0xffff, v1  }
0xbf: {  	v1 =	vld [tilespmem:s29+$0x18C0];
	_ =	sdelay $0x1  }
0xc0: {  	[tilespmem:s5+$0xC40] =	vst.add.f32.msk $0xffff, v0  }
0xc1: {  	v0 =	vld [tilespmem:s2+$0x18D0];
	_ =	sdelay $0x1  }
0xc2: {  	[tilespmem:s30+$0xC40] =	vst.add.f32.msk $0xffff, v1  }
0xc3: {  	v1 =	vld [tilespmem:s29+$0x18D0];
	_ =	sdelay $0x1  }
0xc4: {  	[tilespmem:s5+$0xC50] =	vst.add.f32.msk $0xffff, v0  }
0xc5: {  	v0 =	vld [tilespmem:s2+$0x18E0];
	_ =	sdelay $0x1  }
0xc6: {  	[tilespmem:s30+$0xC50] =	vst.add.f32.msk $0xffff, v1  }
0xc7: {  	v1 =	vld [tilespmem:s29+$0x18E0];
	_ =	sdelay $0x1  }
0xc8: {  	[tilespmem:s5+$0xC60] =	vst.add.f32.msk $0xffff, v0  }
0xc9: {  	v0 =	vld [tilespmem:s2+$0x18F0];
	_ =	sdelay $0x1  }
0xca: {  	[tilespmem:s30+$0xC60] =	vst.add.f32.msk $0xffff, v1  }
0xcb: {  	v1 =	vld [tilespmem:s29+$0x18F0];
	_ =	sdelay $0x1  }
0xcc: {  	[tilespmem:s5+$0xC70] =	vst.add.f32.msk $0xffff, v0  }
0xcd: {  	v0 =	vld [tilespmem:s2+$0x1C80];
	_ =	sdelay $0x1  }
0xce: {  	[tilespmem:s30+$0xC70] =	vst.add.f32.msk $0xffff, v1  }
0xcf: {  	v1 =	vld [tilespmem:s29+$0x1C80];
	_ =	sdelay $0x1  }
0xd0: {  	[tilespmem:s5+$0x1000] =	vst.add.f32.msk $0xffff, v0  }
0xd1: {  	v0 =	vld [tilespmem:s2+$0x1C90]  }
0xd2: {  	s19 =	sor.u32 $0x1000, s30  }
0xd3: {  	[tilespmem:s19+$0x0] =	vst.add.f32.msk $0xffff, v1  }
0xd4: {  	v1 =	vld [tilespmem:s29+$0x1C90];
	_ =	sdelay $0x1  }
0xd5: {  	[tilespmem:s5+$0x1010] =	vst.add.f32.msk $0xffff, v0  }
0xd6: {  	v0 =	vld [tilespmem:s2+$0x1CA0]  }
0xd7: {  	s20 =	sor.u32 $0x1010, s30  }
0xd8: {  	[tilespmem:s20+$0x0] =	vst.add.f32.msk $0xffff, v1  }
0xd9: {  	v1 =	vld [tilespmem:s29+$0x1CA0];
	_ =	sdelay $0x1  }
0xda: {  	[tilespmem:s5+$0x1020] =	vst.add.f32.msk $0xffff, v0  }
0xdb: {  	v0 =	vld [tilespmem:s2+$0x1CB0]  }
0xdc: {  	s21 =	sor.u32 $0x1020, s30  }
0xdd: {  	[tilespmem:s21+$0x0] =	vst.add.f32.msk $0xffff, v1  }
0xde: {  	v1 =	vld [tilespmem:s29+$0x1CB0];
	_ =	sdelay $0x1  }
0xdf: {  	[tilespmem:s5+$0x1030] =	vst.add.f32.msk $0xffff, v0  }
0xe0: {  	v0 =	vld [tilespmem:s2+$0x1CC0]  }
0xe1: {  	s22 =	sor.u32 $0x1030, s30  }
0xe2: {  	[tilespmem:s22+$0x0] =	vst.add.f32.msk $0xffff, v1  }
0xe3: {  	v1 =	vld [tilespmem:s29+$0x1CC0];
	_ =	sdelay $0x1  }
0xe4: {  	[tilespmem:s5+$0x1040] =	vst.add.f32.msk $0xffff, v0  }
0xe5: {  	v0 =	vld [tilespmem:s2+$0x1CD0]  }
0xe6: {  	s23 =	sor.u32 $0x1040, s30  }
0xe7: {  	[tilespmem:s23+$0x0] =	vst.add.f32.msk $0xffff, v1  }
0xe8: {  	v1 =	vld [tilespmem:s29+$0x1CD0];
	_ =	sdelay $0x1  }
0xe9: {  	[tilespmem:s5+$0x1050] =	vst.add.f32.msk $0xffff, v0  }
0xea: {  	v0 =	vld [tilespmem:s2+$0x1CE0]  }
0xeb: {  	s24 =	sor.u32 $0x1050, s30  }
0xec: {  	[tilespmem:s24+$0x0] =	vst.add.f32.msk $0xffff, v1  }
0xed: {  	s3 =	sadd.s32 $0x2, s6;
	v1 =	vld [tilespmem:s29+$0x1CE0];
	[dreg:$0xd] =	wrdreg s6  }
0xee: {  	v2 =	vld [tilespmem:s3+$0x0]  }
0xef: {  	[tilespmem:s5+$0x1060] =	vst.add.f32.msk $0xffff, v0  }
0xf0: {  	v0 =	vld [tilespmem:s2+$0x1CF0]  }
0xf1: {  	s25 =	sor.u32 $0x1060, s30;
	v3 =	vld [tilespmem:s3+$0xFFFFFFFF]  }
0xf2: {  	[tilespmem:s25+$0x0] =	vst.add.f32.msk $0xffff, v1  }
0xf3: {  	(v2sf) =	vpush v2, $0x0;
	v1 =	vld [tilespmem:s29+$0x1CF0];
	_ =	sdelay $0x1  }
0xf4: {  	[tilespmem:s5+$0x1070] =	vst.add.f32.msk $0xffff, v0  }
0xf5: {  	(v2sf) =	vpush v3, $0x0;
	v0 =	vld [tilespmem:s2+$0x2080]  }
0xf6: {  	s28 =	sor.u32 $0x1070, s30  }
0xf7: {  	[tilespmem:s28+$0x0] =	vst.add.f32.msk $0xffff, v1  }
0xf8: {  	v1 =	vld [tilespmem:s29+$0x2080];
	_ =	sdelay $0x1  }
0xf9: {  	[tilespmem:s5+$0x1400] =	vst.add.f32.msk $0xffff, v0  }
0xfa: {  	v0 =	vld [tilespmem:s2+$0x2090];
	_ =	sdelay $0x1  }
0xfb: {  	[tilespmem:s30+$0x1400] =	vst.add.f32.msk $0xffff, v1  }
0xfc: {  	v1 =	vld [tilespmem:s29+$0x2090];
	_ =	sdelay $0x1  }
0xfd: {  	[tilespmem:s5+$0x1410] =	vst.add.f32.msk $0xffff, v0  }
0xfe: {  	s1 =	spop (v2sf);
	v0 =	vld [tilespmem:s2+$0x20A0]  }
0xff: {  	s4 =	sshll.u32 s1, $0xA;
	s0 =	sshll.u32 s1, $0x7  }
0x100: {  	[tilespmem:s30+$0x1410] =	vst.add.f32.msk $0xffff, v1;
	s1 =	sand.u32 $0xFFFFE000, s4;
	s0 =	sand.u32 $0x380, s0  }
0x101: {  	s6 =	spop (v2sf);
	v1 =	vld [tilespmem:s29+$0x20A0];
	s9 =	sor.u32 s0, s1  }
0x102: {  	s7 =	sshll.u32 s6, $0xA;
	s8 =	sshll.u32 s6, $0x7;
	v2 =	vld [tilespmem:s9+$0xC80]  }
0x103: {  	s10 =	simm.s32 $0x800;
	s0 =	sand.u32 $0xFFFFE000, s7;
	s1 =	sand.u32 $0x380, s8;
	[tilespmem:s5+$0x1420] =	vst.add.f32.msk $0xffff, v0  }
0x104: {  	s11 =	sand.u32 $0x2000, s10;
	s12 =	simm.s32 $0x180;
	s31 =	sor.u32 s1, s0;
	v3 =	vld [tilespmem:s2+$0x20B0]  }
0x105: {  	s0 =	sadd.s32 $0x12C80, s11;
	s1 =	sand.u32 $0x380, s12;
	v0 =	vld [tilespmem:s31+$0xC80]  }
0x106: {  	s1 =	sadd.s32 s1, s0;
	[tilespmem:s30+$0x1420] =	vst.add.f32.msk $0xffff, v1  }
0x107: {  	[tilespmem:s1+$0x0] =	vst.add.f32.msk $0xffff, v2  }
0x108: {  	s13 =	simm.s32 $0x100;
	v1 =	vld [tilespmem:s9+$0xC90]  }
0x109: {  	s4 =	sand.u32 $0x300, s13;
	[tilespmem:s5+$0x1430] =	vst.add.f32.msk $0xffff, v3  }
0x10a: {  	s0 =	sor.u32 s4, s0;
	v2 =	vld [tilespmem:s2+$0x20C0]  }
0x10b: {  	[tilespmem:s0+$0x0] =	vst.add.f32.msk $0xffff, v0  }
0x10c: {  	s14 =	sor.u32 $0x10, s1;
	v0 =	vld [tilespmem:s31+$0xC90]  }
0x10d: {  	[tilespmem:s14+$0x0] =	vst.add.f32.msk $0xffff, v1  }
0x10e: {  	v1 =	vld [tilespmem:s9+$0xCA0]  }
0x10f: {  	[tilespmem:s5+$0x1440] =	vst.add.f32.msk $0xffff, v2  }
0x110: {  	s15 =	sor.u32 $0x10, s0;
	v2 =	vld [tilespmem:s2+$0x20D0]  }
0x111: {  	[tilespmem:s15+$0x0] =	vst.add.f32.msk $0xffff, v0  }
0x112: {  	s16 =	sor.u32 $0x20, s1;
	v0 =	vld [tilespmem:s31+$0xCA0]  }
0x113: {  	[tilespmem:s16+$0x0] =	vst.add.f32.msk $0xffff, v1  }
0x114: {  	v1 =	vld [tilespmem:s9+$0xCB0]  }
0x115: {  	[tilespmem:s5+$0x1450] =	vst.add.f32.msk $0xffff, v2  }
0x116: {  	s17 =	sor.u32 $0x20, s0;
	v2 =	vld [tilespmem:s2+$0x20E0]  }
0x117: {  	[tilespmem:s17+$0x0] =	vst.add.f32.msk $0xffff, v0  }
0x118: {  	s18 =	sor.u32 $0x30, s1;
	v0 =	vld [tilespmem:s31+$0xCB0]  }
0x119: {  	[tilespmem:s18+$0x0] =	vst.add.f32.msk $0xffff, v1  }
0x11a: {  	v1 =	vld [tilespmem:s9+$0xCC0]  }
0x11b: {  	[tilespmem:s5+$0x1460] =	vst.add.f32.msk $0xffff, v2  }
0x11c: {  	s19 =	sor.u32 $0x30, s0;
	v2 =	vld [tilespmem:s2+$0x20F0]  }
0x11d: {  	[tilespmem:s19+$0x0] =	vst.add.f32.msk $0xffff, v0  }
0x11e: {  	s20 =	sor.u32 $0x40, s1;
	v0 =	vld [tilespmem:s31+$0xCC0]  }
0x11f: {  	[tilespmem:s20+$0x0] =	vst.add.f32.msk $0xffff, v1  }
0x120: {  	v1 =	vld [tilespmem:s9+$0xCD0]  }
0x121: {  	[tilespmem:s5+$0x1470] =	vst.add.f32.msk $0xffff, v2  }
0x122: {  	s21 =	sor.u32 $0x40, s0;
	v2 =	vld [tilespmem:s2+$0x2480]  }
0x123: {  	[tilespmem:s21+$0x0] =	vst.add.f32.msk $0xffff, v0  }
0x124: {  	s22 =	sor.u32 $0x50, s1;
	v0 =	vld [tilespmem:s31+$0xCD0]  }
0x125: {  	[tilespmem:s22+$0x0] =	vst.add.f32.msk $0xffff, v1  }
0x126: {  	v1 =	vld [tilespmem:s9+$0xCE0]  }
0x127: {  	[tilespmem:s5+$0x1800] =	vst.add.f32.msk $0xffff, v2  }
0x128: {  	s23 =	sor.u32 $0x50, s0;
	v2 =	vld [tilespmem:s2+$0x2490]  }
0x129: {  	[tilespmem:s23+$0x0] =	vst.add.f32.msk $0xffff, v0  }
0x12a: {  	s24 =	sor.u32 $0x60, s1;
	v0 =	vld [tilespmem:s31+$0xCE0]  }
0x12b: {  	[tilespmem:s24+$0x0] =	vst.add.f32.msk $0xffff, v1  }
0x12c: {  	v1 =	vld [tilespmem:s9+$0xCF0]  }
0x12d: {  	[tilespmem:s5+$0x1810] =	vst.add.f32.msk $0xffff, v2  }
0x12e: {  	s25 =	sor.u32 $0x60, s0;
	v2 =	vld [tilespmem:s2+$0x24A0]  }
0x12f: {  	[tilespmem:s25+$0x0] =	vst.add.f32.msk $0xffff, v0  }
0x130: {  	s28 =	sor.u32 $0x70, s1;
	v0 =	vld [tilespmem:s31+$0xCF0]  }
0x131: {  	[tilespmem:s28+$0x0] =	vst.add.f32.msk $0xffff, v1  }
0x132: {  	v1 =	vld [tilespmem:s9+$0x1080]  }
0x133: {  	[tilespmem:s5+$0x1820] =	vst.add.f32.msk $0xffff, v2  }
0x134: {  	s6 =	sor.u32 $0x70, s0;
	v2 =	vld [tilespmem:s2+$0x24B0]  }
0x135: {  	[tilespmem:s6+$0x0] =	vst.add.f32.msk $0xffff, v0  }
0x136: {  	v0 =	vld [tilespmem:s31+$0x1080]  }
0x137: {  	[tilespmem:s1+$0x400] =	vst.add.f32.msk $0xffff, v1  }
0x138: {  	v1 =	vld [tilespmem:s9+$0x1090]  }
0x139: {  	[tilespmem:s5+$0x1830] =	vst.add.f32.msk $0xffff, v2  }
0x13a: {  	v2 =	vld [tilespmem:s2+$0x24C0]  }
0x13b: {  	[tilespmem:s0+$0x400] =	vst.add.f32.msk $0xffff, v0  }
0x13c: {  	v0 =	vld [tilespmem:s31+$0x1090]  }
0x13d: {  	[tilespmem:s1+$0x410] =	vst.add.f32.msk $0xffff, v1  }
0x13e: {  	v1 =	vld [tilespmem:s9+$0x10A0]  }
0x13f: {  	[tilespmem:s5+$0x1840] =	vst.add.f32.msk $0xffff, v2  }
0x140: {  	v2 =	vld [tilespmem:s2+$0x24D0]  }
0x141: {  	[tilespmem:s0+$0x410] =	vst.add.f32.msk $0xffff, v0  }
0x142: {  	v0 =	vld [tilespmem:s31+$0x10A0]  }
0x143: {  	[tilespmem:s1+$0x420] =	vst.add.f32.msk $0xffff, v1  }
0x144: {  	v1 =	vld [tilespmem:s9+$0x10B0]  }
0x145: {  	[tilespmem:s5+$0x1850] =	vst.add.f32.msk $0xffff, v2  }
0x146: {  	v2 =	vld [tilespmem:s2+$0x24E0]  }
0x147: {  	[tilespmem:s0+$0x420] =	vst.add.f32.msk $0xffff, v0  }
0x148: {  	v0 =	vld [tilespmem:s31+$0x10B0]  }
0x149: {  	[tilespmem:s1+$0x430] =	vst.add.f32.msk $0xffff, v1  }
0x14a: {  	v1 =	vld [tilespmem:s9+$0x10C0]  }
0x14b: {  	[tilespmem:s5+$0x1860] =	vst.add.f32.msk $0xffff, v2  }
0x14c: {  	v2 =	vld [tilespmem:s2+$0x24F0]  }
0x14d: {  	[tilespmem:s0+$0x430] =	vst.add.f32.msk $0xffff, v0  }
0x14e: {  	v0 =	vld [tilespmem:s31+$0x10C0]  }
0x14f: {  	[tilespmem:s1+$0x440] =	vst.add.f32.msk $0xffff, v1  }
0x150: {  	v1 =	vld [tilespmem:s9+$0x10D0]  }
0x151: {  	[tilespmem:s5+$0x1870] =	vst.add.f32.msk $0xffff, v2  }
0x152: {  	v2 =	vld [tilespmem:s2+$0x2880]  }
0x153: {  	[tilespmem:s0+$0x440] =	vst.add.f32.msk $0xffff, v0  }
0x154: {  	v0 =	vld [tilespmem:s31+$0x10D0]  }
0x155: {  	[tilespmem:s1+$0x450] =	vst.add.f32.msk $0xffff, v1  }
0x156: {  	v1 =	vld [tilespmem:s9+$0x10E0]  }
0x157: {  	[tilespmem:s5+$0x1C00] =	vst.add.f32.msk $0xffff, v2  }
0x158: {  	v2 =	vld [tilespmem:s2+$0x2890]  }
0x159: {  	[tilespmem:s0+$0x450] =	vst.add.f32.msk $0xffff, v0  }
0x15a: {  	v0 =	vld [tilespmem:s31+$0x10E0]  }
0x15b: {  	[tilespmem:s1+$0x460] =	vst.add.f32.msk $0xffff, v1  }
0x15c: {  	v1 =	vld [tilespmem:s9+$0x10F0]  }
0x15d: {  	[tilespmem:s5+$0x1C10] =	vst.add.f32.msk $0xffff, v2  }
0x15e: {  	v2 =	vld [tilespmem:s2+$0x28A0]  }
0x15f: {  	[tilespmem:s0+$0x460] =	vst.add.f32.msk $0xffff, v0  }
0x160: {  	v0 =	vld [tilespmem:s31+$0x10F0]  }
0x161: {  	[tilespmem:s1+$0x470] =	vst.add.f32.msk $0xffff, v1  }
0x162: {  	v1 =	vld [tilespmem:s9+$0x1480]  }
0x163: {  	[tilespmem:s5+$0x1C20] =	vst.add.f32.msk $0xffff, v2  }
0x164: {  	v2 =	vld [tilespmem:s2+$0x28B0]  }
0x165: {  	[tilespmem:s0+$0x470] =	vst.add.f32.msk $0xffff, v0  }
0x166: {  	v0 =	vld [tilespmem:s31+$0x1480]  }
0x167: {  	[tilespmem:s1+$0x800] =	vst.add.f32.msk $0xffff, v1  }
0x168: {  	v1 =	vld [tilespmem:s9+$0x1490]  }
0x169: {  	[tilespmem:s5+$0x1C30] =	vst.add.f32.msk $0xffff, v2  }
0x16a: {  	v2 =	vld [tilespmem:s2+$0x28C0]  }
0x16b: {  	[tilespmem:s0+$0x800] =	vst.add.f32.msk $0xffff, v0  }
0x16c: {  	v0 =	vld [tilespmem:s31+$0x1490]  }
0x16d: {  	[tilespmem:s1+$0x810] =	vst.add.f32.msk $0xffff, v1  }
0x16e: {  	v1 =	vld [tilespmem:s9+$0x14A0]  }
0x16f: {  	[tilespmem:s5+$0x1C40] =	vst.add.f32.msk $0xffff, v2  }
0x170: {  	v2 =	vld [tilespmem:s2+$0x28D0]  }
0x171: {  	[tilespmem:s0+$0x810] =	vst.add.f32.msk $0xffff, v0  }
0x172: {  	v0 =	vld [tilespmem:s31+$0x14A0]  }
0x173: {  	[tilespmem:s1+$0x820] =	vst.add.f32.msk $0xffff, v1  }
0x174: {  	v1 =	vld [tilespmem:s9+$0x14B0]  }
0x175: {  	[tilespmem:s5+$0x1C50] =	vst.add.f32.msk $0xffff, v2  }
0x176: {  	v2 =	vld [tilespmem:s2+$0x28E0]  }
0x177: {  	[tilespmem:s0+$0x820] =	vst.add.f32.msk $0xffff, v0  }
0x178: {  	v0 =	vld [tilespmem:s31+$0x14B0]  }
0x179: {  	[tilespmem:s1+$0x830] =	vst.add.f32.msk $0xffff, v1  }
0x17a: {  	v1 =	vld [tilespmem:s9+$0x14C0]  }
0x17b: {  	[tilespmem:s5+$0x1C60] =	vst.add.f32.msk $0xffff, v2  }
0x17c: {  	v2 =	vld [tilespmem:s29+$0x20B0]  }
0x17d: {  	[tilespmem:s0+$0x830] =	vst.add.f32.msk $0xffff, v0  }
0x17e: {  	v0 =	vld [tilespmem:s31+$0x14C0]  }
0x17f: {  	[tilespmem:s1+$0x840] =	vst.add.f32.msk $0xffff, v1  }
0x180: {  	v1 =	vld [tilespmem:s9+$0x14D0]  }
0x181: {  	[tilespmem:s30+$0x1430] =	vst.add.f32.msk $0xffff, v2  }
0x182: {  	v2 =	vld [tilespmem:s29+$0x20C0]  }
0x183: {  	[tilespmem:s0+$0x840] =	vst.add.f32.msk $0xffff, v0  }
0x184: {  	v0 =	vld [tilespmem:s31+$0x14D0]  }
0x185: {  	[tilespmem:s1+$0x850] =	vst.add.f32.msk $0xffff, v1  }
0x186: {  	v1 =	vld [tilespmem:s9+$0x14E0]  }
0x187: {  	[tilespmem:s30+$0x1440] =	vst.add.f32.msk $0xffff, v2  }
0x188: {  	v2 =	vld [tilespmem:s29+$0x20D0]  }
0x189: {  	[tilespmem:s0+$0x850] =	vst.add.f32.msk $0xffff, v0  }
0x18a: {  	v0 =	vld [tilespmem:s31+$0x14E0]  }
0x18b: {  	[tilespmem:s1+$0x860] =	vst.add.f32.msk $0xffff, v1  }
0x18c: {  	v1 =	vld [tilespmem:s9+$0x14F0]  }
0x18d: {  	[tilespmem:s30+$0x1450] =	vst.add.f32.msk $0xffff, v2  }
0x18e: {  	v2 =	vld [tilespmem:s29+$0x20E0]  }
0x18f: {  	[tilespmem:s0+$0x860] =	vst.add.f32.msk $0xffff, v0  }
0x190: {  	v0 =	vld [tilespmem:s31+$0x14F0]  }
0x191: {  	[tilespmem:s1+$0x870] =	vst.add.f32.msk $0xffff, v1  }
0x192: {  	v1 =	vld [tilespmem:s9+$0x1880]  }
0x193: {  	[tilespmem:s30+$0x1460] =	vst.add.f32.msk $0xffff, v2  }
0x194: {  	v2 =	vld [tilespmem:s29+$0x20F0]  }
0x195: {  	[tilespmem:s0+$0x870] =	vst.add.f32.msk $0xffff, v0  }
0x196: {  	v0 =	vld [tilespmem:s31+$0x1880]  }
0x197: {  	[tilespmem:s1+$0xC00] =	vst.add.f32.msk $0xffff, v1  }
0x198: {  	v1 =	vld [tilespmem:s9+$0x1890]  }
0x199: {  	[tilespmem:s30+$0x1470] =	vst.add.f32.msk $0xffff, v2  }
0x19a: {  	v2 =	vld [tilespmem:s29+$0x2480]  }
0x19b: {  	[tilespmem:s0+$0xC00] =	vst.add.f32.msk $0xffff, v0  }
0x19c: {  	v0 =	vld [tilespmem:s31+$0x1890]  }
0x19d: {  	[tilespmem:s1+$0xC10] =	vst.add.f32.msk $0xffff, v1  }
0x19e: {  	v1 =	vld [tilespmem:s9+$0x18A0]  }
0x19f: {  	[tilespmem:s30+$0x1800] =	vst.add.f32.msk $0xffff, v2  }
0x1a0: {  	v2 =	vld [tilespmem:s29+$0x2490]  }
0x1a1: {  	[tilespmem:s0+$0xC10] =	vst.add.f32.msk $0xffff, v0  }
0x1a2: {  	v0 =	vld [tilespmem:s31+$0x18A0]  }
0x1a3: {  	[tilespmem:s1+$0xC20] =	vst.add.f32.msk $0xffff, v1  }
0x1a4: {  	v1 =	vld [tilespmem:s9+$0x18B0]  }
0x1a5: {  	[tilespmem:s30+$0x1810] =	vst.add.f32.msk $0xffff, v2  }
0x1a6: {  	v2 =	vld [tilespmem:s29+$0x24A0]  }
0x1a7: {  	[tilespmem:s0+$0xC20] =	vst.add.f32.msk $0xffff, v0  }
0x1a8: {  	v0 =	vld [tilespmem:s31+$0x18B0]  }
0x1a9: {  	[tilespmem:s1+$0xC30] =	vst.add.f32.msk $0xffff, v1  }
0x1aa: {  	v1 =	vld [tilespmem:s9+$0x18C0]  }
0x1ab: {  	[tilespmem:s30+$0x1820] =	vst.add.f32.msk $0xffff, v2  }
0x1ac: {  	v2 =	vld [tilespmem:s29+$0x24B0]  }
0x1ad: {  	[tilespmem:s0+$0xC30] =	vst.add.f32.msk $0xffff, v0  }
0x1ae: {  	v0 =	vld [tilespmem:s31+$0x18C0]  }
0x1af: {  	[tilespmem:s1+$0xC40] =	vst.add.f32.msk $0xffff, v1  }
0x1b0: {  	v1 =	vld [tilespmem:s9+$0x18D0]  }
0x1b1: {  	[tilespmem:s30+$0x1830] =	vst.add.f32.msk $0xffff, v2  }
0x1b2: {  	v2 =	vld [tilespmem:s29+$0x24C0]  }
0x1b3: {  	[tilespmem:s0+$0xC40] =	vst.add.f32.msk $0xffff, v0  }
0x1b4: {  	v0 =	vld [tilespmem:s31+$0x18D0]  }
0x1b5: {  	[tilespmem:s1+$0xC50] =	vst.add.f32.msk $0xffff, v1  }
0x1b6: {  	v1 =	vld [tilespmem:s9+$0x18E0]  }
0x1b7: {  	[tilespmem:s30+$0x1840] =	vst.add.f32.msk $0xffff, v2  }
0x1b8: {  	v2 =	vld [tilespmem:s29+$0x24D0]  }
0x1b9: {  	[tilespmem:s0+$0xC50] =	vst.add.f32.msk $0xffff, v0  }
0x1ba: {  	v0 =	vld [tilespmem:s31+$0x18E0]  }
0x1bb: {  	[tilespmem:s1+$0xC60] =	vst.add.f32.msk $0xffff, v1  }
0x1bc: {  	v1 =	vld [tilespmem:s9+$0x18F0]  }
0x1bd: {  	[tilespmem:s30+$0x1850] =	vst.add.f32.msk $0xffff, v2  }
0x1be: {  	v2 =	vld [tilespmem:s29+$0x24E0]  }
0x1bf: {  	[tilespmem:s0+$0xC60] =	vst.add.f32.msk $0xffff, v0  }
0x1c0: {  	v0 =	vld [tilespmem:s31+$0x18F0]  }
0x1c1: {  	[tilespmem:s1+$0xC70] =	vst.add.f32.msk $0xffff, v1  }
0x1c2: {  	v1 =	vld [tilespmem:s9+$0x1C80]  }
0x1c3: {  	[tilespmem:s30+$0x1860] =	vst.add.f32.msk $0xffff, v2  }
0x1c4: {  	v2 =	vld [tilespmem:s29+$0x24F0]  }
0x1c5: {  	[tilespmem:s0+$0xC70] =	vst.add.f32.msk $0xffff, v0  }
0x1c6: {  	v0 =	vld [tilespmem:s31+$0x1C80]  }
0x1c7: {  	[tilespmem:s1+$0x1000] =	vst.add.f32.msk $0xffff, v1  }
0x1c8: {  	v1 =	vld [tilespmem:s9+$0x1C90]  }
0x1c9: {  	[tilespmem:s30+$0x1870] =	vst.add.f32.msk $0xffff, v2  }
0x1ca: {  	s7 =	sor.u32 $0x1000, s0;
	v2 =	vld [tilespmem:s29+$0x2880]  }
0x1cb: {  	[tilespmem:s7+$0x0] =	vst.add.f32.msk $0xffff, v0  }
0x1cc: {  	v0 =	vld [tilespmem:s31+$0x1C90]  }
0x1cd: {  	[tilespmem:s1+$0x1010] =	vst.add.f32.msk $0xffff, v1  }
0x1ce: {  	v1 =	vld [tilespmem:s9+$0x1CA0]  }
0x1cf: {  	[tilespmem:s30+$0x1C00] =	vst.add.f32.msk $0xffff, v2  }
0x1d0: {  	s8 =	sor.u32 $0x1010, s0;
	v2 =	vld [tilespmem:s29+$0x2890]  }
0x1d1: {  	[tilespmem:s8+$0x0] =	vst.add.f32.msk $0xffff, v0  }
0x1d2: {  	v0 =	vld [tilespmem:s31+$0x1CA0]  }
0x1d3: {  	[tilespmem:s1+$0x1020] =	vst.add.f32.msk $0xffff, v1  }
0x1d4: {  	v1 =	vld [tilespmem:s9+$0x1CB0]  }
0x1d5: {  	[tilespmem:s30+$0x1C10] =	vst.add.f32.msk $0xffff, v2  }
0x1d6: {  	s10 =	sor.u32 $0x1020, s0;
	v2 =	vld [tilespmem:s29+$0x28A0]  }
0x1d7: {  	[tilespmem:s10+$0x0] =	vst.add.f32.msk $0xffff, v0  }
0x1d8: {  	v0 =	vld [tilespmem:s31+$0x1CB0]  }
0x1d9: {  	[tilespmem:s1+$0x1030] =	vst.add.f32.msk $0xffff, v1  }
0x1da: {  	v1 =	vld [tilespmem:s9+$0x1CC0]  }
0x1db: {  	[tilespmem:s30+$0x1C20] =	vst.add.f32.msk $0xffff, v2  }
0x1dc: {  	s11 =	sor.u32 $0x1030, s0;
	v2 =	vld [tilespmem:s29+$0x28B0]  }
0x1dd: {  	[tilespmem:s11+$0x0] =	vst.add.f32.msk $0xffff, v0  }
0x1de: {  	v0 =	vld [tilespmem:s31+$0x1CC0]  }
0x1df: {  	[tilespmem:s1+$0x1040] =	vst.add.f32.msk $0xffff, v1  }
0x1e0: {  	v1 =	vld [tilespmem:s9+$0x1CD0]  }
0x1e1: {  	[tilespmem:s30+$0x1C30] =	vst.add.f32.msk $0xffff, v2  }
0x1e2: {  	s12 =	sor.u32 $0x1040, s0;
	v2 =	vld [tilespmem:s29+$0x28C0]  }
0x1e3: {  	[tilespmem:s12+$0x0] =	vst.add.f32.msk $0xffff, v0  }
0x1e4: {  	v0 =	vld [tilespmem:s31+$0x1CD0]  }
0x1e5: {  	[tilespmem:s1+$0x1050] =	vst.add.f32.msk $0xffff, v1  }
0x1e6: {  	v1 =	vld [tilespmem:s9+$0x1CE0]  }
0x1e7: {  	s3 =	sadd.s32 $0x2, s3;
	[tilespmem:s30+$0x1C40] =	vst.add.f32.msk $0xffff, v2  }
0x1e8: {  	s13 =	sor.u32 $0x1050, s0;
	v2 =	vld [tilespmem:s3+$0x0]  }
0x1e9: {  	[tilespmem:s13+$0x0] =	vst.add.f32.msk $0xffff, v0  }
0x1ea: {  	v0 =	vld [tilespmem:s31+$0x1CE0]  }
0x1eb: {  	v3 =	vld [tilespmem:s3+$0xFFFFFFFF]  }
0x1ec: {  	[tilespmem:s1+$0x1060] =	vst.add.f32.msk $0xffff, v1  }
0x1ed: {  	(v2sf) =	vpush v2, $0x0;
	v1 =	vld [tilespmem:s9+$0x1CF0]  }
0x1ee: {  	s14 =	sor.u32 $0x1060, s0;
	v2 =	vld [tilespmem:s29+$0x28D0]  }
0x1ef: {  	[tilespmem:s14+$0x0] =	vst.add.f32.msk $0xffff, v0  }
0x1f0: {  	(v2sf) =	vpush v3, $0x0;
	v0 =	vld [tilespmem:s31+$0x1CF0]  }
0x1f1: {  	v3 =	vld [tilespmem:s2+$0x28F0]  }
0x1f2: {  	[tilespmem:s1+$0x1070] =	vst.add.f32.msk $0xffff, v1  }
0x1f3: {  	v1 =	vld [tilespmem:s9+$0x2080]  }
0x1f4: {  	s15 =	sor.u32 $0x1070, s0;
	[tilespmem:s30+$0x1C50] =	vst.add.f32.msk $0xffff, v2  }
0x1f5: {  	[tilespmem:s15+$0x0] =	vst.add.f32.msk $0xffff, v0  }
0x1f6: {  	v0 =	vld [tilespmem:s31+$0x2080]  }
0x1f7: {  	v2 =	vld [tilespmem:s29+$0x28E0]  }
0x1f8: {  	[tilespmem:s1+$0x1400] =	vst.add.f32.msk $0xffff, v1  }
0x1f9: {  	v1 =	vld [tilespmem:s9+$0x2090]  }
0x1fa: {  	[tilespmem:s5+$0x1C70] =	vst.add.f32.msk $0xffff, v3  }
0x1fb: {  	[tilespmem:s0+$0x1400] =	vst.add.f32.msk $0xffff, v0  }
0x1fc: {  	v0 =	vld [tilespmem:s31+$0x2090];
	s16 =	spop (v2sf)  }
0x1fd: {  	[tilespmem:s30+$0x1C60] =	vst.add.f32.msk $0xffff, v2;
	s17 =	sshll.u32 s16, $0xA;
	s2 =	sshll.u32 s16, $0x7  }
0x1fe: {  	s4 =	sand.u32 $0xFFFFE000, s17;
	s2 =	sand.u32 $0x380, s2;
	[tilespmem:s1+$0x1410] =	vst.add.f32.msk $0xffff, v1  }
0x1ff: {  	s18 =	spop (v2sf);
	s2 =	sor.u32 s2, s4;
	v1 =	vld [tilespmem:s9+$0x20A0]  }
0x200: {  	s19 =	sshll.u32 s18, $0xA;
	s4 =	sshll.u32 s18, $0x7;
	v2 =	vld [tilespmem:s2+$0xC80]  }
0x201: {  	s6 =	simm.s32 $0x1000;
	s5 =	sand.u32 $0xFFFFE000, s19;
	[tilespmem:s0+$0x1410] =	vst.add.f32.msk $0xffff, v0;
	s4 =	sand.u32 $0x380, s4  }
0x202: {  	s20 =	sand.u32 $0x2000, s6;
	s8 =	simm.s32 $0x280;
	v0 =	vld [tilespmem:s31+$0x20A0];
	s15 =	sor.u32 s4, s5  }
0x203: {  	s21 =	sand.u32 $0x380, s8;
	s4 =	sadd.s32 $0x12C80, s20;
	v3 =	vld [tilespmem:s15+$0xC80]  }
0x204: {  	s13 =	sadd.s32 s21, s4;
	[tilespmem:s1+$0x1420] =	vst.add.f32.msk $0xffff, v1  }
0x205: {  	[tilespmem:s13+$0x0] =	vst.add.f32.msk $0xffff, v2  }
0x206: {  	s22 =	simm.s32 $0x200;
	v1 =	vld [tilespmem:s9+$0x20B0]  }
0x207: {  	s5 =	sand.u32 $0x300, s22;
	[tilespmem:s0+$0x1420] =	vst.add.f32.msk $0xffff, v0  }
0x208: {  	s5 =	sor.u32 s5, s4;
	v0 =	vld [tilespmem:s2+$0xC90]  }
0x209: {  	[tilespmem:s5+$0x0] =	vst.add.f32.msk $0xffff, v3  }
0x20a: {  	v3 =	vld [tilespmem:s31+$0x20B0]  }
0x20b: {  	v2 =	vld [tilespmem:s15+$0xC90]  }
0x20c: {  	s23 =	sor.u32 $0x10, s13;
	[tilespmem:s1+$0x1430] =	vst.add.f32.msk $0xffff, v1  }
0x20d: {  	[tilespmem:s23+$0x0] =	vst.add.f32.msk $0xffff, v0  }
0x20e: {  	v1 =	vld [tilespmem:s9+$0x20C0]  }
0x20f: {  	v0 =	vld [tilespmem:s2+$0xCA0]  }
0x210: {  	s24 =	sor.u32 $0x10, s5;
	[tilespmem:s0+$0x1430] =	vst.add.f32.msk $0xffff, v3  }
0x211: {  	[tilespmem:s24+$0x0] =	vst.add.f32.msk $0xffff, v2  }
0x212: {  	v2 =	vld [tilespmem:s15+$0xCA0]  }
0x213: {  	[tilespmem:s1+$0x1440] =	vst.add.f32.msk $0xffff, v1  }
0x214: {  	s25 =	sor.u32 $0x20, s13;
	v1 =	vld [tilespmem:s9+$0x20D0]  }
0x215: {  	[tilespmem:s25+$0x0] =	vst.add.f32.msk $0xffff, v0  }
0x216: {  	s28 =	sor.u32 $0x20, s5;
	v0 =	vld [tilespmem:s2+$0xCB0]  }
0x217: {  	[tilespmem:s28+$0x0] =	vst.add.f32.msk $0xffff, v2  }
0x218: {  	v2 =	vld [tilespmem:s15+$0xCB0]  }
0x219: {  	[tilespmem:s1+$0x1450] =	vst.add.f32.msk $0xffff, v1  }
0x21a: {  	s7 =	sor.u32 $0x30, s13;
	v1 =	vld [tilespmem:s9+$0x20E0]  }
0x21b: {  	[tilespmem:s7+$0x0] =	vst.add.f32.msk $0xffff, v0  }
0x21c: {  	s10 =	sor.u32 $0x30, s5;
	v0 =	vld [tilespmem:s2+$0xCC0]  }
0x21d: {  	[tilespmem:s10+$0x0] =	vst.add.f32.msk $0xffff, v2  }
0x21e: {  	v2 =	vld [tilespmem:s15+$0xCC0]  }
0x21f: {  	[tilespmem:s1+$0x1460] =	vst.add.f32.msk $0xffff, v1  }
0x220: {  	s11 =	sor.u32 $0x40, s13;
	v1 =	vld [tilespmem:s9+$0x20F0]  }
0x221: {  	[tilespmem:s11+$0x0] =	vst.add.f32.msk $0xffff, v0  }
0x222: {  	s12 =	sor.u32 $0x40, s5;
	v0 =	vld [tilespmem:s2+$0xCD0]  }
0x223: {  	[tilespmem:s12+$0x0] =	vst.add.f32.msk $0xffff, v2  }
0x224: {  	v2 =	vld [tilespmem:s15+$0xCD0]  }
0x225: {  	[tilespmem:s1+$0x1470] =	vst.add.f32.msk $0xffff, v1  }
0x226: {  	s14 =	sor.u32 $0x50, s13;
	v1 =	vld [tilespmem:s9+$0x2480]  }
0x227: {  	[tilespmem:s14+$0x0] =	vst.add.f32.msk $0xffff, v0  }
0x228: {  	s16 =	sor.u32 $0x50, s5;
	v0 =	vld [tilespmem:s2+$0xCE0]  }
0x229: {  	[tilespmem:s16+$0x0] =	vst.add.f32.msk $0xffff, v2  }
0x22a: {  	v2 =	vld [tilespmem:s15+$0xCE0]  }
0x22b: {  	[tilespmem:s1+$0x1800] =	vst.add.f32.msk $0xffff, v1  }
0x22c: {  	s17 =	sor.u32 $0x60, s13;
	v1 =	vld [tilespmem:s9+$0x2490]  }
0x22d: {  	[tilespmem:s17+$0x0] =	vst.add.f32.msk $0xffff, v0  }
0x22e: {  	s18 =	sor.u32 $0x60, s5;
	v0 =	vld [tilespmem:s2+$0xCF0]  }
0x22f: {  	[tilespmem:s18+$0x0] =	vst.add.f32.msk $0xffff, v2  }
0x230: {  	v2 =	vld [tilespmem:s15+$0xCF0]  }
0x231: {  	[tilespmem:s1+$0x1810] =	vst.add.f32.msk $0xffff, v1  }
0x232: {  	s19 =	sor.u32 $0x70, s13;
	v1 =	vld [tilespmem:s9+$0x24A0]  }
0x233: {  	[tilespmem:s19+$0x0] =	vst.add.f32.msk $0xffff, v0  }
0x234: {  	s20 =	sor.u32 $0x70, s5;
	v0 =	vld [tilespmem:s2+$0x1080]  }
0x235: {  	[tilespmem:s20+$0x0] =	vst.add.f32.msk $0xffff, v2  }
0x236: {  	v2 =	vld [tilespmem:s15+$0x1080]  }
0x237: {  	[tilespmem:s1+$0x1820] =	vst.add.f32.msk $0xffff, v1  }
0x238: {  	v1 =	vld [tilespmem:s9+$0x24B0]  }
0x239: {  	[tilespmem:s13+$0x400] =	vst.add.f32.msk $0xffff, v0  }
0x23a: {  	v0 =	vld [tilespmem:s2+$0x1090]  }
0x23b: {  	[tilespmem:s5+$0x400] =	vst.add.f32.msk $0xffff, v2  }
0x23c: {  	v2 =	vld [tilespmem:s15+$0x1090]  }
0x23d: {  	[tilespmem:s1+$0x1830] =	vst.add.f32.msk $0xffff, v1  }
0x23e: {  	v1 =	vld [tilespmem:s9+$0x24C0]  }
0x23f: {  	[tilespmem:s13+$0x410] =	vst.add.f32.msk $0xffff, v0  }
0x240: {  	v0 =	vld [tilespmem:s2+$0x10A0]  }
0x241: {  	[tilespmem:s5+$0x410] =	vst.add.f32.msk $0xffff, v2  }
0x242: {  	v2 =	vld [tilespmem:s15+$0x10A0]  }
0x243: {  	[tilespmem:s1+$0x1840] =	vst.add.f32.msk $0xffff, v1  }
0x244: {  	v1 =	vld [tilespmem:s9+$0x24D0]  }
0x245: {  	[tilespmem:s13+$0x420] =	vst.add.f32.msk $0xffff, v0  }
0x246: {  	v0 =	vld [tilespmem:s2+$0x10B0]  }
0x247: {  	[tilespmem:s5+$0x420] =	vst.add.f32.msk $0xffff, v2  }
0x248: {  	v2 =	vld [tilespmem:s15+$0x10B0]  }
0x249: {  	[tilespmem:s1+$0x1850] =	vst.add.f32.msk $0xffff, v1  }
0x24a: {  	v1 =	vld [tilespmem:s9+$0x24E0]  }
0x24b: {  	[tilespmem:s13+$0x430] =	vst.add.f32.msk $0xffff, v0  }
0x24c: {  	v0 =	vld [tilespmem:s2+$0x10C0]  }
0x24d: {  	[tilespmem:s5+$0x430] =	vst.add.f32.msk $0xffff, v2  }
0x24e: {  	v2 =	vld [tilespmem:s15+$0x10C0]  }
0x24f: {  	[tilespmem:s1+$0x1860] =	vst.add.f32.msk $0xffff, v1  }
0x250: {  	v1 =	vld [tilespmem:s9+$0x24F0]  }
0x251: {  	[tilespmem:s13+$0x440] =	vst.add.f32.msk $0xffff, v0  }
0x252: {  	v0 =	vld [tilespmem:s2+$0x10D0]  }
0x253: {  	[tilespmem:s5+$0x440] =	vst.add.f32.msk $0xffff, v2  }
0x254: {  	v2 =	vld [tilespmem:s15+$0x10D0]  }
0x255: {  	[tilespmem:s1+$0x1870] =	vst.add.f32.msk $0xffff, v1  }
0x256: {  	v1 =	vld [tilespmem:s9+$0x2880]  }
0x257: {  	[tilespmem:s13+$0x450] =	vst.add.f32.msk $0xffff, v0  }
0x258: {  	v0 =	vld [tilespmem:s2+$0x10E0]  }
0x259: {  	[tilespmem:s5+$0x450] =	vst.add.f32.msk $0xffff, v2  }
0x25a: {  	v2 =	vld [tilespmem:s15+$0x10E0]  }
0x25b: {  	[tilespmem:s1+$0x1C00] =	vst.add.f32.msk $0xffff, v1  }
0x25c: {  	v1 =	vld [tilespmem:s9+$0x2890]  }
0x25d: {  	[tilespmem:s13+$0x460] =	vst.add.f32.msk $0xffff, v0  }
0x25e: {  	v0 =	vld [tilespmem:s2+$0x10F0]  }
0x25f: {  	[tilespmem:s5+$0x460] =	vst.add.f32.msk $0xffff, v2  }
0x260: {  	v2 =	vld [tilespmem:s15+$0x10F0]  }
0x261: {  	[tilespmem:s1+$0x1C10] =	vst.add.f32.msk $0xffff, v1  }
0x262: {  	v1 =	vld [tilespmem:s9+$0x28A0]  }
0x263: {  	[tilespmem:s13+$0x470] =	vst.add.f32.msk $0xffff, v0  }
0x264: {  	v0 =	vld [tilespmem:s2+$0x1480]  }
0x265: {  	[tilespmem:s5+$0x470] =	vst.add.f32.msk $0xffff, v2  }
0x266: {  	v2 =	vld [tilespmem:s15+$0x1480]  }
0x267: {  	[tilespmem:s1+$0x1C20] =	vst.add.f32.msk $0xffff, v1  }
0x268: {  	v1 =	vld [tilespmem:s9+$0x28B0]  }
0x269: {  	[tilespmem:s13+$0x800] =	vst.add.f32.msk $0xffff, v0  }
0x26a: {  	v0 =	vld [tilespmem:s2+$0x1490]  }
0x26b: {  	[tilespmem:s5+$0x800] =	vst.add.f32.msk $0xffff, v2  }
0x26c: {  	v2 =	vld [tilespmem:s15+$0x1490]  }
0x26d: {  	[tilespmem:s1+$0x1C30] =	vst.add.f32.msk $0xffff, v1  }
0x26e: {  	v1 =	vld [tilespmem:s9+$0x28C0]  }
0x26f: {  	[tilespmem:s13+$0x810] =	vst.add.f32.msk $0xffff, v0  }
0x270: {  	v0 =	vld [tilespmem:s2+$0x14A0]  }
0x271: {  	[tilespmem:s5+$0x810] =	vst.add.f32.msk $0xffff, v2  }
0x272: {  	v2 =	vld [tilespmem:s15+$0x14A0]  }
0x273: {  	[tilespmem:s1+$0x1C40] =	vst.add.f32.msk $0xffff, v1  }
0x274: {  	v1 =	vld [tilespmem:s9+$0x28D0]  }
0x275: {  	[tilespmem:s13+$0x820] =	vst.add.f32.msk $0xffff, v0  }
0x276: {  	v0 =	vld [tilespmem:s2+$0x14B0]  }
0x277: {  	[tilespmem:s5+$0x820] =	vst.add.f32.msk $0xffff, v2  }
0x278: {  	v2 =	vld [tilespmem:s15+$0x14B0]  }
0x279: {  	[tilespmem:s1+$0x1C50] =	vst.add.f32.msk $0xffff, v1  }
0x27a: {  	v1 =	vld [tilespmem:s9+$0x28E0]  }
0x27b: {  	[tilespmem:s13+$0x830] =	vst.add.f32.msk $0xffff, v0  }
0x27c: {  	v0 =	vld [tilespmem:s2+$0x14C0]  }
0x27d: {  	[tilespmem:s5+$0x830] =	vst.add.f32.msk $0xffff, v2  }
0x27e: {  	v2 =	vld [tilespmem:s15+$0x14C0]  }
0x27f: {  	[tilespmem:s1+$0x1C60] =	vst.add.f32.msk $0xffff, v1  }
0x280: {  	v1 =	vld [tilespmem:s9+$0x28F0]  }
0x281: {  	[tilespmem:s13+$0x840] =	vst.add.f32.msk $0xffff, v0  }
0x282: {  	v0 =	vld [tilespmem:s2+$0x14D0]  }
0x283: {  	[tilespmem:s5+$0x840] =	vst.add.f32.msk $0xffff, v2  }
0x284: {  	v2 =	vld [tilespmem:s31+$0x20C0]  }
0x285: {  	[tilespmem:s1+$0x1C70] =	vst.add.f32.msk $0xffff, v1  }
0x286: {  	v1 =	vld [tilespmem:s15+$0x14D0]  }
0x287: {  	[tilespmem:s13+$0x850] =	vst.add.f32.msk $0xffff, v0  }
0x288: {  	v0 =	vld [tilespmem:s2+$0x14E0]  }
0x289: {  	[tilespmem:s0+$0x1440] =	vst.add.f32.msk $0xffff, v2  }
0x28a: {  	v2 =	vld [tilespmem:s31+$0x20D0]  }
0x28b: {  	[tilespmem:s5+$0x850] =	vst.add.f32.msk $0xffff, v1  }
0x28c: {  	v1 =	vld [tilespmem:s15+$0x14E0]  }
0x28d: {  	[tilespmem:s13+$0x860] =	vst.add.f32.msk $0xffff, v0  }
0x28e: {  	v0 =	vld [tilespmem:s2+$0x14F0]  }
0x28f: {  	[tilespmem:s0+$0x1450] =	vst.add.f32.msk $0xffff, v2  }
0x290: {  	v2 =	vld [tilespmem:s31+$0x20E0]  }
0x291: {  	[tilespmem:s5+$0x860] =	vst.add.f32.msk $0xffff, v1  }
0x292: {  	v1 =	vld [tilespmem:s15+$0x14F0]  }
0x293: {  	[tilespmem:s13+$0x870] =	vst.add.f32.msk $0xffff, v0  }
0x294: {  	v0 =	vld [tilespmem:s2+$0x1880]  }
0x295: {  	[tilespmem:s0+$0x1460] =	vst.add.f32.msk $0xffff, v2  }
0x296: {  	v2 =	vld [tilespmem:s31+$0x20F0]  }
0x297: {  	[tilespmem:s5+$0x870] =	vst.add.f32.msk $0xffff, v1  }
0x298: {  	v1 =	vld [tilespmem:s15+$0x1880]  }
0x299: {  	[tilespmem:s13+$0xC00] =	vst.add.f32.msk $0xffff, v0  }
0x29a: {  	v0 =	vld [tilespmem:s2+$0x1890]  }
0x29b: {  	[tilespmem:s0+$0x1470] =	vst.add.f32.msk $0xffff, v2  }
0x29c: {  	v2 =	vld [tilespmem:s31+$0x2480]  }
0x29d: {  	[tilespmem:s5+$0xC00] =	vst.add.f32.msk $0xffff, v1  }
0x29e: {  	v1 =	vld [tilespmem:s15+$0x1890]  }
0x29f: {  	[tilespmem:s13+$0xC10] =	vst.add.f32.msk $0xffff, v0  }
0x2a0: {  	v0 =	vld [tilespmem:s2+$0x18A0]  }
0x2a1: {  	[tilespmem:s0+$0x1800] =	vst.add.f32.msk $0xffff, v2  }
0x2a2: {  	v2 =	vld [tilespmem:s31+$0x2490]  }
0x2a3: {  	[tilespmem:s5+$0xC10] =	vst.add.f32.msk $0xffff, v1  }
0x2a4: {  	v1 =	vld [tilespmem:s15+$0x18A0]  }
0x2a5: {  	[tilespmem:s13+$0xC20] =	vst.add.f32.msk $0xffff, v0  }
0x2a6: {  	v0 =	vld [tilespmem:s2+$0x18B0]  }
0x2a7: {  	[tilespmem:s0+$0x1810] =	vst.add.f32.msk $0xffff, v2  }
0x2a8: {  	v2 =	vld [tilespmem:s31+$0x24A0]  }
0x2a9: {  	[tilespmem:s5+$0xC20] =	vst.add.f32.msk $0xffff, v1  }
0x2aa: {  	v1 =	vld [tilespmem:s15+$0x18B0]  }
0x2ab: {  	[tilespmem:s13+$0xC30] =	vst.add.f32.msk $0xffff, v0  }
0x2ac: {  	v0 =	vld [tilespmem:s2+$0x18C0]  }
0x2ad: {  	[tilespmem:s0+$0x1820] =	vst.add.f32.msk $0xffff, v2  }
0x2ae: {  	v2 =	vld [tilespmem:s31+$0x24B0]  }
0x2af: {  	[tilespmem:s5+$0xC30] =	vst.add.f32.msk $0xffff, v1  }
0x2b0: {  	v1 =	vld [tilespmem:s15+$0x18C0]  }
0x2b1: {  	[tilespmem:s13+$0xC40] =	vst.add.f32.msk $0xffff, v0  }
0x2b2: {  	v0 =	vld [tilespmem:s2+$0x18D0]  }
0x2b3: {  	[tilespmem:s0+$0x1830] =	vst.add.f32.msk $0xffff, v2  }
0x2b4: {  	v2 =	vld [tilespmem:s31+$0x24C0]  }
0x2b5: {  	[tilespmem:s5+$0xC40] =	vst.add.f32.msk $0xffff, v1  }
0x2b6: {  	v1 =	vld [tilespmem:s15+$0x18D0]  }
0x2b7: {  	[tilespmem:s13+$0xC50] =	vst.add.f32.msk $0xffff, v0  }
0x2b8: {  	v0 =	vld [tilespmem:s2+$0x18E0]  }
0x2b9: {  	[tilespmem:s0+$0x1840] =	vst.add.f32.msk $0xffff, v2  }
0x2ba: {  	v2 =	vld [tilespmem:s31+$0x24D0]  }
0x2bb: {  	[tilespmem:s5+$0xC50] =	vst.add.f32.msk $0xffff, v1  }
0x2bc: {  	v1 =	vld [tilespmem:s15+$0x18E0]  }
0x2bd: {  	[tilespmem:s13+$0xC60] =	vst.add.f32.msk $0xffff, v0  }
0x2be: {  	v0 =	vld [tilespmem:s2+$0x18F0]  }
0x2bf: {  	[tilespmem:s0+$0x1850] =	vst.add.f32.msk $0xffff, v2  }
0x2c0: {  	v2 =	vld [tilespmem:s31+$0x24E0]  }
0x2c1: {  	[tilespmem:s5+$0xC60] =	vst.add.f32.msk $0xffff, v1  }
0x2c2: {  	v1 =	vld [tilespmem:s15+$0x18F0]  }
0x2c3: {  	[tilespmem:s13+$0xC70] =	vst.add.f32.msk $0xffff, v0  }
0x2c4: {  	v0 =	vld [tilespmem:s2+$0x1C80]  }
0x2c5: {  	[tilespmem:s0+$0x1860] =	vst.add.f32.msk $0xffff, v2  }
0x2c6: {  	v2 =	vld [tilespmem:s31+$0x24F0]  }
0x2c7: {  	[tilespmem:s5+$0xC70] =	vst.add.f32.msk $0xffff, v1  }
0x2c8: {  	v1 =	vld [tilespmem:s15+$0x1C80]  }
0x2c9: {  	[tilespmem:s13+$0x1000] =	vst.add.f32.msk $0xffff, v0  }
0x2ca: {  	v0 =	vld [tilespmem:s2+$0x1C90]  }
0x2cb: {  	[tilespmem:s0+$0x1870] =	vst.add.f32.msk $0xffff, v2  }
0x2cc: {  	s21 =	sor.u32 $0x1000, s5;
	v2 =	vld [tilespmem:s31+$0x2880]  }
0x2cd: {  	[tilespmem:s21+$0x0] =	vst.add.f32.msk $0xffff, v1  }
0x2ce: {  	v1 =	vld [tilespmem:s15+$0x1C90]  }
0x2cf: {  	[tilespmem:s13+$0x1010] =	vst.add.f32.msk $0xffff, v0  }
0x2d0: {  	v0 =	vld [tilespmem:s2+$0x1CA0]  }
0x2d1: {  	[tilespmem:s0+$0x1C00] =	vst.add.f32.msk $0xffff, v2  }
0x2d2: {  	s22 =	sor.u32 $0x1010, s5;
	v2 =	vld [tilespmem:s31+$0x2890]  }
0x2d3: {  	[tilespmem:s22+$0x0] =	vst.add.f32.msk $0xffff, v1  }
0x2d4: {  	v1 =	vld [tilespmem:s15+$0x1CA0]  }
0x2d5: {  	[tilespmem:s13+$0x1020] =	vst.add.f32.msk $0xffff, v0  }
0x2d6: {  	v0 =	vld [tilespmem:s2+$0x1CB0]  }
0x2d7: {  	[tilespmem:s0+$0x1C10] =	vst.add.f32.msk $0xffff, v2  }
0x2d8: {  	s23 =	sor.u32 $0x1020, s5;
	v2 =	vld [tilespmem:s31+$0x28A0]  }
0x2d9: {  	[tilespmem:s23+$0x0] =	vst.add.f32.msk $0xffff, v1  }
0x2da: {  	v1 =	vld [tilespmem:s15+$0x1CB0]  }
0x2db: {  	[tilespmem:s13+$0x1030] =	vst.add.f32.msk $0xffff, v0  }
0x2dc: {  	v0 =	vld [tilespmem:s2+$0x1CC0]  }
0x2dd: {  	[tilespmem:s0+$0x1C20] =	vst.add.f32.msk $0xffff, v2  }
0x2de: {  	s24 =	sor.u32 $0x1030, s5;
	v2 =	vld [tilespmem:s31+$0x28B0]  }
0x2df: {  	[tilespmem:s24+$0x0] =	vst.add.f32.msk $0xffff, v1  }
0x2e0: {  	v1 =	vld [tilespmem:s15+$0x1CC0]  }
0x2e1: {  	[tilespmem:s13+$0x1040] =	vst.add.f32.msk $0xffff, v0  }
0x2e2: {  	v0 =	vld [tilespmem:s2+$0x1CD0]  }
0x2e3: {  	[tilespmem:s0+$0x1C30] =	vst.add.f32.msk $0xffff, v2  }
0x2e4: {  	s25 =	sor.u32 $0x1040, s5;
	v2 =	vld [tilespmem:s31+$0x28C0]  }
0x2e5: {  	[tilespmem:s25+$0x0] =	vst.add.f32.msk $0xffff, v1  }
0x2e6: {  	v3 =	vld [tilespmem:s15+$0x1CD0];
	_ =	sdelay $0x1  }
0x2e7: {  	[tilespmem:s13+$0x1050] =	vst.add.f32.msk $0xffff, v0  }
0x2e8: {  	v1 =	vld [tilespmem:s2+$0x1CE0]  }
0x2e9: {  	s28 =	sor.u32 $0x1050, s5;
	[tilespmem:s0+$0x1C40] =	vst.add.f32.msk $0xffff, v2  }
0x2ea: {  	s12 =	simm.s32 $0x4;
	[tilespmem:s28+$0x0] =	vst.add.f32.msk $0xffff, v3  }
0x2eb: {  	s14 =	sor.u32 $0x1060, s5;
	s9 =	sadd.s32 $0x2, s3;
	s21 =	sor.u32 $0x1070, s5;
	v0 =	vld [tilespmem:s15+$0x1CE0]  }
.LBB2_5:
0x2ec: {  	v2 =	vld [tilespmem:s9+$0x0]  }
0x2ed: {  	[tilespmem:s13+$0x1060] =	vst.add.f32.msk $0xffff, v1  }
0x2ee: {  	s12 =	sadd.s32 $0x2, s12;
	v1 =	vld [tilespmem:s2+$0x1CF0]  }
0x2ef: {  	p0 =	slt.u32 s12, $0xE;
	v3 =	vld [tilespmem:s9+$0xFFFFFFFF]  }
0x2f0: {  	[tilespmem:s14+$0x0] =	vst.add.f32.msk $0xffff, v0  }
0x2f1: {  	(v2sf) =	vpush v2, $0x0;
	v0 =	vld [tilespmem:s15+$0x1CF0]  }
0x2f2: {  	v2 =	vld [tilespmem:s31+$0x28D0]  }
0x2f3: {  	[tilespmem:s13+$0x1070] =	vst.add.f32.msk $0xffff, v1  }
0x2f4: {  	(v2sf) =	vpush v3, $0x0;
	v1 =	vld [tilespmem:s2+$0x2080]  }
0x2f5: {  	v3 =	vld [tilespmem:s29+$0x28F0];
	s29 =	smov.u32 s31;
	s31 =	smov.u32 s15  }
0x2f6: {  	[tilespmem:s21+$0x0] =	vst.add.f32.msk $0xffff, v0  }
0x2f7: {  	v0 =	vld [tilespmem:s31+$0x2080]  }
0x2f8: {  	[tilespmem:s0+$0x1C50] =	vst.add.f32.msk $0xffff, v2  }
0x2f9: {  	[tilespmem:s13+$0x1400] =	vst.add.f32.msk $0xffff, v1  }
0x2fa: {  	v1 =	vld [tilespmem:s2+$0x2090]  }
0x2fb: {  	v2 =	vld [tilespmem:s29+$0x28E0]  }
0x2fc: {  	[tilespmem:s5+$0x1400] =	vst.add.f32.msk $0xffff, v0  }
0x2fd: {  	v0 =	vld [tilespmem:s31+$0x2090]  }
0x2fe: {  	[tilespmem:s30+$0x1C70] =	vst.add.f32.msk $0xffff, v3;
	s30 =	smov.u32 s0;
	s0 =	smov.u32 s5  }
0x2ff: {  	[tilespmem:s13+$0x1410] =	vst.add.f32.msk $0xffff, v1  }
0x300: {  	s1 =	spop (v2sf);
	v1 =	vld [tilespmem:s2+$0x20A0]  }
0x301: {  	s3 =	sshll.u32 s1, $0xA;
	s1 =	sshll.u32 s1, $0x7;
	[tilespmem:s30+$0x1C60] =	vst.add.f32.msk $0xffff, v2  }
0x302: {  	s3 =	sand.u32 $0xFFFFE000, s3;
	s1 =	sand.u32 $0x380, s1;
	[tilespmem:s0+$0x1410] =	vst.add.f32.msk $0xffff, v0  }
0x303: {  	s7 =	sor.u32 s1, s3;
	s1 =	spop (v2sf);
	v0 =	vld [tilespmem:s31+$0x20A0]  }
0x304: {  	s3 =	sshll.u32 s1, $0xA;
	s1 =	sshll.u32 s1, $0x7;
	v2 =	vld [tilespmem:s7+$0xC80]  }
0x305: {  	s6 =	sadd.s32 $0x800, s6;
	s3 =	sand.u32 $0xFFFFE000, s3;
	s1 =	sand.u32 $0x380, s1;
	[tilespmem:s13+$0x1420] =	vst.add.f32.msk $0xffff, v1  }
0x306: {  	s8 =	sadd.s32 $0x100, s8;
	s15 =	sor.u32 s1, s3;
	s1 =	sand.u32 $0x2000, s6;
	v1 =	vld [tilespmem:s2+$0x20B0]  }
0x307: {  	s4 =	sand.u32 $0x380, s8;
	s3 =	sadd.s32 $0xFFFFFF80, s8;
	v3 =	vld [tilespmem:s15+$0xC80];
	s1 =	sadd.s32 $0x12C80, s1  }
0x308: {  	s3 =	sand.u32 $0x300, s3;
	s18 =	sadd.s32 s4, s1;
	[tilespmem:s0+$0x1420] =	vst.add.f32.msk $0xffff, v0  }
0x309: {  	s5 =	sor.u32 s3, s1;
	[tilespmem:s18+$0x0] =	vst.add.f32.msk $0xffff, v2  }
0x30a: {  	s20 =	sor.u32 $0x10, s5;
	s28 =	sor.u32 $0x20, s5;
	s24 =	sor.u32 $0x30, s5;
	v0 =	vld [tilespmem:s7+$0xC90]  }
0x30b: {  	s19 =	sor.u32 $0x40, s5;
	s17 =	sor.u32 $0x50, s5;
	s23 =	sor.u32 $0x60, s5;
	[tilespmem:s13+$0x1430] =	vst.add.f32.msk $0xffff, v1  }
0x30c: {  	s4 =	sor.u32 $0x70, s5;
	s11 =	sor.u32 $0x1000, s5;
	s10 =	sor.u32 $0x1010, s5;
	v1 =	vld [tilespmem:s2+$0x20C0]  }
0x30d: {  	s16 =	sor.u32 $0x1020, s5;
	s3 =	sor.u32 $0x1030, s5;
	s1 =	sor.u32 $0x1040, s5;
	[tilespmem:s5+$0x0] =	vst.add.f32.msk $0xffff, v3  }
0x30e: {  	s22 =	sor.u32 $0x1050, s5;
	s14 =	sor.u32 $0x1060, s5;
	s25 =	sor.u32 $0x10, s18;
	v2 =	vld [tilespmem:s15+$0xC90]  }
0x30f: {  	s21 =	sor.u32 $0x1070, s5;
	[tilespmem:s25+$0x0] =	vst.add.f32.msk $0xffff, v0  }
0x310: {  	v0 =	vld [tilespmem:s7+$0xCA0]  }
0x311: {  	[tilespmem:s13+$0x1440] =	vst.add.f32.msk $0xffff, v1  }
0x312: {  	v1 =	vld [tilespmem:s2+$0x20D0]  }
0x313: {  	[tilespmem:s20+$0x0] =	vst.add.f32.msk $0xffff, v2  }
0x314: {  	s20 =	sor.u32 $0x20, s18;
	v2 =	vld [tilespmem:s15+$0xCA0]  }
0x315: {  	[tilespmem:s20+$0x0] =	vst.add.f32.msk $0xffff, v0  }
0x316: {  	v0 =	vld [tilespmem:s7+$0xCB0]  }
0x317: {  	[tilespmem:s13+$0x1450] =	vst.add.f32.msk $0xffff, v1  }
0x318: {  	v1 =	vld [tilespmem:s2+$0x20E0]  }
0x319: {  	[tilespmem:s28+$0x0] =	vst.add.f32.msk $0xffff, v2  }
0x31a: {  	s20 =	sor.u32 $0x30, s18;
	v2 =	vld [tilespmem:s15+$0xCB0]  }
0x31b: {  	[tilespmem:s20+$0x0] =	vst.add.f32.msk $0xffff, v0  }
0x31c: {  	v0 =	vld [tilespmem:s7+$0xCC0]  }
0x31d: {  	[tilespmem:s13+$0x1460] =	vst.add.f32.msk $0xffff, v1  }
0x31e: {  	v1 =	vld [tilespmem:s2+$0x20F0]  }
0x31f: {  	[tilespmem:s24+$0x0] =	vst.add.f32.msk $0xffff, v2  }
0x320: {  	s20 =	sor.u32 $0x40, s18;
	v2 =	vld [tilespmem:s15+$0xCC0]  }
0x321: {  	[tilespmem:s20+$0x0] =	vst.add.f32.msk $0xffff, v0  }
0x322: {  	v0 =	vld [tilespmem:s7+$0xCD0]  }
0x323: {  	[tilespmem:s13+$0x1470] =	vst.add.f32.msk $0xffff, v1  }
0x324: {  	v1 =	vld [tilespmem:s2+$0x2480]  }
0x325: {  	[tilespmem:s19+$0x0] =	vst.add.f32.msk $0xffff, v2  }
0x326: {  	s19 =	sor.u32 $0x50, s18;
	v2 =	vld [tilespmem:s15+$0xCD0]  }
0x327: {  	[tilespmem:s19+$0x0] =	vst.add.f32.msk $0xffff, v0  }
0x328: {  	v0 =	vld [tilespmem:s7+$0xCE0]  }
0x329: {  	[tilespmem:s13+$0x1800] =	vst.add.f32.msk $0xffff, v1  }
0x32a: {  	v1 =	vld [tilespmem:s2+$0x2490]  }
0x32b: {  	[tilespmem:s17+$0x0] =	vst.add.f32.msk $0xffff, v2  }
0x32c: {  	s17 =	sor.u32 $0x60, s18;
	v2 =	vld [tilespmem:s15+$0xCE0]  }
0x32d: {  	[tilespmem:s17+$0x0] =	vst.add.f32.msk $0xffff, v0  }
0x32e: {  	v0 =	vld [tilespmem:s7+$0xCF0]  }
0x32f: {  	[tilespmem:s13+$0x1810] =	vst.add.f32.msk $0xffff, v1  }
0x330: {  	v1 =	vld [tilespmem:s2+$0x24A0]  }
0x331: {  	[tilespmem:s23+$0x0] =	vst.add.f32.msk $0xffff, v2  }
0x332: {  	s17 =	sor.u32 $0x70, s18;
	v2 =	vld [tilespmem:s15+$0xCF0]  }
0x333: {  	[tilespmem:s17+$0x0] =	vst.add.f32.msk $0xffff, v0  }
0x334: {  	v0 =	vld [tilespmem:s7+$0x1080]  }
0x335: {  	[tilespmem:s13+$0x1820] =	vst.add.f32.msk $0xffff, v1  }
0x336: {  	v1 =	vld [tilespmem:s2+$0x24B0]  }
0x337: {  	[tilespmem:s4+$0x0] =	vst.add.f32.msk $0xffff, v2  }
0x338: {  	v2 =	vld [tilespmem:s15+$0x1080]  }
0x339: {  	[tilespmem:s18+$0x400] =	vst.add.f32.msk $0xffff, v0  }
0x33a: {  	v0 =	vld [tilespmem:s7+$0x1090]  }
0x33b: {  	[tilespmem:s13+$0x1830] =	vst.add.f32.msk $0xffff, v1  }
0x33c: {  	v1 =	vld [tilespmem:s2+$0x24C0]  }
0x33d: {  	[tilespmem:s5+$0x400] =	vst.add.f32.msk $0xffff, v2  }
0x33e: {  	v2 =	vld [tilespmem:s15+$0x1090]  }
0x33f: {  	[tilespmem:s18+$0x410] =	vst.add.f32.msk $0xffff, v0  }
0x340: {  	v0 =	vld [tilespmem:s7+$0x10A0]  }
0x341: {  	[tilespmem:s13+$0x1840] =	vst.add.f32.msk $0xffff, v1  }
0x342: {  	v1 =	vld [tilespmem:s2+$0x24D0]  }
0x343: {  	[tilespmem:s5+$0x410] =	vst.add.f32.msk $0xffff, v2  }
0x344: {  	v2 =	vld [tilespmem:s15+$0x10A0]  }
0x345: {  	[tilespmem:s18+$0x420] =	vst.add.f32.msk $0xffff, v0  }
0x346: {  	v0 =	vld [tilespmem:s7+$0x10B0]  }
0x347: {  	[tilespmem:s13+$0x1850] =	vst.add.f32.msk $0xffff, v1  }
0x348: {  	v1 =	vld [tilespmem:s2+$0x24E0]  }
0x349: {  	[tilespmem:s5+$0x420] =	vst.add.f32.msk $0xffff, v2  }
0x34a: {  	v2 =	vld [tilespmem:s15+$0x10B0]  }
0x34b: {  	[tilespmem:s18+$0x430] =	vst.add.f32.msk $0xffff, v0  }
0x34c: {  	v0 =	vld [tilespmem:s7+$0x10C0]  }
0x34d: {  	[tilespmem:s13+$0x1860] =	vst.add.f32.msk $0xffff, v1  }
0x34e: {  	v1 =	vld [tilespmem:s2+$0x24F0]  }
0x34f: {  	[tilespmem:s5+$0x430] =	vst.add.f32.msk $0xffff, v2  }
0x350: {  	v2 =	vld [tilespmem:s15+$0x10C0]  }
0x351: {  	[tilespmem:s18+$0x440] =	vst.add.f32.msk $0xffff, v0  }
0x352: {  	v0 =	vld [tilespmem:s7+$0x10D0]  }
0x353: {  	[tilespmem:s13+$0x1870] =	vst.add.f32.msk $0xffff, v1  }
0x354: {  	v1 =	vld [tilespmem:s2+$0x2880]  }
0x355: {  	[tilespmem:s5+$0x440] =	vst.add.f32.msk $0xffff, v2  }
0x356: {  	v2 =	vld [tilespmem:s15+$0x10D0]  }
0x357: {  	[tilespmem:s18+$0x450] =	vst.add.f32.msk $0xffff, v0  }
0x358: {  	v0 =	vld [tilespmem:s7+$0x10E0]  }
0x359: {  	[tilespmem:s13+$0x1C00] =	vst.add.f32.msk $0xffff, v1  }
0x35a: {  	v1 =	vld [tilespmem:s2+$0x2890]  }
0x35b: {  	[tilespmem:s5+$0x450] =	vst.add.f32.msk $0xffff, v2  }
0x35c: {  	v2 =	vld [tilespmem:s15+$0x10E0]  }
0x35d: {  	[tilespmem:s18+$0x460] =	vst.add.f32.msk $0xffff, v0  }
0x35e: {  	v0 =	vld [tilespmem:s7+$0x10F0]  }
0x35f: {  	[tilespmem:s13+$0x1C10] =	vst.add.f32.msk $0xffff, v1  }
0x360: {  	v1 =	vld [tilespmem:s2+$0x28A0]  }
0x361: {  	[tilespmem:s5+$0x460] =	vst.add.f32.msk $0xffff, v2  }
0x362: {  	v2 =	vld [tilespmem:s15+$0x10F0]  }
0x363: {  	[tilespmem:s18+$0x470] =	vst.add.f32.msk $0xffff, v0  }
0x364: {  	v0 =	vld [tilespmem:s7+$0x1480]  }
0x365: {  	[tilespmem:s13+$0x1C20] =	vst.add.f32.msk $0xffff, v1  }
0x366: {  	v1 =	vld [tilespmem:s2+$0x28B0]  }
0x367: {  	[tilespmem:s5+$0x470] =	vst.add.f32.msk $0xffff, v2  }
0x368: {  	v2 =	vld [tilespmem:s15+$0x1480]  }
0x369: {  	[tilespmem:s18+$0x800] =	vst.add.f32.msk $0xffff, v0  }
0x36a: {  	v0 =	vld [tilespmem:s7+$0x1490]  }
0x36b: {  	[tilespmem:s13+$0x1C30] =	vst.add.f32.msk $0xffff, v1  }
0x36c: {  	v1 =	vld [tilespmem:s2+$0x28C0]  }
0x36d: {  	[tilespmem:s5+$0x800] =	vst.add.f32.msk $0xffff, v2  }
0x36e: {  	v2 =	vld [tilespmem:s15+$0x1490]  }
0x36f: {  	[tilespmem:s18+$0x810] =	vst.add.f32.msk $0xffff, v0  }
0x370: {  	v0 =	vld [tilespmem:s7+$0x14A0]  }
0x371: {  	[tilespmem:s13+$0x1C40] =	vst.add.f32.msk $0xffff, v1  }
0x372: {  	v1 =	vld [tilespmem:s2+$0x28D0]  }
0x373: {  	[tilespmem:s5+$0x810] =	vst.add.f32.msk $0xffff, v2  }
0x374: {  	v2 =	vld [tilespmem:s15+$0x14A0]  }
0x375: {  	[tilespmem:s18+$0x820] =	vst.add.f32.msk $0xffff, v0  }
0x376: {  	v0 =	vld [tilespmem:s7+$0x14B0]  }
0x377: {  	[tilespmem:s13+$0x1C50] =	vst.add.f32.msk $0xffff, v1  }
0x378: {  	v1 =	vld [tilespmem:s2+$0x28E0]  }
0x379: {  	[tilespmem:s5+$0x820] =	vst.add.f32.msk $0xffff, v2  }
0x37a: {  	v2 =	vld [tilespmem:s15+$0x14B0]  }
0x37b: {  	[tilespmem:s18+$0x830] =	vst.add.f32.msk $0xffff, v0  }
0x37c: {  	v0 =	vld [tilespmem:s7+$0x14C0]  }
0x37d: {  	[tilespmem:s13+$0x1C60] =	vst.add.f32.msk $0xffff, v1  }
0x37e: {  	v1 =	vld [tilespmem:s2+$0x28F0];
	s2 =	smov.u32 s7  }
0x37f: {  	[tilespmem:s5+$0x830] =	vst.add.f32.msk $0xffff, v2  }
0x380: {  	v2 =	vld [tilespmem:s15+$0x14C0]  }
0x381: {  	v3 =	vld [tilespmem:s31+$0x20B0]  }
0x382: {  	[tilespmem:s18+$0x840] =	vst.add.f32.msk $0xffff, v0  }
0x383: {  	[tilespmem:s13+$0x1C70] =	vst.add.f32.msk $0xffff, v1;
	s13 =	smov.u32 s18  }
0x384: {  	v0 =	vld [tilespmem:s2+$0x14D0]  }
0x385: {  	[tilespmem:s5+$0x840] =	vst.add.f32.msk $0xffff, v2  }
0x386: {  	v1 =	vld [tilespmem:s15+$0x14D0]  }
0x387: {  	[tilespmem:s0+$0x1430] =	vst.add.f32.msk $0xffff, v3  }
0x388: {  	v2 =	vld [tilespmem:s31+$0x20C0]  }
0x389: {  	[tilespmem:s13+$0x850] =	vst.add.f32.msk $0xffff, v0  }
0x38a: {  	v0 =	vld [tilespmem:s2+$0x14E0]  }
0x38b: {  	[tilespmem:s5+$0x850] =	vst.add.f32.msk $0xffff, v1  }
0x38c: {  	v1 =	vld [tilespmem:s15+$0x14E0]  }
0x38d: {  	[tilespmem:s0+$0x1440] =	vst.add.f32.msk $0xffff, v2  }
0x38e: {  	v2 =	vld [tilespmem:s31+$0x20D0]  }
0x38f: {  	[tilespmem:s13+$0x860] =	vst.add.f32.msk $0xffff, v0  }
0x390: {  	v0 =	vld [tilespmem:s2+$0x14F0]  }
0x391: {  	[tilespmem:s5+$0x860] =	vst.add.f32.msk $0xffff, v1  }
0x392: {  	v1 =	vld [tilespmem:s15+$0x14F0]  }
0x393: {  	[tilespmem:s0+$0x1450] =	vst.add.f32.msk $0xffff, v2  }
0x394: {  	v2 =	vld [tilespmem:s31+$0x20E0]  }
0x395: {  	[tilespmem:s13+$0x870] =	vst.add.f32.msk $0xffff, v0  }
0x396: {  	v0 =	vld [tilespmem:s2+$0x1880]  }
0x397: {  	[tilespmem:s5+$0x870] =	vst.add.f32.msk $0xffff, v1  }
0x398: {  	v1 =	vld [tilespmem:s15+$0x1880]  }
0x399: {  	[tilespmem:s0+$0x1460] =	vst.add.f32.msk $0xffff, v2  }
0x39a: {  	v2 =	vld [tilespmem:s31+$0x20F0]  }
0x39b: {  	[tilespmem:s13+$0xC00] =	vst.add.f32.msk $0xffff, v0  }
0x39c: {  	v0 =	vld [tilespmem:s2+$0x1890]  }
0x39d: {  	[tilespmem:s5+$0xC00] =	vst.add.f32.msk $0xffff, v1  }
0x39e: {  	v1 =	vld [tilespmem:s15+$0x1890]  }
0x39f: {  	[tilespmem:s0+$0x1470] =	vst.add.f32.msk $0xffff, v2  }
0x3a0: {  	v2 =	vld [tilespmem:s31+$0x2480]  }
0x3a1: {  	[tilespmem:s13+$0xC10] =	vst.add.f32.msk $0xffff, v0  }
0x3a2: {  	v0 =	vld [tilespmem:s2+$0x18A0]  }
0x3a3: {  	[tilespmem:s5+$0xC10] =	vst.add.f32.msk $0xffff, v1  }
0x3a4: {  	v1 =	vld [tilespmem:s15+$0x18A0]  }
0x3a5: {  	[tilespmem:s0+$0x1800] =	vst.add.f32.msk $0xffff, v2  }
0x3a6: {  	v2 =	vld [tilespmem:s31+$0x2490]  }
0x3a7: {  	[tilespmem:s13+$0xC20] =	vst.add.f32.msk $0xffff, v0  }
0x3a8: {  	v0 =	vld [tilespmem:s2+$0x18B0]  }
0x3a9: {  	[tilespmem:s5+$0xC20] =	vst.add.f32.msk $0xffff, v1  }
0x3aa: {  	v1 =	vld [tilespmem:s15+$0x18B0]  }
0x3ab: {  	[tilespmem:s0+$0x1810] =	vst.add.f32.msk $0xffff, v2  }
0x3ac: {  	v2 =	vld [tilespmem:s31+$0x24A0]  }
0x3ad: {  	[tilespmem:s13+$0xC30] =	vst.add.f32.msk $0xffff, v0  }
0x3ae: {  	v0 =	vld [tilespmem:s2+$0x18C0]  }
0x3af: {  	[tilespmem:s5+$0xC30] =	vst.add.f32.msk $0xffff, v1  }
0x3b0: {  	v1 =	vld [tilespmem:s15+$0x18C0]  }
0x3b1: {  	[tilespmem:s0+$0x1820] =	vst.add.f32.msk $0xffff, v2  }
0x3b2: {  	v2 =	vld [tilespmem:s31+$0x24B0]  }
0x3b3: {  	[tilespmem:s13+$0xC40] =	vst.add.f32.msk $0xffff, v0  }
0x3b4: {  	v0 =	vld [tilespmem:s2+$0x18D0]  }
0x3b5: {  	[tilespmem:s5+$0xC40] =	vst.add.f32.msk $0xffff, v1  }
0x3b6: {  	v1 =	vld [tilespmem:s15+$0x18D0]  }
0x3b7: {  	[tilespmem:s0+$0x1830] =	vst.add.f32.msk $0xffff, v2  }
0x3b8: {  	v2 =	vld [tilespmem:s31+$0x24C0]  }
0x3b9: {  	[tilespmem:s13+$0xC50] =	vst.add.f32.msk $0xffff, v0  }
0x3ba: {  	v0 =	vld [tilespmem:s2+$0x18E0]  }
0x3bb: {  	[tilespmem:s5+$0xC50] =	vst.add.f32.msk $0xffff, v1  }
0x3bc: {  	v1 =	vld [tilespmem:s15+$0x18E0]  }
0x3bd: {  	[tilespmem:s0+$0x1840] =	vst.add.f32.msk $0xffff, v2  }
0x3be: {  	v2 =	vld [tilespmem:s31+$0x24D0]  }
0x3bf: {  	[tilespmem:s13+$0xC60] =	vst.add.f32.msk $0xffff, v0  }
0x3c0: {  	v0 =	vld [tilespmem:s2+$0x18F0]  }
0x3c1: {  	[tilespmem:s5+$0xC60] =	vst.add.f32.msk $0xffff, v1  }
0x3c2: {  	v1 =	vld [tilespmem:s15+$0x18F0]  }
0x3c3: {  	[tilespmem:s0+$0x1850] =	vst.add.f32.msk $0xffff, v2  }
0x3c4: {  	v2 =	vld [tilespmem:s31+$0x24E0]  }
0x3c5: {  	[tilespmem:s13+$0xC70] =	vst.add.f32.msk $0xffff, v0  }
0x3c6: {  	v0 =	vld [tilespmem:s2+$0x1C80]  }
0x3c7: {  	[tilespmem:s5+$0xC70] =	vst.add.f32.msk $0xffff, v1  }
0x3c8: {  	v1 =	vld [tilespmem:s15+$0x1C80]  }
0x3c9: {  	[tilespmem:s0+$0x1860] =	vst.add.f32.msk $0xffff, v2  }
0x3ca: {  	v2 =	vld [tilespmem:s31+$0x24F0]  }
0x3cb: {  	[tilespmem:s13+$0x1000] =	vst.add.f32.msk $0xffff, v0  }
0x3cc: {  	v0 =	vld [tilespmem:s2+$0x1C90]  }
0x3cd: {  	[tilespmem:s11+$0x0] =	vst.add.f32.msk $0xffff, v1  }
0x3ce: {  	v1 =	vld [tilespmem:s15+$0x1C90]  }
0x3cf: {  	[tilespmem:s0+$0x1870] =	vst.add.f32.msk $0xffff, v2  }
0x3d0: {  	v2 =	vld [tilespmem:s31+$0x2880]  }
0x3d1: {  	[tilespmem:s13+$0x1010] =	vst.add.f32.msk $0xffff, v0  }
0x3d2: {  	v0 =	vld [tilespmem:s2+$0x1CA0]  }
0x3d3: {  	[tilespmem:s10+$0x0] =	vst.add.f32.msk $0xffff, v1  }
0x3d4: {  	v1 =	vld [tilespmem:s15+$0x1CA0]  }
0x3d5: {  	[tilespmem:s0+$0x1C00] =	vst.add.f32.msk $0xffff, v2  }
0x3d6: {  	v2 =	vld [tilespmem:s31+$0x2890]  }
0x3d7: {  	[tilespmem:s13+$0x1020] =	vst.add.f32.msk $0xffff, v0  }
0x3d8: {  	v0 =	vld [tilespmem:s2+$0x1CB0]  }
0x3d9: {  	[tilespmem:s16+$0x0] =	vst.add.f32.msk $0xffff, v1  }
0x3da: {  	v1 =	vld [tilespmem:s15+$0x1CB0]  }
0x3db: {  	[tilespmem:s0+$0x1C10] =	vst.add.f32.msk $0xffff, v2  }
0x3dc: {  	v2 =	vld [tilespmem:s31+$0x28A0]  }
0x3dd: {  	[tilespmem:s13+$0x1030] =	vst.add.f32.msk $0xffff, v0  }
0x3de: {  	v0 =	vld [tilespmem:s2+$0x1CC0]  }
0x3df: {  	[tilespmem:s3+$0x0] =	vst.add.f32.msk $0xffff, v1  }
0x3e0: {  	v1 =	vld [tilespmem:s15+$0x1CC0]  }
0x3e1: {  	[tilespmem:s0+$0x1C20] =	vst.add.f32.msk $0xffff, v2  }
0x3e2: {  	v2 =	vld [tilespmem:s31+$0x28B0]  }
0x3e3: {  	[tilespmem:s13+$0x1040] =	vst.add.f32.msk $0xffff, v0  }
0x3e4: {  	v0 =	vld [tilespmem:s2+$0x1CD0]  }
0x3e5: {  	[tilespmem:s1+$0x0] =	vst.add.f32.msk $0xffff, v1  }
0x3e6: {  	v3 =	vld [tilespmem:s15+$0x1CD0]  }
0x3e7: {  	[tilespmem:s0+$0x1C30] =	vst.add.f32.msk $0xffff, v2  }
0x3e8: {  	v2 =	vld [tilespmem:s31+$0x28C0]  }
.Ltmp1:
0x3e9: {  	[tilespmem:s13+$0x1050] =	vst.add.f32.msk $0xffff, v0;
	(pc) =	sbr.rel @p0 .LBB2_5-.Ltmp1, $4  }
0x3ea: {  	v1 =	vld [tilespmem:s2+$0x1CE0]  }
0x3eb: {  	[tilespmem:s22+$0x0] =	vst.add.f32.msk $0xffff, v3  }
0x3ec: {  	v0 =	vld [tilespmem:s15+$0x1CE0]  }
0x3ed: {  	s9 =	sadd.s32 $0x2, s9;
	[tilespmem:s0+$0x1C40] =	vst.add.f32.msk $0xffff, v2  }
0x3ee: {  	_ = 	snop  }
0x3ef: {  	[tilespmem:s13+$0x1060] =	vst.add.f32.msk $0xffff, v1  }
0x3f0: {  	v1 =	vld [tilespmem:s2+$0x1CF0]  }
0x3f1: {  	[tilespmem:s14+$0x0] =	vst.add.f32.msk $0xffff, v0  }
0x3f2: {  	v0 =	vld [tilespmem:s15+$0x1CF0];
	_ =	sdelay $0x2  }
0x3f3: {  	[tilespmem:s13+$0x1070] =	vst.add.f32.msk $0xffff, v1  }
0x3f4: {  	v1 =	vld [tilespmem:s2+$0x2080]  }
0x3f5: {  	[tilespmem:s21+$0x0] =	vst.add.f32.msk $0xffff, v0  }
0x3f6: {  	v0 =	vld [tilespmem:s15+$0x2080];
	_ =	sdelay $0x2  }
0x3f7: {  	[tilespmem:s13+$0x1400] =	vst.add.f32.msk $0xffff, v1  }
0x3f8: {  	v1 =	vld [tilespmem:s2+$0x2090]  }
0x3f9: {  	[tilespmem:s5+$0x1400] =	vst.add.f32.msk $0xffff, v0  }
0x3fa: {  	v0 =	vld [tilespmem:s15+$0x2090];
	_ =	sdelay $0x2  }
0x3fb: {  	[tilespmem:s13+$0x1410] =	vst.add.f32.msk $0xffff, v1  }
0x3fc: {  	v1 =	vld [tilespmem:s2+$0x20A0]  }
0x3fd: {  	[tilespmem:s5+$0x1410] =	vst.add.f32.msk $0xffff, v0  }
0x3fe: {  	v0 =	vld [tilespmem:s15+$0x20A0];
	_ =	sdelay $0x2  }
0x3ff: {  	[tilespmem:s13+$0x1420] =	vst.add.f32.msk $0xffff, v1  }
0x400: {  	v1 =	vld [tilespmem:s2+$0x20B0]  }
0x401: {  	[tilespmem:s5+$0x1420] =	vst.add.f32.msk $0xffff, v0  }
0x402: {  	v0 =	vld [tilespmem:s15+$0x20B0];
	_ =	sdelay $0x2  }
0x403: {  	[tilespmem:s13+$0x1430] =	vst.add.f32.msk $0xffff, v1  }
0x404: {  	v1 =	vld [tilespmem:s2+$0x20C0]  }
0x405: {  	[tilespmem:s5+$0x1430] =	vst.add.f32.msk $0xffff, v0  }
0x406: {  	v0 =	vld [tilespmem:s15+$0x20C0];
	_ =	sdelay $0x2  }
0x407: {  	[tilespmem:s13+$0x1440] =	vst.add.f32.msk $0xffff, v1  }
0x408: {  	v1 =	vld [tilespmem:s2+$0x20D0]  }
0x409: {  	[tilespmem:s5+$0x1440] =	vst.add.f32.msk $0xffff, v0  }
0x40a: {  	v0 =	vld [tilespmem:s15+$0x20D0];
	_ =	sdelay $0x2  }
0x40b: {  	[tilespmem:s13+$0x1450] =	vst.add.f32.msk $0xffff, v1  }
0x40c: {  	v1 =	vld [tilespmem:s2+$0x20E0]  }
0x40d: {  	[tilespmem:s5+$0x1450] =	vst.add.f32.msk $0xffff, v0  }
0x40e: {  	v0 =	vld [tilespmem:s15+$0x20E0];
	_ =	sdelay $0x2  }
0x40f: {  	[tilespmem:s13+$0x1460] =	vst.add.f32.msk $0xffff, v1  }
0x410: {  	v1 =	vld [tilespmem:s2+$0x20F0]  }
0x411: {  	[tilespmem:s5+$0x1460] =	vst.add.f32.msk $0xffff, v0  }
0x412: {  	v0 =	vld [tilespmem:s15+$0x20F0];
	_ =	sdelay $0x2  }
0x413: {  	[tilespmem:s13+$0x1470] =	vst.add.f32.msk $0xffff, v1  }
0x414: {  	v1 =	vld [tilespmem:s2+$0x2480]  }
0x415: {  	[tilespmem:s5+$0x1470] =	vst.add.f32.msk $0xffff, v0  }
0x416: {  	v0 =	vld [tilespmem:s15+$0x2480];
	_ =	sdelay $0x2  }
0x417: {  	[tilespmem:s13+$0x1800] =	vst.add.f32.msk $0xffff, v1  }
0x418: {  	v1 =	vld [tilespmem:s2+$0x2490]  }
0x419: {  	[tilespmem:s5+$0x1800] =	vst.add.f32.msk $0xffff, v0  }
0x41a: {  	v0 =	vld [tilespmem:s15+$0x2490];
	_ =	sdelay $0x2  }
0x41b: {  	[tilespmem:s13+$0x1810] =	vst.add.f32.msk $0xffff, v1  }
0x41c: {  	v1 =	vld [tilespmem:s2+$0x24A0]  }
0x41d: {  	[tilespmem:s5+$0x1810] =	vst.add.f32.msk $0xffff, v0  }
0x41e: {  	v0 =	vld [tilespmem:s15+$0x24A0];
	_ =	sdelay $0x2  }
0x41f: {  	[tilespmem:s13+$0x1820] =	vst.add.f32.msk $0xffff, v1  }
0x420: {  	v1 =	vld [tilespmem:s2+$0x24B0]  }
0x421: {  	[tilespmem:s5+$0x1820] =	vst.add.f32.msk $0xffff, v0  }
0x422: {  	v0 =	vld [tilespmem:s15+$0x24B0];
	_ =	sdelay $0x2  }
0x423: {  	[tilespmem:s13+$0x1830] =	vst.add.f32.msk $0xffff, v1  }
0x424: {  	v1 =	vld [tilespmem:s2+$0x24C0]  }
0x425: {  	[tilespmem:s5+$0x1830] =	vst.add.f32.msk $0xffff, v0  }
0x426: {  	v0 =	vld [tilespmem:s15+$0x24C0];
	_ =	sdelay $0x2  }
0x427: {  	[tilespmem:s13+$0x1840] =	vst.add.f32.msk $0xffff, v1  }
0x428: {  	v1 =	vld [tilespmem:s2+$0x24D0]  }
0x429: {  	[tilespmem:s5+$0x1840] =	vst.add.f32.msk $0xffff, v0  }
0x42a: {  	v0 =	vld [tilespmem:s15+$0x24D0];
	_ =	sdelay $0x2  }
0x42b: {  	[tilespmem:s13+$0x1850] =	vst.add.f32.msk $0xffff, v1  }
0x42c: {  	v1 =	vld [tilespmem:s2+$0x24E0]  }
0x42d: {  	[tilespmem:s5+$0x1850] =	vst.add.f32.msk $0xffff, v0  }
0x42e: {  	v0 =	vld [tilespmem:s15+$0x24E0];
	_ =	sdelay $0x2  }
0x42f: {  	[tilespmem:s13+$0x1860] =	vst.add.f32.msk $0xffff, v1  }
0x430: {  	v1 =	vld [tilespmem:s2+$0x24F0]  }
0x431: {  	[tilespmem:s5+$0x1860] =	vst.add.f32.msk $0xffff, v0  }
0x432: {  	v0 =	vld [tilespmem:s15+$0x24F0];
	_ =	sdelay $0x2  }
0x433: {  	[tilespmem:s13+$0x1870] =	vst.add.f32.msk $0xffff, v1  }
0x434: {  	v1 =	vld [tilespmem:s2+$0x2880]  }
0x435: {  	[tilespmem:s5+$0x1870] =	vst.add.f32.msk $0xffff, v0  }
0x436: {  	v0 =	vld [tilespmem:s15+$0x2880];
	_ =	sdelay $0x2  }
0x437: {  	[tilespmem:s13+$0x1C00] =	vst.add.f32.msk $0xffff, v1  }
0x438: {  	v1 =	vld [tilespmem:s2+$0x2890]  }
0x439: {  	[tilespmem:s5+$0x1C00] =	vst.add.f32.msk $0xffff, v0  }
0x43a: {  	v0 =	vld [tilespmem:s15+$0x2890];
	_ =	sdelay $0x2  }
0x43b: {  	[tilespmem:s13+$0x1C10] =	vst.add.f32.msk $0xffff, v1  }
0x43c: {  	v1 =	vld [tilespmem:s2+$0x28A0]  }
0x43d: {  	[tilespmem:s5+$0x1C10] =	vst.add.f32.msk $0xffff, v0  }
0x43e: {  	v0 =	vld [tilespmem:s15+$0x28A0];
	_ =	sdelay $0x2  }
0x43f: {  	[tilespmem:s13+$0x1C20] =	vst.add.f32.msk $0xffff, v1  }
0x440: {  	v1 =	vld [tilespmem:s2+$0x28B0]  }
0x441: {  	[tilespmem:s5+$0x1C20] =	vst.add.f32.msk $0xffff, v0  }
0x442: {  	v0 =	vld [tilespmem:s15+$0x28B0];
	_ =	sdelay $0x2  }
0x443: {  	[tilespmem:s13+$0x1C30] =	vst.add.f32.msk $0xffff, v1  }
0x444: {  	v1 =	vld [tilespmem:s2+$0x28C0]  }
0x445: {  	[tilespmem:s5+$0x1C30] =	vst.add.f32.msk $0xffff, v0  }
0x446: {  	v0 =	vld [tilespmem:s15+$0x28C0]  }
0x447: {  	v2 =	vld [tilespmem:s31+$0x28D0]  }
0x448: {  	v3 =	vld [tilespmem:s29+$0x28F0]  }
0x449: {  	[tilespmem:s13+$0x1C40] =	vst.add.f32.msk $0xffff, v1  }
0x44a: {  	v1 =	vld [tilespmem:s2+$0x28D0]  }
0x44b: {  	[tilespmem:s5+$0x1C40] =	vst.add.f32.msk $0xffff, v0  }
0x44c: {  	v0 =	vld [tilespmem:s15+$0x28D0]  }
0x44d: {  	[tilespmem:s0+$0x1C50] =	vst.add.f32.msk $0xffff, v2  }
0x44e: {  	v2 =	vld [tilespmem:s31+$0x28E0]  }
0x44f: {  	[tilespmem:s13+$0x1C50] =	vst.add.f32.msk $0xffff, v1  }
0x450: {  	v1 =	vld [tilespmem:s2+$0x28E0]  }
0x451: {  	[tilespmem:s5+$0x1C50] =	vst.add.f32.msk $0xffff, v0  }
0x452: {  	v0 =	vld [tilespmem:s15+$0x28E0]  }
0x453: {  	[tilespmem:s0+$0x1C60] =	vst.add.f32.msk $0xffff, v2  }
0x454: {  	v2 =	vld [tilespmem:s31+$0x28F0]  }
0x455: {  	[tilespmem:s13+$0x1C60] =	vst.add.f32.msk $0xffff, v1  }
0x456: {  	v1 =	vld [tilespmem:s2+$0x28F0]  }
0x457: {  	[tilespmem:s5+$0x1C60] =	vst.add.f32.msk $0xffff, v0  }
0x458: {  	v0 =	vld [tilespmem:s15+$0x28F0];
	_ =	sdelay $0x1  }
0x459: {  	[tilespmem:s30+$0x1C70] =	vst.add.f32.msk $0xffff, v3  }
0x45a: {  	[tilespmem:s0+$0x1C70] =	vst.add.f32.msk $0xffff, v2  }
0x45b: {  	[tilespmem:s13+$0x1C70] =	vst.add.f32.msk $0xffff, v1  }
0x45c: {  	[tilespmem:s5+$0x1C70] =	vst.add.f32.msk $0xffff, v0  }
0x45d: {  	s16 =	simm.s32 $0x0;
	s0 =	sshll.u32 s26, $0xC;
	s1 =	rddreg [dreg:$0x9]  }
0x45e: {  	s3 =	simm.s32 $0x12C80;
	s17 =	simm.s32 $0x2;
	s1 =	sadd.s32 s0, s1  }
0x45f: {  	[hbm4b:s1+s16] =	stream.linear.scatter [tilespmem:s3], [sflag:$0x3], $0x4000, $0x38;
	[tilespmem:$0x1AC80] =	vst v63  }
0x460: {  	_ =	swait.ge [sflag:s17], $0x4000  }
0x461: {  	[sflag:s17] =	ssyncset.done $0x0  }
0x462: {  	s18 =	simm.s32 $0x3;
	[sflag:s17] =	ssyncadd.s32 $0xFFFFC000  }
0x463: {  	_ =	swait.ge [sflag:s18], $0x4000  }
0x464: {  	p0 =	seq.s32 s26, $0x1F;
	s1 =	rddreg [dreg:$0xa]  }
0x465: {  	s2 =	simm.s32 @!p0 $0x12C80;
	[sflag:s18] =	ssyncset.done $0x0;
	s6 =	rddreg [dreg:$0xe]  }
0x466: {  	[sflag:s18] =	ssyncadd.s32 $0xFFFFC000;
	s0 =	sadd.s32 @!p0 s0, s1;
	s1 =	simm.s32 @!p0 $0x0  }
0x467: {  	[tilespmem:s2], [sflag:$0x1] =	stream.linear.gather @!p0 [hbm4b:s0+s1], $0x4000, $0x38;
	[tilespmem:$0x1AC80] =	vst v63  }
0x468: {  	v0 =	vld [tilespmem:s6+$0x0];
	_ =	sdelay $0x2  }
0x469: {  	v1 =	vld [tilespmem:s6+$0xFFFFFFFF];
	_ =	sdelay $0x1  }
0x46a: {  	(v2sf) =	vpush v0, $0x0;
	_ =	sdelay $0x2  }
0x46b: {  	(v2sf) =	vpush v1, $0x0;
	_ =	sdelay $0xb  }
0x46c: {  	s19 =	spop (v2sf)  }
0x46d: {  	s20 =	sshll.u32 s19, $0xA;
	s0 =	sshll.u32 s19, $0x7  }
0x46e: {  	s1 =	sand.u32 $0xFFFFE000, s20;
	s0 =	sand.u32 $0x380, s0  }
0x46f: {  	s21 =	spop (v2sf);
	s2 =	sor.u32 s0, s1  }
0x470: {  	s22 =	sshll.u32 s21, $0xA;
	s0 =	sshll.u32 s21, $0x7;
	v0 =	vld [tilespmem:s2+$0xC80]  }
0x471: {  	s23 =	simm.s32 $0x0;
	s1 =	sand.u32 $0xFFFFE000, s22;
	s0 =	sand.u32 $0x380, s0  }
0x472: {  	s4 =	simm.s32 $0x80;
	s24 =	sand.u32 $0x2000, s23;
	s29 =	sor.u32 s0, s1  }
0x473: {  	s25 =	sand.u32 $0x380, s4;
	s0 =	sadd.s32 $0x16C80, s24;
	v1 =	vld [tilespmem:s29+$0xC80]  }
0x474: {  	s5 =	sadd.s32 s25, s0  }
0x475: {  	s28 =	simm.s32 $0x0;
	[tilespmem:s5+$0x0] =	vst.add.f32.msk $0xffff, v0  }
0x476: {  	s1 =	sand.u32 $0x300, s28;
	v0 =	vld [tilespmem:s2+$0xC90]  }
0x477: {  	s30 =	sor.u32 s1, s0  }
0x478: {  	[tilespmem:s30+$0x0] =	vst.add.f32.msk $0xffff, v1  }
0x479: {  	v1 =	vld [tilespmem:s29+$0xC90]  }
0x47a: {  	s3 =	sor.u32 $0x10, s5  }
0x47b: {  	[tilespmem:s3+$0x0] =	vst.add.f32.msk $0xffff, v0  }
0x47c: {  	v0 =	vld [tilespmem:s2+$0xCA0]  }
0x47d: {  	s4 =	sor.u32 $0x10, s30  }
0x47e: {  	[tilespmem:s4+$0x0] =	vst.add.f32.msk $0xffff, v1  }
0x47f: {  	v1 =	vld [tilespmem:s29+$0xCA0]  }
0x480: {  	s7 =	sor.u32 $0x20, s5  }
0x481: {  	[tilespmem:s7+$0x0] =	vst.add.f32.msk $0xffff, v0  }
0x482: {  	v0 =	vld [tilespmem:s2+$0xCB0]  }
0x483: {  	s8 =	sor.u32 $0x20, s30  }
0x484: {  	[tilespmem:s8+$0x0] =	vst.add.f32.msk $0xffff, v1  }
0x485: {  	v1 =	vld [tilespmem:s29+$0xCB0]  }
0x486: {  	s9 =	sor.u32 $0x30, s5  }
0x487: {  	[tilespmem:s9+$0x0] =	vst.add.f32.msk $0xffff, v0  }
0x488: {  	v0 =	vld [tilespmem:s2+$0xCC0]  }
0x489: {  	s10 =	sor.u32 $0x30, s30  }
0x48a: {  	[tilespmem:s10+$0x0] =	vst.add.f32.msk $0xffff, v1  }
0x48b: {  	v1 =	vld [tilespmem:s29+$0xCC0]  }
0x48c: {  	s11 =	sor.u32 $0x40, s5  }
0x48d: {  	[tilespmem:s11+$0x0] =	vst.add.f32.msk $0xffff, v0  }
0x48e: {  	v0 =	vld [tilespmem:s2+$0xCD0]  }
0x48f: {  	s12 =	sor.u32 $0x40, s30  }
0x490: {  	[tilespmem:s12+$0x0] =	vst.add.f32.msk $0xffff, v1  }
0x491: {  	v1 =	vld [tilespmem:s29+$0xCD0]  }
0x492: {  	s13 =	sor.u32 $0x50, s5  }
0x493: {  	[tilespmem:s13+$0x0] =	vst.add.f32.msk $0xffff, v0  }
0x494: {  	v0 =	vld [tilespmem:s2+$0xCE0]  }
0x495: {  	s14 =	sor.u32 $0x50, s30  }
0x496: {  	[tilespmem:s14+$0x0] =	vst.add.f32.msk $0xffff, v1  }
0x497: {  	v1 =	vld [tilespmem:s29+$0xCE0]  }
0x498: {  	s15 =	sor.u32 $0x60, s5  }
0x499: {  	[tilespmem:s15+$0x0] =	vst.add.f32.msk $0xffff, v0  }
0x49a: {  	v0 =	vld [tilespmem:s2+$0xCF0]  }
0x49b: {  	s16 =	sor.u32 $0x60, s30  }
0x49c: {  	[tilespmem:s16+$0x0] =	vst.add.f32.msk $0xffff, v1  }
0x49d: {  	v1 =	vld [tilespmem:s29+$0xCF0]  }
0x49e: {  	s17 =	sor.u32 $0x70, s5  }
0x49f: {  	[tilespmem:s17+$0x0] =	vst.add.f32.msk $0xffff, v0  }
0x4a0: {  	v0 =	vld [tilespmem:s2+$0x1080]  }
0x4a1: {  	s18 =	sor.u32 $0x70, s30  }
0x4a2: {  	[tilespmem:s18+$0x0] =	vst.add.f32.msk $0xffff, v1  }
0x4a3: {  	v1 =	vld [tilespmem:s29+$0x1080];
	_ =	sdelay $0x1  }
0x4a4: {  	[tilespmem:s5+$0x400] =	vst.add.f32.msk $0xffff, v0  }
0x4a5: {  	v0 =	vld [tilespmem:s2+$0x1090];
	_ =	sdelay $0x1  }
0x4a6: {  	[tilespmem:s30+$0x400] =	vst.add.f32.msk $0xffff, v1  }
0x4a7: {  	v1 =	vld [tilespmem:s29+$0x1090];
	_ =	sdelay $0x1  }
0x4a8: {  	[tilespmem:s5+$0x410] =	vst.add.f32.msk $0xffff, v0  }
0x4a9: {  	v0 =	vld [tilespmem:s2+$0x10A0];
	_ =	sdelay $0x1  }
0x4aa: {  	[tilespmem:s30+$0x410] =	vst.add.f32.msk $0xffff, v1  }
0x4ab: {  	v1 =	vld [tilespmem:s29+$0x10A0];
	_ =	sdelay $0x1  }
0x4ac: {  	[tilespmem:s5+$0x420] =	vst.add.f32.msk $0xffff, v0  }
0x4ad: {  	v0 =	vld [tilespmem:s2+$0x10B0];
	_ =	sdelay $0x1  }
0x4ae: {  	[tilespmem:s30+$0x420] =	vst.add.f32.msk $0xffff, v1  }
0x4af: {  	v1 =	vld [tilespmem:s29+$0x10B0];
	_ =	sdelay $0x1  }
0x4b0: {  	[tilespmem:s5+$0x430] =	vst.add.f32.msk $0xffff, v0  }
0x4b1: {  	v0 =	vld [tilespmem:s2+$0x10C0];
	_ =	sdelay $0x1  }
0x4b2: {  	[tilespmem:s30+$0x430] =	vst.add.f32.msk $0xffff, v1  }
0x4b3: {  	v1 =	vld [tilespmem:s29+$0x10C0];
	_ =	sdelay $0x1  }
0x4b4: {  	[tilespmem:s5+$0x440] =	vst.add.f32.msk $0xffff, v0  }
0x4b5: {  	v0 =	vld [tilespmem:s2+$0x10D0];
	_ =	sdelay $0x1  }
0x4b6: {  	[tilespmem:s30+$0x440] =	vst.add.f32.msk $0xffff, v1  }
0x4b7: {  	v1 =	vld [tilespmem:s29+$0x10D0];
	_ =	sdelay $0x1  }
0x4b8: {  	[tilespmem:s5+$0x450] =	vst.add.f32.msk $0xffff, v0  }
0x4b9: {  	v0 =	vld [tilespmem:s2+$0x10E0];
	_ =	sdelay $0x1  }
0x4ba: {  	[tilespmem:s30+$0x450] =	vst.add.f32.msk $0xffff, v1  }
0x4bb: {  	v1 =	vld [tilespmem:s29+$0x10E0];
	_ =	sdelay $0x1  }
0x4bc: {  	[tilespmem:s5+$0x460] =	vst.add.f32.msk $0xffff, v0  }
0x4bd: {  	v0 =	vld [tilespmem:s2+$0x10F0];
	_ =	sdelay $0x1  }
0x4be: {  	[tilespmem:s30+$0x460] =	vst.add.f32.msk $0xffff, v1  }
0x4bf: {  	v1 =	vld [tilespmem:s29+$0x10F0];
	_ =	sdelay $0x1  }
0x4c0: {  	[tilespmem:s5+$0x470] =	vst.add.f32.msk $0xffff, v0  }
0x4c1: {  	v0 =	vld [tilespmem:s2+$0x1480];
	_ =	sdelay $0x1  }
0x4c2: {  	[tilespmem:s30+$0x470] =	vst.add.f32.msk $0xffff, v1  }
0x4c3: {  	v1 =	vld [tilespmem:s29+$0x1480];
	_ =	sdelay $0x1  }
0x4c4: {  	[tilespmem:s5+$0x800] =	vst.add.f32.msk $0xffff, v0  }
0x4c5: {  	v0 =	vld [tilespmem:s2+$0x1490];
	_ =	sdelay $0x1  }
0x4c6: {  	[tilespmem:s30+$0x800] =	vst.add.f32.msk $0xffff, v1  }
0x4c7: {  	v1 =	vld [tilespmem:s29+$0x1490];
	_ =	sdelay $0x1  }
0x4c8: {  	[tilespmem:s5+$0x810] =	vst.add.f32.msk $0xffff, v0  }
0x4c9: {  	v0 =	vld [tilespmem:s2+$0x14A0];
	_ =	sdelay $0x1  }
0x4ca: {  	[tilespmem:s30+$0x810] =	vst.add.f32.msk $0xffff, v1  }
0x4cb: {  	v1 =	vld [tilespmem:s29+$0x14A0];
	_ =	sdelay $0x1  }
0x4cc: {  	[tilespmem:s5+$0x820] =	vst.add.f32.msk $0xffff, v0  }
0x4cd: {  	v0 =	vld [tilespmem:s2+$0x14B0];
	_ =	sdelay $0x1  }
0x4ce: {  	[tilespmem:s30+$0x820] =	vst.add.f32.msk $0xffff, v1  }
0x4cf: {  	v1 =	vld [tilespmem:s29+$0x14B0];
	_ =	sdelay $0x1  }
0x4d0: {  	[tilespmem:s5+$0x830] =	vst.add.f32.msk $0xffff, v0  }
0x4d1: {  	v0 =	vld [tilespmem:s2+$0x14C0];
	_ =	sdelay $0x1  }
0x4d2: {  	[tilespmem:s30+$0x830] =	vst.add.f32.msk $0xffff, v1  }
0x4d3: {  	v1 =	vld [tilespmem:s29+$0x14C0];
	_ =	sdelay $0x1  }
0x4d4: {  	[tilespmem:s5+$0x840] =	vst.add.f32.msk $0xffff, v0  }
0x4d5: {  	v0 =	vld [tilespmem:s2+$0x14D0];
	_ =	sdelay $0x1  }
0x4d6: {  	[tilespmem:s30+$0x840] =	vst.add.f32.msk $0xffff, v1  }
0x4d7: {  	v1 =	vld [tilespmem:s29+$0x14D0];
	_ =	sdelay $0x1  }
0x4d8: {  	[tilespmem:s5+$0x850] =	vst.add.f32.msk $0xffff, v0  }
0x4d9: {  	v0 =	vld [tilespmem:s2+$0x14E0];
	_ =	sdelay $0x1  }
0x4da: {  	[tilespmem:s30+$0x850] =	vst.add.f32.msk $0xffff, v1  }
0x4db: {  	v1 =	vld [tilespmem:s29+$0x14E0];
	_ =	sdelay $0x1  }
0x4dc: {  	[tilespmem:s5+$0x860] =	vst.add.f32.msk $0xffff, v0  }
0x4dd: {  	v0 =	vld [tilespmem:s2+$0x14F0];
	_ =	sdelay $0x1  }
0x4de: {  	[tilespmem:s30+$0x860] =	vst.add.f32.msk $0xffff, v1  }
0x4df: {  	v1 =	vld [tilespmem:s29+$0x14F0];
	_ =	sdelay $0x1  }
0x4e0: {  	[tilespmem:s5+$0x870] =	vst.add.f32.msk $0xffff, v0  }
0x4e1: {  	v0 =	vld [tilespmem:s2+$0x1880];
	_ =	sdelay $0x1  }
0x4e2: {  	[tilespmem:s30+$0x870] =	vst.add.f32.msk $0xffff, v1  }
0x4e3: {  	v1 =	vld [tilespmem:s29+$0x1880];
	_ =	sdelay $0x1  }
0x4e4: {  	[tilespmem:s5+$0xC00] =	vst.add.f32.msk $0xffff, v0  }
0x4e5: {  	v0 =	vld [tilespmem:s2+$0x1890];
	_ =	sdelay $0x1  }
0x4e6: {  	[tilespmem:s30+$0xC00] =	vst.add.f32.msk $0xffff, v1  }
0x4e7: {  	v1 =	vld [tilespmem:s29+$0x1890];
	_ =	sdelay $0x1  }
0x4e8: {  	[tilespmem:s5+$0xC10] =	vst.add.f32.msk $0xffff, v0  }
0x4e9: {  	v0 =	vld [tilespmem:s2+$0x18A0];
	_ =	sdelay $0x1  }
0x4ea: {  	[tilespmem:s30+$0xC10] =	vst.add.f32.msk $0xffff, v1  }
0x4eb: {  	v1 =	vld [tilespmem:s29+$0x18A0];
	_ =	sdelay $0x1  }
0x4ec: {  	[tilespmem:s5+$0xC20] =	vst.add.f32.msk $0xffff, v0  }
0x4ed: {  	v0 =	vld [tilespmem:s2+$0x18B0];
	_ =	sdelay $0x1  }
0x4ee: {  	[tilespmem:s30+$0xC20] =	vst.add.f32.msk $0xffff, v1  }
0x4ef: {  	v1 =	vld [tilespmem:s29+$0x18B0];
	_ =	sdelay $0x1  }
0x4f0: {  	[tilespmem:s5+$0xC30] =	vst.add.f32.msk $0xffff, v0  }
0x4f1: {  	v0 =	vld [tilespmem:s2+$0x18C0];
	_ =	sdelay $0x1  }
0x4f2: {  	[tilespmem:s30+$0xC30] =	vst.add.f32.msk $0xffff, v1  }
0x4f3: {  	v1 =	vld [tilespmem:s29+$0x18C0];
	_ =	sdelay $0x1  }
0x4f4: {  	[tilespmem:s5+$0xC40] =	vst.add.f32.msk $0xffff, v0  }
0x4f5: {  	v0 =	vld [tilespmem:s2+$0x18D0];
	_ =	sdelay $0x1  }
0x4f6: {  	[tilespmem:s30+$0xC40] =	vst.add.f32.msk $0xffff, v1  }
0x4f7: {  	v1 =	vld [tilespmem:s29+$0x18D0];
	_ =	sdelay $0x1  }
0x4f8: {  	[tilespmem:s5+$0xC50] =	vst.add.f32.msk $0xffff, v0  }
0x4f9: {  	v0 =	vld [tilespmem:s2+$0x18E0];
	_ =	sdelay $0x1  }
0x4fa: {  	[tilespmem:s30+$0xC50] =	vst.add.f32.msk $0xffff, v1  }
0x4fb: {  	v1 =	vld [tilespmem:s29+$0x18E0];
	_ =	sdelay $0x1  }
0x4fc: {  	[tilespmem:s5+$0xC60] =	vst.add.f32.msk $0xffff, v0  }
0x4fd: {  	v0 =	vld [tilespmem:s2+$0x18F0];
	_ =	sdelay $0x1  }
0x4fe: {  	[tilespmem:s30+$0xC60] =	vst.add.f32.msk $0xffff, v1  }
0x4ff: {  	v1 =	vld [tilespmem:s29+$0x18F0];
	_ =	sdelay $0x1  }
0x500: {  	[tilespmem:s5+$0xC70] =	vst.add.f32.msk $0xffff, v0  }
0x501: {  	v0 =	vld [tilespmem:s2+$0x1C80];
	_ =	sdelay $0x1  }
0x502: {  	[tilespmem:s30+$0xC70] =	vst.add.f32.msk $0xffff, v1  }
0x503: {  	v1 =	vld [tilespmem:s29+$0x1C80];
	_ =	sdelay $0x1  }
0x504: {  	[tilespmem:s5+$0x1000] =	vst.add.f32.msk $0xffff, v0  }
0x505: {  	v0 =	vld [tilespmem:s2+$0x1C90]  }
0x506: {  	s19 =	sor.u32 $0x1000, s30  }
0x507: {  	[tilespmem:s19+$0x0] =	vst.add.f32.msk $0xffff, v1  }
0x508: {  	v1 =	vld [tilespmem:s29+$0x1C90];
	_ =	sdelay $0x1  }
0x509: {  	[tilespmem:s5+$0x1010] =	vst.add.f32.msk $0xffff, v0  }
0x50a: {  	v0 =	vld [tilespmem:s2+$0x1CA0]  }
0x50b: {  	s20 =	sor.u32 $0x1010, s30  }
0x50c: {  	[tilespmem:s20+$0x0] =	vst.add.f32.msk $0xffff, v1  }
0x50d: {  	v1 =	vld [tilespmem:s29+$0x1CA0];
	_ =	sdelay $0x1  }
0x50e: {  	[tilespmem:s5+$0x1020] =	vst.add.f32.msk $0xffff, v0  }
0x50f: {  	v0 =	vld [tilespmem:s2+$0x1CB0]  }
0x510: {  	s21 =	sor.u32 $0x1020, s30  }
0x511: {  	[tilespmem:s21+$0x0] =	vst.add.f32.msk $0xffff, v1  }
0x512: {  	v1 =	vld [tilespmem:s29+$0x1CB0];
	_ =	sdelay $0x1  }
0x513: {  	[tilespmem:s5+$0x1030] =	vst.add.f32.msk $0xffff, v0  }
0x514: {  	v0 =	vld [tilespmem:s2+$0x1CC0]  }
0x515: {  	s22 =	sor.u32 $0x1030, s30  }
0x516: {  	[tilespmem:s22+$0x0] =	vst.add.f32.msk $0xffff, v1  }
0x517: {  	v1 =	vld [tilespmem:s29+$0x1CC0];
	_ =	sdelay $0x1  }
0x518: {  	[tilespmem:s5+$0x1040] =	vst.add.f32.msk $0xffff, v0  }
0x519: {  	v0 =	vld [tilespmem:s2+$0x1CD0]  }
0x51a: {  	s23 =	sor.u32 $0x1040, s30  }
0x51b: {  	[tilespmem:s23+$0x0] =	vst.add.f32.msk $0xffff, v1  }
0x51c: {  	v1 =	vld [tilespmem:s29+$0x1CD0];
	_ =	sdelay $0x1  }
0x51d: {  	[tilespmem:s5+$0x1050] =	vst.add.f32.msk $0xffff, v0  }
0x51e: {  	v0 =	vld [tilespmem:s2+$0x1CE0]  }
0x51f: {  	s24 =	sor.u32 $0x1050, s30  }
0x520: {  	[tilespmem:s24+$0x0] =	vst.add.f32.msk $0xffff, v1  }
0x521: {  	s3 =	sadd.s32 $0x2, s6;
	v1 =	vld [tilespmem:s29+$0x1CE0]  }
0x522: {  	v2 =	vld [tilespmem:s3+$0x0]  }
0x523: {  	[tilespmem:s5+$0x1060] =	vst.add.f32.msk $0xffff, v0  }
0x524: {  	v0 =	vld [tilespmem:s2+$0x1CF0]  }
0x525: {  	s25 =	sor.u32 $0x1060, s30;
	v3 =	vld [tilespmem:s3+$0xFFFFFFFF]  }
0x526: {  	[tilespmem:s25+$0x0] =	vst.add.f32.msk $0xffff, v1  }
0x527: {  	(v2sf) =	vpush v2, $0x0;
	v1 =	vld [tilespmem:s29+$0x1CF0];
	_ =	sdelay $0x1  }
0x528: {  	[tilespmem:s5+$0x1070] =	vst.add.f32.msk $0xffff, v0  }
0x529: {  	(v2sf) =	vpush v3, $0x0;
	v0 =	vld [tilespmem:s2+$0x2080]  }
0x52a: {  	s28 =	sor.u32 $0x1070, s30  }
0x52b: {  	[tilespmem:s28+$0x0] =	vst.add.f32.msk $0xffff, v1  }
0x52c: {  	v1 =	vld [tilespmem:s29+$0x2080];
	_ =	sdelay $0x1  }
0x52d: {  	[tilespmem:s5+$0x1400] =	vst.add.f32.msk $0xffff, v0  }
0x52e: {  	v0 =	vld [tilespmem:s2+$0x2090];
	_ =	sdelay $0x1  }
0x52f: {  	[tilespmem:s30+$0x1400] =	vst.add.f32.msk $0xffff, v1  }
0x530: {  	v1 =	vld [tilespmem:s29+$0x2090];
	_ =	sdelay $0x1  }
0x531: {  	[tilespmem:s5+$0x1410] =	vst.add.f32.msk $0xffff, v0  }
0x532: {  	s1 =	spop (v2sf);
	v0 =	vld [tilespmem:s2+$0x20A0]  }
0x533: {  	s4 =	sshll.u32 s1, $0xA;
	s0 =	sshll.u32 s1, $0x7  }
0x534: {  	[tilespmem:s30+$0x1410] =	vst.add.f32.msk $0xffff, v1;
	s1 =	sand.u32 $0xFFFFE000, s4;
	s0 =	sand.u32 $0x380, s0  }
0x535: {  	s6 =	spop (v2sf);
	v1 =	vld [tilespmem:s29+$0x20A0];
	s9 =	sor.u32 s0, s1  }
0x536: {  	s7 =	sshll.u32 s6, $0xA;
	s8 =	sshll.u32 s6, $0x7;
	v2 =	vld [tilespmem:s9+$0xC80]  }
0x537: {  	s10 =	simm.s32 $0x800;
	s0 =	sand.u32 $0xFFFFE000, s7;
	s1 =	sand.u32 $0x380, s8;
	[tilespmem:s5+$0x1420] =	vst.add.f32.msk $0xffff, v0  }
0x538: {  	s11 =	sand.u32 $0x2000, s10;
	s12 =	simm.s32 $0x180;
	s31 =	sor.u32 s1, s0;
	v3 =	vld [tilespmem:s2+$0x20B0]  }
0x539: {  	s0 =	sadd.s32 $0x16C80, s11;
	s1 =	sand.u32 $0x380, s12;
	v0 =	vld [tilespmem:s31+$0xC80]  }
0x53a: {  	s1 =	sadd.s32 s1, s0;
	[tilespmem:s30+$0x1420] =	vst.add.f32.msk $0xffff, v1  }
0x53b: {  	[tilespmem:s1+$0x0] =	vst.add.f32.msk $0xffff, v2  }
0x53c: {  	s13 =	simm.s32 $0x100;
	v1 =	vld [tilespmem:s9+$0xC90]  }
0x53d: {  	s4 =	sand.u32 $0x300, s13;
	[tilespmem:s5+$0x1430] =	vst.add.f32.msk $0xffff, v3  }
0x53e: {  	s0 =	sor.u32 s4, s0;
	v2 =	vld [tilespmem:s2+$0x20C0]  }
0x53f: {  	[tilespmem:s0+$0x0] =	vst.add.f32.msk $0xffff, v0  }
0x540: {  	s14 =	sor.u32 $0x10, s1;
	v0 =	vld [tilespmem:s31+$0xC90]  }
0x541: {  	[tilespmem:s14+$0x0] =	vst.add.f32.msk $0xffff, v1  }
0x542: {  	v1 =	vld [tilespmem:s9+$0xCA0]  }
0x543: {  	[tilespmem:s5+$0x1440] =	vst.add.f32.msk $0xffff, v2  }
0x544: {  	s15 =	sor.u32 $0x10, s0;
	v2 =	vld [tilespmem:s2+$0x20D0]  }
0x545: {  	[tilespmem:s15+$0x0] =	vst.add.f32.msk $0xffff, v0  }
0x546: {  	s16 =	sor.u32 $0x20, s1;
	v0 =	vld [tilespmem:s31+$0xCA0]  }
0x547: {  	[tilespmem:s16+$0x0] =	vst.add.f32.msk $0xffff, v1  }
0x548: {  	v1 =	vld [tilespmem:s9+$0xCB0]  }
0x549: {  	[tilespmem:s5+$0x1450] =	vst.add.f32.msk $0xffff, v2  }
0x54a: {  	s17 =	sor.u32 $0x20, s0;
	v2 =	vld [tilespmem:s2+$0x20E0]  }
0x54b: {  	[tilespmem:s17+$0x0] =	vst.add.f32.msk $0xffff, v0  }
0x54c: {  	s18 =	sor.u32 $0x30, s1;
	v0 =	vld [tilespmem:s31+$0xCB0]  }
0x54d: {  	[tilespmem:s18+$0x0] =	vst.add.f32.msk $0xffff, v1  }
0x54e: {  	v1 =	vld [tilespmem:s9+$0xCC0]  }
0x54f: {  	[tilespmem:s5+$0x1460] =	vst.add.f32.msk $0xffff, v2  }
0x550: {  	s19 =	sor.u32 $0x30, s0;
	v2 =	vld [tilespmem:s2+$0x20F0]  }
0x551: {  	[tilespmem:s19+$0x0] =	vst.add.f32.msk $0xffff, v0  }
0x552: {  	s20 =	sor.u32 $0x40, s1;
	v0 =	vld [tilespmem:s31+$0xCC0]  }
0x553: {  	[tilespmem:s20+$0x0] =	vst.add.f32.msk $0xffff, v1  }
0x554: {  	v1 =	vld [tilespmem:s9+$0xCD0]  }
0x555: {  	[tilespmem:s5+$0x1470] =	vst.add.f32.msk $0xffff, v2  }
0x556: {  	s21 =	sor.u32 $0x40, s0;
	v2 =	vld [tilespmem:s2+$0x2480]  }
0x557: {  	[tilespmem:s21+$0x0] =	vst.add.f32.msk $0xffff, v0  }
0x558: {  	s22 =	sor.u32 $0x50, s1;
	v0 =	vld [tilespmem:s31+$0xCD0]  }
0x559: {  	[tilespmem:s22+$0x0] =	vst.add.f32.msk $0xffff, v1  }
0x55a: {  	v1 =	vld [tilespmem:s9+$0xCE0]  }
0x55b: {  	[tilespmem:s5+$0x1800] =	vst.add.f32.msk $0xffff, v2  }
0x55c: {  	s23 =	sor.u32 $0x50, s0;
	v2 =	vld [tilespmem:s2+$0x2490]  }
0x55d: {  	[tilespmem:s23+$0x0] =	vst.add.f32.msk $0xffff, v0  }
0x55e: {  	s24 =	sor.u32 $0x60, s1;
	v0 =	vld [tilespmem:s31+$0xCE0]  }
0x55f: {  	[tilespmem:s24+$0x0] =	vst.add.f32.msk $0xffff, v1  }
0x560: {  	v1 =	vld [tilespmem:s9+$0xCF0]  }
0x561: {  	[tilespmem:s5+$0x1810] =	vst.add.f32.msk $0xffff, v2  }
0x562: {  	s25 =	sor.u32 $0x60, s0;
	v2 =	vld [tilespmem:s2+$0x24A0]  }
0x563: {  	[tilespmem:s25+$0x0] =	vst.add.f32.msk $0xffff, v0  }
0x564: {  	s28 =	sor.u32 $0x70, s1;
	v0 =	vld [tilespmem:s31+$0xCF0]  }
0x565: {  	[tilespmem:s28+$0x0] =	vst.add.f32.msk $0xffff, v1  }
0x566: {  	v1 =	vld [tilespmem:s9+$0x1080]  }
0x567: {  	[tilespmem:s5+$0x1820] =	vst.add.f32.msk $0xffff, v2  }
0x568: {  	s6 =	sor.u32 $0x70, s0;
	v2 =	vld [tilespmem:s2+$0x24B0]  }
0x569: {  	[tilespmem:s6+$0x0] =	vst.add.f32.msk $0xffff, v0  }
0x56a: {  	v0 =	vld [tilespmem:s31+$0x1080]  }
0x56b: {  	[tilespmem:s1+$0x400] =	vst.add.f32.msk $0xffff, v1  }
0x56c: {  	v1 =	vld [tilespmem:s9+$0x1090]  }
0x56d: {  	[tilespmem:s5+$0x1830] =	vst.add.f32.msk $0xffff, v2  }
0x56e: {  	v2 =	vld [tilespmem:s2+$0x24C0]  }
0x56f: {  	[tilespmem:s0+$0x400] =	vst.add.f32.msk $0xffff, v0  }
0x570: {  	v0 =	vld [tilespmem:s31+$0x1090]  }
0x571: {  	[tilespmem:s1+$0x410] =	vst.add.f32.msk $0xffff, v1  }
0x572: {  	v1 =	vld [tilespmem:s9+$0x10A0]  }
0x573: {  	[tilespmem:s5+$0x1840] =	vst.add.f32.msk $0xffff, v2  }
0x574: {  	v2 =	vld [tilespmem:s2+$0x24D0]  }
0x575: {  	[tilespmem:s0+$0x410] =	vst.add.f32.msk $0xffff, v0  }
0x576: {  	v0 =	vld [tilespmem:s31+$0x10A0]  }
0x577: {  	[tilespmem:s1+$0x420] =	vst.add.f32.msk $0xffff, v1  }
0x578: {  	v1 =	vld [tilespmem:s9+$0x10B0]  }
0x579: {  	[tilespmem:s5+$0x1850] =	vst.add.f32.msk $0xffff, v2  }
0x57a: {  	v2 =	vld [tilespmem:s2+$0x24E0]  }
0x57b: {  	[tilespmem:s0+$0x420] =	vst.add.f32.msk $0xffff, v0  }
0x57c: {  	v0 =	vld [tilespmem:s31+$0x10B0]  }
0x57d: {  	[tilespmem:s1+$0x430] =	vst.add.f32.msk $0xffff, v1  }
0x57e: {  	v1 =	vld [tilespmem:s9+$0x10C0]  }
0x57f: {  	[tilespmem:s5+$0x1860] =	vst.add.f32.msk $0xffff, v2  }
0x580: {  	v2 =	vld [tilespmem:s2+$0x24F0]  }
0x581: {  	[tilespmem:s0+$0x430] =	vst.add.f32.msk $0xffff, v0  }
0x582: {  	v0 =	vld [tilespmem:s31+$0x10C0]  }
0x583: {  	[tilespmem:s1+$0x440] =	vst.add.f32.msk $0xffff, v1  }
0x584: {  	v1 =	vld [tilespmem:s9+$0x10D0]  }
0x585: {  	[tilespmem:s5+$0x1870] =	vst.add.f32.msk $0xffff, v2  }
0x586: {  	v2 =	vld [tilespmem:s2+$0x2880]  }
0x587: {  	[tilespmem:s0+$0x440] =	vst.add.f32.msk $0xffff, v0  }
0x588: {  	v0 =	vld [tilespmem:s31+$0x10D0]  }
0x589: {  	[tilespmem:s1+$0x450] =	vst.add.f32.msk $0xffff, v1  }
0x58a: {  	v1 =	vld [tilespmem:s9+$0x10E0]  }
0x58b: {  	[tilespmem:s5+$0x1C00] =	vst.add.f32.msk $0xffff, v2  }
0x58c: {  	v2 =	vld [tilespmem:s2+$0x2890]  }
0x58d: {  	[tilespmem:s0+$0x450] =	vst.add.f32.msk $0xffff, v0  }
0x58e: {  	v0 =	vld [tilespmem:s31+$0x10E0]  }
0x58f: {  	[tilespmem:s1+$0x460] =	vst.add.f32.msk $0xffff, v1  }
0x590: {  	v1 =	vld [tilespmem:s9+$0x10F0]  }
0x591: {  	[tilespmem:s5+$0x1C10] =	vst.add.f32.msk $0xffff, v2  }
0x592: {  	v2 =	vld [tilespmem:s2+$0x28A0]  }
0x593: {  	[tilespmem:s0+$0x460] =	vst.add.f32.msk $0xffff, v0  }
0x594: {  	v0 =	vld [tilespmem:s31+$0x10F0]  }
0x595: {  	[tilespmem:s1+$0x470] =	vst.add.f32.msk $0xffff, v1  }
0x596: {  	v1 =	vld [tilespmem:s9+$0x1480]  }
0x597: {  	[tilespmem:s5+$0x1C20] =	vst.add.f32.msk $0xffff, v2  }
0x598: {  	v2 =	vld [tilespmem:s2+$0x28B0]  }
0x599: {  	[tilespmem:s0+$0x470] =	vst.add.f32.msk $0xffff, v0  }
0x59a: {  	v0 =	vld [tilespmem:s31+$0x1480]  }
0x59b: {  	[tilespmem:s1+$0x800] =	vst.add.f32.msk $0xffff, v1  }
0x59c: {  	v1 =	vld [tilespmem:s9+$0x1490]  }
0x59d: {  	[tilespmem:s5+$0x1C30] =	vst.add.f32.msk $0xffff, v2  }
0x59e: {  	v2 =	vld [tilespmem:s2+$0x28C0]  }
0x59f: {  	[tilespmem:s0+$0x800] =	vst.add.f32.msk $0xffff, v0  }
0x5a0: {  	v0 =	vld [tilespmem:s31+$0x1490]  }
0x5a1: {  	[tilespmem:s1+$0x810] =	vst.add.f32.msk $0xffff, v1  }
0x5a2: {  	v1 =	vld [tilespmem:s9+$0x14A0]  }
0x5a3: {  	[tilespmem:s5+$0x1C40] =	vst.add.f32.msk $0xffff, v2  }
0x5a4: {  	v2 =	vld [tilespmem:s2+$0x28D0]  }
0x5a5: {  	[tilespmem:s0+$0x810] =	vst.add.f32.msk $0xffff, v0  }
0x5a6: {  	v0 =	vld [tilespmem:s31+$0x14A0]  }
0x5a7: {  	[tilespmem:s1+$0x820] =	vst.add.f32.msk $0xffff, v1  }
0x5a8: {  	v1 =	vld [tilespmem:s9+$0x14B0]  }
0x5a9: {  	[tilespmem:s5+$0x1C50] =	vst.add.f32.msk $0xffff, v2  }
0x5aa: {  	v2 =	vld [tilespmem:s2+$0x28E0]  }
0x5ab: {  	[tilespmem:s0+$0x820] =	vst.add.f32.msk $0xffff, v0  }
0x5ac: {  	v0 =	vld [tilespmem:s31+$0x14B0]  }
0x5ad: {  	[tilespmem:s1+$0x830] =	vst.add.f32.msk $0xffff, v1  }
0x5ae: {  	v1 =	vld [tilespmem:s9+$0x14C0]  }
0x5af: {  	[tilespmem:s5+$0x1C60] =	vst.add.f32.msk $0xffff, v2  }
0x5b0: {  	v2 =	vld [tilespmem:s29+$0x20B0]  }
0x5b1: {  	[tilespmem:s0+$0x830] =	vst.add.f32.msk $0xffff, v0  }
0x5b2: {  	v0 =	vld [tilespmem:s31+$0x14C0]  }
0x5b3: {  	[tilespmem:s1+$0x840] =	vst.add.f32.msk $0xffff, v1  }
0x5b4: {  	v1 =	vld [tilespmem:s9+$0x14D0]  }
0x5b5: {  	[tilespmem:s30+$0x1430] =	vst.add.f32.msk $0xffff, v2  }
0x5b6: {  	v2 =	vld [tilespmem:s29+$0x20C0]  }
0x5b7: {  	[tilespmem:s0+$0x840] =	vst.add.f32.msk $0xffff, v0  }
0x5b8: {  	v0 =	vld [tilespmem:s31+$0x14D0]  }
0x5b9: {  	[tilespmem:s1+$0x850] =	vst.add.f32.msk $0xffff, v1  }
0x5ba: {  	v1 =	vld [tilespmem:s9+$0x14E0]  }
0x5bb: {  	[tilespmem:s30+$0x1440] =	vst.add.f32.msk $0xffff, v2  }
0x5bc: {  	v2 =	vld [tilespmem:s29+$0x20D0]  }
0x5bd: {  	[tilespmem:s0+$0x850] =	vst.add.f32.msk $0xffff, v0  }
0x5be: {  	v0 =	vld [tilespmem:s31+$0x14E0]  }
0x5bf: {  	[tilespmem:s1+$0x860] =	vst.add.f32.msk $0xffff, v1  }
0x5c0: {  	v1 =	vld [tilespmem:s9+$0x14F0]  }
0x5c1: {  	[tilespmem:s30+$0x1450] =	vst.add.f32.msk $0xffff, v2  }
0x5c2: {  	v2 =	vld [tilespmem:s29+$0x20E0]  }
0x5c3: {  	[tilespmem:s0+$0x860] =	vst.add.f32.msk $0xffff, v0  }
0x5c4: {  	v0 =	vld [tilespmem:s31+$0x14F0]  }
0x5c5: {  	[tilespmem:s1+$0x870] =	vst.add.f32.msk $0xffff, v1  }
0x5c6: {  	v1 =	vld [tilespmem:s9+$0x1880]  }
0x5c7: {  	[tilespmem:s30+$0x1460] =	vst.add.f32.msk $0xffff, v2  }
0x5c8: {  	v2 =	vld [tilespmem:s29+$0x20F0]  }
0x5c9: {  	[tilespmem:s0+$0x870] =	vst.add.f32.msk $0xffff, v0  }
0x5ca: {  	v0 =	vld [tilespmem:s31+$0x1880]  }
0x5cb: {  	[tilespmem:s1+$0xC00] =	vst.add.f32.msk $0xffff, v1  }
0x5cc: {  	v1 =	vld [tilespmem:s9+$0x1890]  }
0x5cd: {  	[tilespmem:s30+$0x1470] =	vst.add.f32.msk $0xffff, v2  }
0x5ce: {  	v2 =	vld [tilespmem:s29+$0x2480]  }
0x5cf: {  	[tilespmem:s0+$0xC00] =	vst.add.f32.msk $0xffff, v0  }
0x5d0: {  	v0 =	vld [tilespmem:s31+$0x1890]  }
0x5d1: {  	[tilespmem:s1+$0xC10] =	vst.add.f32.msk $0xffff, v1  }
0x5d2: {  	v1 =	vld [tilespmem:s9+$0x18A0]  }
0x5d3: {  	[tilespmem:s30+$0x1800] =	vst.add.f32.msk $0xffff, v2  }
0x5d4: {  	v2 =	vld [tilespmem:s29+$0x2490]  }
0x5d5: {  	[tilespmem:s0+$0xC10] =	vst.add.f32.msk $0xffff, v0  }
0x5d6: {  	v0 =	vld [tilespmem:s31+$0x18A0]  }
0x5d7: {  	[tilespmem:s1+$0xC20] =	vst.add.f32.msk $0xffff, v1  }
0x5d8: {  	v1 =	vld [tilespmem:s9+$0x18B0]  }
0x5d9: {  	[tilespmem:s30+$0x1810] =	vst.add.f32.msk $0xffff, v2  }
0x5da: {  	v2 =	vld [tilespmem:s29+$0x24A0]  }
0x5db: {  	[tilespmem:s0+$0xC20] =	vst.add.f32.msk $0xffff, v0  }
0x5dc: {  	v0 =	vld [tilespmem:s31+$0x18B0]  }
0x5dd: {  	[tilespmem:s1+$0xC30] =	vst.add.f32.msk $0xffff, v1  }
0x5de: {  	v1 =	vld [tilespmem:s9+$0x18C0]  }
0x5df: {  	[tilespmem:s30+$0x1820] =	vst.add.f32.msk $0xffff, v2  }
0x5e0: {  	v2 =	vld [tilespmem:s29+$0x24B0]  }
0x5e1: {  	[tilespmem:s0+$0xC30] =	vst.add.f32.msk $0xffff, v0  }
0x5e2: {  	v0 =	vld [tilespmem:s31+$0x18C0]  }
0x5e3: {  	[tilespmem:s1+$0xC40] =	vst.add.f32.msk $0xffff, v1  }
0x5e4: {  	v1 =	vld [tilespmem:s9+$0x18D0]  }
0x5e5: {  	[tilespmem:s30+$0x1830] =	vst.add.f32.msk $0xffff, v2  }
0x5e6: {  	v2 =	vld [tilespmem:s29+$0x24C0]  }
0x5e7: {  	[tilespmem:s0+$0xC40] =	vst.add.f32.msk $0xffff, v0  }
0x5e8: {  	v0 =	vld [tilespmem:s31+$0x18D0]  }
0x5e9: {  	[tilespmem:s1+$0xC50] =	vst.add.f32.msk $0xffff, v1  }
0x5ea: {  	v1 =	vld [tilespmem:s9+$0x18E0]  }
0x5eb: {  	[tilespmem:s30+$0x1840] =	vst.add.f32.msk $0xffff, v2  }
0x5ec: {  	v2 =	vld [tilespmem:s29+$0x24D0]  }
0x5ed: {  	[tilespmem:s0+$0xC50] =	vst.add.f32.msk $0xffff, v0  }
0x5ee: {  	v0 =	vld [tilespmem:s31+$0x18E0]  }
0x5ef: {  	[tilespmem:s1+$0xC60] =	vst.add.f32.msk $0xffff, v1  }
0x5f0: {  	v1 =	vld [tilespmem:s9+$0x18F0]  }
0x5f1: {  	[tilespmem:s30+$0x1850] =	vst.add.f32.msk $0xffff, v2  }
0x5f2: {  	v2 =	vld [tilespmem:s29+$0x24E0]  }
0x5f3: {  	[tilespmem:s0+$0xC60] =	vst.add.f32.msk $0xffff, v0  }
0x5f4: {  	v0 =	vld [tilespmem:s31+$0x18F0]  }
0x5f5: {  	[tilespmem:s1+$0xC70] =	vst.add.f32.msk $0xffff, v1  }
0x5f6: {  	v1 =	vld [tilespmem:s9+$0x1C80]  }
0x5f7: {  	[tilespmem:s30+$0x1860] =	vst.add.f32.msk $0xffff, v2  }
0x5f8: {  	v2 =	vld [tilespmem:s29+$0x24F0]  }
0x5f9: {  	[tilespmem:s0+$0xC70] =	vst.add.f32.msk $0xffff, v0  }
0x5fa: {  	v0 =	vld [tilespmem:s31+$0x1C80]  }
0x5fb: {  	[tilespmem:s1+$0x1000] =	vst.add.f32.msk $0xffff, v1  }
0x5fc: {  	v1 =	vld [tilespmem:s9+$0x1C90]  }
0x5fd: {  	[tilespmem:s30+$0x1870] =	vst.add.f32.msk $0xffff, v2  }
0x5fe: {  	s7 =	sor.u32 $0x1000, s0;
	v2 =	vld [tilespmem:s29+$0x2880]  }
0x5ff: {  	[tilespmem:s7+$0x0] =	vst.add.f32.msk $0xffff, v0  }
0x600: {  	v0 =	vld [tilespmem:s31+$0x1C90]  }
0x601: {  	[tilespmem:s1+$0x1010] =	vst.add.f32.msk $0xffff, v1  }
0x602: {  	v1 =	vld [tilespmem:s9+$0x1CA0]  }
0x603: {  	[tilespmem:s30+$0x1C00] =	vst.add.f32.msk $0xffff, v2  }
0x604: {  	s8 =	sor.u32 $0x1010, s0;
	v2 =	vld [tilespmem:s29+$0x2890]  }
0x605: {  	[tilespmem:s8+$0x0] =	vst.add.f32.msk $0xffff, v0  }
0x606: {  	v0 =	vld [tilespmem:s31+$0x1CA0]  }
0x607: {  	[tilespmem:s1+$0x1020] =	vst.add.f32.msk $0xffff, v1  }
0x608: {  	v1 =	vld [tilespmem:s9+$0x1CB0]  }
0x609: {  	[tilespmem:s30+$0x1C10] =	vst.add.f32.msk $0xffff, v2  }
0x60a: {  	s10 =	sor.u32 $0x1020, s0;
	v2 =	vld [tilespmem:s29+$0x28A0]  }
0x60b: {  	[tilespmem:s10+$0x0] =	vst.add.f32.msk $0xffff, v0  }
0x60c: {  	v0 =	vld [tilespmem:s31+$0x1CB0]  }
0x60d: {  	[tilespmem:s1+$0x1030] =	vst.add.f32.msk $0xffff, v1  }
0x60e: {  	v1 =	vld [tilespmem:s9+$0x1CC0]  }
0x60f: {  	[tilespmem:s30+$0x1C20] =	vst.add.f32.msk $0xffff, v2  }
0x610: {  	s11 =	sor.u32 $0x1030, s0;
	v2 =	vld [tilespmem:s29+$0x28B0]  }
0x611: {  	[tilespmem:s11+$0x0] =	vst.add.f32.msk $0xffff, v0  }
0x612: {  	v0 =	vld [tilespmem:s31+$0x1CC0]  }
0x613: {  	[tilespmem:s1+$0x1040] =	vst.add.f32.msk $0xffff, v1  }
0x614: {  	v1 =	vld [tilespmem:s9+$0x1CD0]  }
0x615: {  	[tilespmem:s30+$0x1C30] =	vst.add.f32.msk $0xffff, v2  }
0x616: {  	s12 =	sor.u32 $0x1040, s0;
	v2 =	vld [tilespmem:s29+$0x28C0]  }
0x617: {  	[tilespmem:s12+$0x0] =	vst.add.f32.msk $0xffff, v0  }
0x618: {  	v0 =	vld [tilespmem:s31+$0x1CD0]  }
0x619: {  	[tilespmem:s1+$0x1050] =	vst.add.f32.msk $0xffff, v1  }
0x61a: {  	v1 =	vld [tilespmem:s9+$0x1CE0]  }
0x61b: {  	s3 =	sadd.s32 $0x2, s3;
	[tilespmem:s30+$0x1C40] =	vst.add.f32.msk $0xffff, v2  }
0x61c: {  	s13 =	sor.u32 $0x1050, s0;
	v2 =	vld [tilespmem:s3+$0x0]  }
0x61d: {  	[tilespmem:s13+$0x0] =	vst.add.f32.msk $0xffff, v0  }
0x61e: {  	v0 =	vld [tilespmem:s31+$0x1CE0]  }
0x61f: {  	v3 =	vld [tilespmem:s3+$0xFFFFFFFF]  }
0x620: {  	[tilespmem:s1+$0x1060] =	vst.add.f32.msk $0xffff, v1  }
0x621: {  	(v2sf) =	vpush v2, $0x0;
	v1 =	vld [tilespmem:s9+$0x1CF0]  }
0x622: {  	s14 =	sor.u32 $0x1060, s0;
	v2 =	vld [tilespmem:s29+$0x28D0]  }
0x623: {  	[tilespmem:s14+$0x0] =	vst.add.f32.msk $0xffff, v0  }
0x624: {  	(v2sf) =	vpush v3, $0x0;
	v0 =	vld [tilespmem:s31+$0x1CF0]  }
0x625: {  	v3 =	vld [tilespmem:s2+$0x28F0]  }
0x626: {  	[tilespmem:s1+$0x1070] =	vst.add.f32.msk $0xffff, v1  }
0x627: {  	v1 =	vld [tilespmem:s9+$0x2080]  }
0x628: {  	s15 =	sor.u32 $0x1070, s0;
	[tilespmem:s30+$0x1C50] =	vst.add.f32.msk $0xffff, v2  }
0x629: {  	[tilespmem:s15+$0x0] =	vst.add.f32.msk $0xffff, v0  }
0x62a: {  	v0 =	vld [tilespmem:s31+$0x2080]  }
0x62b: {  	v2 =	vld [tilespmem:s29+$0x28E0]  }
0x62c: {  	[tilespmem:s1+$0x1400] =	vst.add.f32.msk $0xffff, v1  }
0x62d: {  	v1 =	vld [tilespmem:s9+$0x2090]  }
0x62e: {  	[tilespmem:s5+$0x1C70] =	vst.add.f32.msk $0xffff, v3  }
0x62f: {  	[tilespmem:s0+$0x1400] =	vst.add.f32.msk $0xffff, v0  }
0x630: {  	v0 =	vld [tilespmem:s31+$0x2090];
	s16 =	spop (v2sf)  }
0x631: {  	[tilespmem:s30+$0x1C60] =	vst.add.f32.msk $0xffff, v2;
	s17 =	sshll.u32 s16, $0xA;
	s2 =	sshll.u32 s16, $0x7  }
0x632: {  	s4 =	sand.u32 $0xFFFFE000, s17;
	s2 =	sand.u32 $0x380, s2;
	[tilespmem:s1+$0x1410] =	vst.add.f32.msk $0xffff, v1  }
0x633: {  	s18 =	spop (v2sf);
	s2 =	sor.u32 s2, s4;
	v1 =	vld [tilespmem:s9+$0x20A0]  }
0x634: {  	s19 =	sshll.u32 s18, $0xA;
	s4 =	sshll.u32 s18, $0x7;
	v2 =	vld [tilespmem:s2+$0xC80]  }
0x635: {  	s6 =	simm.s32 $0x1000;
	s5 =	sand.u32 $0xFFFFE000, s19;
	[tilespmem:s0+$0x1410] =	vst.add.f32.msk $0xffff, v0;
	s4 =	sand.u32 $0x380, s4  }
0x636: {  	s20 =	sand.u32 $0x2000, s6;
	s8 =	simm.s32 $0x280;
	v0 =	vld [tilespmem:s31+$0x20A0];
	s15 =	sor.u32 s4, s5  }
0x637: {  	s21 =	sand.u32 $0x380, s8;
	s4 =	sadd.s32 $0x16C80, s20;
	v3 =	vld [tilespmem:s15+$0xC80]  }
0x638: {  	s13 =	sadd.s32 s21, s4;
	[tilespmem:s1+$0x1420] =	vst.add.f32.msk $0xffff, v1  }
0x639: {  	[tilespmem:s13+$0x0] =	vst.add.f32.msk $0xffff, v2  }
0x63a: {  	s22 =	simm.s32 $0x200;
	v1 =	vld [tilespmem:s9+$0x20B0]  }
0x63b: {  	s5 =	sand.u32 $0x300, s22;
	[tilespmem:s0+$0x1420] =	vst.add.f32.msk $0xffff, v0  }
0x63c: {  	s5 =	sor.u32 s5, s4;
	v0 =	vld [tilespmem:s2+$0xC90]  }
0x63d: {  	[tilespmem:s5+$0x0] =	vst.add.f32.msk $0xffff, v3  }
0x63e: {  	v3 =	vld [tilespmem:s31+$0x20B0]  }
0x63f: {  	v2 =	vld [tilespmem:s15+$0xC90]  }
0x640: {  	s23 =	sor.u32 $0x10, s13;
	[tilespmem:s1+$0x1430] =	vst.add.f32.msk $0xffff, v1  }
0x641: {  	[tilespmem:s23+$0x0] =	vst.add.f32.msk $0xffff, v0  }
0x642: {  	v1 =	vld [tilespmem:s9+$0x20C0]  }
0x643: {  	v0 =	vld [tilespmem:s2+$0xCA0]  }
0x644: {  	s24 =	sor.u32 $0x10, s5;
	[tilespmem:s0+$0x1430] =	vst.add.f32.msk $0xffff, v3  }
0x645: {  	[tilespmem:s24+$0x0] =	vst.add.f32.msk $0xffff, v2  }
0x646: {  	v2 =	vld [tilespmem:s15+$0xCA0]  }
0x647: {  	[tilespmem:s1+$0x1440] =	vst.add.f32.msk $0xffff, v1  }
0x648: {  	s25 =	sor.u32 $0x20, s13;
	v1 =	vld [tilespmem:s9+$0x20D0]  }
0x649: {  	[tilespmem:s25+$0x0] =	vst.add.f32.msk $0xffff, v0  }
0x64a: {  	s28 =	sor.u32 $0x20, s5;
	v0 =	vld [tilespmem:s2+$0xCB0]  }
0x64b: {  	[tilespmem:s28+$0x0] =	vst.add.f32.msk $0xffff, v2  }
0x64c: {  	v2 =	vld [tilespmem:s15+$0xCB0]  }
0x64d: {  	[tilespmem:s1+$0x1450] =	vst.add.f32.msk $0xffff, v1  }
0x64e: {  	s7 =	sor.u32 $0x30, s13;
	v1 =	vld [tilespmem:s9+$0x20E0]  }
0x64f: {  	[tilespmem:s7+$0x0] =	vst.add.f32.msk $0xffff, v0  }
0x650: {  	s10 =	sor.u32 $0x30, s5;
	v0 =	vld [tilespmem:s2+$0xCC0]  }
0x651: {  	[tilespmem:s10+$0x0] =	vst.add.f32.msk $0xffff, v2  }
0x652: {  	v2 =	vld [tilespmem:s15+$0xCC0]  }
0x653: {  	[tilespmem:s1+$0x1460] =	vst.add.f32.msk $0xffff, v1  }
0x654: {  	s11 =	sor.u32 $0x40, s13;
	v1 =	vld [tilespmem:s9+$0x20F0]  }
0x655: {  	[tilespmem:s11+$0x0] =	vst.add.f32.msk $0xffff, v0  }
0x656: {  	s12 =	sor.u32 $0x40, s5;
	v0 =	vld [tilespmem:s2+$0xCD0]  }
0x657: {  	[tilespmem:s12+$0x0] =	vst.add.f32.msk $0xffff, v2  }
0x658: {  	v2 =	vld [tilespmem:s15+$0xCD0]  }
0x659: {  	[tilespmem:s1+$0x1470] =	vst.add.f32.msk $0xffff, v1  }
0x65a: {  	s14 =	sor.u32 $0x50, s13;
	v1 =	vld [tilespmem:s9+$0x2480]  }
0x65b: {  	[tilespmem:s14+$0x0] =	vst.add.f32.msk $0xffff, v0  }
0x65c: {  	s16 =	sor.u32 $0x50, s5;
	v0 =	vld [tilespmem:s2+$0xCE0]  }
0x65d: {  	[tilespmem:s16+$0x0] =	vst.add.f32.msk $0xffff, v2  }
0x65e: {  	v2 =	vld [tilespmem:s15+$0xCE0]  }
0x65f: {  	[tilespmem:s1+$0x1800] =	vst.add.f32.msk $0xffff, v1  }
0x660: {  	s17 =	sor.u32 $0x60, s13;
	v1 =	vld [tilespmem:s9+$0x2490]  }
0x661: {  	[tilespmem:s17+$0x0] =	vst.add.f32.msk $0xffff, v0  }
0x662: {  	s18 =	sor.u32 $0x60, s5;
	v0 =	vld [tilespmem:s2+$0xCF0]  }
0x663: {  	[tilespmem:s18+$0x0] =	vst.add.f32.msk $0xffff, v2  }
0x664: {  	v2 =	vld [tilespmem:s15+$0xCF0]  }
0x665: {  	[tilespmem:s1+$0x1810] =	vst.add.f32.msk $0xffff, v1  }
0x666: {  	s19 =	sor.u32 $0x70, s13;
	v1 =	vld [tilespmem:s9+$0x24A0]  }
0x667: {  	[tilespmem:s19+$0x0] =	vst.add.f32.msk $0xffff, v0  }
0x668: {  	s20 =	sor.u32 $0x70, s5;
	v0 =	vld [tilespmem:s2+$0x1080]  }
0x669: {  	[tilespmem:s20+$0x0] =	vst.add.f32.msk $0xffff, v2  }
0x66a: {  	v2 =	vld [tilespmem:s15+$0x1080]  }
0x66b: {  	[tilespmem:s1+$0x1820] =	vst.add.f32.msk $0xffff, v1  }
0x66c: {  	v1 =	vld [tilespmem:s9+$0x24B0]  }
0x66d: {  	[tilespmem:s13+$0x400] =	vst.add.f32.msk $0xffff, v0  }
0x66e: {  	v0 =	vld [tilespmem:s2+$0x1090]  }
0x66f: {  	[tilespmem:s5+$0x400] =	vst.add.f32.msk $0xffff, v2  }
0x670: {  	v2 =	vld [tilespmem:s15+$0x1090]  }
0x671: {  	[tilespmem:s1+$0x1830] =	vst.add.f32.msk $0xffff, v1  }
0x672: {  	v1 =	vld [tilespmem:s9+$0x24C0]  }
0x673: {  	[tilespmem:s13+$0x410] =	vst.add.f32.msk $0xffff, v0  }
0x674: {  	v0 =	vld [tilespmem:s2+$0x10A0]  }
0x675: {  	[tilespmem:s5+$0x410] =	vst.add.f32.msk $0xffff, v2  }
0x676: {  	v2 =	vld [tilespmem:s15+$0x10A0]  }
0x677: {  	[tilespmem:s1+$0x1840] =	vst.add.f32.msk $0xffff, v1  }
0x678: {  	v1 =	vld [tilespmem:s9+$0x24D0]  }
0x679: {  	[tilespmem:s13+$0x420] =	vst.add.f32.msk $0xffff, v0  }
0x67a: {  	v0 =	vld [tilespmem:s2+$0x10B0]  }
0x67b: {  	[tilespmem:s5+$0x420] =	vst.add.f32.msk $0xffff, v2  }
0x67c: {  	v2 =	vld [tilespmem:s15+$0x10B0]  }
0x67d: {  	[tilespmem:s1+$0x1850] =	vst.add.f32.msk $0xffff, v1  }
0x67e: {  	v1 =	vld [tilespmem:s9+$0x24E0]  }
0x67f: {  	[tilespmem:s13+$0x430] =	vst.add.f32.msk $0xffff, v0  }
0x680: {  	v0 =	vld [tilespmem:s2+$0x10C0]  }
0x681: {  	[tilespmem:s5+$0x430] =	vst.add.f32.msk $0xffff, v2  }
0x682: {  	v2 =	vld [tilespmem:s15+$0x10C0]  }
0x683: {  	[tilespmem:s1+$0x1860] =	vst.add.f32.msk $0xffff, v1  }
0x684: {  	v1 =	vld [tilespmem:s9+$0x24F0]  }
0x685: {  	[tilespmem:s13+$0x440] =	vst.add.f32.msk $0xffff, v0  }
0x686: {  	v0 =	vld [tilespmem:s2+$0x10D0]  }
0x687: {  	[tilespmem:s5+$0x440] =	vst.add.f32.msk $0xffff, v2  }
0x688: {  	v2 =	vld [tilespmem:s15+$0x10D0]  }
0x689: {  	[tilespmem:s1+$0x1870] =	vst.add.f32.msk $0xffff, v1  }
0x68a: {  	v1 =	vld [tilespmem:s9+$0x2880]  }
0x68b: {  	[tilespmem:s13+$0x450] =	vst.add.f32.msk $0xffff, v0  }
0x68c: {  	v0 =	vld [tilespmem:s2+$0x10E0]  }
0x68d: {  	[tilespmem:s5+$0x450] =	vst.add.f32.msk $0xffff, v2  }
0x68e: {  	v2 =	vld [tilespmem:s15+$0x10E0]  }
0x68f: {  	[tilespmem:s1+$0x1C00] =	vst.add.f32.msk $0xffff, v1  }
0x690: {  	v1 =	vld [tilespmem:s9+$0x2890]  }
0x691: {  	[tilespmem:s13+$0x460] =	vst.add.f32.msk $0xffff, v0  }
0x692: {  	v0 =	vld [tilespmem:s2+$0x10F0]  }
0x693: {  	[tilespmem:s5+$0x460] =	vst.add.f32.msk $0xffff, v2  }
0x694: {  	v2 =	vld [tilespmem:s15+$0x10F0]  }
0x695: {  	[tilespmem:s1+$0x1C10] =	vst.add.f32.msk $0xffff, v1  }
0x696: {  	v1 =	vld [tilespmem:s9+$0x28A0]  }
0x697: {  	[tilespmem:s13+$0x470] =	vst.add.f32.msk $0xffff, v0  }
0x698: {  	v0 =	vld [tilespmem:s2+$0x1480]  }
0x699: {  	[tilespmem:s5+$0x470] =	vst.add.f32.msk $0xffff, v2  }
0x69a: {  	v2 =	vld [tilespmem:s15+$0x1480]  }
0x69b: {  	[tilespmem:s1+$0x1C20] =	vst.add.f32.msk $0xffff, v1  }
0x69c: {  	v1 =	vld [tilespmem:s9+$0x28B0]  }
0x69d: {  	[tilespmem:s13+$0x800] =	vst.add.f32.msk $0xffff, v0  }
0x69e: {  	v0 =	vld [tilespmem:s2+$0x1490]  }
0x69f: {  	[tilespmem:s5+$0x800] =	vst.add.f32.msk $0xffff, v2  }
0x6a0: {  	v2 =	vld [tilespmem:s15+$0x1490]  }
0x6a1: {  	[tilespmem:s1+$0x1C30] =	vst.add.f32.msk $0xffff, v1  }
0x6a2: {  	v1 =	vld [tilespmem:s9+$0x28C0]  }
0x6a3: {  	[tilespmem:s13+$0x810] =	vst.add.f32.msk $0xffff, v0  }
0x6a4: {  	v0 =	vld [tilespmem:s2+$0x14A0]  }
0x6a5: {  	[tilespmem:s5+$0x810] =	vst.add.f32.msk $0xffff, v2  }
0x6a6: {  	v2 =	vld [tilespmem:s15+$0x14A0]  }
0x6a7: {  	[tilespmem:s1+$0x1C40] =	vst.add.f32.msk $0xffff, v1  }
0x6a8: {  	v1 =	vld [tilespmem:s9+$0x28D0]  }
0x6a9: {  	[tilespmem:s13+$0x820] =	vst.add.f32.msk $0xffff, v0  }
0x6aa: {  	v0 =	vld [tilespmem:s2+$0x14B0]  }
0x6ab: {  	[tilespmem:s5+$0x820] =	vst.add.f32.msk $0xffff, v2  }
0x6ac: {  	v2 =	vld [tilespmem:s15+$0x14B0]  }
0x6ad: {  	[tilespmem:s1+$0x1C50] =	vst.add.f32.msk $0xffff, v1  }
0x6ae: {  	v1 =	vld [tilespmem:s9+$0x28E0]  }
0x6af: {  	[tilespmem:s13+$0x830] =	vst.add.f32.msk $0xffff, v0  }
0x6b0: {  	v0 =	vld [tilespmem:s2+$0x14C0]  }
0x6b1: {  	[tilespmem:s5+$0x830] =	vst.add.f32.msk $0xffff, v2  }
0x6b2: {  	v2 =	vld [tilespmem:s15+$0x14C0]  }
0x6b3: {  	[tilespmem:s1+$0x1C60] =	vst.add.f32.msk $0xffff, v1  }
0x6b4: {  	v1 =	vld [tilespmem:s9+$0x28F0]  }
0x6b5: {  	[tilespmem:s13+$0x840] =	vst.add.f32.msk $0xffff, v0  }
0x6b6: {  	v0 =	vld [tilespmem:s2+$0x14D0]  }
0x6b7: {  	[tilespmem:s5+$0x840] =	vst.add.f32.msk $0xffff, v2  }
0x6b8: {  	v2 =	vld [tilespmem:s31+$0x20C0]  }
0x6b9: {  	[tilespmem:s1+$0x1C70] =	vst.add.f32.msk $0xffff, v1  }
0x6ba: {  	v1 =	vld [tilespmem:s15+$0x14D0]  }
0x6bb: {  	[tilespmem:s13+$0x850] =	vst.add.f32.msk $0xffff, v0  }
0x6bc: {  	v0 =	vld [tilespmem:s2+$0x14E0]  }
0x6bd: {  	[tilespmem:s0+$0x1440] =	vst.add.f32.msk $0xffff, v2  }
0x6be: {  	v2 =	vld [tilespmem:s31+$0x20D0]  }
0x6bf: {  	[tilespmem:s5+$0x850] =	vst.add.f32.msk $0xffff, v1  }
0x6c0: {  	v1 =	vld [tilespmem:s15+$0x14E0]  }
0x6c1: {  	[tilespmem:s13+$0x860] =	vst.add.f32.msk $0xffff, v0  }
0x6c2: {  	v0 =	vld [tilespmem:s2+$0x14F0]  }
0x6c3: {  	[tilespmem:s0+$0x1450] =	vst.add.f32.msk $0xffff, v2  }
0x6c4: {  	v2 =	vld [tilespmem:s31+$0x20E0]  }
0x6c5: {  	[tilespmem:s5+$0x860] =	vst.add.f32.msk $0xffff, v1  }
0x6c6: {  	v1 =	vld [tilespmem:s15+$0x14F0]  }
0x6c7: {  	[tilespmem:s13+$0x870] =	vst.add.f32.msk $0xffff, v0  }
0x6c8: {  	v0 =	vld [tilespmem:s2+$0x1880]  }
0x6c9: {  	[tilespmem:s0+$0x1460] =	vst.add.f32.msk $0xffff, v2  }
0x6ca: {  	v2 =	vld [tilespmem:s31+$0x20F0]  }
0x6cb: {  	[tilespmem:s5+$0x870] =	vst.add.f32.msk $0xffff, v1  }
0x6cc: {  	v1 =	vld [tilespmem:s15+$0x1880]  }
0x6cd: {  	[tilespmem:s13+$0xC00] =	vst.add.f32.msk $0xffff, v0  }
0x6ce: {  	v0 =	vld [tilespmem:s2+$0x1890]  }
0x6cf: {  	[tilespmem:s0+$0x1470] =	vst.add.f32.msk $0xffff, v2  }
0x6d0: {  	v2 =	vld [tilespmem:s31+$0x2480]  }
0x6d1: {  	[tilespmem:s5+$0xC00] =	vst.add.f32.msk $0xffff, v1  }
0x6d2: {  	v1 =	vld [tilespmem:s15+$0x1890]  }
0x6d3: {  	[tilespmem:s13+$0xC10] =	vst.add.f32.msk $0xffff, v0  }
0x6d4: {  	v0 =	vld [tilespmem:s2+$0x18A0]  }
0x6d5: {  	[tilespmem:s0+$0x1800] =	vst.add.f32.msk $0xffff, v2  }
0x6d6: {  	v2 =	vld [tilespmem:s31+$0x2490]  }
0x6d7: {  	[tilespmem:s5+$0xC10] =	vst.add.f32.msk $0xffff, v1  }
0x6d8: {  	v1 =	vld [tilespmem:s15+$0x18A0]  }
0x6d9: {  	[tilespmem:s13+$0xC20] =	vst.add.f32.msk $0xffff, v0  }
0x6da: {  	v0 =	vld [tilespmem:s2+$0x18B0]  }
0x6db: {  	[tilespmem:s0+$0x1810] =	vst.add.f32.msk $0xffff, v2  }
0x6dc: {  	v2 =	vld [tilespmem:s31+$0x24A0]  }
0x6dd: {  	[tilespmem:s5+$0xC20] =	vst.add.f32.msk $0xffff, v1  }
0x6de: {  	v1 =	vld [tilespmem:s15+$0x18B0]  }
0x6df: {  	[tilespmem:s13+$0xC30] =	vst.add.f32.msk $0xffff, v0  }
0x6e0: {  	v0 =	vld [tilespmem:s2+$0x18C0]  }
0x6e1: {  	[tilespmem:s0+$0x1820] =	vst.add.f32.msk $0xffff, v2  }
0x6e2: {  	v2 =	vld [tilespmem:s31+$0x24B0]  }
0x6e3: {  	[tilespmem:s5+$0xC30] =	vst.add.f32.msk $0xffff, v1  }
0x6e4: {  	v1 =	vld [tilespmem:s15+$0x18C0]  }
0x6e5: {  	[tilespmem:s13+$0xC40] =	vst.add.f32.msk $0xffff, v0  }
0x6e6: {  	v0 =	vld [tilespmem:s2+$0x18D0]  }
0x6e7: {  	[tilespmem:s0+$0x1830] =	vst.add.f32.msk $0xffff, v2  }
0x6e8: {  	v2 =	vld [tilespmem:s31+$0x24C0]  }
0x6e9: {  	[tilespmem:s5+$0xC40] =	vst.add.f32.msk $0xffff, v1  }
0x6ea: {  	v1 =	vld [tilespmem:s15+$0x18D0]  }
0x6eb: {  	[tilespmem:s13+$0xC50] =	vst.add.f32.msk $0xffff, v0  }
0x6ec: {  	v0 =	vld [tilespmem:s2+$0x18E0]  }
0x6ed: {  	[tilespmem:s0+$0x1840] =	vst.add.f32.msk $0xffff, v2  }
0x6ee: {  	v2 =	vld [tilespmem:s31+$0x24D0]  }
0x6ef: {  	[tilespmem:s5+$0xC50] =	vst.add.f32.msk $0xffff, v1  }
0x6f0: {  	v1 =	vld [tilespmem:s15+$0x18E0]  }
0x6f1: {  	[tilespmem:s13+$0xC60] =	vst.add.f32.msk $0xffff, v0  }
0x6f2: {  	v0 =	vld [tilespmem:s2+$0x18F0]  }
0x6f3: {  	[tilespmem:s0+$0x1850] =	vst.add.f32.msk $0xffff, v2  }
0x6f4: {  	v2 =	vld [tilespmem:s31+$0x24E0]  }
0x6f5: {  	[tilespmem:s5+$0xC60] =	vst.add.f32.msk $0xffff, v1  }
0x6f6: {  	v1 =	vld [tilespmem:s15+$0x18F0]  }
0x6f7: {  	[tilespmem:s13+$0xC70] =	vst.add.f32.msk $0xffff, v0  }
0x6f8: {  	v0 =	vld [tilespmem:s2+$0x1C80]  }
0x6f9: {  	[tilespmem:s0+$0x1860] =	vst.add.f32.msk $0xffff, v2  }
0x6fa: {  	v2 =	vld [tilespmem:s31+$0x24F0]  }
0x6fb: {  	[tilespmem:s5+$0xC70] =	vst.add.f32.msk $0xffff, v1  }
0x6fc: {  	v1 =	vld [tilespmem:s15+$0x1C80]  }
0x6fd: {  	[tilespmem:s13+$0x1000] =	vst.add.f32.msk $0xffff, v0  }
0x6fe: {  	v0 =	vld [tilespmem:s2+$0x1C90]  }
0x6ff: {  	[tilespmem:s0+$0x1870] =	vst.add.f32.msk $0xffff, v2  }
0x700: {  	s21 =	sor.u32 $0x1000, s5;
	v2 =	vld [tilespmem:s31+$0x2880]  }
0x701: {  	[tilespmem:s21+$0x0] =	vst.add.f32.msk $0xffff, v1  }
0x702: {  	v1 =	vld [tilespmem:s15+$0x1C90]  }
0x703: {  	[tilespmem:s13+$0x1010] =	vst.add.f32.msk $0xffff, v0  }
0x704: {  	v0 =	vld [tilespmem:s2+$0x1CA0]  }
0x705: {  	[tilespmem:s0+$0x1C00] =	vst.add.f32.msk $0xffff, v2  }
0x706: {  	s22 =	sor.u32 $0x1010, s5;
	v2 =	vld [tilespmem:s31+$0x2890]  }
0x707: {  	[tilespmem:s22+$0x0] =	vst.add.f32.msk $0xffff, v1  }
0x708: {  	v1 =	vld [tilespmem:s15+$0x1CA0]  }
0x709: {  	[tilespmem:s13+$0x1020] =	vst.add.f32.msk $0xffff, v0  }
0x70a: {  	v0 =	vld [tilespmem:s2+$0x1CB0]  }
0x70b: {  	[tilespmem:s0+$0x1C10] =	vst.add.f32.msk $0xffff, v2  }
0x70c: {  	s23 =	sor.u32 $0x1020, s5;
	v2 =	vld [tilespmem:s31+$0x28A0]  }
0x70d: {  	[tilespmem:s23+$0x0] =	vst.add.f32.msk $0xffff, v1  }
0x70e: {  	v1 =	vld [tilespmem:s15+$0x1CB0]  }
0x70f: {  	[tilespmem:s13+$0x1030] =	vst.add.f32.msk $0xffff, v0  }
0x710: {  	v0 =	vld [tilespmem:s2+$0x1CC0]  }
0x711: {  	[tilespmem:s0+$0x1C20] =	vst.add.f32.msk $0xffff, v2  }
0x712: {  	s24 =	sor.u32 $0x1030, s5;
	v2 =	vld [tilespmem:s31+$0x28B0]  }
0x713: {  	[tilespmem:s24+$0x0] =	vst.add.f32.msk $0xffff, v1  }
0x714: {  	v1 =	vld [tilespmem:s15+$0x1CC0]  }
0x715: {  	[tilespmem:s13+$0x1040] =	vst.add.f32.msk $0xffff, v0  }
0x716: {  	v0 =	vld [tilespmem:s2+$0x1CD0]  }
0x717: {  	[tilespmem:s0+$0x1C30] =	vst.add.f32.msk $0xffff, v2  }
0x718: {  	s25 =	sor.u32 $0x1040, s5;
	v2 =	vld [tilespmem:s31+$0x28C0]  }
0x719: {  	[tilespmem:s25+$0x0] =	vst.add.f32.msk $0xffff, v1  }
0x71a: {  	v3 =	vld [tilespmem:s15+$0x1CD0];
	_ =	sdelay $0x1  }
0x71b: {  	[tilespmem:s13+$0x1050] =	vst.add.f32.msk $0xffff, v0  }
0x71c: {  	v1 =	vld [tilespmem:s2+$0x1CE0]  }
0x71d: {  	s28 =	sor.u32 $0x1050, s5;
	[tilespmem:s0+$0x1C40] =	vst.add.f32.msk $0xffff, v2  }
0x71e: {  	s12 =	simm.s32 $0x4;
	[tilespmem:s28+$0x0] =	vst.add.f32.msk $0xffff, v3  }
0x71f: {  	s14 =	sor.u32 $0x1060, s5;
	s9 =	sadd.s32 $0x2, s3;
	s21 =	sor.u32 $0x1070, s5;
	v0 =	vld [tilespmem:s15+$0x1CE0]  }
.LBB2_7:
0x720: {  	v2 =	vld [tilespmem:s9+$0x0]  }
0x721: {  	[tilespmem:s13+$0x1060] =	vst.add.f32.msk $0xffff, v1  }
0x722: {  	s12 =	sadd.s32 $0x2, s12;
	v1 =	vld [tilespmem:s2+$0x1CF0]  }
0x723: {  	p0 =	slt.u32 s12, $0xE;
	v3 =	vld [tilespmem:s9+$0xFFFFFFFF]  }
0x724: {  	[tilespmem:s14+$0x0] =	vst.add.f32.msk $0xffff, v0  }
0x725: {  	(v2sf) =	vpush v2, $0x0;
	v0 =	vld [tilespmem:s15+$0x1CF0]  }
0x726: {  	v2 =	vld [tilespmem:s31+$0x28D0]  }
0x727: {  	[tilespmem:s13+$0x1070] =	vst.add.f32.msk $0xffff, v1  }
0x728: {  	(v2sf) =	vpush v3, $0x0;
	v1 =	vld [tilespmem:s2+$0x2080]  }
0x729: {  	v3 =	vld [tilespmem:s29+$0x28F0];
	s29 =	smov.u32 s31;
	s31 =	smov.u32 s15  }
0x72a: {  	[tilespmem:s21+$0x0] =	vst.add.f32.msk $0xffff, v0  }
0x72b: {  	v0 =	vld [tilespmem:s31+$0x2080]  }
0x72c: {  	[tilespmem:s0+$0x1C50] =	vst.add.f32.msk $0xffff, v2  }
0x72d: {  	[tilespmem:s13+$0x1400] =	vst.add.f32.msk $0xffff, v1  }
0x72e: {  	v1 =	vld [tilespmem:s2+$0x2090]  }
0x72f: {  	v2 =	vld [tilespmem:s29+$0x28E0]  }
0x730: {  	[tilespmem:s5+$0x1400] =	vst.add.f32.msk $0xffff, v0  }
0x731: {  	v0 =	vld [tilespmem:s31+$0x2090]  }
0x732: {  	[tilespmem:s30+$0x1C70] =	vst.add.f32.msk $0xffff, v3;
	s30 =	smov.u32 s0;
	s0 =	smov.u32 s5  }
0x733: {  	[tilespmem:s13+$0x1410] =	vst.add.f32.msk $0xffff, v1  }
0x734: {  	s1 =	spop (v2sf);
	v1 =	vld [tilespmem:s2+$0x20A0]  }
0x735: {  	s3 =	sshll.u32 s1, $0xA;
	s1 =	sshll.u32 s1, $0x7;
	[tilespmem:s30+$0x1C60] =	vst.add.f32.msk $0xffff, v2  }
0x736: {  	s3 =	sand.u32 $0xFFFFE000, s3;
	s1 =	sand.u32 $0x380, s1;
	[tilespmem:s0+$0x1410] =	vst.add.f32.msk $0xffff, v0  }
0x737: {  	s7 =	sor.u32 s1, s3;
	s1 =	spop (v2sf);
	v0 =	vld [tilespmem:s31+$0x20A0]  }
0x738: {  	s3 =	sshll.u32 s1, $0xA;
	s1 =	sshll.u32 s1, $0x7;
	v2 =	vld [tilespmem:s7+$0xC80]  }
0x739: {  	s6 =	sadd.s32 $0x800, s6;
	s3 =	sand.u32 $0xFFFFE000, s3;
	s1 =	sand.u32 $0x380, s1;
	[tilespmem:s13+$0x1420] =	vst.add.f32.msk $0xffff, v1  }
0x73a: {  	s8 =	sadd.s32 $0x100, s8;
	s15 =	sor.u32 s1, s3;
	s1 =	sand.u32 $0x2000, s6;
	v1 =	vld [tilespmem:s2+$0x20B0]  }
0x73b: {  	s4 =	sand.u32 $0x380, s8;
	s3 =	sadd.s32 $0xFFFFFF80, s8;
	v3 =	vld [tilespmem:s15+$0xC80];
	s1 =	sadd.s32 $0x16C80, s1  }
0x73c: {  	s3 =	sand.u32 $0x300, s3;
	s18 =	sadd.s32 s4, s1;
	[tilespmem:s0+$0x1420] =	vst.add.f32.msk $0xffff, v0  }
0x73d: {  	s5 =	sor.u32 s3, s1;
	[tilespmem:s18+$0x0] =	vst.add.f32.msk $0xffff, v2  }
0x73e: {  	s20 =	sor.u32 $0x10, s5;
	s24 =	sor.u32 $0x20, s5;
	s25 =	sor.u32 $0x30, s5;
	v0 =	vld [tilespmem:s7+$0xC90]  }
0x73f: {  	s19 =	sor.u32 $0x40, s5;
	s17 =	sor.u32 $0x50, s5;
	s23 =	sor.u32 $0x60, s5;
	[tilespmem:s13+$0x1430] =	vst.add.f32.msk $0xffff, v1  }
0x740: {  	s4 =	sor.u32 $0x70, s5;
	s11 =	sor.u32 $0x1000, s5;
	s10 =	sor.u32 $0x1010, s5;
	v1 =	vld [tilespmem:s2+$0x20C0]  }
0x741: {  	s16 =	sor.u32 $0x1020, s5;
	s3 =	sor.u32 $0x1030, s5;
	s1 =	sor.u32 $0x1040, s5;
	[tilespmem:s5+$0x0] =	vst.add.f32.msk $0xffff, v3  }
0x742: {  	s22 =	sor.u32 $0x1050, s5;
	s14 =	sor.u32 $0x1060, s5;
	s28 =	sor.u32 $0x10, s18;
	v2 =	vld [tilespmem:s15+$0xC90]  }
0x743: {  	s21 =	sor.u32 $0x1070, s5;
	[tilespmem:s28+$0x0] =	vst.add.f32.msk $0xffff, v0  }
0x744: {  	v0 =	vld [tilespmem:s7+$0xCA0]  }
0x745: {  	[tilespmem:s13+$0x1440] =	vst.add.f32.msk $0xffff, v1  }
0x746: {  	v1 =	vld [tilespmem:s2+$0x20D0]  }
0x747: {  	[tilespmem:s20+$0x0] =	vst.add.f32.msk $0xffff, v2  }
0x748: {  	s20 =	sor.u32 $0x20, s18;
	v2 =	vld [tilespmem:s15+$0xCA0]  }
0x749: {  	[tilespmem:s20+$0x0] =	vst.add.f32.msk $0xffff, v0  }
0x74a: {  	v0 =	vld [tilespmem:s7+$0xCB0]  }
0x74b: {  	[tilespmem:s13+$0x1450] =	vst.add.f32.msk $0xffff, v1  }
0x74c: {  	v1 =	vld [tilespmem:s2+$0x20E0]  }
0x74d: {  	[tilespmem:s24+$0x0] =	vst.add.f32.msk $0xffff, v2  }
0x74e: {  	s20 =	sor.u32 $0x30, s18;
	v2 =	vld [tilespmem:s15+$0xCB0]  }
0x74f: {  	[tilespmem:s20+$0x0] =	vst.add.f32.msk $0xffff, v0  }
0x750: {  	v0 =	vld [tilespmem:s7+$0xCC0]  }
0x751: {  	[tilespmem:s13+$0x1460] =	vst.add.f32.msk $0xffff, v1  }
0x752: {  	v1 =	vld [tilespmem:s2+$0x20F0]  }
0x753: {  	[tilespmem:s25+$0x0] =	vst.add.f32.msk $0xffff, v2  }
0x754: {  	s20 =	sor.u32 $0x40, s18;
	v2 =	vld [tilespmem:s15+$0xCC0]  }
0x755: {  	[tilespmem:s20+$0x0] =	vst.add.f32.msk $0xffff, v0  }
0x756: {  	v0 =	vld [tilespmem:s7+$0xCD0]  }
0x757: {  	[tilespmem:s13+$0x1470] =	vst.add.f32.msk $0xffff, v1  }
0x758: {  	v1 =	vld [tilespmem:s2+$0x2480]  }
0x759: {  	[tilespmem:s19+$0x0] =	vst.add.f32.msk $0xffff, v2  }
0x75a: {  	s19 =	sor.u32 $0x50, s18;
	v2 =	vld [tilespmem:s15+$0xCD0]  }
0x75b: {  	[tilespmem:s19+$0x0] =	vst.add.f32.msk $0xffff, v0  }
0x75c: {  	v0 =	vld [tilespmem:s7+$0xCE0]  }
0x75d: {  	[tilespmem:s13+$0x1800] =	vst.add.f32.msk $0xffff, v1  }
0x75e: {  	v1 =	vld [tilespmem:s2+$0x2490]  }
0x75f: {  	[tilespmem:s17+$0x0] =	vst.add.f32.msk $0xffff, v2  }
0x760: {  	s17 =	sor.u32 $0x60, s18;
	v2 =	vld [tilespmem:s15+$0xCE0]  }
0x761: {  	[tilespmem:s17+$0x0] =	vst.add.f32.msk $0xffff, v0  }
0x762: {  	v0 =	vld [tilespmem:s7+$0xCF0]  }
0x763: {  	[tilespmem:s13+$0x1810] =	vst.add.f32.msk $0xffff, v1  }
0x764: {  	v1 =	vld [tilespmem:s2+$0x24A0]  }
0x765: {  	[tilespmem:s23+$0x0] =	vst.add.f32.msk $0xffff, v2  }
0x766: {  	s17 =	sor.u32 $0x70, s18;
	v2 =	vld [tilespmem:s15+$0xCF0]  }
0x767: {  	[tilespmem:s17+$0x0] =	vst.add.f32.msk $0xffff, v0  }
0x768: {  	v0 =	vld [tilespmem:s7+$0x1080]  }
0x769: {  	[tilespmem:s13+$0x1820] =	vst.add.f32.msk $0xffff, v1  }
0x76a: {  	v1 =	vld [tilespmem:s2+$0x24B0]  }
0x76b: {  	[tilespmem:s4+$0x0] =	vst.add.f32.msk $0xffff, v2  }
0x76c: {  	v2 =	vld [tilespmem:s15+$0x1080]  }
0x76d: {  	[tilespmem:s18+$0x400] =	vst.add.f32.msk $0xffff, v0  }
0x76e: {  	v0 =	vld [tilespmem:s7+$0x1090]  }
0x76f: {  	[tilespmem:s13+$0x1830] =	vst.add.f32.msk $0xffff, v1  }
0x770: {  	v1 =	vld [tilespmem:s2+$0x24C0]  }
0x771: {  	[tilespmem:s5+$0x400] =	vst.add.f32.msk $0xffff, v2  }
0x772: {  	v2 =	vld [tilespmem:s15+$0x1090]  }
0x773: {  	[tilespmem:s18+$0x410] =	vst.add.f32.msk $0xffff, v0  }
0x774: {  	v0 =	vld [tilespmem:s7+$0x10A0]  }
0x775: {  	[tilespmem:s13+$0x1840] =	vst.add.f32.msk $0xffff, v1  }
0x776: {  	v1 =	vld [tilespmem:s2+$0x24D0]  }
0x777: {  	[tilespmem:s5+$0x410] =	vst.add.f32.msk $0xffff, v2  }
0x778: {  	v2 =	vld [tilespmem:s15+$0x10A0]  }
0x779: {  	[tilespmem:s18+$0x420] =	vst.add.f32.msk $0xffff, v0  }
0x77a: {  	v0 =	vld [tilespmem:s7+$0x10B0]  }
0x77b: {  	[tilespmem:s13+$0x1850] =	vst.add.f32.msk $0xffff, v1  }
0x77c: {  	v1 =	vld [tilespmem:s2+$0x24E0]  }
0x77d: {  	[tilespmem:s5+$0x420] =	vst.add.f32.msk $0xffff, v2  }
0x77e: {  	v2 =	vld [tilespmem:s15+$0x10B0]  }
0x77f: {  	[tilespmem:s18+$0x430] =	vst.add.f32.msk $0xffff, v0  }
0x780: {  	v0 =	vld [tilespmem:s7+$0x10C0]  }
0x781: {  	[tilespmem:s13+$0x1860] =	vst.add.f32.msk $0xffff, v1  }
0x782: {  	v1 =	vld [tilespmem:s2+$0x24F0]  }
0x783: {  	[tilespmem:s5+$0x430] =	vst.add.f32.msk $0xffff, v2  }
0x784: {  	v2 =	vld [tilespmem:s15+$0x10C0]  }
0x785: {  	[tilespmem:s18+$0x440] =	vst.add.f32.msk $0xffff, v0  }
0x786: {  	v0 =	vld [tilespmem:s7+$0x10D0]  }
0x787: {  	[tilespmem:s13+$0x1870] =	vst.add.f32.msk $0xffff, v1  }
0x788: {  	v1 =	vld [tilespmem:s2+$0x2880]  }
0x789: {  	[tilespmem:s5+$0x440] =	vst.add.f32.msk $0xffff, v2  }
0x78a: {  	v2 =	vld [tilespmem:s15+$0x10D0]  }
0x78b: {  	[tilespmem:s18+$0x450] =	vst.add.f32.msk $0xffff, v0  }
0x78c: {  	v0 =	vld [tilespmem:s7+$0x10E0]  }
0x78d: {  	[tilespmem:s13+$0x1C00] =	vst.add.f32.msk $0xffff, v1  }
0x78e: {  	v1 =	vld [tilespmem:s2+$0x2890]  }
0x78f: {  	[tilespmem:s5+$0x450] =	vst.add.f32.msk $0xffff, v2  }
0x790: {  	v2 =	vld [tilespmem:s15+$0x10E0]  }
0x791: {  	[tilespmem:s18+$0x460] =	vst.add.f32.msk $0xffff, v0  }
0x792: {  	v0 =	vld [tilespmem:s7+$0x10F0]  }
0x793: {  	[tilespmem:s13+$0x1C10] =	vst.add.f32.msk $0xffff, v1  }
0x794: {  	v1 =	vld [tilespmem:s2+$0x28A0]  }
0x795: {  	[tilespmem:s5+$0x460] =	vst.add.f32.msk $0xffff, v2  }
0x796: {  	v2 =	vld [tilespmem:s15+$0x10F0]  }
0x797: {  	[tilespmem:s18+$0x470] =	vst.add.f32.msk $0xffff, v0  }
0x798: {  	v0 =	vld [tilespmem:s7+$0x1480]  }
0x799: {  	[tilespmem:s13+$0x1C20] =	vst.add.f32.msk $0xffff, v1  }
0x79a: {  	v1 =	vld [tilespmem:s2+$0x28B0]  }
0x79b: {  	[tilespmem:s5+$0x470] =	vst.add.f32.msk $0xffff, v2  }
0x79c: {  	v2 =	vld [tilespmem:s15+$0x1480]  }
0x79d: {  	[tilespmem:s18+$0x800] =	vst.add.f32.msk $0xffff, v0  }
0x79e: {  	v0 =	vld [tilespmem:s7+$0x1490]  }
0x79f: {  	[tilespmem:s13+$0x1C30] =	vst.add.f32.msk $0xffff, v1  }
0x7a0: {  	v1 =	vld [tilespmem:s2+$0x28C0]  }
0x7a1: {  	[tilespmem:s5+$0x800] =	vst.add.f32.msk $0xffff, v2  }
0x7a2: {  	v2 =	vld [tilespmem:s15+$0x1490]  }
0x7a3: {  	[tilespmem:s18+$0x810] =	vst.add.f32.msk $0xffff, v0  }
0x7a4: {  	v0 =	vld [tilespmem:s7+$0x14A0]  }
0x7a5: {  	[tilespmem:s13+$0x1C40] =	vst.add.f32.msk $0xffff, v1  }
0x7a6: {  	v1 =	vld [tilespmem:s2+$0x28D0]  }
0x7a7: {  	[tilespmem:s5+$0x810] =	vst.add.f32.msk $0xffff, v2  }
0x7a8: {  	v2 =	vld [tilespmem:s15+$0x14A0]  }
0x7a9: {  	[tilespmem:s18+$0x820] =	vst.add.f32.msk $0xffff, v0  }
0x7aa: {  	v0 =	vld [tilespmem:s7+$0x14B0]  }
0x7ab: {  	[tilespmem:s13+$0x1C50] =	vst.add.f32.msk $0xffff, v1  }
0x7ac: {  	v1 =	vld [tilespmem:s2+$0x28E0]  }
0x7ad: {  	[tilespmem:s5+$0x820] =	vst.add.f32.msk $0xffff, v2  }
0x7ae: {  	v2 =	vld [tilespmem:s15+$0x14B0]  }
0x7af: {  	[tilespmem:s18+$0x830] =	vst.add.f32.msk $0xffff, v0  }
0x7b0: {  	v0 =	vld [tilespmem:s7+$0x14C0]  }
0x7b1: {  	[tilespmem:s13+$0x1C60] =	vst.add.f32.msk $0xffff, v1  }
0x7b2: {  	v1 =	vld [tilespmem:s2+$0x28F0];
	s2 =	smov.u32 s7  }
0x7b3: {  	[tilespmem:s5+$0x830] =	vst.add.f32.msk $0xffff, v2  }
0x7b4: {  	v2 =	vld [tilespmem:s15+$0x14C0]  }
0x7b5: {  	v3 =	vld [tilespmem:s31+$0x20B0]  }
0x7b6: {  	[tilespmem:s18+$0x840] =	vst.add.f32.msk $0xffff, v0  }
0x7b7: {  	[tilespmem:s13+$0x1C70] =	vst.add.f32.msk $0xffff, v1;
	s13 =	smov.u32 s18  }
0x7b8: {  	v0 =	vld [tilespmem:s2+$0x14D0]  }
0x7b9: {  	[tilespmem:s5+$0x840] =	vst.add.f32.msk $0xffff, v2  }
0x7ba: {  	v1 =	vld [tilespmem:s15+$0x14D0]  }
0x7bb: {  	[tilespmem:s0+$0x1430] =	vst.add.f32.msk $0xffff, v3  }
0x7bc: {  	v2 =	vld [tilespmem:s31+$0x20C0]  }
0x7bd: {  	[tilespmem:s13+$0x850] =	vst.add.f32.msk $0xffff, v0  }
0x7be: {  	v0 =	vld [tilespmem:s2+$0x14E0]  }
0x7bf: {  	[tilespmem:s5+$0x850] =	vst.add.f32.msk $0xffff, v1  }
0x7c0: {  	v1 =	vld [tilespmem:s15+$0x14E0]  }
0x7c1: {  	[tilespmem:s0+$0x1440] =	vst.add.f32.msk $0xffff, v2  }
0x7c2: {  	v2 =	vld [tilespmem:s31+$0x20D0]  }
0x7c3: {  	[tilespmem:s13+$0x860] =	vst.add.f32.msk $0xffff, v0  }
0x7c4: {  	v0 =	vld [tilespmem:s2+$0x14F0]  }
0x7c5: {  	[tilespmem:s5+$0x860] =	vst.add.f32.msk $0xffff, v1  }
0x7c6: {  	v1 =	vld [tilespmem:s15+$0x14F0]  }
0x7c7: {  	[tilespmem:s0+$0x1450] =	vst.add.f32.msk $0xffff, v2  }
0x7c8: {  	v2 =	vld [tilespmem:s31+$0x20E0]  }
0x7c9: {  	[tilespmem:s13+$0x870] =	vst.add.f32.msk $0xffff, v0  }
0x7ca: {  	v0 =	vld [tilespmem:s2+$0x1880]  }
0x7cb: {  	[tilespmem:s5+$0x870] =	vst.add.f32.msk $0xffff, v1  }
0x7cc: {  	v1 =	vld [tilespmem:s15+$0x1880]  }
0x7cd: {  	[tilespmem:s0+$0x1460] =	vst.add.f32.msk $0xffff, v2  }
0x7ce: {  	v2 =	vld [tilespmem:s31+$0x20F0]  }
0x7cf: {  	[tilespmem:s13+$0xC00] =	vst.add.f32.msk $0xffff, v0  }
0x7d0: {  	v0 =	vld [tilespmem:s2+$0x1890]  }
0x7d1: {  	[tilespmem:s5+$0xC00] =	vst.add.f32.msk $0xffff, v1  }
0x7d2: {  	v1 =	vld [tilespmem:s15+$0x1890]  }
0x7d3: {  	[tilespmem:s0+$0x1470] =	vst.add.f32.msk $0xffff, v2  }
0x7d4: {  	v2 =	vld [tilespmem:s31+$0x2480]  }
0x7d5: {  	[tilespmem:s13+$0xC10] =	vst.add.f32.msk $0xffff, v0  }
0x7d6: {  	v0 =	vld [tilespmem:s2+$0x18A0]  }
0x7d7: {  	[tilespmem:s5+$0xC10] =	vst.add.f32.msk $0xffff, v1  }
0x7d8: {  	v1 =	vld [tilespmem:s15+$0x18A0]  }
0x7d9: {  	[tilespmem:s0+$0x1800] =	vst.add.f32.msk $0xffff, v2  }
0x7da: {  	v2 =	vld [tilespmem:s31+$0x2490]  }
0x7db: {  	[tilespmem:s13+$0xC20] =	vst.add.f32.msk $0xffff, v0  }
0x7dc: {  	v0 =	vld [tilespmem:s2+$0x18B0]  }
0x7dd: {  	[tilespmem:s5+$0xC20] =	vst.add.f32.msk $0xffff, v1  }
0x7de: {  	v1 =	vld [tilespmem:s15+$0x18B0]  }
0x7df: {  	[tilespmem:s0+$0x1810] =	vst.add.f32.msk $0xffff, v2  }
0x7e0: {  	v2 =	vld [tilespmem:s31+$0x24A0]  }
0x7e1: {  	[tilespmem:s13+$0xC30] =	vst.add.f32.msk $0xffff, v0  }
0x7e2: {  	v0 =	vld [tilespmem:s2+$0x18C0]  }
0x7e3: {  	[tilespmem:s5+$0xC30] =	vst.add.f32.msk $0xffff, v1  }
0x7e4: {  	v1 =	vld [tilespmem:s15+$0x18C0]  }
0x7e5: {  	[tilespmem:s0+$0x1820] =	vst.add.f32.msk $0xffff, v2  }
0x7e6: {  	v2 =	vld [tilespmem:s31+$0x24B0]  }
0x7e7: {  	[tilespmem:s13+$0xC40] =	vst.add.f32.msk $0xffff, v0  }
0x7e8: {  	v0 =	vld [tilespmem:s2+$0x18D0]  }
0x7e9: {  	[tilespmem:s5+$0xC40] =	vst.add.f32.msk $0xffff, v1  }
0x7ea: {  	v1 =	vld [tilespmem:s15+$0x18D0]  }
0x7eb: {  	[tilespmem:s0+$0x1830] =	vst.add.f32.msk $0xffff, v2  }
0x7ec: {  	v2 =	vld [tilespmem:s31+$0x24C0]  }
0x7ed: {  	[tilespmem:s13+$0xC50] =	vst.add.f32.msk $0xffff, v0  }
0x7ee: {  	v0 =	vld [tilespmem:s2+$0x18E0]  }
0x7ef: {  	[tilespmem:s5+$0xC50] =	vst.add.f32.msk $0xffff, v1  }
0x7f0: {  	v1 =	vld [tilespmem:s15+$0x18E0]  }
0x7f1: {  	[tilespmem:s0+$0x1840] =	vst.add.f32.msk $0xffff, v2  }
0x7f2: {  	v2 =	vld [tilespmem:s31+$0x24D0]  }
0x7f3: {  	[tilespmem:s13+$0xC60] =	vst.add.f32.msk $0xffff, v0  }
0x7f4: {  	v0 =	vld [tilespmem:s2+$0x18F0]  }
0x7f5: {  	[tilespmem:s5+$0xC60] =	vst.add.f32.msk $0xffff, v1  }
0x7f6: {  	v1 =	vld [tilespmem:s15+$0x18F0]  }
0x7f7: {  	[tilespmem:s0+$0x1850] =	vst.add.f32.msk $0xffff, v2  }
0x7f8: {  	v2 =	vld [tilespmem:s31+$0x24E0]  }
0x7f9: {  	[tilespmem:s13+$0xC70] =	vst.add.f32.msk $0xffff, v0  }
0x7fa: {  	v0 =	vld [tilespmem:s2+$0x1C80]  }
0x7fb: {  	[tilespmem:s5+$0xC70] =	vst.add.f32.msk $0xffff, v1  }
0x7fc: {  	v1 =	vld [tilespmem:s15+$0x1C80]  }
0x7fd: {  	[tilespmem:s0+$0x1860] =	vst.add.f32.msk $0xffff, v2  }
0x7fe: {  	v2 =	vld [tilespmem:s31+$0x24F0]  }
0x7ff: {  	[tilespmem:s13+$0x1000] =	vst.add.f32.msk $0xffff, v0  }
0x800: {  	v0 =	vld [tilespmem:s2+$0x1C90]  }
0x801: {  	[tilespmem:s11+$0x0] =	vst.add.f32.msk $0xffff, v1  }
0x802: {  	v1 =	vld [tilespmem:s15+$0x1C90]  }
0x803: {  	[tilespmem:s0+$0x1870] =	vst.add.f32.msk $0xffff, v2  }
0x804: {  	v2 =	vld [tilespmem:s31+$0x2880]  }
0x805: {  	[tilespmem:s13+$0x1010] =	vst.add.f32.msk $0xffff, v0  }
0x806: {  	v0 =	vld [tilespmem:s2+$0x1CA0]  }
0x807: {  	[tilespmem:s10+$0x0] =	vst.add.f32.msk $0xffff, v1  }
0x808: {  	v1 =	vld [tilespmem:s15+$0x1CA0]  }
0x809: {  	[tilespmem:s0+$0x1C00] =	vst.add.f32.msk $0xffff, v2  }
0x80a: {  	v2 =	vld [tilespmem:s31+$0x2890]  }
0x80b: {  	[tilespmem:s13+$0x1020] =	vst.add.f32.msk $0xffff, v0  }
0x80c: {  	v0 =	vld [tilespmem:s2+$0x1CB0]  }
0x80d: {  	[tilespmem:s16+$0x0] =	vst.add.f32.msk $0xffff, v1  }
0x80e: {  	v1 =	vld [tilespmem:s15+$0x1CB0]  }
0x80f: {  	[tilespmem:s0+$0x1C10] =	vst.add.f32.msk $0xffff, v2  }
0x810: {  	v2 =	vld [tilespmem:s31+$0x28A0]  }
0x811: {  	[tilespmem:s13+$0x1030] =	vst.add.f32.msk $0xffff, v0  }
0x812: {  	v0 =	vld [tilespmem:s2+$0x1CC0]  }
0x813: {  	[tilespmem:s3+$0x0] =	vst.add.f32.msk $0xffff, v1  }
0x814: {  	v1 =	vld [tilespmem:s15+$0x1CC0]  }
0x815: {  	[tilespmem:s0+$0x1C20] =	vst.add.f32.msk $0xffff, v2  }
0x816: {  	v2 =	vld [tilespmem:s31+$0x28B0]  }
0x817: {  	[tilespmem:s13+$0x1040] =	vst.add.f32.msk $0xffff, v0  }
0x818: {  	v0 =	vld [tilespmem:s2+$0x1CD0]  }
0x819: {  	[tilespmem:s1+$0x0] =	vst.add.f32.msk $0xffff, v1  }
0x81a: {  	v3 =	vld [tilespmem:s15+$0x1CD0]  }
0x81b: {  	[tilespmem:s0+$0x1C30] =	vst.add.f32.msk $0xffff, v2  }
0x81c: {  	v2 =	vld [tilespmem:s31+$0x28C0]  }
.Ltmp2:
0x81d: {  	[tilespmem:s13+$0x1050] =	vst.add.f32.msk $0xffff, v0;
	(pc) =	sbr.rel @p0 .LBB2_7-.Ltmp2, $4  }
0x81e: {  	v1 =	vld [tilespmem:s2+$0x1CE0]  }
0x81f: {  	[tilespmem:s22+$0x0] =	vst.add.f32.msk $0xffff, v3  }
0x820: {  	v0 =	vld [tilespmem:s15+$0x1CE0]  }
0x821: {  	s9 =	sadd.s32 $0x2, s9;
	[tilespmem:s0+$0x1C40] =	vst.add.f32.msk $0xffff, v2  }
0x822: {  	_ = 	snop  }
0x823: {  	[tilespmem:s13+$0x1060] =	vst.add.f32.msk $0xffff, v1  }
0x824: {  	v1 =	vld [tilespmem:s2+$0x1CF0]  }
0x825: {  	[tilespmem:s14+$0x0] =	vst.add.f32.msk $0xffff, v0  }
0x826: {  	v0 =	vld [tilespmem:s15+$0x1CF0];
	_ =	sdelay $0x2  }
0x827: {  	[tilespmem:s13+$0x1070] =	vst.add.f32.msk $0xffff, v1  }
0x828: {  	v1 =	vld [tilespmem:s2+$0x2080]  }
0x829: {  	[tilespmem:s21+$0x0] =	vst.add.f32.msk $0xffff, v0  }
0x82a: {  	v0 =	vld [tilespmem:s15+$0x2080];
	_ =	sdelay $0x2  }
0x82b: {  	[tilespmem:s13+$0x1400] =	vst.add.f32.msk $0xffff, v1  }
0x82c: {  	v1 =	vld [tilespmem:s2+$0x2090]  }
0x82d: {  	[tilespmem:s5+$0x1400] =	vst.add.f32.msk $0xffff, v0  }
0x82e: {  	v0 =	vld [tilespmem:s15+$0x2090];
	_ =	sdelay $0x2  }
0x82f: {  	[tilespmem:s13+$0x1410] =	vst.add.f32.msk $0xffff, v1  }
0x830: {  	v1 =	vld [tilespmem:s2+$0x20A0]  }
0x831: {  	[tilespmem:s5+$0x1410] =	vst.add.f32.msk $0xffff, v0  }
0x832: {  	v0 =	vld [tilespmem:s15+$0x20A0];
	_ =	sdelay $0x2  }
0x833: {  	[tilespmem:s13+$0x1420] =	vst.add.f32.msk $0xffff, v1  }
0x834: {  	v1 =	vld [tilespmem:s2+$0x20B0]  }
0x835: {  	[tilespmem:s5+$0x1420] =	vst.add.f32.msk $0xffff, v0  }
0x836: {  	v0 =	vld [tilespmem:s15+$0x20B0];
	_ =	sdelay $0x2  }
0x837: {  	[tilespmem:s13+$0x1430] =	vst.add.f32.msk $0xffff, v1  }
0x838: {  	v1 =	vld [tilespmem:s2+$0x20C0]  }
0x839: {  	[tilespmem:s5+$0x1430] =	vst.add.f32.msk $0xffff, v0  }
0x83a: {  	v0 =	vld [tilespmem:s15+$0x20C0];
	_ =	sdelay $0x2  }
0x83b: {  	[tilespmem:s13+$0x1440] =	vst.add.f32.msk $0xffff, v1  }
0x83c: {  	v1 =	vld [tilespmem:s2+$0x20D0]  }
0x83d: {  	[tilespmem:s5+$0x1440] =	vst.add.f32.msk $0xffff, v0  }
0x83e: {  	v0 =	vld [tilespmem:s15+$0x20D0];
	_ =	sdelay $0x2  }
0x83f: {  	[tilespmem:s13+$0x1450] =	vst.add.f32.msk $0xffff, v1  }
0x840: {  	v1 =	vld [tilespmem:s2+$0x20E0]  }
0x841: {  	[tilespmem:s5+$0x1450] =	vst.add.f32.msk $0xffff, v0  }
0x842: {  	v0 =	vld [tilespmem:s15+$0x20E0];
	_ =	sdelay $0x2  }
0x843: {  	[tilespmem:s13+$0x1460] =	vst.add.f32.msk $0xffff, v1  }
0x844: {  	v1 =	vld [tilespmem:s2+$0x20F0]  }
0x845: {  	[tilespmem:s5+$0x1460] =	vst.add.f32.msk $0xffff, v0  }
0x846: {  	v0 =	vld [tilespmem:s15+$0x20F0];
	_ =	sdelay $0x2  }
0x847: {  	[tilespmem:s13+$0x1470] =	vst.add.f32.msk $0xffff, v1  }
0x848: {  	v1 =	vld [tilespmem:s2+$0x2480]  }
0x849: {  	[tilespmem:s5+$0x1470] =	vst.add.f32.msk $0xffff, v0  }
0x84a: {  	v0 =	vld [tilespmem:s15+$0x2480];
	_ =	sdelay $0x2  }
0x84b: {  	[tilespmem:s13+$0x1800] =	vst.add.f32.msk $0xffff, v1  }
0x84c: {  	v1 =	vld [tilespmem:s2+$0x2490]  }
0x84d: {  	[tilespmem:s5+$0x1800] =	vst.add.f32.msk $0xffff, v0  }
0x84e: {  	v0 =	vld [tilespmem:s15+$0x2490];
	_ =	sdelay $0x2  }
0x84f: {  	[tilespmem:s13+$0x1810] =	vst.add.f32.msk $0xffff, v1  }
0x850: {  	v1 =	vld [tilespmem:s2+$0x24A0]  }
0x851: {  	[tilespmem:s5+$0x1810] =	vst.add.f32.msk $0xffff, v0  }
0x852: {  	v0 =	vld [tilespmem:s15+$0x24A0];
	_ =	sdelay $0x2  }
0x853: {  	[tilespmem:s13+$0x1820] =	vst.add.f32.msk $0xffff, v1  }
0x854: {  	v1 =	vld [tilespmem:s2+$0x24B0]  }
0x855: {  	[tilespmem:s5+$0x1820] =	vst.add.f32.msk $0xffff, v0  }
0x856: {  	v0 =	vld [tilespmem:s15+$0x24B0];
	_ =	sdelay $0x2  }
0x857: {  	[tilespmem:s13+$0x1830] =	vst.add.f32.msk $0xffff, v1  }
0x858: {  	v1 =	vld [tilespmem:s2+$0x24C0]  }
0x859: {  	[tilespmem:s5+$0x1830] =	vst.add.f32.msk $0xffff, v0  }
0x85a: {  	v0 =	vld [tilespmem:s15+$0x24C0];
	_ =	sdelay $0x2  }
0x85b: {  	[tilespmem:s13+$0x1840] =	vst.add.f32.msk $0xffff, v1  }
0x85c: {  	v1 =	vld [tilespmem:s2+$0x24D0]  }
0x85d: {  	[tilespmem:s5+$0x1840] =	vst.add.f32.msk $0xffff, v0  }
0x85e: {  	v0 =	vld [tilespmem:s15+$0x24D0];
	_ =	sdelay $0x2  }
0x85f: {  	[tilespmem:s13+$0x1850] =	vst.add.f32.msk $0xffff, v1  }
0x860: {  	v1 =	vld [tilespmem:s2+$0x24E0]  }
0x861: {  	[tilespmem:s5+$0x1850] =	vst.add.f32.msk $0xffff, v0  }
0x862: {  	v0 =	vld [tilespmem:s15+$0x24E0];
	_ =	sdelay $0x2  }
0x863: {  	[tilespmem:s13+$0x1860] =	vst.add.f32.msk $0xffff, v1  }
0x864: {  	v1 =	vld [tilespmem:s2+$0x24F0]  }
0x865: {  	[tilespmem:s5+$0x1860] =	vst.add.f32.msk $0xffff, v0  }
0x866: {  	v0 =	vld [tilespmem:s15+$0x24F0];
	_ =	sdelay $0x2  }
0x867: {  	[tilespmem:s13+$0x1870] =	vst.add.f32.msk $0xffff, v1  }
0x868: {  	v1 =	vld [tilespmem:s2+$0x2880]  }
0x869: {  	[tilespmem:s5+$0x1870] =	vst.add.f32.msk $0xffff, v0  }
0x86a: {  	v0 =	vld [tilespmem:s15+$0x2880];
	_ =	sdelay $0x2  }
0x86b: {  	[tilespmem:s13+$0x1C00] =	vst.add.f32.msk $0xffff, v1  }
0x86c: {  	v1 =	vld [tilespmem:s2+$0x2890]  }
0x86d: {  	[tilespmem:s5+$0x1C00] =	vst.add.f32.msk $0xffff, v0  }
0x86e: {  	v0 =	vld [tilespmem:s15+$0x2890];
	_ =	sdelay $0x2  }
0x86f: {  	[tilespmem:s13+$0x1C10] =	vst.add.f32.msk $0xffff, v1  }
0x870: {  	v1 =	vld [tilespmem:s2+$0x28A0]  }
0x871: {  	[tilespmem:s5+$0x1C10] =	vst.add.f32.msk $0xffff, v0  }
0x872: {  	v0 =	vld [tilespmem:s15+$0x28A0];
	_ =	sdelay $0x2  }
0x873: {  	[tilespmem:s13+$0x1C20] =	vst.add.f32.msk $0xffff, v1  }
0x874: {  	v1 =	vld [tilespmem:s2+$0x28B0]  }
0x875: {  	[tilespmem:s5+$0x1C20] =	vst.add.f32.msk $0xffff, v0  }
0x876: {  	v0 =	vld [tilespmem:s15+$0x28B0];
	_ =	sdelay $0x2  }
0x877: {  	[tilespmem:s13+$0x1C30] =	vst.add.f32.msk $0xffff, v1  }
0x878: {  	v1 =	vld [tilespmem:s2+$0x28C0]  }
0x879: {  	[tilespmem:s5+$0x1C30] =	vst.add.f32.msk $0xffff, v0  }
0x87a: {  	v0 =	vld [tilespmem:s15+$0x28C0]  }
0x87b: {  	v2 =	vld [tilespmem:s31+$0x28D0]  }
0x87c: {  	v3 =	vld [tilespmem:s29+$0x28F0]  }
0x87d: {  	[tilespmem:s13+$0x1C40] =	vst.add.f32.msk $0xffff, v1  }
0x87e: {  	v1 =	vld [tilespmem:s2+$0x28D0]  }
0x87f: {  	[tilespmem:s5+$0x1C40] =	vst.add.f32.msk $0xffff, v0  }
0x880: {  	v0 =	vld [tilespmem:s15+$0x28D0]  }
0x881: {  	[tilespmem:s0+$0x1C50] =	vst.add.f32.msk $0xffff, v2  }
0x882: {  	v2 =	vld [tilespmem:s31+$0x28E0]  }
0x883: {  	[tilespmem:s13+$0x1C50] =	vst.add.f32.msk $0xffff, v1  }
0x884: {  	v1 =	vld [tilespmem:s2+$0x28E0]  }
0x885: {  	[tilespmem:s5+$0x1C50] =	vst.add.f32.msk $0xffff, v0  }
0x886: {  	v0 =	vld [tilespmem:s15+$0x28E0]  }
0x887: {  	[tilespmem:s0+$0x1C60] =	vst.add.f32.msk $0xffff, v2  }
0x888: {  	v2 =	vld [tilespmem:s31+$0x28F0]  }
0x889: {  	[tilespmem:s13+$0x1C60] =	vst.add.f32.msk $0xffff, v1  }
0x88a: {  	v1 =	vld [tilespmem:s2+$0x28F0]  }
0x88b: {  	[tilespmem:s5+$0x1C60] =	vst.add.f32.msk $0xffff, v0  }
0x88c: {  	v0 =	vld [tilespmem:s15+$0x28F0];
	_ =	sdelay $0x1  }
0x88d: {  	[tilespmem:s30+$0x1C70] =	vst.add.f32.msk $0xffff, v3  }
0x88e: {  	[tilespmem:s0+$0x1C70] =	vst.add.f32.msk $0xffff, v2  }
0x88f: {  	s26 =	sadd.s32 $0x1, s26;
	[tilespmem:s13+$0x1C70] =	vst.add.f32.msk $0xffff, v1  }
0x890: {  	s29 =	rddreg [dreg:$0x2];
	p0 =	sne.s32 s26, $0x20;
	[tilespmem:s5+$0x1C70] =	vst.add.f32.msk $0xffff, v0  }
.Ltmp3:
0x891: {  	s4 =	simm.s32 $0x16C80;
	s1 =	rddreg [dreg:$0xf];
	(pc) =	sbr.rel @p0 .LBB2_4-.Ltmp3, $4  }
0x892: {  	s30 =	simm.s32 $0x0;
	s31 =	rddreg [dreg:$0xe];
	s0 =	sadd.s32 s29, s1  }
0x893: {  	[hbm4b:s0+s30] =	stream.linear.scatter [tilespmem:s4], [sflag:$0x4], $0x4000, $0x38;
	[tilespmem:$0x1AC80] =	vst v63  }
0x894: {  	s6 =	rddreg [dreg:$0xd];
	s0 =	sadd.s32 $0x20, s31  }
0x895: {  	s6 =	sadd.s32 $0x20, s6;
	[dreg:$0xe] =	wrdreg s0  }
0x896: {  	s1 =	simm.s32 $0x4  }
0x897: {  	_ =	swait.ge [sflag:s1], $0x4000  }
0x898: {  	s2 =	rddreg [dreg:$0xc]  }
0x899: {  	s0 =	rddreg [dreg:$0xb];
	s2 =	sadd.s32 $0x1, s2  }
0x89a: {  	p0 =	sne.s32 s2, s0  }
.Ltmp4:
0x89b: {  	_ = 	snop;
	(pc) =	sbr.rel @p0 .LBB2_1-.Ltmp4, $3  }
0x89c: {  	_ =	sdelay $0x1  }
0x89d: {  	[sflag:s1] =	ssyncset.done $0x0  }
0x89e: {  	[sflag:s1] =	ssyncadd.s32 $0xFFFFC000  }
0x89f: {  	_ =	sfence.sel $0x180000  }
0x8a0: {  	[bflag:$0x0] =	sbarrier.arrive $0xFFFF  }
0x8a1: {  	_ =	strace $0x90000047  }
0x8a2: {  	s0 =	stileid.u32;
	[bflag:$0x2] =	sbarrier.arrive $0xFFFF  }
0x8a3: {  	p0 =	sne.s32 s0, $0x0;
	s0 =	rddreg [dreg:$0x3]  }
0x8a4: {  	s0 =	sadd.s32 @!p0 $0x100000, s0  }
0x8a5: {  	[sflag:s0] =	ssyncadd.tile.s32 @!p0 $0x1;
	_ =	shalt  }
.Lfunc_end2:
_tile_overlayer_lowered:
.L_overlay_start_2:
0x8a6: {  	(tag) =	ssettag $0x2  }
0x8a7: {  	s0 =	rddreg [dreg:$0x0];
	s2 =	stileid.u32  }
0x8a8: {  	s1 =	rddreg [dreg:$0x1];
	p0 =	sne.s32 s2, $0x0  }
0x8a9: {  	s3 =	rddreg [dreg:$0x2];
	[bflag:$0x3] =	sbarrier.arrive $0xFFFF;
	s2 =	simm.s32 @!p0 $0x1C05  }
0x8aa: {  	[timem:s3], [sflag:s2] =	dma.local @!p0 [hbm:s0], s1  }
0x8ab: {  	s0 =	simm.s32 @!p0 $0x5  }
0x8ac: {  	_ =	swait.ge @!p0 [sflag:s0], s1  }
0x8ad: {  	s1 =	ssub.s32 @!p0 $0x0, s1;
	[sflag:s0] =	ssyncset.done @!p0 $0x0  }
0x8ae: {  	[sflag:s0] =	ssyncadd.s32 @!p0 s1  }
0x8af: {  	[bflag:$0x3] =	sbarrier.arrive $0xFFFF  }
0x8b0: {  	_ =	shalt  }

</sc_bundles>
